<compile_context>
chip_gen: v7x
topology: tpu7x:2x2x1
jax: 0.10.2.dev20260603
libtpu: 0.0.44.dev20260713+nightly
codegen_flags: <defaults>
</compile_context>

<pallas_src>
import functools

import numpy as np
import jax
import jax.numpy as jnp
from jax import lax
from jax.experimental import pallas as pl
from jax.experimental.pallas import tpu as pltpu
from jax.experimental.pallas import tpu_sc as plsc

_D = 288
_NQ = 256
_NS = 16
_B = 8
_N = 2048
_EPS = 1e-5
_R = 0.3
_TN = 1024



def _bf16_dot(a, w_ref):
    return jnp.dot(a.astype(jnp.bfloat16), w_ref[...],
                   preferred_element_type=jnp.float32)


def _k1_body(x_ref, ex_ref, w1_ref, b1_ref, g1_ref, be1_ref,
             w2_ref, b2_ref, g2_ref, be2_ref, w3a_ref, b3a_ref,
             w3d_ref, b3d_ref, at_ref, sag1_ref, vote_ref, hpre_ref):
    x = x_ref[0]
    h = (_bf16_dot(x, w1_ref) + b1_ref[...]) * g1_ref[...] + be1_ref[...]
    h = jnp.maximum(h, 0.0)
    h = (_bf16_dot(h, w2_ref) + b2_ref[...]) * g2_ref[...] + be2_ref[...]
    h = jnp.maximum(h, 0.0)
    out3 = _bf16_dot(h, w3a_ref) + b3a_ref[...]
    outd = _bf16_dot(h, w3d_ref) + b3d_ref[...]
    raw = x + outd
    ssq = jnp.sum(raw * raw, axis=1, keepdims=True)
    feats = raw / jnp.sqrt(ssq)
    hpre_ref[...] = _bf16_dot(feats, at_ref) * sag1_ref[...]
    shift = jnp.clip(jax.nn.sigmoid(out3), 0.1, 0.9)
    vote_ref[0] = ex_ref[0] + shift - 0.5



def _fps_body(xs_ref, ys_ref, zs_ref, out_ref):
    xs = xs_ref[...]
    ys = ys_ref[...]
    zs = zs_ref[...]
    iota = lax.broadcasted_iota(jnp.int32, (_B, _N), 1)
    iota_q = lax.broadcasted_iota(jnp.int32, (_B, _NQ), 1)

    def step(i, carry):
        dists, far = carry
        out_ref[...] = jnp.where(iota_q == i,
                                 jnp.broadcast_to(far, (_B, _NQ)),
                                 out_ref[...])
        oh = iota == far
        cx = jnp.sum(jnp.where(oh, xs, 0.0), axis=1, keepdims=True)
        cy = jnp.sum(jnp.where(oh, ys, 0.0), axis=1, keepdims=True)
        cz = jnp.sum(jnp.where(oh, zs, 0.0), axis=1, keepdims=True)
        d = (xs - cx) ** 2 + (ys - cy) ** 2 + (zs - cz) ** 2
        dists = jnp.minimum(dists, d)
        mx = jnp.max(dists, axis=1, keepdims=True)
        far = jnp.min(jnp.where(dists == mx, iota, _N), axis=1, keepdims=True)
        return dists, far

    lax.fori_loop(0, _NQ, step,
                  (jnp.full((_B, _N), 1e10, jnp.float32),
                   jnp.zeros((_B, 1), jnp.int32)))



def _ballq_body(nb, vx_hbm, vy_hbm, vz_hbm, sinds_hbm, hrows_hbm,
                nxyz_hbm, gx_hbm, gf_hbm,
                px, py, pz, sq, qx, qy, qz, nbuf, lst, gxbuf, glist,
                rb0, rb1, rb2, rb3, gsems, osems):
    wpb = 32 // nb
    _QW = _NQ // wpb
    wid = lax.axis_index("s") * 2 + lax.axis_index("c")
    b = wid // wpb
    s0 = (wid % wpb) * _QW
    pltpu.sync_copy(vx_hbm.at[b], px)
    pltpu.sync_copy(vy_hbm.at[b], py)
    pltpu.sync_copy(vz_hbm.at[b], pz)
    pltpu.sync_copy(sinds_hbm.at[b, pl.ds(s0, _QW)], sq)

    lanes = lax.broadcasted_iota(jnp.int32, (16,), 0)
    zeros16 = jnp.zeros((16,), jnp.int32)
    ones16 = jnp.full((16,), 1, jnp.int32)
    twos16 = jnp.full((16,), 2, jnp.int32)

    for g in range(_QW // 16):
        qi = sq[pl.ds(g * 16, 16)]
        gqx = plsc.load_gather(px, [qi])
        gqy = plsc.load_gather(py, [qi])
        gqz = plsc.load_gather(pz, [qi])
        qx[pl.ds(g * 16, 16)] = gqx
        qy[pl.ds(g * 16, 16)] = gqy
        qz[pl.ds(g * 16, 16)] = gqz
        rid = lanes + g * 16
        plsc.store_scatter(nbuf, [rid, zeros16], gqx)
        plsc.store_scatter(nbuf, [rid, ones16], gqy)
        plsc.store_scatter(nbuf, [rid, twos16], gqz)
    pltpu.sync_copy(nbuf, nxyz_hbm.at[b, pl.ds(s0, _QW), :])

    r2 = jnp.float32(_R * _R)
    inv_r = jnp.float32(_R)
    _UNROLL = 4

    def per_query(qq, _):
        qxb = jnp.full((16,), qx[pl.ds(qq, 16)][0], jnp.float32)
        qyb = jnp.full((16,), qy[pl.ds(qq, 16)][0], jnp.float32)
        qzb = jnp.full((16,), qz[pl.ds(qq, 16)][0], jnp.float32)

        def chunk(cu, cursor):
            for u in range(_UNROLL):
                off = cu * (16 * _UNROLL) + u * 16
                pxv = px[pl.ds(off, 16)]
                pyv = py[pl.ds(off, 16)]
                pzv = pz[pl.ds(off, 16)]
                dx = pxv - qxb
                dy = pyv - qyb
                dz = pzv - qzb
                d2 = dx * dx + dy * dy + dz * dz
                m = d2 < r2
                cnt = plsc.all_reduce_population_count(m)[0]
                slot = jnp.minimum(cursor, 16)
                plsc.store_compressed(lst.at[pl.ds(slot, 16)],
                                      lanes + off, mask=m)
                cursor = cursor + cnt
            return cursor

        cursor = lax.fori_loop(0, _N // (16 * _UNROLL), chunk, jnp.int32(0))
        cnt16 = jnp.minimum(cursor, 16)
        nbv = lst[pl.ds(0, 16)]
        first = jnp.full((16,), nbv[0], jnp.int32)
        nb = jnp.where(lanes < cnt16, nbv, first)
        gxx = (plsc.load_gather(px, [nb]) - qxb) / inv_r
        gxy = (plsc.load_gather(py, [nb]) - qyb) / inv_r
        gxz = (plsc.load_gather(pz, [nb]) - qzb) / inv_r
        qqv = jnp.full((16,), qq, jnp.int32)
        plsc.store_scatter(gxbuf, [lanes, qqv, zeros16], gxx)
        plsc.store_scatter(gxbuf, [lanes, qqv, ones16], gxy)
        plsc.store_scatter(gxbuf, [lanes, qqv, twos16], gxz)
        plsc.store_scatter(glist, [lanes * _QW + qqv], nb + b * _N)
        return 0

    lax.fori_loop(0, _QW, per_query, 0)
    pltpu.sync_copy(gxbuf, gx_hbm.at[b, :, pl.ds(s0, _QW), :])

    bufs = [rb0, rb1, rb2, rb3]

    def _gather(k):
        return pltpu.async_copy(
            hrows_hbm.at[glist.at[pl.ds(k * _QW, _QW)]],
            bufs[k % 4], gsems.at[k % 4])

    def _out(k):
        return pltpu.async_copy(
            bufs[k % 4], gf_hbm.at[b, k, pl.ds(s0, _QW), :],
            osems.at[k % 4])

    gcp = [None] * _NS
    ocp = [None] * _NS
    for k in range(4):
        gcp[k] = _gather(k)
    for k in range(_NS):
        gcp[k].wait()
        ocp[k] = _out(k)
        nk = k + 2
        if 4 <= nk < _NS:
            ocp[nk - 4].wait()
            gcp[nk] = _gather(nk)
    for k in range(_NS - 4, _NS):
        ocp[k].wait()



def _k4_body(gf_ref, gx_ref, b3t_ref, sag1_ref, sab1_ref, w2_ref, sag2_ref,
             sab2_ref, w3_ref, sag3_ref, sab3_ref, out_ref):
    acc = jnp.zeros((_NQ, _D), jnp.float32)
    b3t = b3t_ref[...]
    for k in range(_NS):
        g = gf_ref[0, k]
        gxk = gx_ref[0, k].astype(jnp.bfloat16).astype(jnp.float32)
        xyzp = (gxk[:, 0:1] * b3t[0:1, :] + gxk[:, 1:2] * b3t[1:2, :]
                + gxk[:, 2:3] * b3t[2:3, :]) * sag1_ref[...]
        l1 = jnp.maximum(g + xyzp + sab1_ref[...], 0.0)
        l2 = jnp.maximum(
            _bf16_dot(l1, w2_ref) * sag2_ref[...] + sab2_ref[...], 0.0)
        l3 = jnp.maximum(
            _bf16_dot(l2, w3_ref) * sag3_ref[...] + sab3_ref[...], 0.0)
        acc = jnp.maximum(acc, l3)
    out_ref[0] = acc



def _make_ballq(nb):
    qw = _NQ // (32 // nb)
    mesh = plsc.VectorSubcoreMesh(core_axis_name="c", subcore_axis_name="s")
    return functools.partial(
        pl.kernel,
        out_type=(
            jax.ShapeDtypeStruct((nb, _NQ, 3), jnp.float32),
            jax.ShapeDtypeStruct((nb, _NS, _NQ, 3), jnp.float32),
            jax.ShapeDtypeStruct((nb, _NS, _NQ, _D), jnp.float32),
        ),
        mesh=mesh,
        compiler_params=pltpu.CompilerParams(needs_layout_passes=False,
                                             use_tc_tiling_on_sc=False),
        scratch_types=[
            pltpu.VMEM((_N,), jnp.float32),
            pltpu.VMEM((_N,), jnp.float32),
            pltpu.VMEM((_N,), jnp.float32),
            pltpu.VMEM((qw,), jnp.int32),
            pltpu.VMEM((qw + 16,), jnp.float32),
            pltpu.VMEM((qw + 16,), jnp.float32),
            pltpu.VMEM((qw + 16,), jnp.float32),
            pltpu.VMEM((qw, 3), jnp.float32),
            pltpu.VMEM((32,), jnp.int32),
            pltpu.VMEM((_NS, qw, 3), jnp.float32),
            pltpu.VMEM((_NS * qw,), jnp.int32),
            pltpu.VMEM((qw, _D), jnp.float32),
            pltpu.VMEM((qw, _D), jnp.float32),
            pltpu.VMEM((qw, _D), jnp.float32),
            pltpu.VMEM((qw, _D), jnp.float32),
            pltpu.SemaphoreType.DMA((4,)),
            pltpu.SemaphoreType.DMA((4,)),
        ],
    )(functools.partial(_ballq_body, nb))


def kernel(encode_xyz, encode_features, W1, b1, g1, be1, W2, b2, g2, be2,
           W3, b3, saW1, sag1, sab1, saW2, sag2, sab2, saW3, sag3, sab3):
    f32 = jnp.float32
    bf16 = jnp.bfloat16
    scale = f32(1.0 / np.sqrt(1.0 + _EPS))
    g1s = (g1 * scale)[None, :]
    g2s = (g2 * scale)[None, :]
    sag1s = (sag1 * scale)[None, :]
    sag2s = (sag2 * scale)[None, :]
    sag3s = (sag3 * scale)[None, :]

    xT = jnp.transpose(encode_features, (0, 2, 1))
    w1t = W1.T.astype(bf16)
    w2t = W2.T.astype(bf16)
    w3a = W3[:3].T.astype(bf16)
    b3a = b3[:3][None, :]
    w3d = W3[3:].T.astype(bf16)
    b3d = b3[3:][None, :]
    at = saW1[:, 3:].T.astype(bf16)
    b3t = saW1[:, :3].T.astype(bf16).astype(f32)
    saw2t = saW2.T.astype(bf16)
    saw3t = saW3.T.astype(bf16)

    wspec = lambda shp: pl.BlockSpec(shp, lambda bi, ti: (0,) * len(shp))
    _NB = 4

    def run_k1(xh, eh):
        return pl.pallas_call(
            _k1_body,
            grid=(_NB, _N // _TN),
            in_specs=[
                pl.BlockSpec((1, _TN, _D), lambda bi, ti: (bi, ti, 0)),
                pl.BlockSpec((1, _TN, 3), lambda bi, ti: (bi, ti, 0)),
                wspec((_D, _D)), wspec((1, _D)), wspec((1, _D)),
                wspec((1, _D)),
                wspec((_D, _D)), wspec((1, _D)), wspec((1, _D)),
                wspec((1, _D)),
                wspec((_D, 3)), wspec((1, 3)),
                wspec((_D, _D)), wspec((1, _D)),
                wspec((_D, _D)), wspec((1, _D)),
            ],
            out_specs=[
                pl.BlockSpec((1, _TN, 3), lambda bi, ti: (bi, ti, 0)),
                pl.BlockSpec((_TN, _D),
                             lambda bi, ti: (bi * (_N // _TN) + ti, 0)),
            ],
            out_shape=[
                jax.ShapeDtypeStruct((_NB, _N, 3), f32),
                jax.ShapeDtypeStruct((_NB * _N, _D), f32),
            ],
        )(xh, eh, w1t, b1[None, :], g1s, be1[None, :],
          w2t, b2[None, :], g2s, be2[None, :], w3a, b3a, w3d, b3d, at, sag1s)

    def run_k4(gf, gx):
        return pl.pallas_call(
            _k4_body,
            grid=(_NB,),
            in_specs=[
                pl.BlockSpec((1, _NS, _NQ, _D), lambda bi: (bi, 0, 0, 0)),
                pl.BlockSpec((1, _NS, _NQ, 3), lambda bi: (bi, 0, 0, 0)),
                pl.BlockSpec((3, _D), lambda bi: (0, 0)),
                pl.BlockSpec((1, _D), lambda bi: (0, 0)),
                pl.BlockSpec((1, _D), lambda bi: (0, 0)),
                pl.BlockSpec((_D, _D), lambda bi: (0, 0)),
                pl.BlockSpec((1, _D), lambda bi: (0, 0)),
                pl.BlockSpec((1, _D), lambda bi: (0, 0)),
                pl.BlockSpec((_D, _D), lambda bi: (0, 0)),
                pl.BlockSpec((1, _D), lambda bi: (0, 0)),
                pl.BlockSpec((1, _D), lambda bi: (0, 0)),
            ],
            out_specs=pl.BlockSpec((1, _NQ, _D), lambda bi: (bi, 0, 0)),
            out_shape=jax.ShapeDtypeStruct((_NB, _NQ, _D), f32),
        )(gf, gx, b3t, sag1s, sab1[None, :], saw2t, sag2s, sab2[None, :],
          saw3t, sag3s, sab3[None, :])

    exs = encode_xyz[..., 0]
    eys = encode_xyz[..., 1]
    ezs = encode_xyz[..., 2]
    sample_inds = pl.pallas_call(
        _fps_body,
        out_shape=jax.ShapeDtypeStruct((_B, _NQ), jnp.int32),
    )(exs, eys, ezs)

    ballq = _make_ballq(_NB)
    votes, newxs, qfs = [], [], []
    for h in range(_B // _NB):
        b0 = h * _NB
        vote_h, hrows_h = run_k1(xT[b0:b0 + _NB], encode_xyz[b0:b0 + _NB])
        new_xyz_h, gx_h, gf_h = ballq(
            vote_h[..., 0], vote_h[..., 1], vote_h[..., 2],
            sample_inds[b0:b0 + _NB], hrows_h)
        qfs.append(run_k4(gf_h, gx_h))
        votes.append(vote_h)
        newxs.append(new_xyz_h)

    vote_xyz = jnp.concatenate(votes, axis=0)
    new_xyz = jnp.concatenate(newxs, axis=0)
    query_features = jnp.transpose(jnp.concatenate(qfs, axis=0), (0, 2, 1))
    return (vote_xyz, encode_xyz, sample_inds, new_xyz, query_features)

# --- scband reference (transcript-rebuilt; emitter-appended) ---
"""Pipeline reference for scband-vote-query-84756884619595 (READ-ONLY COPY).

The authoritative reference and input builder live on the scoring server;
editing this copy changes nothing except your own understanding.
"""

import jax, jax.numpy as jnp
import numpy as np

D = 288
NQ = 256
RADIUS = 0.3
NSAMPLE = 16
B = 8
N = 2048
EPS = 1e-5

def _bn(x, g, b):
    shape = [1] * x.ndim
    shape[1] = g.shape[0]
    scale = (g / jnp.sqrt(1.0 + EPS)).reshape(shape)
    return x * scale + b.reshape(shape)

def _fps_single(xyz):
    n = xyz.shape[0]
    def step(carry, _):
        dists, far = carry
        c = xyz[far]
        d = jnp.sum((xyz - c) ** 2, axis=-1)
        dists = jnp.minimum(dists, d)
        nxt = jnp.argmax(dists).astype(jnp.int32)
        return (dists, nxt), far
    _, inds = jax.lax.scan(step, (jnp.full((n,), 1e10, jnp.float32), jnp.int32(0)), None, length=NQ)
    return inds

def setup_inputs(seed: int = 0):
    key = jax.random.key(seed)
    ks = jax.random.split(key, 16)
    s = 0.05
    inp = {}
    inp['encode_xyz'] = jax.random.uniform(ks[0], (B, N, 3), jnp.float32) * 4.0 - 2.0
    inp['encode_features'] = jax.random.normal(ks[1], (B, D, N), jnp.float32)
    inp['W1'] = jax.random.normal(ks[2], (D, D), jnp.float32) * s
    inp['b1'] = jnp.zeros((D,), jnp.float32)
    inp['g1'] = jnp.ones((D,), jnp.float32)
    inp['be1'] = jnp.zeros((D,), jnp.float32)
    inp['W2'] = jax.random.normal(ks[3], (D, D), jnp.float32) * s
    inp['b2'] = jnp.zeros((D,), jnp.float32)
    inp['g2'] = jnp.ones((D,), jnp.float32)
    inp['be2'] = jnp.zeros((D,), jnp.float32)
    inp['W3'] = jax.random.normal(ks[4], (3 + D, D), jnp.float32) * s
    inp['b3'] = jnp.zeros((3 + D,), jnp.float32)
    inp['saW1'] = jax.random.normal(ks[5], (D, 3 + D), jnp.float32) * s
    inp['sag1'] = jnp.ones((D,), jnp.float32)
    inp['sab1'] = jnp.zeros((D,), jnp.float32)
    inp['saW2'] = jax.random.normal(ks[6], (D, D), jnp.float32) * s
    inp['sag2'] = jnp.ones((D,), jnp.float32)
    inp['sab2'] = jnp.zeros((D,), jnp.float32)
    inp['saW3'] = jax.random.normal(ks[7], (D, D), jnp.float32) * s
    inp['sag3'] = jnp.ones((D,), jnp.float32)
    inp['sab3'] = jnp.zeros((D,), jnp.float32)
    return inp

def reference(encode_xyz, encode_features, W1, b1, g1, be1, W2, b2, g2, be2, W3, b3, saW1, sag1, sab1, saW2, sag2, sab2, saW3, sag3, sab3):
    x = encode_features
    h = jnp.einsum('oc,bcn->bon', W1, x) + b1[None, :, None]
    h = jax.nn.relu(_bn(h, g1, be1))
    h = jnp.einsum('oc,bcn->bon', W2, h) + b2[None, :, None]
    h = jax.nn.relu(_bn(h, g2, be2))
    out = jnp.einsum('oc,bcn->bon', W3, h) + b3[None, :, None]
    coord_shift = jnp.clip(jax.nn.sigmoid(out[:, :3, :]), 0.1, 0.9)
    vote_xyz = encode_xyz + jnp.transpose(coord_shift, (0, 2, 1)) - 0.5
    feats = x + out[:, 3:, :]
    nrm = jnp.linalg.norm(feats, axis=1, keepdims=True)
    feats = feats / nrm
    sample_inds = jax.vmap(_fps_single)(encode_xyz)
    new_xyz = jax.vmap(lambda p, ix: p[ix])(vote_xyz, sample_inds)
    d2 = jnp.sum((new_xyz[:, :, None, :] - vote_xyz[:, None, :, :]) ** 2, axis=-1)
    npts = vote_xyz.shape[1]
    cand = jnp.where(d2 < RADIUS ** 2, jnp.arange(npts)[None, None, :], npts)
    cand = jnp.sort(cand, axis=-1)[..., :NSAMPLE]
    first = cand[..., :1]
    idx = jnp.where(cand == npts, jnp.broadcast_to(first, cand.shape), cand)
    idx = jnp.where(idx == npts, 0, idx)
    grouped_xyz = jax.vmap(lambda p, ix: p[ix])(vote_xyz, idx)
    grouped_xyz = (grouped_xyz - new_xyz[:, :, None, :]) / RADIUS
    grouped_feats = jax.vmap(lambda f, ix: f[:, ix])(feats, idx)
    gx = jnp.transpose(grouped_xyz, (0, 3, 1, 2))
    nf = jnp.concatenate([gx, grouped_feats], axis=1)
    h2 = jax.nn.relu(_bn(jnp.einsum('oc,bcsn->bosn', saW1, nf), sag1, sab1))
    h2 = jax.nn.relu(_bn(jnp.einsum('oc,bcsn->bosn', saW2, h2), sag2, sab2))
    h2 = jax.nn.relu(_bn(jnp.einsum('oc,bcsn->bosn', saW3, h2), sag3, sab3))
    query_features = jnp.max(h2, axis=-1)
    return (vote_xyz, encode_xyz, sample_inds, new_xyz, query_features)

if __name__ == "__main__":
    import jax
    _d = setup_inputs()
    print(jax.jit(kernel)(*tuple(_d.values())))

</pallas_src>

<mosaic_0001>
#map = affine_map<(d0, d1) -> (0, 0)>
#map1 = affine_map<(d0, d1) -> (0, 0, 0)>
#map2 = affine_map<(d0, d1) -> (0, 0, 0, 0)>
module attributes {stable_mosaic.version = 14 : i64} {
  func.func @_ballq_body(%arg0: i32, %arg1: i32, %arg2: memref<4x2048xf32, #tpu.memory_space<hbm>>, %arg3: memref<4x2048xf32, #tpu.memory_space<hbm>>, %arg4: memref<4x2048xf32, #tpu.memory_space<hbm>>, %arg5: memref<4x256xi32, #tpu.memory_space<hbm>>, %arg6: memref<8192x288xf32, #tpu.memory_space<hbm>>, %arg7: memref<4x256x3xf32, #tpu.memory_space<hbm>>, %arg8: memref<4x16x256x3xf32, #tpu.memory_space<hbm>>, %arg9: memref<4x16x256x288xf32, #tpu.memory_space<hbm>>, %arg10: memref<2048xf32, #tpu.memory_space<vmem>>, %arg11: memref<2048xf32, #tpu.memory_space<vmem>>, %arg12: memref<2048xf32, #tpu.memory_space<vmem>>, %arg13: memref<32xi32, #tpu.memory_space<vmem>>, %arg14: memref<48xf32, #tpu.memory_space<vmem>>, %arg15: memref<48xf32, #tpu.memory_space<vmem>>, %arg16: memref<48xf32, #tpu.memory_space<vmem>>, %arg17: memref<32x3xf32, #tpu.memory_space<vmem>>, %arg18: memref<32xi32, #tpu.memory_space<vmem>>, %arg19: memref<16x32x3xf32, #tpu.memory_space<vmem>>, %arg20: memref<512xi32, #tpu.memory_space<vmem>>, %arg21: memref<32x288xf32, #tpu.memory_space<vmem>>, %arg22: memref<32x288xf32, #tpu.memory_space<vmem>>, %arg23: memref<32x288xf32, #tpu.memory_space<vmem>>, %arg24: memref<32x288xf32, #tpu.memory_space<vmem>>, %arg25: memref<4x!tpu.dma_semaphore, #tpu.memory_space<semaphore_mem>>, %arg26: memref<4x!tpu.dma_semaphore, #tpu.memory_space<semaphore_mem>>) attributes {dimension_semantics = [#tpu.dimension_semantics<core_parallel>, #tpu.dimension_semantics<subcore_parallel>], iteration_bounds = array<i64: 2, 16>, scalar_prefetch = 0 : i64, scratch_operands = 17 : i64, tpu.core_type = #tpu.core_type<sc_vector_subcore>, window_params = [{transform_indices = #map}, {transform_indices = #map}, {transform_indices = #map}, {transform_indices = #map}, {transform_indices = #map}, {transform_indices = #map1}, {transform_indices = #map2}, {transform_indices = #map2}]} {
    %mul3A = arith.constant 2 : i32
    %mul3A_0 = arith.muli %arg1, %mul3A : i32
    %add3A = arith.addi %mul3A_0, %arg0 : i32
    %jit3A = arith.constant 8 : i32
    %div3A = arith.divsi %add3A, %jit3A : i32
    %sign3A = arith.constant 0 : i32
    %sign3A_1 = arith.cmpi sgt, %add3A, %sign3A : i32
    %sign3A_2 = arith.extui %sign3A_1 : i1 to i32
    %sign3A_3 = arith.constant 0 : i32
    %sign3A_4 = arith.cmpi slt, %add3A, %sign3A_3 : i32
    %sign3A_5 = arith.extui %sign3A_4 : i1 to i32
    %sign3A_6 = arith.subi %sign3A_2, %sign3A_5 : i32
    %sign3A_7 = arith.constant 0 : i32
    %sign3A_8 = arith.cmpi sgt, %jit3A, %sign3A_7 : i32
    %sign3A_9 = arith.extui %sign3A_8 : i1 to i32
    %sign3A_10 = arith.constant 0 : i32
    %sign3A_11 = arith.cmpi slt, %jit3A, %sign3A_10 : i32
    %sign3A_12 = arith.extui %sign3A_11 : i1 to i32
    %sign3A_13 = arith.subi %sign3A_9, %sign3A_12 : i32
    %ne3A = arith.cmpi ne, %sign3A_6, %sign3A_13 : i32
    %rem3A = arith.remsi %add3A, %jit3A : i32
    %ne3A_14 = arith.constant 0 : i32
    %ne3A_15 = arith.cmpi ne, %rem3A, %ne3A_14 : i32
    %and3A = arith.andi %ne3A, %ne3A_15 : i1
    %sub3A = arith.constant 1 : i32
    %sub3A_16 = arith.subi %div3A, %sub3A : i32
    %select_n3A = arith.select %and3A, %sub3A_16, %div3A : i32
    %jit3A_17 = arith.constant 8 : i32
    %eq3A = arith.constant 0 : i32
    %eq3A_18 = arith.cmpi eq, %jit3A_17, %eq3A : i32
    %jit3A_19 = arith.constant 1 : i32
    %select_n3A_20 = arith.select %eq3A_18, %jit3A_19, %jit3A_17 : i32
    %rem3A_21 = arith.remsi %add3A, %select_n3A_20 : i32
    %ne3A_22 = arith.constant 0 : i32
    %ne3A_23 = arith.cmpi ne, %rem3A_21, %ne3A_22 : i32
    %lt3A = arith.constant 0 : i32
    %lt3A_24 = arith.cmpi slt, %rem3A_21, %lt3A : i32
    %lt3A_25 = arith.constant 0 : i32
    %lt3A_26 = arith.cmpi slt, %select_n3A_20, %lt3A_25 : i32
    %ne3A_27 = arith.xori %lt3A_24, %lt3A_26 : i1
    %and3A_28 = arith.andi %ne3A_27, %ne3A_23 : i1
    %add3A_29 = arith.addi %rem3A_21, %select_n3A_20 : i32
    %select_n3A_30 = arith.select %and3A_28, %add3A_29, %rem3A_21 : i32
    %mul3A_31 = arith.constant 32 : i32
    %mul3A_32 = arith.muli %select_n3A_30, %mul3A_31 : i32
    "tpu.region"() ({
      %run_scoped3A = tpu.sem_alloc : memref<!tpu.dma_semaphore, #tpu.memory_space<semaphore_mem>>
      %dma_start3A_645 = arith.constant 0 : i32
      %dma_start3A_646 = tpu.memref_slice %arg2[%select_n3A, %dma_start3A_645] : memref<4x2048xf32, #tpu.memory_space<hbm>> -> memref<1x2048xf32, #tpu.memory_space<hbm>>
      %dma_start3A_647 = tpu.memref_squeeze %dma_start3A_646 : memref<1x2048xf32, #tpu.memory_space<hbm>> -> memref<2048xf32, #tpu.memory_space<hbm>>
      %dma_start3A_648 = arith.constant 0 : i32
      %dma_start3A_649 = tpu.memref_slice %arg2[%select_n3A, %dma_start3A_648] : memref<4x2048xf32, #tpu.memory_space<hbm>> -> memref<1x2048xf32, #tpu.memory_space<hbm>>
      %dma_start3A_650 = tpu.memref_squeeze %dma_start3A_649 : memref<1x2048xf32, #tpu.memory_space<hbm>> -> memref<2048xf32, #tpu.memory_space<hbm>>
      tpu.enqueue_dma source(%dma_start3A_650 : memref<2048xf32, #tpu.memory_space<hbm>>) target(%arg10 : memref<2048xf32, #tpu.memory_space<vmem>>) target_semaphore(%run_scoped3A : memref<!tpu.dma_semaphore, #tpu.memory_space<semaphore_mem>>)
      %dma_wait3A_651 = arith.constant 0 : i32
      %dma_wait3A_652 = tpu.memref_slice %arg2[%select_n3A, %dma_wait3A_651] : memref<4x2048xf32, #tpu.memory_space<hbm>> -> memref<1x2048xf32, #tpu.memory_space<hbm>>
      %dma_wait3A_653 = tpu.memref_squeeze %dma_wait3A_652 : memref<1x2048xf32, #tpu.memory_space<hbm>> -> memref<2048xf32, #tpu.memory_space<hbm>>
      %dma_wait3A_654 = arith.constant 0 : i32
      %dma_wait3A_655 = tpu.memref_slice %arg2[%select_n3A, %dma_wait3A_654] : memref<4x2048xf32, #tpu.memory_space<hbm>> -> memref<1x2048xf32, #tpu.memory_space<hbm>>
      %dma_wait3A_656 = tpu.memref_squeeze %dma_wait3A_655 : memref<1x2048xf32, #tpu.memory_space<hbm>> -> memref<2048xf32, #tpu.memory_space<hbm>>
      tpu.wait_dma2 semaphore(%run_scoped3A : memref<!tpu.dma_semaphore, #tpu.memory_space<semaphore_mem>>) src(%dma_wait3A_656 : memref<2048xf32, #tpu.memory_space<hbm>>) dst(%arg10 : memref<2048xf32, #tpu.memory_space<vmem>>)
      tpu.yield
    }) : () -> ()
    "tpu.region"() ({
      %run_scoped3A = tpu.sem_alloc : memref<!tpu.dma_semaphore, #tpu.memory_space<semaphore_mem>>
      %dma_start3A_645 = arith.constant 0 : i32
      %dma_start3A_646 = tpu.memref_slice %arg3[%select_n3A, %dma_start3A_645] : memref<4x2048xf32, #tpu.memory_space<hbm>> -> memref<1x2048xf32, #tpu.memory_space<hbm>>
      %dma_start3A_647 = tpu.memref_squeeze %dma_start3A_646 : memref<1x2048xf32, #tpu.memory_space<hbm>> -> memref<2048xf32, #tpu.memory_space<hbm>>
      %dma_start3A_648 = arith.constant 0 : i32
      %dma_start3A_649 = tpu.memref_slice %arg3[%select_n3A, %dma_start3A_648] : memref<4x2048xf32, #tpu.memory_space<hbm>> -> memref<1x2048xf32, #tpu.memory_space<hbm>>
      %dma_start3A_650 = tpu.memref_squeeze %dma_start3A_649 : memref<1x2048xf32, #tpu.memory_space<hbm>> -> memref<2048xf32, #tpu.memory_space<hbm>>
      tpu.enqueue_dma source(%dma_start3A_650 : memref<2048xf32, #tpu.memory_space<hbm>>) target(%arg11 : memref<2048xf32, #tpu.memory_space<vmem>>) target_semaphore(%run_scoped3A : memref<!tpu.dma_semaphore, #tpu.memory_space<semaphore_mem>>)
      %dma_wait3A_651 = arith.constant 0 : i32
      %dma_wait3A_652 = tpu.memref_slice %arg3[%select_n3A, %dma_wait3A_651] : memref<4x2048xf32, #tpu.memory_space<hbm>> -> memref<1x2048xf32, #tpu.memory_space<hbm>>
      %dma_wait3A_653 = tpu.memref_squeeze %dma_wait3A_652 : memref<1x2048xf32, #tpu.memory_space<hbm>> -> memref<2048xf32, #tpu.memory_space<hbm>>
      %dma_wait3A_654 = arith.constant 0 : i32
      %dma_wait3A_655 = tpu.memref_slice %arg3[%select_n3A, %dma_wait3A_654] : memref<4x2048xf32, #tpu.memory_space<hbm>> -> memref<1x2048xf32, #tpu.memory_space<hbm>>
      %dma_wait3A_656 = tpu.memref_squeeze %dma_wait3A_655 : memref<1x2048xf32, #tpu.memory_space<hbm>> -> memref<2048xf32, #tpu.memory_space<hbm>>
      tpu.wait_dma2 semaphore(%run_scoped3A : memref<!tpu.dma_semaphore, #tpu.memory_space<semaphore_mem>>) src(%dma_wait3A_656 : memref<2048xf32, #tpu.memory_space<hbm>>) dst(%arg11 : memref<2048xf32, #tpu.memory_space<vmem>>)
      tpu.yield
    }) : () -> ()
    "tpu.region"() ({
      %run_scoped3A = tpu.sem_alloc : memref<!tpu.dma_semaphore, #tpu.memory_space<semaphore_mem>>
      %dma_start3A_645 = arith.constant 0 : i32
      %dma_start3A_646 = tpu.memref_slice %arg4[%select_n3A, %dma_start3A_645] : memref<4x2048xf32, #tpu.memory_space<hbm>> -> memref<1x2048xf32, #tpu.memory_space<hbm>>
      %dma_start3A_647 = tpu.memref_squeeze %dma_start3A_646 : memref<1x2048xf32, #tpu.memory_space<hbm>> -> memref<2048xf32, #tpu.memory_space<hbm>>
      %dma_start3A_648 = arith.constant 0 : i32
      %dma_start3A_649 = tpu.memref_slice %arg4[%select_n3A, %dma_start3A_648] : memref<4x2048xf32, #tpu.memory_space<hbm>> -> memref<1x2048xf32, #tpu.memory_space<hbm>>
      %dma_start3A_650 = tpu.memref_squeeze %dma_start3A_649 : memref<1x2048xf32, #tpu.memory_space<hbm>> -> memref<2048xf32, #tpu.memory_space<hbm>>
      tpu.enqueue_dma source(%dma_start3A_650 : memref<2048xf32, #tpu.memory_space<hbm>>) target(%arg12 : memref<2048xf32, #tpu.memory_space<vmem>>) target_semaphore(%run_scoped3A : memref<!tpu.dma_semaphore, #tpu.memory_space<semaphore_mem>>)
      %dma_wait3A_651 = arith.constant 0 : i32
      %dma_wait3A_652 = tpu.memref_slice %arg4[%select_n3A, %dma_wait3A_651] : memref<4x2048xf32, #tpu.memory_space<hbm>> -> memref<1x2048xf32, #tpu.memory_space<hbm>>
      %dma_wait3A_653 = tpu.memref_squeeze %dma_wait3A_652 : memref<1x2048xf32, #tpu.memory_space<hbm>> -> memref<2048xf32, #tpu.memory_space<hbm>>
      %dma_wait3A_654 = arith.constant 0 : i32
      %dma_wait3A_655 = tpu.memref_slice %arg4[%select_n3A, %dma_wait3A_654] : memref<4x2048xf32, #tpu.memory_space<hbm>> -> memref<1x2048xf32, #tpu.memory_space<hbm>>
      %dma_wait3A_656 = tpu.memref_squeeze %dma_wait3A_655 : memref<1x2048xf32, #tpu.memory_space<hbm>> -> memref<2048xf32, #tpu.memory_space<hbm>>
      tpu.wait_dma2 semaphore(%run_scoped3A : memref<!tpu.dma_semaphore, #tpu.memory_space<semaphore_mem>>) src(%dma_wait3A_656 : memref<2048xf32, #tpu.memory_space<hbm>>) dst(%arg12 : memref<2048xf32, #tpu.memory_space<vmem>>)
      tpu.yield
    }) : () -> ()
    "tpu.region"() ({
      %run_scoped3A = tpu.sem_alloc : memref<!tpu.dma_semaphore, #tpu.memory_space<semaphore_mem>>
      %dma_start3A_645 = tpu.memref_slice %arg5[%select_n3A, %mul3A_32] : memref<4x256xi32, #tpu.memory_space<hbm>> -> memref<1x32xi32, #tpu.memory_space<hbm>>
      %dma_start3A_646 = tpu.memref_squeeze %dma_start3A_645 : memref<1x32xi32, #tpu.memory_space<hbm>> -> memref<32xi32, #tpu.memory_space<hbm>>
      %dma_start3A_647 = tpu.memref_slice %arg5[%select_n3A, %mul3A_32] : memref<4x256xi32, #tpu.memory_space<hbm>> -> memref<1x32xi32, #tpu.memory_space<hbm>>
      %dma_start3A_648 = tpu.memref_squeeze %dma_start3A_647 : memref<1x32xi32, #tpu.memory_space<hbm>> -> memref<32xi32, #tpu.memory_space<hbm>>
      tpu.enqueue_dma source(%dma_start3A_648 : memref<32xi32, #tpu.memory_space<hbm>>) target(%arg13 : memref<32xi32, #tpu.memory_space<vmem>>) target_semaphore(%run_scoped3A : memref<!tpu.dma_semaphore, #tpu.memory_space<semaphore_mem>>)
      %dma_wait3A_649 = tpu.memref_slice %arg5[%select_n3A, %mul3A_32] : memref<4x256xi32, #tpu.memory_space<hbm>> -> memref<1x32xi32, #tpu.memory_space<hbm>>
      %dma_wait3A_650 = tpu.memref_squeeze %dma_wait3A_649 : memref<1x32xi32, #tpu.memory_space<hbm>> -> memref<32xi32, #tpu.memory_space<hbm>>
      %dma_wait3A_651 = tpu.memref_slice %arg5[%select_n3A, %mul3A_32] : memref<4x256xi32, #tpu.memory_space<hbm>> -> memref<1x32xi32, #tpu.memory_space<hbm>>
      %dma_wait3A_652 = tpu.memref_squeeze %dma_wait3A_651 : memref<1x32xi32, #tpu.memory_space<hbm>> -> memref<32xi32, #tpu.memory_space<hbm>>
      tpu.wait_dma2 semaphore(%run_scoped3A : memref<!tpu.dma_semaphore, #tpu.memory_space<semaphore_mem>>) src(%dma_wait3A_652 : memref<32xi32, #tpu.memory_space<hbm>>) dst(%arg13 : memref<32xi32, #tpu.memory_space<vmem>>)
      tpu.yield
    }) : () -> ()
    %iota3A = tpu.iota {dimensions = array<i32: 0>} : vector<16xi32>
    %broadcast_in_dim3A = arith.constant 0 : i32
    %broadcast_in_dim3A_33 = vector.broadcast %broadcast_in_dim3A : i32 to vector<16xi32>
    %broadcast_in_dim3A_34 = arith.constant 1 : i32
    %broadcast_in_dim3A_35 = vector.broadcast %broadcast_in_dim3A_34 : i32 to vector<16xi32>
    %broadcast_in_dim3A_36 = arith.constant 2 : i32
    %broadcast_in_dim3A_37 = vector.broadcast %broadcast_in_dim3A_36 : i32 to vector<16xi32>
    %get3A = arith.constant 0 : index
    %get3A_38 = tpu.vector_load %arg13[%get3A] {strides = array<i32>} : memref<32xi32, #tpu.memory_space<vmem>>, vector<16xi32>,
    %gather3A = tpu.vector_load_idx %arg10[%get3A_38] : memref<2048xf32, #tpu.memory_space<vmem>>[vector<16xi32>], vector<16xf32>,
    %gather3A_39 = tpu.vector_load_idx %arg11[%get3A_38] : memref<2048xf32, #tpu.memory_space<vmem>>[vector<16xi32>], vector<16xf32>,
    %gather3A_40 = tpu.vector_load_idx %arg12[%get3A_38] : memref<2048xf32, #tpu.memory_space<vmem>>[vector<16xi32>], vector<16xf32>,
    %swap3A = arith.constant 0 : index
    %swap3A_41 = tpu.vector_load %arg14[%swap3A] {strides = array<i32>} : memref<48xf32, #tpu.memory_space<vmem>>, vector<16xf32>,
    tpu.vector_store %arg14[%swap3A], %gather3A {strides = array<i32>} : memref<48xf32, #tpu.memory_space<vmem>>, vector<16xf32>,
    %swap3A_42 = arith.constant 0 : index
    %swap3A_43 = tpu.vector_load %arg15[%swap3A_42] {strides = array<i32>} : memref<48xf32, #tpu.memory_space<vmem>>, vector<16xf32>,
    tpu.vector_store %arg15[%swap3A_42], %gather3A_39 {strides = array<i32>} : memref<48xf32, #tpu.memory_space<vmem>>, vector<16xf32>,
    %swap3A_44 = arith.constant 0 : index
    %swap3A_45 = tpu.vector_load %arg16[%swap3A_44] {strides = array<i32>} : memref<48xf32, #tpu.memory_space<vmem>>, vector<16xf32>,
    tpu.vector_store %arg16[%swap3A_44], %gather3A_40 {strides = array<i32>} : memref<48xf32, #tpu.memory_space<vmem>>, vector<16xf32>,
    %add3A_46 = arith.constant 0 : i32
    %add3A_47 = vector.broadcast %add3A_46 : i32 to vector<16xi32>
    %add3A_48 = arith.addi %iota3A, %add3A_47 : vector<16xi32>
    tpu.vector_store_idx %arg17[%add3A_48, %broadcast_in_dim3A_33], %gather3A : memref<32x3xf32, #tpu.memory_space<vmem>>[vector<16xi32>, vector<16xi32>], vector<16xf32>,
    tpu.vector_store_idx %arg17[%add3A_48, %broadcast_in_dim3A_35], %gather3A_39 : memref<32x3xf32, #tpu.memory_space<vmem>>[vector<16xi32>, vector<16xi32>], vector<16xf32>,
    tpu.vector_store_idx %arg17[%add3A_48, %broadcast_in_dim3A_37], %gather3A_40 : memref<32x3xf32, #tpu.memory_space<vmem>>[vector<16xi32>, vector<16xi32>], vector<16xf32>,
    %get3A_49 = arith.constant 16 : index
    %get3A_50 = tpu.vector_load %arg13[%get3A_49] {strides = array<i32>} : memref<32xi32, #tpu.memory_space<vmem>>, vector<16xi32>,
    %gather3A_51 = tpu.vector_load_idx %arg10[%get3A_50] : memref<2048xf32, #tpu.memory_space<vmem>>[vector<16xi32>], vector<16xf32>,
    %gather3A_52 = tpu.vector_load_idx %arg11[%get3A_50] : memref<2048xf32, #tpu.memory_space<vmem>>[vector<16xi32>], vector<16xf32>,
    %gather3A_53 = tpu.vector_load_idx %arg12[%get3A_50] : memref<2048xf32, #tpu.memory_space<vmem>>[vector<16xi32>], vector<16xf32>,
    %swap3A_54 = arith.constant 16 : index
    %swap3A_55 = tpu.vector_load %arg14[%swap3A_54] {strides = array<i32>} : memref<48xf32, #tpu.memory_space<vmem>>, vector<16xf32>,
    tpu.vector_store %arg14[%swap3A_54], %gather3A_51 {strides = array<i32>} : memref<48xf32, #tpu.memory_space<vmem>>, vector<16xf32>,
    %swap3A_56 = arith.constant 16 : index
    %swap3A_57 = tpu.vector_load %arg15[%swap3A_56] {strides = array<i32>} : memref<48xf32, #tpu.memory_space<vmem>>, vector<16xf32>,
    tpu.vector_store %arg15[%swap3A_56], %gather3A_52 {strides = array<i32>} : memref<48xf32, #tpu.memory_space<vmem>>, vector<16xf32>,
    %swap3A_58 = arith.constant 16 : index
    %swap3A_59 = tpu.vector_load %arg16[%swap3A_58] {strides = array<i32>} : memref<48xf32, #tpu.memory_space<vmem>>, vector<16xf32>,
    tpu.vector_store %arg16[%swap3A_58], %gather3A_53 {strides = array<i32>} : memref<48xf32, #tpu.memory_space<vmem>>, vector<16xf32>,
    %add3A_60 = arith.constant 16 : i32
    %add3A_61 = vector.broadcast %add3A_60 : i32 to vector<16xi32>
    %add3A_62 = arith.addi %iota3A, %add3A_61 : vector<16xi32>
    tpu.vector_store_idx %arg17[%add3A_62, %broadcast_in_dim3A_33], %gather3A_51 : memref<32x3xf32, #tpu.memory_space<vmem>>[vector<16xi32>, vector<16xi32>], vector<16xf32>,
    tpu.vector_store_idx %arg17[%add3A_62, %broadcast_in_dim3A_35], %gather3A_52 : memref<32x3xf32, #tpu.memory_space<vmem>>[vector<16xi32>, vector<16xi32>], vector<16xf32>,
    tpu.vector_store_idx %arg17[%add3A_62, %broadcast_in_dim3A_37], %gather3A_53 : memref<32x3xf32, #tpu.memory_space<vmem>>[vector<16xi32>, vector<16xi32>], vector<16xf32>,
    "tpu.region"() ({
      %run_scoped3A = tpu.sem_alloc : memref<!tpu.dma_semaphore, #tpu.memory_space<semaphore_mem>>
      %dma_start3A_645 = arith.constant 0 : i32
      %dma_start3A_646 = tpu.memref_slice %arg7[%select_n3A, %mul3A_32, %dma_start3A_645] : memref<4x256x3xf32, #tpu.memory_space<hbm>> -> memref<1x32x3xf32, #tpu.memory_space<hbm>>
      %dma_start3A_647 = tpu.memref_squeeze %dma_start3A_646 : memref<1x32x3xf32, #tpu.memory_space<hbm>> -> memref<32x3xf32, #tpu.memory_space<hbm>>
      %dma_start3A_648 = arith.constant 0 : i32
      %dma_start3A_649 = tpu.memref_slice %arg7[%select_n3A, %mul3A_32, %dma_start3A_648] : memref<4x256x3xf32, #tpu.memory_space<hbm>> -> memref<1x32x3xf32, #tpu.memory_space<hbm>>
      %dma_start3A_650 = tpu.memref_squeeze %dma_start3A_649 : memref<1x32x3xf32, #tpu.memory_space<hbm>> -> memref<32x3xf32, #tpu.memory_space<hbm>>
      tpu.enqueue_dma source(%arg17 : memref<32x3xf32, #tpu.memory_space<vmem>>) target(%dma_start3A_650 : memref<32x3xf32, #tpu.memory_space<hbm>>) target_semaphore(%run_scoped3A : memref<!tpu.dma_semaphore, #tpu.memory_space<semaphore_mem>>)
      %dma_wait3A_651 = arith.constant 0 : i32
      %dma_wait3A_652 = tpu.memref_slice %arg7[%select_n3A, %mul3A_32, %dma_wait3A_651] : memref<4x256x3xf32, #tpu.memory_space<hbm>> -> memref<1x32x3xf32, #tpu.memory_space<hbm>>
      %dma_wait3A_653 = tpu.memref_squeeze %dma_wait3A_652 : memref<1x32x3xf32, #tpu.memory_space<hbm>> -> memref<32x3xf32, #tpu.memory_space<hbm>>
      %dma_wait3A_654 = arith.constant 0 : i32
      %dma_wait3A_655 = tpu.memref_slice %arg7[%select_n3A, %mul3A_32, %dma_wait3A_654] : memref<4x256x3xf32, #tpu.memory_space<hbm>> -> memref<1x32x3xf32, #tpu.memory_space<hbm>>
      %dma_wait3A_656 = tpu.memref_squeeze %dma_wait3A_655 : memref<1x32x3xf32, #tpu.memory_space<hbm>> -> memref<32x3xf32, #tpu.memory_space<hbm>>
      tpu.wait_dma2 semaphore(%run_scoped3A : memref<!tpu.dma_semaphore, #tpu.memory_space<semaphore_mem>>) src(%arg17 : memref<32x3xf32, #tpu.memory_space<vmem>>) dst(%dma_wait3A_656 : memref<32x3xf32, #tpu.memory_space<hbm>>)
      tpu.yield
    }) : () -> ()
    %scan3A = arith.constant 9.000000e-02 : f32
    %scan3A_63 = arith.constant 3.000000e-01 : f32
    %scan3A_64 = arith.constant 0 : i32
    %scan3A_65 = arith.constant 0 : i32
    %scan3A_66 = arith.constant 32 : i32
    %scan3A_67 = arith.addi %scan3A_65, %scan3A_66 : i32
    %scan3A_68 = arith.constant 1 : i32
    %scan3A_69 = scf.for %scan3A_645 = %scan3A_65 to %scan3A_67 step %scan3A_68 iter_args(%scan3A_646 = %scan3A_64) -> (i32)  : i32 {
      %get3A_647 = arith.index_cast %scan3A_645 : i32 to index
      %get3A_648 = tpu.vector_load %arg14[%get3A_647] {strides = array<i32>} : memref<48xf32, #tpu.memory_space<vmem>>, vector<16xf32>,
      %slice3A = vector.extract_strided_slice %get3A_648 {offsets = [0], sizes = [1], strides = [1]} : vector<16xf32> to vector<1xf32>
      %squeeze3A = vector.extract %slice3A[0] : f32 from vector<1xf32>
      %broadcast_in_dim3A_649 = vector.broadcast %squeeze3A : f32 to vector<16xf32>
      %get3A_650 = arith.index_cast %scan3A_645 : i32 to index
      %get3A_651 = tpu.vector_load %arg15[%get3A_650] {strides = array<i32>} : memref<48xf32, #tpu.memory_space<vmem>>, vector<16xf32>,
      %slice3A_652 = vector.extract_strided_slice %get3A_651 {offsets = [0], sizes = [1], strides = [1]} : vector<16xf32> to vector<1xf32>
      %squeeze3A_653 = vector.extract %slice3A_652[0] : f32 from vector<1xf32>
      %broadcast_in_dim3A_654 = vector.broadcast %squeeze3A_653 : f32 to vector<16xf32>
      %get3A_655 = arith.index_cast %scan3A_645 : i32 to index
      %get3A_656 = tpu.vector_load %arg16[%get3A_655] {strides = array<i32>} : memref<48xf32, #tpu.memory_space<vmem>>, vector<16xf32>,
      %slice3A_657 = vector.extract_strided_slice %get3A_656 {offsets = [0], sizes = [1], strides = [1]} : vector<16xf32> to vector<1xf32>
      %squeeze3A_658 = vector.extract %slice3A_657[0] : f32 from vector<1xf32>
      %broadcast_in_dim3A_659 = vector.broadcast %squeeze3A_658 : f32 to vector<16xf32>
      %scan3A_660 = arith.constant 0 : i32
      %scan3A_661 = arith.constant 0 : i32
      %scan3A_662 = arith.constant 32 : i32
      %scan3A_663 = arith.addi %scan3A_661, %scan3A_662 : i32
      %scan3A_664 = arith.constant 1 : i32
      %scan3A_665 = scf.for %scan3A_698 = %scan3A_661 to %scan3A_663 step %scan3A_664 iter_args(%scan3A_699 = %scan3A_660) -> (i32)  : i32 {
        %mul3A_700 = arith.constant 64 : i32
        %mul3A_701 = arith.muli %scan3A_698, %mul3A_700 : i32
        %add3A_702 = arith.constant 0 : i32
        %add3A_703 = arith.addi %mul3A_701, %add3A_702 : i32
        %get3A_704 = arith.index_cast %add3A_703 : i32 to index
        %get3A_705 = tpu.vector_load %arg10[%get3A_704] {strides = array<i32>} : memref<2048xf32, #tpu.memory_space<vmem>>, vector<16xf32>,
        %get3A_706 = arith.index_cast %add3A_703 : i32 to index
        %get3A_707 = tpu.vector_load %arg11[%get3A_706] {strides = array<i32>} : memref<2048xf32, #tpu.memory_space<vmem>>, vector<16xf32>,
        %get3A_708 = arith.index_cast %add3A_703 : i32 to index
        %get3A_709 = tpu.vector_load %arg12[%get3A_708] {strides = array<i32>} : memref<2048xf32, #tpu.memory_space<vmem>>, vector<16xf32>,
        %sub3A_710 = arith.subf %get3A_705, %broadcast_in_dim3A_649 : vector<16xf32>
        %sub3A_711 = arith.subf %get3A_707, %broadcast_in_dim3A_654 : vector<16xf32>
        %sub3A_712 = arith.subf %get3A_709, %broadcast_in_dim3A_659 : vector<16xf32>
        %mul3A_713 = arith.mulf %sub3A_710, %sub3A_710 : vector<16xf32>
        %mul3A_714 = arith.mulf %sub3A_711, %sub3A_711 : vector<16xf32>
        %add3A_715 = arith.addf %mul3A_713, %mul3A_714 : vector<16xf32>
        %mul3A_716 = arith.mulf %sub3A_712, %sub3A_712 : vector<16xf32>
        %add3A_717 = arith.addf %add3A_715, %mul3A_716 : vector<16xf32>
        %lt3A_718 = vector.broadcast %scan3A : f32 to vector<16xf32>
        %lt3A_719 = arith.cmpf olt, %add3A_717, %lt3A_718 : vector<16xf32>
        %all_reduce_population_count3A = tpu.all_reduce %lt3A_719 {dim = 0 : i64, kind = #tpu.reduction_kind<sum>} : vector<16xi1> -> vector<16xi32>
        %slice3A_720 = vector.extract_strided_slice %all_reduce_population_count3A {offsets = [0], sizes = [1], strides = [1]} : vector<16xi32> to vector<1xi32>
        %squeeze3A_721 = vector.extract %slice3A_720[0] : i32 from vector<1xi32>
        %min3A_722 = arith.constant 16 : i32
        %min3A_723 = arith.minsi %scan3A_699, %min3A_722 : i32
        %add3A_724 = vector.broadcast %add3A_703 : i32 to vector<16xi32>
        %add3A_725 = arith.addi %iota3A, %add3A_724 : vector<16xi32>
        %swap3A_726 = arith.index_cast %min3A_723 : i32 to index
        %swap3A_727 = tpu.vector_load %arg18[%swap3A_726] masked %lt3A_719 {strides = array<i32>} : memref<32xi32, #tpu.memory_space<vmem>>, vector<16xi32>, vector<16xi1>
        tpu.vector_store %arg18[%swap3A_726], %add3A_725 masked %lt3A_719 {strides = array<i32>} : memref<32xi32, #tpu.memory_space<vmem>>, vector<16xi32>, vector<16xi1>
        %add3A_728 = arith.addi %scan3A_699, %squeeze3A_721 : i32
        %mul3A_729 = arith.constant 64 : i32
        %mul3A_730 = arith.muli %scan3A_698, %mul3A_729 : i32
        %add3A_731 = arith.constant 16 : i32
        %add3A_732 = arith.addi %mul3A_730, %add3A_731 : i32
        %get3A_733 = arith.index_cast %add3A_732 : i32 to index
        %get3A_734 = tpu.vector_load %arg10[%get3A_733] {strides = array<i32>} : memref<2048xf32, #tpu.memory_space<vmem>>, vector<16xf32>,
        %get3A_735 = arith.index_cast %add3A_732 : i32 to index
        %get3A_736 = tpu.vector_load %arg11[%get3A_735] {strides = array<i32>} : memref<2048xf32, #tpu.memory_space<vmem>>, vector<16xf32>,
        %get3A_737 = arith.index_cast %add3A_732 : i32 to index
        %get3A_738 = tpu.vector_load %arg12[%get3A_737] {strides = array<i32>} : memref<2048xf32, #tpu.memory_space<vmem>>, vector<16xf32>,
        %sub3A_739 = arith.subf %get3A_734, %broadcast_in_dim3A_649 : vector<16xf32>
        %sub3A_740 = arith.subf %get3A_736, %broadcast_in_dim3A_654 : vector<16xf32>
        %sub3A_741 = arith.subf %get3A_738, %broadcast_in_dim3A_659 : vector<16xf32>
        %mul3A_742 = arith.mulf %sub3A_739, %sub3A_739 : vector<16xf32>
        %mul3A_743 = arith.mulf %sub3A_740, %sub3A_740 : vector<16xf32>
        %add3A_744 = arith.addf %mul3A_742, %mul3A_743 : vector<16xf32>
        %mul3A_745 = arith.mulf %sub3A_741, %sub3A_741 : vector<16xf32>
        %add3A_746 = arith.addf %add3A_744, %mul3A_745 : vector<16xf32>
        %lt3A_747 = vector.broadcast %scan3A : f32 to vector<16xf32>
        %lt3A_748 = arith.cmpf olt, %add3A_746, %lt3A_747 : vector<16xf32>
        %all_reduce_population_count3A_749 = tpu.all_reduce %lt3A_748 {dim = 0 : i64, kind = #tpu.reduction_kind<sum>} : vector<16xi1> -> vector<16xi32>
        %slice3A_750 = vector.extract_strided_slice %all_reduce_population_count3A_749 {offsets = [0], sizes = [1], strides = [1]} : vector<16xi32> to vector<1xi32>
        %squeeze3A_751 = vector.extract %slice3A_750[0] : i32 from vector<1xi32>
        %min3A_752 = arith.constant 16 : i32
        %min3A_753 = arith.minsi %add3A_728, %min3A_752 : i32
        %add3A_754 = vector.broadcast %add3A_732 : i32 to vector<16xi32>
        %add3A_755 = arith.addi %iota3A, %add3A_754 : vector<16xi32>
        %swap3A_756 = arith.index_cast %min3A_753 : i32 to index
        %swap3A_757 = tpu.vector_load %arg18[%swap3A_756] masked %lt3A_748 {strides = array<i32>} : memref<32xi32, #tpu.memory_space<vmem>>, vector<16xi32>, vector<16xi1>
        tpu.vector_store %arg18[%swap3A_756], %add3A_755 masked %lt3A_748 {strides = array<i32>} : memref<32xi32, #tpu.memory_space<vmem>>, vector<16xi32>, vector<16xi1>
        %add3A_758 = arith.addi %add3A_728, %squeeze3A_751 : i32
        %mul3A_759 = arith.constant 64 : i32
        %mul3A_760 = arith.muli %scan3A_698, %mul3A_759 : i32
        %add3A_761 = arith.constant 32 : i32
        %add3A_762 = arith.addi %mul3A_760, %add3A_761 : i32
        %get3A_763 = arith.index_cast %add3A_762 : i32 to index
        %get3A_764 = tpu.vector_load %arg10[%get3A_763] {strides = array<i32>} : memref<2048xf32, #tpu.memory_space<vmem>>, vector<16xf32>,
        %get3A_765 = arith.index_cast %add3A_762 : i32 to index
        %get3A_766 = tpu.vector_load %arg11[%get3A_765] {strides = array<i32>} : memref<2048xf32, #tpu.memory_space<vmem>>, vector<16xf32>,
        %get3A_767 = arith.index_cast %add3A_762 : i32 to index
        %get3A_768 = tpu.vector_load %arg12[%get3A_767] {strides = array<i32>} : memref<2048xf32, #tpu.memory_space<vmem>>, vector<16xf32>,
        %sub3A_769 = arith.subf %get3A_764, %broadcast_in_dim3A_649 : vector<16xf32>
        %sub3A_770 = arith.subf %get3A_766, %broadcast_in_dim3A_654 : vector<16xf32>
        %sub3A_771 = arith.subf %get3A_768, %broadcast_in_dim3A_659 : vector<16xf32>
        %mul3A_772 = arith.mulf %sub3A_769, %sub3A_769 : vector<16xf32>
        %mul3A_773 = arith.mulf %sub3A_770, %sub3A_770 : vector<16xf32>
        %add3A_774 = arith.addf %mul3A_772, %mul3A_773 : vector<16xf32>
        %mul3A_775 = arith.mulf %sub3A_771, %sub3A_771 : vector<16xf32>
        %add3A_776 = arith.addf %add3A_774, %mul3A_775 : vector<16xf32>
        %lt3A_777 = vector.broadcast %scan3A : f32 to vector<16xf32>
        %lt3A_778 = arith.cmpf olt, %add3A_776, %lt3A_777 : vector<16xf32>
        %all_reduce_population_count3A_779 = tpu.all_reduce %lt3A_778 {dim = 0 : i64, kind = #tpu.reduction_kind<sum>} : vector<16xi1> -> vector<16xi32>
        %slice3A_780 = vector.extract_strided_slice %all_reduce_population_count3A_779 {offsets = [0], sizes = [1], strides = [1]} : vector<16xi32> to vector<1xi32>
        %squeeze3A_781 = vector.extract %slice3A_780[0] : i32 from vector<1xi32>
        %min3A_782 = arith.constant 16 : i32
        %min3A_783 = arith.minsi %add3A_758, %min3A_782 : i32
        %add3A_784 = vector.broadcast %add3A_762 : i32 to vector<16xi32>
        %add3A_785 = arith.addi %iota3A, %add3A_784 : vector<16xi32>
        %swap3A_786 = arith.index_cast %min3A_783 : i32 to index
        %swap3A_787 = tpu.vector_load %arg18[%swap3A_786] masked %lt3A_778 {strides = array<i32>} : memref<32xi32, #tpu.memory_space<vmem>>, vector<16xi32>, vector<16xi1>
        tpu.vector_store %arg18[%swap3A_786], %add3A_785 masked %lt3A_778 {strides = array<i32>} : memref<32xi32, #tpu.memory_space<vmem>>, vector<16xi32>, vector<16xi1>
        %add3A_788 = arith.addi %add3A_758, %squeeze3A_781 : i32
        %mul3A_789 = arith.constant 64 : i32
        %mul3A_790 = arith.muli %scan3A_698, %mul3A_789 : i32
        %add3A_791 = arith.constant 48 : i32
        %add3A_792 = arith.addi %mul3A_790, %add3A_791 : i32
        %get3A_793 = arith.index_cast %add3A_792 : i32 to index
        %get3A_794 = tpu.vector_load %arg10[%get3A_793] {strides = array<i32>} : memref<2048xf32, #tpu.memory_space<vmem>>, vector<16xf32>,
        %get3A_795 = arith.index_cast %add3A_792 : i32 to index
        %get3A_796 = tpu.vector_load %arg11[%get3A_795] {strides = array<i32>} : memref<2048xf32, #tpu.memory_space<vmem>>, vector<16xf32>,
        %get3A_797 = arith.index_cast %add3A_792 : i32 to index
        %get3A_798 = tpu.vector_load %arg12[%get3A_797] {strides = array<i32>} : memref<2048xf32, #tpu.memory_space<vmem>>, vector<16xf32>,
        %sub3A_799 = arith.subf %get3A_794, %broadcast_in_dim3A_649 : vector<16xf32>
        %sub3A_800 = arith.subf %get3A_796, %broadcast_in_dim3A_654 : vector<16xf32>
        %sub3A_801 = arith.subf %get3A_798, %broadcast_in_dim3A_659 : vector<16xf32>
        %mul3A_802 = arith.mulf %sub3A_799, %sub3A_799 : vector<16xf32>
        %mul3A_803 = arith.mulf %sub3A_800, %sub3A_800 : vector<16xf32>
        %add3A_804 = arith.addf %mul3A_802, %mul3A_803 : vector<16xf32>
        %mul3A_805 = arith.mulf %sub3A_801, %sub3A_801 : vector<16xf32>
        %add3A_806 = arith.addf %add3A_804, %mul3A_805 : vector<16xf32>
        %lt3A_807 = vector.broadcast %scan3A : f32 to vector<16xf32>
        %lt3A_808 = arith.cmpf olt, %add3A_806, %lt3A_807 : vector<16xf32>
        %all_reduce_population_count3A_809 = tpu.all_reduce %lt3A_808 {dim = 0 : i64, kind = #tpu.reduction_kind<sum>} : vector<16xi1> -> vector<16xi32>
        %slice3A_810 = vector.extract_strided_slice %all_reduce_population_count3A_809 {offsets = [0], sizes = [1], strides = [1]} : vector<16xi32> to vector<1xi32>
        %squeeze3A_811 = vector.extract %slice3A_810[0] : i32 from vector<1xi32>
        %min3A_812 = arith.constant 16 : i32
        %min3A_813 = arith.minsi %add3A_788, %min3A_812 : i32
        %add3A_814 = vector.broadcast %add3A_792 : i32 to vector<16xi32>
        %add3A_815 = arith.addi %iota3A, %add3A_814 : vector<16xi32>
        %swap3A_816 = arith.index_cast %min3A_813 : i32 to index
        %swap3A_817 = tpu.vector_load %arg18[%swap3A_816] masked %lt3A_808 {strides = array<i32>} : memref<32xi32, #tpu.memory_space<vmem>>, vector<16xi32>, vector<16xi1>
        tpu.vector_store %arg18[%swap3A_816], %add3A_815 masked %lt3A_808 {strides = array<i32>} : memref<32xi32, #tpu.memory_space<vmem>>, vector<16xi32>, vector<16xi1>
        %add3A_818 = arith.addi %add3A_788, %squeeze3A_811 : i32
        scf.yield %add3A_818 : i32
      }
      %scan3A_666 = arith.constant 32 : i32
      %min3A = arith.constant 16 : i32
      %min3A_667 = arith.minsi %scan3A_665, %min3A : i32
      %get3A_668 = arith.constant 0 : index
      %get3A_669 = tpu.vector_load %arg18[%get3A_668] {strides = array<i32>} : memref<32xi32, #tpu.memory_space<vmem>>, vector<16xi32>,
      %slice3A_670 = vector.extract_strided_slice %get3A_669 {offsets = [0], sizes = [1], strides = [1]} : vector<16xi32> to vector<1xi32>
      %squeeze3A_671 = vector.extract %slice3A_670[0] : i32 from vector<1xi32>
      %broadcast_in_dim3A_672 = vector.broadcast %squeeze3A_671 : i32 to vector<16xi32>
      %lt3A_673 = vector.broadcast %min3A_667 : i32 to vector<16xi32>
      %lt3A_674 = arith.cmpi slt, %iota3A, %lt3A_673 : vector<16xi32>
      %select_n3A_675 = arith.select %lt3A_674, %get3A_669, %broadcast_in_dim3A_672 : vector<16xi1>, vector<16xi32>
      %gather3A_676 = tpu.vector_load_idx %arg10[%select_n3A_675] : memref<2048xf32, #tpu.memory_space<vmem>>[vector<16xi32>], vector<16xf32>,
      %sub3A_677 = arith.subf %gather3A_676, %broadcast_in_dim3A_649 : vector<16xf32>
      %div3A_678 = vector.broadcast %scan3A_63 : f32 to vector<16xf32>
      %div3A_679 = arith.divf %sub3A_677, %div3A_678 : vector<16xf32>
      %gather3A_680 = tpu.vector_load_idx %arg11[%select_n3A_675] : memref<2048xf32, #tpu.memory_space<vmem>>[vector<16xi32>], vector<16xf32>,
      %sub3A_681 = arith.subf %gather3A_680, %broadcast_in_dim3A_654 : vector<16xf32>
      %div3A_682 = vector.broadcast %scan3A_63 : f32 to vector<16xf32>
      %div3A_683 = arith.divf %sub3A_681, %div3A_682 : vector<16xf32>
      %gather3A_684 = tpu.vector_load_idx %arg12[%select_n3A_675] : memref<2048xf32, #tpu.memory_space<vmem>>[vector<16xi32>], vector<16xf32>,
      %sub3A_685 = arith.subf %gather3A_684, %broadcast_in_dim3A_659 : vector<16xf32>
      %div3A_686 = vector.broadcast %scan3A_63 : f32 to vector<16xf32>
      %div3A_687 = arith.divf %sub3A_685, %div3A_686 : vector<16xf32>
      %broadcast_in_dim3A_688 = vector.broadcast %scan3A_645 : i32 to vector<16xi32>
      tpu.vector_store_idx %arg19[%iota3A, %broadcast_in_dim3A_688, %broadcast_in_dim3A_33], %div3A_679 : memref<16x32x3xf32, #tpu.memory_space<vmem>>[vector<16xi32>, vector<16xi32>, vector<16xi32>], vector<16xf32>,
      tpu.vector_store_idx %arg19[%iota3A, %broadcast_in_dim3A_688, %broadcast_in_dim3A_35], %div3A_683 : memref<16x32x3xf32, #tpu.memory_space<vmem>>[vector<16xi32>, vector<16xi32>, vector<16xi32>], vector<16xf32>,
      tpu.vector_store_idx %arg19[%iota3A, %broadcast_in_dim3A_688, %broadcast_in_dim3A_37], %div3A_687 : memref<16x32x3xf32, #tpu.memory_space<vmem>>[vector<16xi32>, vector<16xi32>, vector<16xi32>], vector<16xf32>,
      %mul3A_689 = arith.constant 32 : i32
      %mul3A_690 = vector.broadcast %mul3A_689 : i32 to vector<16xi32>
      %mul3A_691 = arith.muli %iota3A, %mul3A_690 : vector<16xi32>
      %add3A_692 = arith.addi %mul3A_691, %broadcast_in_dim3A_688 : vector<16xi32>
      %mul3A_693 = arith.constant 2048 : i32
      %mul3A_694 = arith.muli %select_n3A, %mul3A_693 : i32
      %add3A_695 = vector.broadcast %mul3A_694 : i32 to vector<16xi32>
      %add3A_696 = arith.addi %select_n3A_675, %add3A_695 : vector<16xi32>
      tpu.vector_store_idx %arg20[%add3A_692], %add3A_696 : memref<512xi32, #tpu.memory_space<vmem>>[vector<16xi32>], vector<16xi32>,
      %scan3A_697 = arith.constant 0 : i32
      scf.yield %scan3A_697 : i32
    }
    %scan3A_70 = arith.constant 32 : i32
    "tpu.region"() ({
      %run_scoped3A = tpu.sem_alloc : memref<!tpu.dma_semaphore, #tpu.memory_space<semaphore_mem>>
      %dma_start3A_645 = arith.constant 0 : i32
      %dma_start3A_646 = arith.constant 0 : i32
      %dma_start3A_647 = tpu.memref_slice %arg8[%select_n3A, %dma_start3A_645, %mul3A_32, %dma_start3A_646] : memref<4x16x256x3xf32, #tpu.memory_space<hbm>> -> memref<1x16x32x3xf32, #tpu.memory_space<hbm>>
      %dma_start3A_648 = tpu.memref_squeeze %dma_start3A_647 : memref<1x16x32x3xf32, #tpu.memory_space<hbm>> -> memref<16x32x3xf32, #tpu.memory_space<hbm>>
      %dma_start3A_649 = arith.constant 0 : i32
      %dma_start3A_650 = arith.constant 0 : i32
      %dma_start3A_651 = tpu.memref_slice %arg8[%select_n3A, %dma_start3A_649, %mul3A_32, %dma_start3A_650] : memref<4x16x256x3xf32, #tpu.memory_space<hbm>> -> memref<1x16x32x3xf32, #tpu.memory_space<hbm>>
      %dma_start3A_652 = tpu.memref_squeeze %dma_start3A_651 : memref<1x16x32x3xf32, #tpu.memory_space<hbm>> -> memref<16x32x3xf32, #tpu.memory_space<hbm>>
      tpu.enqueue_dma source(%arg19 : memref<16x32x3xf32, #tpu.memory_space<vmem>>) target(%dma_start3A_652 : memref<16x32x3xf32, #tpu.memory_space<hbm>>) target_semaphore(%run_scoped3A : memref<!tpu.dma_semaphore, #tpu.memory_space<semaphore_mem>>)
      %dma_wait3A_653 = arith.constant 0 : i32
      %dma_wait3A_654 = arith.constant 0 : i32
      %dma_wait3A_655 = tpu.memref_slice %arg8[%select_n3A, %dma_wait3A_653, %mul3A_32, %dma_wait3A_654] : memref<4x16x256x3xf32, #tpu.memory_space<hbm>> -> memref<1x16x32x3xf32, #tpu.memory_space<hbm>>
      %dma_wait3A_656 = tpu.memref_squeeze %dma_wait3A_655 : memref<1x16x32x3xf32, #tpu.memory_space<hbm>> -> memref<16x32x3xf32, #tpu.memory_space<hbm>>
      %dma_wait3A_657 = arith.constant 0 : i32
      %dma_wait3A_658 = arith.constant 0 : i32
      %dma_wait3A_659 = tpu.memref_slice %arg8[%select_n3A, %dma_wait3A_657, %mul3A_32, %dma_wait3A_658] : memref<4x16x256x3xf32, #tpu.memory_space<hbm>> -> memref<1x16x32x3xf32, #tpu.memory_space<hbm>>
      %dma_wait3A_660 = tpu.memref_squeeze %dma_wait3A_659 : memref<1x16x32x3xf32, #tpu.memory_space<hbm>> -> memref<16x32x3xf32, #tpu.memory_space<hbm>>
      tpu.wait_dma2 semaphore(%run_scoped3A : memref<!tpu.dma_semaphore, #tpu.memory_space<semaphore_mem>>) src(%arg19 : memref<16x32x3xf32, #tpu.memory_space<vmem>>) dst(%dma_wait3A_660 : memref<16x32x3xf32, #tpu.memory_space<hbm>>)
      tpu.yield
    }) : () -> ()
    %dma_start3A = arith.constant 0 : i32
    %dma_start3A_71 = arith.constant 0 : i32
    %dma_start3A_72 = tpu.memref_slice %arg20[%dma_start3A_71] : memref<512xi32, #tpu.memory_space<vmem>> -> memref<32xi32, #tpu.memory_space<vmem>>
    %dma_start3A_73 = arith.constant 0 : i32
    %dma_start3A_74 = arith.constant 0 : i32
    %dma_start3A_75 = tpu.memref_slice %arg6[%dma_start3A_73, %dma_start3A_74] : memref<8192x288xf32, #tpu.memory_space<hbm>> -> memref<8192x288xf32, #tpu.memory_space<hbm>>
    %dma_start3A_76 = tpu.memref_slice %arg25[%dma_start3A] : memref<4x!tpu.dma_semaphore, #tpu.memory_space<semaphore_mem>> -> memref<1x!tpu.dma_semaphore, #tpu.memory_space<semaphore_mem>>
    %dma_start3A_77 = tpu.memref_squeeze %dma_start3A_76 : memref<1x!tpu.dma_semaphore, #tpu.memory_space<semaphore_mem>> -> memref<!tpu.dma_semaphore, #tpu.memory_space<semaphore_mem>>
    tpu.enqueue_indirect_dma source(%dma_start3A_75 : memref<8192x288xf32, #tpu.memory_space<hbm>>) target(%arg21 : memref<32x288xf32, #tpu.memory_space<vmem>>) offsets(%dma_start3A_72 : memref<32xi32, #tpu.memory_space<vmem>>) semaphore(%dma_start3A_77 : memref<!tpu.dma_semaphore, #tpu.memory_space<semaphore_mem>>)
    %dma_start3A_78 = arith.constant 1 : i32
    %dma_start3A_79 = arith.constant 32 : i32
    %dma_start3A_80 = tpu.memref_slice %arg20[%dma_start3A_79] : memref<512xi32, #tpu.memory_space<vmem>> -> memref<32xi32, #tpu.memory_space<vmem>>
    %dma_start3A_81 = arith.constant 0 : i32
    %dma_start3A_82 = arith.constant 0 : i32
    %dma_start3A_83 = tpu.memref_slice %arg6[%dma_start3A_81, %dma_start3A_82] : memref<8192x288xf32, #tpu.memory_space<hbm>> -> memref<8192x288xf32, #tpu.memory_space<hbm>>
    %dma_start3A_84 = tpu.memref_slice %arg25[%dma_start3A_78] : memref<4x!tpu.dma_semaphore, #tpu.memory_space<semaphore_mem>> -> memref<1x!tpu.dma_semaphore, #tpu.memory_space<semaphore_mem>>
    %dma_start3A_85 = tpu.memref_squeeze %dma_start3A_84 : memref<1x!tpu.dma_semaphore, #tpu.memory_space<semaphore_mem>> -> memref<!tpu.dma_semaphore, #tpu.memory_space<semaphore_mem>>
    tpu.enqueue_indirect_dma source(%dma_start3A_83 : memref<8192x288xf32, #tpu.memory_space<hbm>>) target(%arg22 : memref<32x288xf32, #tpu.memory_space<vmem>>) offsets(%dma_start3A_80 : memref<32xi32, #tpu.memory_space<vmem>>) semaphore(%dma_start3A_85 : memref<!tpu.dma_semaphore, #tpu.memory_space<semaphore_mem>>)
    %dma_start3A_86 = arith.constant 2 : i32
    %dma_start3A_87 = arith.constant 64 : i32
    %dma_start3A_88 = tpu.memref_slice %arg20[%dma_start3A_87] : memref<512xi32, #tpu.memory_space<vmem>> -> memref<32xi32, #tpu.memory_space<vmem>>
    %dma_start3A_89 = arith.constant 0 : i32
    %dma_start3A_90 = arith.constant 0 : i32
    %dma_start3A_91 = tpu.memref_slice %arg6[%dma_start3A_89, %dma_start3A_90] : memref<8192x288xf32, #tpu.memory_space<hbm>> -> memref<8192x288xf32, #tpu.memory_space<hbm>>
    %dma_start3A_92 = tpu.memref_slice %arg25[%dma_start3A_86] : memref<4x!tpu.dma_semaphore, #tpu.memory_space<semaphore_mem>> -> memref<1x!tpu.dma_semaphore, #tpu.memory_space<semaphore_mem>>
    %dma_start3A_93 = tpu.memref_squeeze %dma_start3A_92 : memref<1x!tpu.dma_semaphore, #tpu.memory_space<semaphore_mem>> -> memref<!tpu.dma_semaphore, #tpu.memory_space<semaphore_mem>>
    tpu.enqueue_indirect_dma source(%dma_start3A_91 : memref<8192x288xf32, #tpu.memory_space<hbm>>) target(%arg23 : memref<32x288xf32, #tpu.memory_space<vmem>>) offsets(%dma_start3A_88 : memref<32xi32, #tpu.memory_space<vmem>>) semaphore(%dma_start3A_93 : memref<!tpu.dma_semaphore, #tpu.memory_space<semaphore_mem>>)
    %dma_start3A_94 = arith.constant 3 : i32
    %dma_start3A_95 = arith.constant 96 : i32
    %dma_start3A_96 = tpu.memref_slice %arg20[%dma_start3A_95] : memref<512xi32, #tpu.memory_space<vmem>> -> memref<32xi32, #tpu.memory_space<vmem>>
    %dma_start3A_97 = arith.constant 0 : i32
    %dma_start3A_98 = arith.constant 0 : i32
    %dma_start3A_99 = tpu.memref_slice %arg6[%dma_start3A_97, %dma_start3A_98] : memref<8192x288xf32, #tpu.memory_space<hbm>> -> memref<8192x288xf32, #tpu.memory_space<hbm>>
    %dma_start3A_100 = tpu.memref_slice %arg25[%dma_start3A_94] : memref<4x!tpu.dma_semaphore, #tpu.memory_space<semaphore_mem>> -> memref<1x!tpu.dma_semaphore, #tpu.memory_space<semaphore_mem>>
    %dma_start3A_101 = tpu.memref_squeeze %dma_start3A_100 : memref<1x!tpu.dma_semaphore, #tpu.memory_space<semaphore_mem>> -> memref<!tpu.dma_semaphore, #tpu.memory_space<semaphore_mem>>
    tpu.enqueue_indirect_dma source(%dma_start3A_99 : memref<8192x288xf32, #tpu.memory_space<hbm>>) target(%arg24 : memref<32x288xf32, #tpu.memory_space<vmem>>) offsets(%dma_start3A_96 : memref<32xi32, #tpu.memory_space<vmem>>) semaphore(%dma_start3A_101 : memref<!tpu.dma_semaphore, #tpu.memory_space<semaphore_mem>>)
    %dma_wait3A = arith.constant 0 : i32
    %dma_wait3A_102 = arith.constant 0 : i32
    %dma_wait3A_103 = tpu.memref_slice %arg20[%dma_wait3A_102] : memref<512xi32, #tpu.memory_space<vmem>> -> memref<32xi32, #tpu.memory_space<vmem>>
    %dma_wait3A_104 = arith.constant 0 : i32
    %dma_wait3A_105 = arith.constant 0 : i32
    %dma_wait3A_106 = tpu.memref_slice %arg6[%dma_wait3A_104, %dma_wait3A_105] : memref<8192x288xf32, #tpu.memory_space<hbm>> -> memref<8192x288xf32, #tpu.memory_space<hbm>>
    %dma_wait3A_107 = tpu.memref_slice %arg25[%dma_wait3A] : memref<4x!tpu.dma_semaphore, #tpu.memory_space<semaphore_mem>> -> memref<1x!tpu.dma_semaphore, #tpu.memory_space<semaphore_mem>>
    %dma_wait3A_108 = tpu.memref_squeeze %dma_wait3A_107 : memref<1x!tpu.dma_semaphore, #tpu.memory_space<semaphore_mem>> -> memref<!tpu.dma_semaphore, #tpu.memory_space<semaphore_mem>>
    tpu.wait_indirect_dma semaphore(%dma_wait3A_108 : memref<!tpu.dma_semaphore, #tpu.memory_space<semaphore_mem>>) src(%dma_wait3A_106 : memref<8192x288xf32, #tpu.memory_space<hbm>>) dst(%arg21 : memref<32x288xf32, #tpu.memory_space<vmem>>)
    %dma_start3A_109 = arith.constant 0 : i32
    %dma_start3A_110 = arith.constant 0 : i32
    %dma_start3A_111 = arith.constant 0 : i32
    %dma_start3A_112 = tpu.memref_slice %arg9[%select_n3A, %dma_start3A_109, %mul3A_32, %dma_start3A_111] : memref<4x16x256x288xf32, #tpu.memory_space<hbm>> -> memref<1x1x32x288xf32, #tpu.memory_space<hbm>>
    %dma_start3A_113 = tpu.memref_squeeze %dma_start3A_112 : memref<1x1x32x288xf32, #tpu.memory_space<hbm>> -> memref<32x288xf32, #tpu.memory_space<hbm>>
    %dma_start3A_114 = tpu.memref_slice %arg26[%dma_start3A_110] : memref<4x!tpu.dma_semaphore, #tpu.memory_space<semaphore_mem>> -> memref<1x!tpu.dma_semaphore, #tpu.memory_space<semaphore_mem>>
    %dma_start3A_115 = tpu.memref_squeeze %dma_start3A_114 : memref<1x!tpu.dma_semaphore, #tpu.memory_space<semaphore_mem>> -> memref<!tpu.dma_semaphore, #tpu.memory_space<semaphore_mem>>
    %dma_start3A_116 = arith.constant 0 : i32
    %dma_start3A_117 = tpu.memref_slice %arg9[%select_n3A, %dma_start3A_109, %mul3A_32, %dma_start3A_116] : memref<4x16x256x288xf32, #tpu.memory_space<hbm>> -> memref<1x1x32x288xf32, #tpu.memory_space<hbm>>
    %dma_start3A_118 = tpu.memref_squeeze %dma_start3A_117 : memref<1x1x32x288xf32, #tpu.memory_space<hbm>> -> memref<32x288xf32, #tpu.memory_space<hbm>>
    tpu.enqueue_dma source(%arg21 : memref<32x288xf32, #tpu.memory_space<vmem>>) target(%dma_start3A_118 : memref<32x288xf32, #tpu.memory_space<hbm>>) target_semaphore(%dma_start3A_115 : memref<!tpu.dma_semaphore, #tpu.memory_space<semaphore_mem>>)
    %dma_wait3A_119 = arith.constant 1 : i32
    %dma_wait3A_120 = arith.constant 32 : i32
    %dma_wait3A_121 = tpu.memref_slice %arg20[%dma_wait3A_120] : memref<512xi32, #tpu.memory_space<vmem>> -> memref<32xi32, #tpu.memory_space<vmem>>
    %dma_wait3A_122 = arith.constant 0 : i32
    %dma_wait3A_123 = arith.constant 0 : i32
    %dma_wait3A_124 = tpu.memref_slice %arg6[%dma_wait3A_122, %dma_wait3A_123] : memref<8192x288xf32, #tpu.memory_space<hbm>> -> memref<8192x288xf32, #tpu.memory_space<hbm>>
    %dma_wait3A_125 = tpu.memref_slice %arg25[%dma_wait3A_119] : memref<4x!tpu.dma_semaphore, #tpu.memory_space<semaphore_mem>> -> memref<1x!tpu.dma_semaphore, #tpu.memory_space<semaphore_mem>>
    %dma_wait3A_126 = tpu.memref_squeeze %dma_wait3A_125 : memref<1x!tpu.dma_semaphore, #tpu.memory_space<semaphore_mem>> -> memref<!tpu.dma_semaphore, #tpu.memory_space<semaphore_mem>>
    tpu.wait_indirect_dma semaphore(%dma_wait3A_126 : memref<!tpu.dma_semaphore, #tpu.memory_space<semaphore_mem>>) src(%dma_wait3A_124 : memref<8192x288xf32, #tpu.memory_space<hbm>>) dst(%arg22 : memref<32x288xf32, #tpu.memory_space<vmem>>)
    %dma_start3A_127 = arith.constant 1 : i32
    %dma_start3A_128 = arith.constant 1 : i32
    %dma_start3A_129 = arith.constant 0 : i32
    %dma_start3A_130 = tpu.memref_slice %arg9[%select_n3A, %dma_start3A_127, %mul3A_32, %dma_start3A_129] : memref<4x16x256x288xf32, #tpu.memory_space<hbm>> -> memref<1x1x32x288xf32, #tpu.memory_space<hbm>>
    %dma_start3A_131 = tpu.memref_squeeze %dma_start3A_130 : memref<1x1x32x288xf32, #tpu.memory_space<hbm>> -> memref<32x288xf32, #tpu.memory_space<hbm>>
    %dma_start3A_132 = tpu.memref_slice %arg26[%dma_start3A_128] : memref<4x!tpu.dma_semaphore, #tpu.memory_space<semaphore_mem>> -> memref<1x!tpu.dma_semaphore, #tpu.memory_space<semaphore_mem>>
    %dma_start3A_133 = tpu.memref_squeeze %dma_start3A_132 : memref<1x!tpu.dma_semaphore, #tpu.memory_space<semaphore_mem>> -> memref<!tpu.dma_semaphore, #tpu.memory_space<semaphore_mem>>
    %dma_start3A_134 = arith.constant 0 : i32
    %dma_start3A_135 = tpu.memref_slice %arg9[%select_n3A, %dma_start3A_127, %mul3A_32, %dma_start3A_134] : memref<4x16x256x288xf32, #tpu.memory_space<hbm>> -> memref<1x1x32x288xf32, #tpu.memory_space<hbm>>
    %dma_start3A_136 = tpu.memref_squeeze %dma_start3A_135 : memref<1x1x32x288xf32, #tpu.memory_space<hbm>> -> memref<32x288xf32, #tpu.memory_space<hbm>>
    tpu.enqueue_dma source(%arg22 : memref<32x288xf32, #tpu.memory_space<vmem>>) target(%dma_start3A_136 : memref<32x288xf32, #tpu.memory_space<hbm>>) target_semaphore(%dma_start3A_133 : memref<!tpu.dma_semaphore, #tpu.memory_space<semaphore_mem>>)
    %dma_wait3A_137 = arith.constant 2 : i32
    %dma_wait3A_138 = arith.constant 64 : i32
    %dma_wait3A_139 = tpu.memref_slice %arg20[%dma_wait3A_138] : memref<512xi32, #tpu.memory_space<vmem>> -> memref<32xi32, #tpu.memory_space<vmem>>
    %dma_wait3A_140 = arith.constant 0 : i32
    %dma_wait3A_141 = arith.constant 0 : i32
    %dma_wait3A_142 = tpu.memref_slice %arg6[%dma_wait3A_140, %dma_wait3A_141] : memref<8192x288xf32, #tpu.memory_space<hbm>> -> memref<8192x288xf32, #tpu.memory_space<hbm>>
    %dma_wait3A_143 = tpu.memref_slice %arg25[%dma_wait3A_137] : memref<4x!tpu.dma_semaphore, #tpu.memory_space<semaphore_mem>> -> memref<1x!tpu.dma_semaphore, #tpu.memory_space<semaphore_mem>>
    %dma_wait3A_144 = tpu.memref_squeeze %dma_wait3A_143 : memref<1x!tpu.dma_semaphore, #tpu.memory_space<semaphore_mem>> -> memref<!tpu.dma_semaphore, #tpu.memory_space<semaphore_mem>>
    tpu.wait_indirect_dma semaphore(%dma_wait3A_144 : memref<!tpu.dma_semaphore, #tpu.memory_space<semaphore_mem>>) src(%dma_wait3A_142 : memref<8192x288xf32, #tpu.memory_space<hbm>>) dst(%arg23 : memref<32x288xf32, #tpu.memory_space<vmem>>)
    %dma_start3A_145 = arith.constant 2 : i32
    %dma_start3A_146 = arith.constant 2 : i32
    %dma_start3A_147 = arith.constant 0 : i32
    %dma_start3A_148 = tpu.memref_slice %arg9[%select_n3A, %dma_start3A_145, %mul3A_32, %dma_start3A_147] : memref<4x16x256x288xf32, #tpu.memory_space<hbm>> -> memref<1x1x32x288xf32, #tpu.memory_space<hbm>>
    %dma_start3A_149 = tpu.memref_squeeze %dma_start3A_148 : memref<1x1x32x288xf32, #tpu.memory_space<hbm>> -> memref<32x288xf32, #tpu.memory_space<hbm>>
    %dma_start3A_150 = tpu.memref_slice %arg26[%dma_start3A_146] : memref<4x!tpu.dma_semaphore, #tpu.memory_space<semaphore_mem>> -> memref<1x!tpu.dma_semaphore, #tpu.memory_space<semaphore_mem>>
    %dma_start3A_151 = tpu.memref_squeeze %dma_start3A_150 : memref<1x!tpu.dma_semaphore, #tpu.memory_space<semaphore_mem>> -> memref<!tpu.dma_semaphore, #tpu.memory_space<semaphore_mem>>
    %dma_start3A_152 = arith.constant 0 : i32
    %dma_start3A_153 = tpu.memref_slice %arg9[%select_n3A, %dma_start3A_145, %mul3A_32, %dma_start3A_152] : memref<4x16x256x288xf32, #tpu.memory_space<hbm>> -> memref<1x1x32x288xf32, #tpu.memory_space<hbm>>
    %dma_start3A_154 = tpu.memref_squeeze %dma_start3A_153 : memref<1x1x32x288xf32, #tpu.memory_space<hbm>> -> memref<32x288xf32, #tpu.memory_space<hbm>>
    tpu.enqueue_dma source(%arg23 : memref<32x288xf32, #tpu.memory_space<vmem>>) target(%dma_start3A_154 : memref<32x288xf32, #tpu.memory_space<hbm>>) target_semaphore(%dma_start3A_151 : memref<!tpu.dma_semaphore, #tpu.memory_space<semaphore_mem>>)
    %dma_wait3A_155 = arith.constant 0 : i32
    %dma_wait3A_156 = arith.constant 0 : i32
    %dma_wait3A_157 = arith.constant 0 : i32
    %dma_wait3A_158 = tpu.memref_slice %arg9[%select_n3A, %dma_wait3A_155, %mul3A_32, %dma_wait3A_157] : memref<4x16x256x288xf32, #tpu.memory_space<hbm>> -> memref<1x1x32x288xf32, #tpu.memory_space<hbm>>
    %dma_wait3A_159 = tpu.memref_squeeze %dma_wait3A_158 : memref<1x1x32x288xf32, #tpu.memory_space<hbm>> -> memref<32x288xf32, #tpu.memory_space<hbm>>
    %dma_wait3A_160 = tpu.memref_slice %arg26[%dma_wait3A_156] : memref<4x!tpu.dma_semaphore, #tpu.memory_space<semaphore_mem>> -> memref<1x!tpu.dma_semaphore, #tpu.memory_space<semaphore_mem>>
    %dma_wait3A_161 = tpu.memref_squeeze %dma_wait3A_160 : memref<1x!tpu.dma_semaphore, #tpu.memory_space<semaphore_mem>> -> memref<!tpu.dma_semaphore, #tpu.memory_space<semaphore_mem>>
    %dma_wait3A_162 = arith.constant 0 : i32
    %dma_wait3A_163 = tpu.memref_slice %arg9[%select_n3A, %dma_wait3A_155, %mul3A_32, %dma_wait3A_162] : memref<4x16x256x288xf32, #tpu.memory_space<hbm>> -> memref<1x1x32x288xf32, #tpu.memory_space<hbm>>
    %dma_wait3A_164 = tpu.memref_squeeze %dma_wait3A_163 : memref<1x1x32x288xf32, #tpu.memory_space<hbm>> -> memref<32x288xf32, #tpu.memory_space<hbm>>
    tpu.wait_dma2 semaphore(%dma_wait3A_161 : memref<!tpu.dma_semaphore, #tpu.memory_space<semaphore_mem>>) src(%arg21 : memref<32x288xf32, #tpu.memory_space<vmem>>) dst(%dma_wait3A_164 : memref<32x288xf32, #tpu.memory_space<hbm>>)
    %dma_start3A_165 = arith.constant 0 : i32
    %dma_start3A_166 = arith.constant 128 : i32
    %dma_start3A_167 = tpu.memref_slice %arg20[%dma_start3A_166] : memref<512xi32, #tpu.memory_space<vmem>> -> memref<32xi32, #tpu.memory_space<vmem>>
    %dma_start3A_168 = arith.constant 0 : i32
    %dma_start3A_169 = arith.constant 0 : i32
    %dma_start3A_170 = tpu.memref_slice %arg6[%dma_start3A_168, %dma_start3A_169] : memref<8192x288xf32, #tpu.memory_space<hbm>> -> memref<8192x288xf32, #tpu.memory_space<hbm>>
    %dma_start3A_171 = tpu.memref_slice %arg25[%dma_start3A_165] : memref<4x!tpu.dma_semaphore, #tpu.memory_space<semaphore_mem>> -> memref<1x!tpu.dma_semaphore, #tpu.memory_space<semaphore_mem>>
    %dma_start3A_172 = tpu.memref_squeeze %dma_start3A_171 : memref<1x!tpu.dma_semaphore, #tpu.memory_space<semaphore_mem>> -> memref<!tpu.dma_semaphore, #tpu.memory_space<semaphore_mem>>
    tpu.enqueue_indirect_dma source(%dma_start3A_170 : memref<8192x288xf32, #tpu.memory_space<hbm>>) target(%arg21 : memref<32x288xf32, #tpu.memory_space<vmem>>) offsets(%dma_start3A_167 : memref<32xi32, #tpu.memory_space<vmem>>) semaphore(%dma_start3A_172 : memref<!tpu.dma_semaphore, #tpu.memory_space<semaphore_mem>>)
    %dma_wait3A_173 = arith.constant 3 : i32
    %dma_wait3A_174 = arith.constant 96 : i32
    %dma_wait3A_175 = tpu.memref_slice %arg20[%dma_wait3A_174] : memref<512xi32, #tpu.memory_space<vmem>> -> memref<32xi32, #tpu.memory_space<vmem>>
    %dma_wait3A_176 = arith.constant 0 : i32
    %dma_wait3A_177 = arith.constant 0 : i32
    %dma_wait3A_178 = tpu.memref_slice %arg6[%dma_wait3A_176, %dma_wait3A_177] : memref<8192x288xf32, #tpu.memory_space<hbm>> -> memref<8192x288xf32, #tpu.memory_space<hbm>>
    %dma_wait3A_179 = tpu.memref_slice %arg25[%dma_wait3A_173] : memref<4x!tpu.dma_semaphore, #tpu.memory_space<semaphore_mem>> -> memref<1x!tpu.dma_semaphore, #tpu.memory_space<semaphore_mem>>
    %dma_wait3A_180 = tpu.memref_squeeze %dma_wait3A_179 : memref<1x!tpu.dma_semaphore, #tpu.memory_space<semaphore_mem>> -> memref<!tpu.dma_semaphore, #tpu.memory_space<semaphore_mem>>
    tpu.wait_indirect_dma semaphore(%dma_wait3A_180 : memref<!tpu.dma_semaphore, #tpu.memory_space<semaphore_mem>>) src(%dma_wait3A_178 : memref<8192x288xf32, #tpu.memory_space<hbm>>) dst(%arg24 : memref<32x288xf32, #tpu.memory_space<vmem>>)
    %dma_start3A_181 = arith.constant 3 : i32
    %dma_start3A_182 = arith.constant 3 : i32
    %dma_start3A_183 = arith.constant 0 : i32
    %dma_start3A_184 = tpu.memref_slice %arg9[%select_n3A, %dma_start3A_181, %mul3A_32, %dma_start3A_183] : memref<4x16x256x288xf32, #tpu.memory_space<hbm>> -> memref<1x1x32x288xf32, #tpu.memory_space<hbm>>
    %dma_start3A_185 = tpu.memref_squeeze %dma_start3A_184 : memref<1x1x32x288xf32, #tpu.memory_space<hbm>> -> memref<32x288xf32, #tpu.memory_space<hbm>>
    %dma_start3A_186 = tpu.memref_slice %arg26[%dma_start3A_182] : memref<4x!tpu.dma_semaphore, #tpu.memory_space<semaphore_mem>> -> memref<1x!tpu.dma_semaphore, #tpu.memory_space<semaphore_mem>>
    %dma_start3A_187 = tpu.memref_squeeze %dma_start3A_186 : memref<1x!tpu.dma_semaphore, #tpu.memory_space<semaphore_mem>> -> memref<!tpu.dma_semaphore, #tpu.memory_space<semaphore_mem>>
    %dma_start3A_188 = arith.constant 0 : i32
    %dma_start3A_189 = tpu.memref_slice %arg9[%select_n3A, %dma_start3A_181, %mul3A_32, %dma_start3A_188] : memref<4x16x256x288xf32, #tpu.memory_space<hbm>> -> memref<1x1x32x288xf32, #tpu.memory_space<hbm>>
    %dma_start3A_190 = tpu.memref_squeeze %dma_start3A_189 : memref<1x1x32x288xf32, #tpu.memory_space<hbm>> -> memref<32x288xf32, #tpu.memory_space<hbm>>
    tpu.enqueue_dma source(%arg24 : memref<32x288xf32, #tpu.memory_space<vmem>>) target(%dma_start3A_190 : memref<32x288xf32, #tpu.memory_space<hbm>>) target_semaphore(%dma_start3A_187 : memref<!tpu.dma_semaphore, #tpu.memory_space<semaphore_mem>>)
    %dma_wait3A_191 = arith.constant 1 : i32
    %dma_wait3A_192 = arith.constant 1 : i32
    %dma_wait3A_193 = arith.constant 0 : i32
    %dma_wait3A_194 = tpu.memref_slice %arg9[%select_n3A, %dma_wait3A_191, %mul3A_32, %dma_wait3A_193] : memref<4x16x256x288xf32, #tpu.memory_space<hbm>> -> memref<1x1x32x288xf32, #tpu.memory_space<hbm>>
    %dma_wait3A_195 = tpu.memref_squeeze %dma_wait3A_194 : memref<1x1x32x288xf32, #tpu.memory_space<hbm>> -> memref<32x288xf32, #tpu.memory_space<hbm>>
    %dma_wait3A_196 = tpu.memref_slice %arg26[%dma_wait3A_192] : memref<4x!tpu.dma_semaphore, #tpu.memory_space<semaphore_mem>> -> memref<1x!tpu.dma_semaphore, #tpu.memory_space<semaphore_mem>>
    %dma_wait3A_197 = tpu.memref_squeeze %dma_wait3A_196 : memref<1x!tpu.dma_semaphore, #tpu.memory_space<semaphore_mem>> -> memref<!tpu.dma_semaphore, #tpu.memory_space<semaphore_mem>>
    %dma_wait3A_198 = arith.constant 0 : i32
    %dma_wait3A_199 = tpu.memref_slice %arg9[%select_n3A, %dma_wait3A_191, %mul3A_32, %dma_wait3A_198] : memref<4x16x256x288xf32, #tpu.memory_space<hbm>> -> memref<1x1x32x288xf32, #tpu.memory_space<hbm>>
    %dma_wait3A_200 = tpu.memref_squeeze %dma_wait3A_199 : memref<1x1x32x288xf32, #tpu.memory_space<hbm>> -> memref<32x288xf32, #tpu.memory_space<hbm>>
    tpu.wait_dma2 semaphore(%dma_wait3A_197 : memref<!tpu.dma_semaphore, #tpu.memory_space<semaphore_mem>>) src(%arg22 : memref<32x288xf32, #tpu.memory_space<vmem>>) dst(%dma_wait3A_200 : memref<32x288xf32, #tpu.memory_space<hbm>>)
    %dma_start3A_201 = arith.constant 1 : i32
    %dma_start3A_202 = arith.constant 160 : i32
    %dma_start3A_203 = tpu.memref_slice %arg20[%dma_start3A_202] : memref<512xi32, #tpu.memory_space<vmem>> -> memref<32xi32, #tpu.memory_space<vmem>>
    %dma_start3A_204 = arith.constant 0 : i32
    %dma_start3A_205 = arith.constant 0 : i32
    %dma_start3A_206 = tpu.memref_slice %arg6[%dma_start3A_204, %dma_start3A_205] : memref<8192x288xf32, #tpu.memory_space<hbm>> -> memref<8192x288xf32, #tpu.memory_space<hbm>>
    %dma_start3A_207 = tpu.memref_slice %arg25[%dma_start3A_201] : memref<4x!tpu.dma_semaphore, #tpu.memory_space<semaphore_mem>> -> memref<1x!tpu.dma_semaphore, #tpu.memory_space<semaphore_mem>>
    %dma_start3A_208 = tpu.memref_squeeze %dma_start3A_207 : memref<1x!tpu.dma_semaphore, #tpu.memory_space<semaphore_mem>> -> memref<!tpu.dma_semaphore, #tpu.memory_space<semaphore_mem>>
    tpu.enqueue_indirect_dma source(%dma_start3A_206 : memref<8192x288xf32, #tpu.memory_space<hbm>>) target(%arg22 : memref<32x288xf32, #tpu.memory_space<vmem>>) offsets(%dma_start3A_203 : memref<32xi32, #tpu.memory_space<vmem>>) semaphore(%dma_start3A_208 : memref<!tpu.dma_semaphore, #tpu.memory_space<semaphore_mem>>)
    %dma_wait3A_209 = arith.constant 0 : i32
    %dma_wait3A_210 = arith.constant 128 : i32
    %dma_wait3A_211 = tpu.memref_slice %arg20[%dma_wait3A_210] : memref<512xi32, #tpu.memory_space<vmem>> -> memref<32xi32, #tpu.memory_space<vmem>>
    %dma_wait3A_212 = arith.constant 0 : i32
    %dma_wait3A_213 = arith.constant 0 : i32
    %dma_wait3A_214 = tpu.memref_slice %arg6[%dma_wait3A_212, %dma_wait3A_213] : memref<8192x288xf32, #tpu.memory_space<hbm>> -> memref<8192x288xf32, #tpu.memory_space<hbm>>
    %dma_wait3A_215 = tpu.memref_slice %arg25[%dma_wait3A_209] : memref<4x!tpu.dma_semaphore, #tpu.memory_space<semaphore_mem>> -> memref<1x!tpu.dma_semaphore, #tpu.memory_space<semaphore_mem>>
    %dma_wait3A_216 = tpu.memref_squeeze %dma_wait3A_215 : memref<1x!tpu.dma_semaphore, #tpu.memory_space<semaphore_mem>> -> memref<!tpu.dma_semaphore, #tpu.memory_space<semaphore_mem>>
    tpu.wait_indirect_dma semaphore(%dma_wait3A_216 : memref<!tpu.dma_semaphore, #tpu.memory_space<semaphore_mem>>) src(%dma_wait3A_214 : memref<8192x288xf32, #tpu.memory_space<hbm>>) dst(%arg21 : memref<32x288xf32, #tpu.memory_space<vmem>>)
    %dma_start3A_217 = arith.constant 4 : i32
    %dma_start3A_218 = arith.constant 0 : i32
    %dma_start3A_219 = arith.constant 0 : i32
    %dma_start3A_220 = tpu.memref_slice %arg9[%select_n3A, %dma_start3A_217, %mul3A_32, %dma_start3A_219] : memref<4x16x256x288xf32, #tpu.memory_space<hbm>> -> memref<1x1x32x288xf32, #tpu.memory_space<hbm>>
    %dma_start3A_221 = tpu.memref_squeeze %dma_start3A_220 : memref<1x1x32x288xf32, #tpu.memory_space<hbm>> -> memref<32x288xf32, #tpu.memory_space<hbm>>
    %dma_start3A_222 = tpu.memref_slice %arg26[%dma_start3A_218] : memref<4x!tpu.dma_semaphore, #tpu.memory_space<semaphore_mem>> -> memref<1x!tpu.dma_semaphore, #tpu.memory_space<semaphore_mem>>
    %dma_start3A_223 = tpu.memref_squeeze %dma_start3A_222 : memref<1x!tpu.dma_semaphore, #tpu.memory_space<semaphore_mem>> -> memref<!tpu.dma_semaphore, #tpu.memory_space<semaphore_mem>>
    %dma_start3A_224 = arith.constant 0 : i32
    %dma_start3A_225 = tpu.memref_slice %arg9[%select_n3A, %dma_start3A_217, %mul3A_32, %dma_start3A_224] : memref<4x16x256x288xf32, #tpu.memory_space<hbm>> -> memref<1x1x32x288xf32, #tpu.memory_space<hbm>>
    %dma_start3A_226 = tpu.memref_squeeze %dma_start3A_225 : memref<1x1x32x288xf32, #tpu.memory_space<hbm>> -> memref<32x288xf32, #tpu.memory_space<hbm>>
    tpu.enqueue_dma source(%arg21 : memref<32x288xf32, #tpu.memory_space<vmem>>) target(%dma_start3A_226 : memref<32x288xf32, #tpu.memory_space<hbm>>) target_semaphore(%dma_start3A_223 : memref<!tpu.dma_semaphore, #tpu.memory_space<semaphore_mem>>)
    %dma_wait3A_227 = arith.constant 2 : i32
    %dma_wait3A_228 = arith.constant 2 : i32
    %dma_wait3A_229 = arith.constant 0 : i32
    %dma_wait3A_230 = tpu.memref_slice %arg9[%select_n3A, %dma_wait3A_227, %mul3A_32, %dma_wait3A_229] : memref<4x16x256x288xf32, #tpu.memory_space<hbm>> -> memref<1x1x32x288xf32, #tpu.memory_space<hbm>>
    %dma_wait3A_231 = tpu.memref_squeeze %dma_wait3A_230 : memref<1x1x32x288xf32, #tpu.memory_space<hbm>> -> memref<32x288xf32, #tpu.memory_space<hbm>>
    %dma_wait3A_232 = tpu.memref_slice %arg26[%dma_wait3A_228] : memref<4x!tpu.dma_semaphore, #tpu.memory_space<semaphore_mem>> -> memref<1x!tpu.dma_semaphore, #tpu.memory_space<semaphore_mem>>
    %dma_wait3A_233 = tpu.memref_squeeze %dma_wait3A_232 : memref<1x!tpu.dma_semaphore, #tpu.memory_space<semaphore_mem>> -> memref<!tpu.dma_semaphore, #tpu.memory_space<semaphore_mem>>
    %dma_wait3A_234 = arith.constant 0 : i32
    %dma_wait3A_235 = tpu.memref_slice %arg9[%select_n3A, %dma_wait3A_227, %mul3A_32, %dma_wait3A_234] : memref<4x16x256x288xf32, #tpu.memory_space<hbm>> -> memref<1x1x32x288xf32, #tpu.memory_space<hbm>>
    %dma_wait3A_236 = tpu.memref_squeeze %dma_wait3A_235 : memref<1x1x32x288xf32, #tpu.memory_space<hbm>> -> memref<32x288xf32, #tpu.memory_space<hbm>>
    tpu.wait_dma2 semaphore(%dma_wait3A_233 : memref<!tpu.dma_semaphore, #tpu.memory_space<semaphore_mem>>) src(%arg23 : memref<32x288xf32, #tpu.memory_space<vmem>>) dst(%dma_wait3A_236 : memref<32x288xf32, #tpu.memory_space<hbm>>)
    %dma_start3A_237 = arith.constant 2 : i32
    %dma_start3A_238 = arith.constant 192 : i32
    %dma_start3A_239 = tpu.memref_slice %arg20[%dma_start3A_238] : memref<512xi32, #tpu.memory_space<vmem>> -> memref<32xi32, #tpu.memory_space<vmem>>
    %dma_start3A_240 = arith.constant 0 : i32
    %dma_start3A_241 = arith.constant 0 : i32
    %dma_start3A_242 = tpu.memref_slice %arg6[%dma_start3A_240, %dma_start3A_241] : memref<8192x288xf32, #tpu.memory_space<hbm>> -> memref<8192x288xf32, #tpu.memory_space<hbm>>
    %dma_start3A_243 = tpu.memref_slice %arg25[%dma_start3A_237] : memref<4x!tpu.dma_semaphore, #tpu.memory_space<semaphore_mem>> -> memref<1x!tpu.dma_semaphore, #tpu.memory_space<semaphore_mem>>
    %dma_start3A_244 = tpu.memref_squeeze %dma_start3A_243 : memref<1x!tpu.dma_semaphore, #tpu.memory_space<semaphore_mem>> -> memref<!tpu.dma_semaphore, #tpu.memory_space<semaphore_mem>>
    tpu.enqueue_indirect_dma source(%dma_start3A_242 : memref<8192x288xf32, #tpu.memory_space<hbm>>) target(%arg23 : memref<32x288xf32, #tpu.memory_space<vmem>>) offsets(%dma_start3A_239 : memref<32xi32, #tpu.memory_space<vmem>>) semaphore(%dma_start3A_244 : memref<!tpu.dma_semaphore, #tpu.memory_space<semaphore_mem>>)
    %dma_wait3A_245 = arith.constant 1 : i32
    %dma_wait3A_246 = arith.constant 160 : i32
    %dma_wait3A_247 = tpu.memref_slice %arg20[%dma_wait3A_246] : memref<512xi32, #tpu.memory_space<vmem>> -> memref<32xi32, #tpu.memory_space<vmem>>
    %dma_wait3A_248 = arith.constant 0 : i32
    %dma_wait3A_249 = arith.constant 0 : i32
    %dma_wait3A_250 = tpu.memref_slice %arg6[%dma_wait3A_248, %dma_wait3A_249] : memref<8192x288xf32, #tpu.memory_space<hbm>> -> memref<8192x288xf32, #tpu.memory_space<hbm>>
    %dma_wait3A_251 = tpu.memref_slice %arg25[%dma_wait3A_245] : memref<4x!tpu.dma_semaphore, #tpu.memory_space<semaphore_mem>> -> memref<1x!tpu.dma_semaphore, #tpu.memory_space<semaphore_mem>>
    %dma_wait3A_252 = tpu.memref_squeeze %dma_wait3A_251 : memref<1x!tpu.dma_semaphore, #tpu.memory_space<semaphore_mem>> -> memref<!tpu.dma_semaphore, #tpu.memory_space<semaphore_mem>>
    tpu.wait_indirect_dma semaphore(%dma_wait3A_252 : memref<!tpu.dma_semaphore, #tpu.memory_space<semaphore_mem>>) src(%dma_wait3A_250 : memref<8192x288xf32, #tpu.memory_space<hbm>>) dst(%arg22 : memref<32x288xf32, #tpu.memory_space<vmem>>)
    %dma_start3A_253 = arith.constant 5 : i32
    %dma_start3A_254 = arith.constant 1 : i32
    %dma_start3A_255 = arith.constant 0 : i32
    %dma_start3A_256 = tpu.memref_slice %arg9[%select_n3A, %dma_start3A_253, %mul3A_32, %dma_start3A_255] : memref<4x16x256x288xf32, #tpu.memory_space<hbm>> -> memref<1x1x32x288xf32, #tpu.memory_space<hbm>>
    %dma_start3A_257 = tpu.memref_squeeze %dma_start3A_256 : memref<1x1x32x288xf32, #tpu.memory_space<hbm>> -> memref<32x288xf32, #tpu.memory_space<hbm>>
    %dma_start3A_258 = tpu.memref_slice %arg26[%dma_start3A_254] : memref<4x!tpu.dma_semaphore, #tpu.memory_space<semaphore_mem>> -> memref<1x!tpu.dma_semaphore, #tpu.memory_space<semaphore_mem>>
    %dma_start3A_259 = tpu.memref_squeeze %dma_start3A_258 : memref<1x!tpu.dma_semaphore, #tpu.memory_space<semaphore_mem>> -> memref<!tpu.dma_semaphore, #tpu.memory_space<semaphore_mem>>
    %dma_start3A_260 = arith.constant 0 : i32
    %dma_start3A_261 = tpu.memref_slice %arg9[%select_n3A, %dma_start3A_253, %mul3A_32, %dma_start3A_260] : memref<4x16x256x288xf32, #tpu.memory_space<hbm>> -> memref<1x1x32x288xf32, #tpu.memory_space<hbm>>
    %dma_start3A_262 = tpu.memref_squeeze %dma_start3A_261 : memref<1x1x32x288xf32, #tpu.memory_space<hbm>> -> memref<32x288xf32, #tpu.memory_space<hbm>>
    tpu.enqueue_dma source(%arg22 : memref<32x288xf32, #tpu.memory_space<vmem>>) target(%dma_start3A_262 : memref<32x288xf32, #tpu.memory_space<hbm>>) target_semaphore(%dma_start3A_259 : memref<!tpu.dma_semaphore, #tpu.memory_space<semaphore_mem>>)
    %dma_wait3A_263 = arith.constant 3 : i32
    %dma_wait3A_264 = arith.constant 3 : i32
    %dma_wait3A_265 = arith.constant 0 : i32
    %dma_wait3A_266 = tpu.memref_slice %arg9[%select_n3A, %dma_wait3A_263, %mul3A_32, %dma_wait3A_265] : memref<4x16x256x288xf32, #tpu.memory_space<hbm>> -> memref<1x1x32x288xf32, #tpu.memory_space<hbm>>
    %dma_wait3A_267 = tpu.memref_squeeze %dma_wait3A_266 : memref<1x1x32x288xf32, #tpu.memory_space<hbm>> -> memref<32x288xf32, #tpu.memory_space<hbm>>
    %dma_wait3A_268 = tpu.memref_slice %arg26[%dma_wait3A_264] : memref<4x!tpu.dma_semaphore, #tpu.memory_space<semaphore_mem>> -> memref<1x!tpu.dma_semaphore, #tpu.memory_space<semaphore_mem>>
    %dma_wait3A_269 = tpu.memref_squeeze %dma_wait3A_268 : memref<1x!tpu.dma_semaphore, #tpu.memory_space<semaphore_mem>> -> memref<!tpu.dma_semaphore, #tpu.memory_space<semaphore_mem>>
    %dma_wait3A_270 = arith.constant 0 : i32
    %dma_wait3A_271 = tpu.memref_slice %arg9[%select_n3A, %dma_wait3A_263, %mul3A_32, %dma_wait3A_270] : memref<4x16x256x288xf32, #tpu.memory_space<hbm>> -> memref<1x1x32x288xf32, #tpu.memory_space<hbm>>
    %dma_wait3A_272 = tpu.memref_squeeze %dma_wait3A_271 : memref<1x1x32x288xf32, #tpu.memory_space<hbm>> -> memref<32x288xf32, #tpu.memory_space<hbm>>
    tpu.wait_dma2 semaphore(%dma_wait3A_269 : memref<!tpu.dma_semaphore, #tpu.memory_space<semaphore_mem>>) src(%arg24 : memref<32x288xf32, #tpu.memory_space<vmem>>) dst(%dma_wait3A_272 : memref<32x288xf32, #tpu.memory_space<hbm>>)
    %dma_start3A_273 = arith.constant 3 : i32
    %dma_start3A_274 = arith.constant 224 : i32
    %dma_start3A_275 = tpu.memref_slice %arg20[%dma_start3A_274] : memref<512xi32, #tpu.memory_space<vmem>> -> memref<32xi32, #tpu.memory_space<vmem>>
    %dma_start3A_276 = arith.constant 0 : i32
    %dma_start3A_277 = arith.constant 0 : i32
    %dma_start3A_278 = tpu.memref_slice %arg6[%dma_start3A_276, %dma_start3A_277] : memref<8192x288xf32, #tpu.memory_space<hbm>> -> memref<8192x288xf32, #tpu.memory_space<hbm>>
    %dma_start3A_279 = tpu.memref_slice %arg25[%dma_start3A_273] : memref<4x!tpu.dma_semaphore, #tpu.memory_space<semaphore_mem>> -> memref<1x!tpu.dma_semaphore, #tpu.memory_space<semaphore_mem>>
    %dma_start3A_280 = tpu.memref_squeeze %dma_start3A_279 : memref<1x!tpu.dma_semaphore, #tpu.memory_space<semaphore_mem>> -> memref<!tpu.dma_semaphore, #tpu.memory_space<semaphore_mem>>
    tpu.enqueue_indirect_dma source(%dma_start3A_278 : memref<8192x288xf32, #tpu.memory_space<hbm>>) target(%arg24 : memref<32x288xf32, #tpu.memory_space<vmem>>) offsets(%dma_start3A_275 : memref<32xi32, #tpu.memory_space<vmem>>) semaphore(%dma_start3A_280 : memref<!tpu.dma_semaphore, #tpu.memory_space<semaphore_mem>>)
    %dma_wait3A_281 = arith.constant 2 : i32
    %dma_wait3A_282 = arith.constant 192 : i32
    %dma_wait3A_283 = tpu.memref_slice %arg20[%dma_wait3A_282] : memref<512xi32, #tpu.memory_space<vmem>> -> memref<32xi32, #tpu.memory_space<vmem>>
    %dma_wait3A_284 = arith.constant 0 : i32
    %dma_wait3A_285 = arith.constant 0 : i32
    %dma_wait3A_286 = tpu.memref_slice %arg6[%dma_wait3A_284, %dma_wait3A_285] : memref<8192x288xf32, #tpu.memory_space<hbm>> -> memref<8192x288xf32, #tpu.memory_space<hbm>>
    %dma_wait3A_287 = tpu.memref_slice %arg25[%dma_wait3A_281] : memref<4x!tpu.dma_semaphore, #tpu.memory_space<semaphore_mem>> -> memref<1x!tpu.dma_semaphore, #tpu.memory_space<semaphore_mem>>
    %dma_wait3A_288 = tpu.memref_squeeze %dma_wait3A_287 : memref<1x!tpu.dma_semaphore, #tpu.memory_space<semaphore_mem>> -> memref<!tpu.dma_semaphore, #tpu.memory_space<semaphore_mem>>
    tpu.wait_indirect_dma semaphore(%dma_wait3A_288 : memref<!tpu.dma_semaphore, #tpu.memory_space<semaphore_mem>>) src(%dma_wait3A_286 : memref<8192x288xf32, #tpu.memory_space<hbm>>) dst(%arg23 : memref<32x288xf32, #tpu.memory_space<vmem>>)
    %dma_start3A_289 = arith.constant 6 : i32
    %dma_start3A_290 = arith.constant 2 : i32
    %dma_start3A_291 = arith.constant 0 : i32
    %dma_start3A_292 = tpu.memref_slice %arg9[%select_n3A, %dma_start3A_289, %mul3A_32, %dma_start3A_291] : memref<4x16x256x288xf32, #tpu.memory_space<hbm>> -> memref<1x1x32x288xf32, #tpu.memory_space<hbm>>
    %dma_start3A_293 = tpu.memref_squeeze %dma_start3A_292 : memref<1x1x32x288xf32, #tpu.memory_space<hbm>> -> memref<32x288xf32, #tpu.memory_space<hbm>>
    %dma_start3A_294 = tpu.memref_slice %arg26[%dma_start3A_290] : memref<4x!tpu.dma_semaphore, #tpu.memory_space<semaphore_mem>> -> memref<1x!tpu.dma_semaphore, #tpu.memory_space<semaphore_mem>>
    %dma_start3A_295 = tpu.memref_squeeze %dma_start3A_294 : memref<1x!tpu.dma_semaphore, #tpu.memory_space<semaphore_mem>> -> memref<!tpu.dma_semaphore, #tpu.memory_space<semaphore_mem>>
    %dma_start3A_296 = arith.constant 0 : i32
    %dma_start3A_297 = tpu.memref_slice %arg9[%select_n3A, %dma_start3A_289, %mul3A_32, %dma_start3A_296] : memref<4x16x256x288xf32, #tpu.memory_space<hbm>> -> memref<1x1x32x288xf32, #tpu.memory_space<hbm>>
    %dma_start3A_298 = tpu.memref_squeeze %dma_start3A_297 : memref<1x1x32x288xf32, #tpu.memory_space<hbm>> -> memref<32x288xf32, #tpu.memory_space<hbm>>
    tpu.enqueue_dma source(%arg23 : memref<32x288xf32, #tpu.memory_space<vmem>>) target(%dma_start3A_298 : memref<32x288xf32, #tpu.memory_space<hbm>>) target_semaphore(%dma_start3A_295 : memref<!tpu.dma_semaphore, #tpu.memory_space<semaphore_mem>>)
    %dma_wait3A_299 = arith.constant 4 : i32
    %dma_wait3A_300 = arith.constant 0 : i32
    %dma_wait3A_301 = arith.constant 0 : i32
    %dma_wait3A_302 = tpu.memref_slice %arg9[%select_n3A, %dma_wait3A_299, %mul3A_32, %dma_wait3A_301] : memref<4x16x256x288xf32, #tpu.memory_space<hbm>> -> memref<1x1x32x288xf32, #tpu.memory_space<hbm>>
    %dma_wait3A_303 = tpu.memref_squeeze %dma_wait3A_302 : memref<1x1x32x288xf32, #tpu.memory_space<hbm>> -> memref<32x288xf32, #tpu.memory_space<hbm>>
    %dma_wait3A_304 = tpu.memref_slice %arg26[%dma_wait3A_300] : memref<4x!tpu.dma_semaphore, #tpu.memory_space<semaphore_mem>> -> memref<1x!tpu.dma_semaphore, #tpu.memory_space<semaphore_mem>>
    %dma_wait3A_305 = tpu.memref_squeeze %dma_wait3A_304 : memref<1x!tpu.dma_semaphore, #tpu.memory_space<semaphore_mem>> -> memref<!tpu.dma_semaphore, #tpu.memory_space<semaphore_mem>>
    %dma_wait3A_306 = arith.constant 0 : i32
    %dma_wait3A_307 = tpu.memref_slice %arg9[%select_n3A, %dma_wait3A_299, %mul3A_32, %dma_wait3A_306] : memref<4x16x256x288xf32, #tpu.memory_space<hbm>> -> memref<1x1x32x288xf32, #tpu.memory_space<hbm>>
    %dma_wait3A_308 = tpu.memref_squeeze %dma_wait3A_307 : memref<1x1x32x288xf32, #tpu.memory_space<hbm>> -> memref<32x288xf32, #tpu.memory_space<hbm>>
    tpu.wait_dma2 semaphore(%dma_wait3A_305 : memref<!tpu.dma_semaphore, #tpu.memory_space<semaphore_mem>>) src(%arg21 : memref<32x288xf32, #tpu.memory_space<vmem>>) dst(%dma_wait3A_308 : memref<32x288xf32, #tpu.memory_space<hbm>>)
    %dma_start3A_309 = arith.constant 0 : i32
    %dma_start3A_310 = arith.constant 256 : i32
    %dma_start3A_311 = tpu.memref_slice %arg20[%dma_start3A_310] : memref<512xi32, #tpu.memory_space<vmem>> -> memref<32xi32, #tpu.memory_space<vmem>>
    %dma_start3A_312 = arith.constant 0 : i32
    %dma_start3A_313 = arith.constant 0 : i32
    %dma_start3A_314 = tpu.memref_slice %arg6[%dma_start3A_312, %dma_start3A_313] : memref<8192x288xf32, #tpu.memory_space<hbm>> -> memref<8192x288xf32, #tpu.memory_space<hbm>>
    %dma_start3A_315 = tpu.memref_slice %arg25[%dma_start3A_309] : memref<4x!tpu.dma_semaphore, #tpu.memory_space<semaphore_mem>> -> memref<1x!tpu.dma_semaphore, #tpu.memory_space<semaphore_mem>>
    %dma_start3A_316 = tpu.memref_squeeze %dma_start3A_315 : memref<1x!tpu.dma_semaphore, #tpu.memory_space<semaphore_mem>> -> memref<!tpu.dma_semaphore, #tpu.memory_space<semaphore_mem>>
    tpu.enqueue_indirect_dma source(%dma_start3A_314 : memref<8192x288xf32, #tpu.memory_space<hbm>>) target(%arg21 : memref<32x288xf32, #tpu.memory_space<vmem>>) offsets(%dma_start3A_311 : memref<32xi32, #tpu.memory_space<vmem>>) semaphore(%dma_start3A_316 : memref<!tpu.dma_semaphore, #tpu.memory_space<semaphore_mem>>)
    %dma_wait3A_317 = arith.constant 3 : i32
    %dma_wait3A_318 = arith.constant 224 : i32
    %dma_wait3A_319 = tpu.memref_slice %arg20[%dma_wait3A_318] : memref<512xi32, #tpu.memory_space<vmem>> -> memref<32xi32, #tpu.memory_space<vmem>>
    %dma_wait3A_320 = arith.constant 0 : i32
    %dma_wait3A_321 = arith.constant 0 : i32
    %dma_wait3A_322 = tpu.memref_slice %arg6[%dma_wait3A_320, %dma_wait3A_321] : memref<8192x288xf32, #tpu.memory_space<hbm>> -> memref<8192x288xf32, #tpu.memory_space<hbm>>
    %dma_wait3A_323 = tpu.memref_slice %arg25[%dma_wait3A_317] : memref<4x!tpu.dma_semaphore, #tpu.memory_space<semaphore_mem>> -> memref<1x!tpu.dma_semaphore, #tpu.memory_space<semaphore_mem>>
    %dma_wait3A_324 = tpu.memref_squeeze %dma_wait3A_323 : memref<1x!tpu.dma_semaphore, #tpu.memory_space<semaphore_mem>> -> memref<!tpu.dma_semaphore, #tpu.memory_space<semaphore_mem>>
    tpu.wait_indirect_dma semaphore(%dma_wait3A_324 : memref<!tpu.dma_semaphore, #tpu.memory_space<semaphore_mem>>) src(%dma_wait3A_322 : memref<8192x288xf32, #tpu.memory_space<hbm>>) dst(%arg24 : memref<32x288xf32, #tpu.memory_space<vmem>>)
    %dma_start3A_325 = arith.constant 7 : i32
    %dma_start3A_326 = arith.constant 3 : i32
    %dma_start3A_327 = arith.constant 0 : i32
    %dma_start3A_328 = tpu.memref_slice %arg9[%select_n3A, %dma_start3A_325, %mul3A_32, %dma_start3A_327] : memref<4x16x256x288xf32, #tpu.memory_space<hbm>> -> memref<1x1x32x288xf32, #tpu.memory_space<hbm>>
    %dma_start3A_329 = tpu.memref_squeeze %dma_start3A_328 : memref<1x1x32x288xf32, #tpu.memory_space<hbm>> -> memref<32x288xf32, #tpu.memory_space<hbm>>
    %dma_start3A_330 = tpu.memref_slice %arg26[%dma_start3A_326] : memref<4x!tpu.dma_semaphore, #tpu.memory_space<semaphore_mem>> -> memref<1x!tpu.dma_semaphore, #tpu.memory_space<semaphore_mem>>
    %dma_start3A_331 = tpu.memref_squeeze %dma_start3A_330 : memref<1x!tpu.dma_semaphore, #tpu.memory_space<semaphore_mem>> -> memref<!tpu.dma_semaphore, #tpu.memory_space<semaphore_mem>>
    %dma_start3A_332 = arith.constant 0 : i32
    %dma_start3A_333 = tpu.memref_slice %arg9[%select_n3A, %dma_start3A_325, %mul3A_32, %dma_start3A_332] : memref<4x16x256x288xf32, #tpu.memory_space<hbm>> -> memref<1x1x32x288xf32, #tpu.memory_space<hbm>>
    %dma_start3A_334 = tpu.memref_squeeze %dma_start3A_333 : memref<1x1x32x288xf32, #tpu.memory_space<hbm>> -> memref<32x288xf32, #tpu.memory_space<hbm>>
    tpu.enqueue_dma source(%arg24 : memref<32x288xf32, #tpu.memory_space<vmem>>) target(%dma_start3A_334 : memref<32x288xf32, #tpu.memory_space<hbm>>) target_semaphore(%dma_start3A_331 : memref<!tpu.dma_semaphore, #tpu.memory_space<semaphore_mem>>)
    %dma_wait3A_335 = arith.constant 5 : i32
    %dma_wait3A_336 = arith.constant 1 : i32
    %dma_wait3A_337 = arith.constant 0 : i32
    %dma_wait3A_338 = tpu.memref_slice %arg9[%select_n3A, %dma_wait3A_335, %mul3A_32, %dma_wait3A_337] : memref<4x16x256x288xf32, #tpu.memory_space<hbm>> -> memref<1x1x32x288xf32, #tpu.memory_space<hbm>>
    %dma_wait3A_339 = tpu.memref_squeeze %dma_wait3A_338 : memref<1x1x32x288xf32, #tpu.memory_space<hbm>> -> memref<32x288xf32, #tpu.memory_space<hbm>>
    %dma_wait3A_340 = tpu.memref_slice %arg26[%dma_wait3A_336] : memref<4x!tpu.dma_semaphore, #tpu.memory_space<semaphore_mem>> -> memref<1x!tpu.dma_semaphore, #tpu.memory_space<semaphore_mem>>
    %dma_wait3A_341 = tpu.memref_squeeze %dma_wait3A_340 : memref<1x!tpu.dma_semaphore, #tpu.memory_space<semaphore_mem>> -> memref<!tpu.dma_semaphore, #tpu.memory_space<semaphore_mem>>
    %dma_wait3A_342 = arith.constant 0 : i32
    %dma_wait3A_343 = tpu.memref_slice %arg9[%select_n3A, %dma_wait3A_335, %mul3A_32, %dma_wait3A_342] : memref<4x16x256x288xf32, #tpu.memory_space<hbm>> -> memref<1x1x32x288xf32, #tpu.memory_space<hbm>>
    %dma_wait3A_344 = tpu.memref_squeeze %dma_wait3A_343 : memref<1x1x32x288xf32, #tpu.memory_space<hbm>> -> memref<32x288xf32, #tpu.memory_space<hbm>>
    tpu.wait_dma2 semaphore(%dma_wait3A_341 : memref<!tpu.dma_semaphore, #tpu.memory_space<semaphore_mem>>) src(%arg22 : memref<32x288xf32, #tpu.memory_space<vmem>>) dst(%dma_wait3A_344 : memref<32x288xf32, #tpu.memory_space<hbm>>)
    %dma_start3A_345 = arith.constant 1 : i32
    %dma_start3A_346 = arith.constant 288 : i32
    %dma_start3A_347 = tpu.memref_slice %arg20[%dma_start3A_346] : memref<512xi32, #tpu.memory_space<vmem>> -> memref<32xi32, #tpu.memory_space<vmem>>
    %dma_start3A_348 = arith.constant 0 : i32
    %dma_start3A_349 = arith.constant 0 : i32
    %dma_start3A_350 = tpu.memref_slice %arg6[%dma_start3A_348, %dma_start3A_349] : memref<8192x288xf32, #tpu.memory_space<hbm>> -> memref<8192x288xf32, #tpu.memory_space<hbm>>
    %dma_start3A_351 = tpu.memref_slice %arg25[%dma_start3A_345] : memref<4x!tpu.dma_semaphore, #tpu.memory_space<semaphore_mem>> -> memref<1x!tpu.dma_semaphore, #tpu.memory_space<semaphore_mem>>
    %dma_start3A_352 = tpu.memref_squeeze %dma_start3A_351 : memref<1x!tpu.dma_semaphore, #tpu.memory_space<semaphore_mem>> -> memref<!tpu.dma_semaphore, #tpu.memory_space<semaphore_mem>>
    tpu.enqueue_indirect_dma source(%dma_start3A_350 : memref<8192x288xf32, #tpu.memory_space<hbm>>) target(%arg22 : memref<32x288xf32, #tpu.memory_space<vmem>>) offsets(%dma_start3A_347 : memref<32xi32, #tpu.memory_space<vmem>>) semaphore(%dma_start3A_352 : memref<!tpu.dma_semaphore, #tpu.memory_space<semaphore_mem>>)
    %dma_wait3A_353 = arith.constant 0 : i32
    %dma_wait3A_354 = arith.constant 256 : i32
    %dma_wait3A_355 = tpu.memref_slice %arg20[%dma_wait3A_354] : memref<512xi32, #tpu.memory_space<vmem>> -> memref<32xi32, #tpu.memory_space<vmem>>
    %dma_wait3A_356 = arith.constant 0 : i32
    %dma_wait3A_357 = arith.constant 0 : i32
    %dma_wait3A_358 = tpu.memref_slice %arg6[%dma_wait3A_356, %dma_wait3A_357] : memref<8192x288xf32, #tpu.memory_space<hbm>> -> memref<8192x288xf32, #tpu.memory_space<hbm>>
    %dma_wait3A_359 = tpu.memref_slice %arg25[%dma_wait3A_353] : memref<4x!tpu.dma_semaphore, #tpu.memory_space<semaphore_mem>> -> memref<1x!tpu.dma_semaphore, #tpu.memory_space<semaphore_mem>>
    %dma_wait3A_360 = tpu.memref_squeeze %dma_wait3A_359 : memref<1x!tpu.dma_semaphore, #tpu.memory_space<semaphore_mem>> -> memref<!tpu.dma_semaphore, #tpu.memory_space<semaphore_mem>>
    tpu.wait_indirect_dma semaphore(%dma_wait3A_360 : memref<!tpu.dma_semaphore, #tpu.memory_space<semaphore_mem>>) src(%dma_wait3A_358 : memref<8192x288xf32, #tpu.memory_space<hbm>>) dst(%arg21 : memref<32x288xf32, #tpu.memory_space<vmem>>)
    %dma_start3A_361 = arith.constant 8 : i32
    %dma_start3A_362 = arith.constant 0 : i32
    %dma_start3A_363 = arith.constant 0 : i32
    %dma_start3A_364 = tpu.memref_slice %arg9[%select_n3A, %dma_start3A_361, %mul3A_32, %dma_start3A_363] : memref<4x16x256x288xf32, #tpu.memory_space<hbm>> -> memref<1x1x32x288xf32, #tpu.memory_space<hbm>>
    %dma_start3A_365 = tpu.memref_squeeze %dma_start3A_364 : memref<1x1x32x288xf32, #tpu.memory_space<hbm>> -> memref<32x288xf32, #tpu.memory_space<hbm>>
    %dma_start3A_366 = tpu.memref_slice %arg26[%dma_start3A_362] : memref<4x!tpu.dma_semaphore, #tpu.memory_space<semaphore_mem>> -> memref<1x!tpu.dma_semaphore, #tpu.memory_space<semaphore_mem>>
    %dma_start3A_367 = tpu.memref_squeeze %dma_start3A_366 : memref<1x!tpu.dma_semaphore, #tpu.memory_space<semaphore_mem>> -> memref<!tpu.dma_semaphore, #tpu.memory_space<semaphore_mem>>
    %dma_start3A_368 = arith.constant 0 : i32
    %dma_start3A_369 = tpu.memref_slice %arg9[%select_n3A, %dma_start3A_361, %mul3A_32, %dma_start3A_368] : memref<4x16x256x288xf32, #tpu.memory_space<hbm>> -> memref<1x1x32x288xf32, #tpu.memory_space<hbm>>
    %dma_start3A_370 = tpu.memref_squeeze %dma_start3A_369 : memref<1x1x32x288xf32, #tpu.memory_space<hbm>> -> memref<32x288xf32, #tpu.memory_space<hbm>>
    tpu.enqueue_dma source(%arg21 : memref<32x288xf32, #tpu.memory_space<vmem>>) target(%dma_start3A_370 : memref<32x288xf32, #tpu.memory_space<hbm>>) target_semaphore(%dma_start3A_367 : memref<!tpu.dma_semaphore, #tpu.memory_space<semaphore_mem>>)
    %dma_wait3A_371 = arith.constant 6 : i32
    %dma_wait3A_372 = arith.constant 2 : i32
    %dma_wait3A_373 = arith.constant 0 : i32
    %dma_wait3A_374 = tpu.memref_slice %arg9[%select_n3A, %dma_wait3A_371, %mul3A_32, %dma_wait3A_373] : memref<4x16x256x288xf32, #tpu.memory_space<hbm>> -> memref<1x1x32x288xf32, #tpu.memory_space<hbm>>
    %dma_wait3A_375 = tpu.memref_squeeze %dma_wait3A_374 : memref<1x1x32x288xf32, #tpu.memory_space<hbm>> -> memref<32x288xf32, #tpu.memory_space<hbm>>
    %dma_wait3A_376 = tpu.memref_slice %arg26[%dma_wait3A_372] : memref<4x!tpu.dma_semaphore, #tpu.memory_space<semaphore_mem>> -> memref<1x!tpu.dma_semaphore, #tpu.memory_space<semaphore_mem>>
    %dma_wait3A_377 = tpu.memref_squeeze %dma_wait3A_376 : memref<1x!tpu.dma_semaphore, #tpu.memory_space<semaphore_mem>> -> memref<!tpu.dma_semaphore, #tpu.memory_space<semaphore_mem>>
    %dma_wait3A_378 = arith.constant 0 : i32
    %dma_wait3A_379 = tpu.memref_slice %arg9[%select_n3A, %dma_wait3A_371, %mul3A_32, %dma_wait3A_378] : memref<4x16x256x288xf32, #tpu.memory_space<hbm>> -> memref<1x1x32x288xf32, #tpu.memory_space<hbm>>
    %dma_wait3A_380 = tpu.memref_squeeze %dma_wait3A_379 : memref<1x1x32x288xf32, #tpu.memory_space<hbm>> -> memref<32x288xf32, #tpu.memory_space<hbm>>
    tpu.wait_dma2 semaphore(%dma_wait3A_377 : memref<!tpu.dma_semaphore, #tpu.memory_space<semaphore_mem>>) src(%arg23 : memref<32x288xf32, #tpu.memory_space<vmem>>) dst(%dma_wait3A_380 : memref<32x288xf32, #tpu.memory_space<hbm>>)
    %dma_start3A_381 = arith.constant 2 : i32
    %dma_start3A_382 = arith.constant 320 : i32
    %dma_start3A_383 = tpu.memref_slice %arg20[%dma_start3A_382] : memref<512xi32, #tpu.memory_space<vmem>> -> memref<32xi32, #tpu.memory_space<vmem>>
    %dma_start3A_384 = arith.constant 0 : i32
    %dma_start3A_385 = arith.constant 0 : i32
    %dma_start3A_386 = tpu.memref_slice %arg6[%dma_start3A_384, %dma_start3A_385] : memref<8192x288xf32, #tpu.memory_space<hbm>> -> memref<8192x288xf32, #tpu.memory_space<hbm>>
    %dma_start3A_387 = tpu.memref_slice %arg25[%dma_start3A_381] : memref<4x!tpu.dma_semaphore, #tpu.memory_space<semaphore_mem>> -> memref<1x!tpu.dma_semaphore, #tpu.memory_space<semaphore_mem>>
    %dma_start3A_388 = tpu.memref_squeeze %dma_start3A_387 : memref<1x!tpu.dma_semaphore, #tpu.memory_space<semaphore_mem>> -> memref<!tpu.dma_semaphore, #tpu.memory_space<semaphore_mem>>
    tpu.enqueue_indirect_dma source(%dma_start3A_386 : memref<8192x288xf32, #tpu.memory_space<hbm>>) target(%arg23 : memref<32x288xf32, #tpu.memory_space<vmem>>) offsets(%dma_start3A_383 : memref<32xi32, #tpu.memory_space<vmem>>) semaphore(%dma_start3A_388 : memref<!tpu.dma_semaphore, #tpu.memory_space<semaphore_mem>>)
    %dma_wait3A_389 = arith.constant 1 : i32
    %dma_wait3A_390 = arith.constant 288 : i32
    %dma_wait3A_391 = tpu.memref_slice %arg20[%dma_wait3A_390] : memref<512xi32, #tpu.memory_space<vmem>> -> memref<32xi32, #tpu.memory_space<vmem>>
    %dma_wait3A_392 = arith.constant 0 : i32
    %dma_wait3A_393 = arith.constant 0 : i32
    %dma_wait3A_394 = tpu.memref_slice %arg6[%dma_wait3A_392, %dma_wait3A_393] : memref<8192x288xf32, #tpu.memory_space<hbm>> -> memref<8192x288xf32, #tpu.memory_space<hbm>>
    %dma_wait3A_395 = tpu.memref_slice %arg25[%dma_wait3A_389] : memref<4x!tpu.dma_semaphore, #tpu.memory_space<semaphore_mem>> -> memref<1x!tpu.dma_semaphore, #tpu.memory_space<semaphore_mem>>
    %dma_wait3A_396 = tpu.memref_squeeze %dma_wait3A_395 : memref<1x!tpu.dma_semaphore, #tpu.memory_space<semaphore_mem>> -> memref<!tpu.dma_semaphore, #tpu.memory_space<semaphore_mem>>
    tpu.wait_indirect_dma semaphore(%dma_wait3A_396 : memref<!tpu.dma_semaphore, #tpu.memory_space<semaphore_mem>>) src(%dma_wait3A_394 : memref<8192x288xf32, #tpu.memory_space<hbm>>) dst(%arg22 : memref<32x288xf32, #tpu.memory_space<vmem>>)
    %dma_start3A_397 = arith.constant 9 : i32
    %dma_start3A_398 = arith.constant 1 : i32
    %dma_start3A_399 = arith.constant 0 : i32
    %dma_start3A_400 = tpu.memref_slice %arg9[%select_n3A, %dma_start3A_397, %mul3A_32, %dma_start3A_399] : memref<4x16x256x288xf32, #tpu.memory_space<hbm>> -> memref<1x1x32x288xf32, #tpu.memory_space<hbm>>
    %dma_start3A_401 = tpu.memref_squeeze %dma_start3A_400 : memref<1x1x32x288xf32, #tpu.memory_space<hbm>> -> memref<32x288xf32, #tpu.memory_space<hbm>>
    %dma_start3A_402 = tpu.memref_slice %arg26[%dma_start3A_398] : memref<4x!tpu.dma_semaphore, #tpu.memory_space<semaphore_mem>> -> memref<1x!tpu.dma_semaphore, #tpu.memory_space<semaphore_mem>>
    %dma_start3A_403 = tpu.memref_squeeze %dma_start3A_402 : memref<1x!tpu.dma_semaphore, #tpu.memory_space<semaphore_mem>> -> memref<!tpu.dma_semaphore, #tpu.memory_space<semaphore_mem>>
    %dma_start3A_404 = arith.constant 0 : i32
    %dma_start3A_405 = tpu.memref_slice %arg9[%select_n3A, %dma_start3A_397, %mul3A_32, %dma_start3A_404] : memref<4x16x256x288xf32, #tpu.memory_space<hbm>> -> memref<1x1x32x288xf32, #tpu.memory_space<hbm>>
    %dma_start3A_406 = tpu.memref_squeeze %dma_start3A_405 : memref<1x1x32x288xf32, #tpu.memory_space<hbm>> -> memref<32x288xf32, #tpu.memory_space<hbm>>
    tpu.enqueue_dma source(%arg22 : memref<32x288xf32, #tpu.memory_space<vmem>>) target(%dma_start3A_406 : memref<32x288xf32, #tpu.memory_space<hbm>>) target_semaphore(%dma_start3A_403 : memref<!tpu.dma_semaphore, #tpu.memory_space<semaphore_mem>>)
    %dma_wait3A_407 = arith.constant 7 : i32
    %dma_wait3A_408 = arith.constant 3 : i32
    %dma_wait3A_409 = arith.constant 0 : i32
    %dma_wait3A_410 = tpu.memref_slice %arg9[%select_n3A, %dma_wait3A_407, %mul3A_32, %dma_wait3A_409] : memref<4x16x256x288xf32, #tpu.memory_space<hbm>> -> memref<1x1x32x288xf32, #tpu.memory_space<hbm>>
    %dma_wait3A_411 = tpu.memref_squeeze %dma_wait3A_410 : memref<1x1x32x288xf32, #tpu.memory_space<hbm>> -> memref<32x288xf32, #tpu.memory_space<hbm>>
    %dma_wait3A_412 = tpu.memref_slice %arg26[%dma_wait3A_408] : memref<4x!tpu.dma_semaphore, #tpu.memory_space<semaphore_mem>> -> memref<1x!tpu.dma_semaphore, #tpu.memory_space<semaphore_mem>>
    %dma_wait3A_413 = tpu.memref_squeeze %dma_wait3A_412 : memref<1x!tpu.dma_semaphore, #tpu.memory_space<semaphore_mem>> -> memref<!tpu.dma_semaphore, #tpu.memory_space<semaphore_mem>>
    %dma_wait3A_414 = arith.constant 0 : i32
    %dma_wait3A_415 = tpu.memref_slice %arg9[%select_n3A, %dma_wait3A_407, %mul3A_32, %dma_wait3A_414] : memref<4x16x256x288xf32, #tpu.memory_space<hbm>> -> memref<1x1x32x288xf32, #tpu.memory_space<hbm>>
    %dma_wait3A_416 = tpu.memref_squeeze %dma_wait3A_415 : memref<1x1x32x288xf32, #tpu.memory_space<hbm>> -> memref<32x288xf32, #tpu.memory_space<hbm>>
    tpu.wait_dma2 semaphore(%dma_wait3A_413 : memref<!tpu.dma_semaphore, #tpu.memory_space<semaphore_mem>>) src(%arg24 : memref<32x288xf32, #tpu.memory_space<vmem>>) dst(%dma_wait3A_416 : memref<32x288xf32, #tpu.memory_space<hbm>>)
    %dma_start3A_417 = arith.constant 3 : i32
    %dma_start3A_418 = arith.constant 352 : i32
    %dma_start3A_419 = tpu.memref_slice %arg20[%dma_start3A_418] : memref<512xi32, #tpu.memory_space<vmem>> -> memref<32xi32, #tpu.memory_space<vmem>>
    %dma_start3A_420 = arith.constant 0 : i32
    %dma_start3A_421 = arith.constant 0 : i32
    %dma_start3A_422 = tpu.memref_slice %arg6[%dma_start3A_420, %dma_start3A_421] : memref<8192x288xf32, #tpu.memory_space<hbm>> -> memref<8192x288xf32, #tpu.memory_space<hbm>>
    %dma_start3A_423 = tpu.memref_slice %arg25[%dma_start3A_417] : memref<4x!tpu.dma_semaphore, #tpu.memory_space<semaphore_mem>> -> memref<1x!tpu.dma_semaphore, #tpu.memory_space<semaphore_mem>>
    %dma_start3A_424 = tpu.memref_squeeze %dma_start3A_423 : memref<1x!tpu.dma_semaphore, #tpu.memory_space<semaphore_mem>> -> memref<!tpu.dma_semaphore, #tpu.memory_space<semaphore_mem>>
    tpu.enqueue_indirect_dma source(%dma_start3A_422 : memref<8192x288xf32, #tpu.memory_space<hbm>>) target(%arg24 : memref<32x288xf32, #tpu.memory_space<vmem>>) offsets(%dma_start3A_419 : memref<32xi32, #tpu.memory_space<vmem>>) semaphore(%dma_start3A_424 : memref<!tpu.dma_semaphore, #tpu.memory_space<semaphore_mem>>)
    %dma_wait3A_425 = arith.constant 2 : i32
    %dma_wait3A_426 = arith.constant 320 : i32
    %dma_wait3A_427 = tpu.memref_slice %arg20[%dma_wait3A_426] : memref<512xi32, #tpu.memory_space<vmem>> -> memref<32xi32, #tpu.memory_space<vmem>>
    %dma_wait3A_428 = arith.constant 0 : i32
    %dma_wait3A_429 = arith.constant 0 : i32
    %dma_wait3A_430 = tpu.memref_slice %arg6[%dma_wait3A_428, %dma_wait3A_429] : memref<8192x288xf32, #tpu.memory_space<hbm>> -> memref<8192x288xf32, #tpu.memory_space<hbm>>
    %dma_wait3A_431 = tpu.memref_slice %arg25[%dma_wait3A_425] : memref<4x!tpu.dma_semaphore, #tpu.memory_space<semaphore_mem>> -> memref<1x!tpu.dma_semaphore, #tpu.memory_space<semaphore_mem>>
    %dma_wait3A_432 = tpu.memref_squeeze %dma_wait3A_431 : memref<1x!tpu.dma_semaphore, #tpu.memory_space<semaphore_mem>> -> memref<!tpu.dma_semaphore, #tpu.memory_space<semaphore_mem>>
    tpu.wait_indirect_dma semaphore(%dma_wait3A_432 : memref<!tpu.dma_semaphore, #tpu.memory_space<semaphore_mem>>) src(%dma_wait3A_430 : memref<8192x288xf32, #tpu.memory_space<hbm>>) dst(%arg23 : memref<32x288xf32, #tpu.memory_space<vmem>>)
    %dma_start3A_433 = arith.constant 10 : i32
    %dma_start3A_434 = arith.constant 2 : i32
    %dma_start3A_435 = arith.constant 0 : i32
    %dma_start3A_436 = tpu.memref_slice %arg9[%select_n3A, %dma_start3A_433, %mul3A_32, %dma_start3A_435] : memref<4x16x256x288xf32, #tpu.memory_space<hbm>> -> memref<1x1x32x288xf32, #tpu.memory_space<hbm>>
    %dma_start3A_437 = tpu.memref_squeeze %dma_start3A_436 : memref<1x1x32x288xf32, #tpu.memory_space<hbm>> -> memref<32x288xf32, #tpu.memory_space<hbm>>
    %dma_start3A_438 = tpu.memref_slice %arg26[%dma_start3A_434] : memref<4x!tpu.dma_semaphore, #tpu.memory_space<semaphore_mem>> -> memref<1x!tpu.dma_semaphore, #tpu.memory_space<semaphore_mem>>
    %dma_start3A_439 = tpu.memref_squeeze %dma_start3A_438 : memref<1x!tpu.dma_semaphore, #tpu.memory_space<semaphore_mem>> -> memref<!tpu.dma_semaphore, #tpu.memory_space<semaphore_mem>>
    %dma_start3A_440 = arith.constant 0 : i32
    %dma_start3A_441 = tpu.memref_slice %arg9[%select_n3A, %dma_start3A_433, %mul3A_32, %dma_start3A_440] : memref<4x16x256x288xf32, #tpu.memory_space<hbm>> -> memref<1x1x32x288xf32, #tpu.memory_space<hbm>>
    %dma_start3A_442 = tpu.memref_squeeze %dma_start3A_441 : memref<1x1x32x288xf32, #tpu.memory_space<hbm>> -> memref<32x288xf32, #tpu.memory_space<hbm>>
    tpu.enqueue_dma source(%arg23 : memref<32x288xf32, #tpu.memory_space<vmem>>) target(%dma_start3A_442 : memref<32x288xf32, #tpu.memory_space<hbm>>) target_semaphore(%dma_start3A_439 : memref<!tpu.dma_semaphore, #tpu.memory_space<semaphore_mem>>)
    %dma_wait3A_443 = arith.constant 8 : i32
    %dma_wait3A_444 = arith.constant 0 : i32
    %dma_wait3A_445 = arith.constant 0 : i32
    %dma_wait3A_446 = tpu.memref_slice %arg9[%select_n3A, %dma_wait3A_443, %mul3A_32, %dma_wait3A_445] : memref<4x16x256x288xf32, #tpu.memory_space<hbm>> -> memref<1x1x32x288xf32, #tpu.memory_space<hbm>>
    %dma_wait3A_447 = tpu.memref_squeeze %dma_wait3A_446 : memref<1x1x32x288xf32, #tpu.memory_space<hbm>> -> memref<32x288xf32, #tpu.memory_space<hbm>>
    %dma_wait3A_448 = tpu.memref_slice %arg26[%dma_wait3A_444] : memref<4x!tpu.dma_semaphore, #tpu.memory_space<semaphore_mem>> -> memref<1x!tpu.dma_semaphore, #tpu.memory_space<semaphore_mem>>
    %dma_wait3A_449 = tpu.memref_squeeze %dma_wait3A_448 : memref<1x!tpu.dma_semaphore, #tpu.memory_space<semaphore_mem>> -> memref<!tpu.dma_semaphore, #tpu.memory_space<semaphore_mem>>
    %dma_wait3A_450 = arith.constant 0 : i32
    %dma_wait3A_451 = tpu.memref_slice %arg9[%select_n3A, %dma_wait3A_443, %mul3A_32, %dma_wait3A_450] : memref<4x16x256x288xf32, #tpu.memory_space<hbm>> -> memref<1x1x32x288xf32, #tpu.memory_space<hbm>>
    %dma_wait3A_452 = tpu.memref_squeeze %dma_wait3A_451 : memref<1x1x32x288xf32, #tpu.memory_space<hbm>> -> memref<32x288xf32, #tpu.memory_space<hbm>>
    tpu.wait_dma2 semaphore(%dma_wait3A_449 : memref<!tpu.dma_semaphore, #tpu.memory_space<semaphore_mem>>) src(%arg21 : memref<32x288xf32, #tpu.memory_space<vmem>>) dst(%dma_wait3A_452 : memref<32x288xf32, #tpu.memory_space<hbm>>)
    %dma_start3A_453 = arith.constant 0 : i32
    %dma_start3A_454 = arith.constant 384 : i32
    %dma_start3A_455 = tpu.memref_slice %arg20[%dma_start3A_454] : memref<512xi32, #tpu.memory_space<vmem>> -> memref<32xi32, #tpu.memory_space<vmem>>
    %dma_start3A_456 = arith.constant 0 : i32
    %dma_start3A_457 = arith.constant 0 : i32
    %dma_start3A_458 = tpu.memref_slice %arg6[%dma_start3A_456, %dma_start3A_457] : memref<8192x288xf32, #tpu.memory_space<hbm>> -> memref<8192x288xf32, #tpu.memory_space<hbm>>
    %dma_start3A_459 = tpu.memref_slice %arg25[%dma_start3A_453] : memref<4x!tpu.dma_semaphore, #tpu.memory_space<semaphore_mem>> -> memref<1x!tpu.dma_semaphore, #tpu.memory_space<semaphore_mem>>
    %dma_start3A_460 = tpu.memref_squeeze %dma_start3A_459 : memref<1x!tpu.dma_semaphore, #tpu.memory_space<semaphore_mem>> -> memref<!tpu.dma_semaphore, #tpu.memory_space<semaphore_mem>>
    tpu.enqueue_indirect_dma source(%dma_start3A_458 : memref<8192x288xf32, #tpu.memory_space<hbm>>) target(%arg21 : memref<32x288xf32, #tpu.memory_space<vmem>>) offsets(%dma_start3A_455 : memref<32xi32, #tpu.memory_space<vmem>>) semaphore(%dma_start3A_460 : memref<!tpu.dma_semaphore, #tpu.memory_space<semaphore_mem>>)
    %dma_wait3A_461 = arith.constant 3 : i32
    %dma_wait3A_462 = arith.constant 352 : i32
    %dma_wait3A_463 = tpu.memref_slice %arg20[%dma_wait3A_462] : memref<512xi32, #tpu.memory_space<vmem>> -> memref<32xi32, #tpu.memory_space<vmem>>
    %dma_wait3A_464 = arith.constant 0 : i32
    %dma_wait3A_465 = arith.constant 0 : i32
    %dma_wait3A_466 = tpu.memref_slice %arg6[%dma_wait3A_464, %dma_wait3A_465] : memref<8192x288xf32, #tpu.memory_space<hbm>> -> memref<8192x288xf32, #tpu.memory_space<hbm>>
    %dma_wait3A_467 = tpu.memref_slice %arg25[%dma_wait3A_461] : memref<4x!tpu.dma_semaphore, #tpu.memory_space<semaphore_mem>> -> memref<1x!tpu.dma_semaphore, #tpu.memory_space<semaphore_mem>>
    %dma_wait3A_468 = tpu.memref_squeeze %dma_wait3A_467 : memref<1x!tpu.dma_semaphore, #tpu.memory_space<semaphore_mem>> -> memref<!tpu.dma_semaphore, #tpu.memory_space<semaphore_mem>>
    tpu.wait_indirect_dma semaphore(%dma_wait3A_468 : memref<!tpu.dma_semaphore, #tpu.memory_space<semaphore_mem>>) src(%dma_wait3A_466 : memref<8192x288xf32, #tpu.memory_space<hbm>>) dst(%arg24 : memref<32x288xf32, #tpu.memory_space<vmem>>)
    %dma_start3A_469 = arith.constant 11 : i32
    %dma_start3A_470 = arith.constant 3 : i32
    %dma_start3A_471 = arith.constant 0 : i32
    %dma_start3A_472 = tpu.memref_slice %arg9[%select_n3A, %dma_start3A_469, %mul3A_32, %dma_start3A_471] : memref<4x16x256x288xf32, #tpu.memory_space<hbm>> -> memref<1x1x32x288xf32, #tpu.memory_space<hbm>>
    %dma_start3A_473 = tpu.memref_squeeze %dma_start3A_472 : memref<1x1x32x288xf32, #tpu.memory_space<hbm>> -> memref<32x288xf32, #tpu.memory_space<hbm>>
    %dma_start3A_474 = tpu.memref_slice %arg26[%dma_start3A_470] : memref<4x!tpu.dma_semaphore, #tpu.memory_space<semaphore_mem>> -> memref<1x!tpu.dma_semaphore, #tpu.memory_space<semaphore_mem>>
    %dma_start3A_475 = tpu.memref_squeeze %dma_start3A_474 : memref<1x!tpu.dma_semaphore, #tpu.memory_space<semaphore_mem>> -> memref<!tpu.dma_semaphore, #tpu.memory_space<semaphore_mem>>
    %dma_start3A_476 = arith.constant 0 : i32
    %dma_start3A_477 = tpu.memref_slice %arg9[%select_n3A, %dma_start3A_469, %mul3A_32, %dma_start3A_476] : memref<4x16x256x288xf32, #tpu.memory_space<hbm>> -> memref<1x1x32x288xf32, #tpu.memory_space<hbm>>
    %dma_start3A_478 = tpu.memref_squeeze %dma_start3A_477 : memref<1x1x32x288xf32, #tpu.memory_space<hbm>> -> memref<32x288xf32, #tpu.memory_space<hbm>>
    tpu.enqueue_dma source(%arg24 : memref<32x288xf32, #tpu.memory_space<vmem>>) target(%dma_start3A_478 : memref<32x288xf32, #tpu.memory_space<hbm>>) target_semaphore(%dma_start3A_475 : memref<!tpu.dma_semaphore, #tpu.memory_space<semaphore_mem>>)
    %dma_wait3A_479 = arith.constant 9 : i32
    %dma_wait3A_480 = arith.constant 1 : i32
    %dma_wait3A_481 = arith.constant 0 : i32
    %dma_wait3A_482 = tpu.memref_slice %arg9[%select_n3A, %dma_wait3A_479, %mul3A_32, %dma_wait3A_481] : memref<4x16x256x288xf32, #tpu.memory_space<hbm>> -> memref<1x1x32x288xf32, #tpu.memory_space<hbm>>
    %dma_wait3A_483 = tpu.memref_squeeze %dma_wait3A_482 : memref<1x1x32x288xf32, #tpu.memory_space<hbm>> -> memref<32x288xf32, #tpu.memory_space<hbm>>
    %dma_wait3A_484 = tpu.memref_slice %arg26[%dma_wait3A_480] : memref<4x!tpu.dma_semaphore, #tpu.memory_space<semaphore_mem>> -> memref<1x!tpu.dma_semaphore, #tpu.memory_space<semaphore_mem>>
    %dma_wait3A_485 = tpu.memref_squeeze %dma_wait3A_484 : memref<1x!tpu.dma_semaphore, #tpu.memory_space<semaphore_mem>> -> memref<!tpu.dma_semaphore, #tpu.memory_space<semaphore_mem>>
    %dma_wait3A_486 = arith.constant 0 : i32
    %dma_wait3A_487 = tpu.memref_slice %arg9[%select_n3A, %dma_wait3A_479, %mul3A_32, %dma_wait3A_486] : memref<4x16x256x288xf32, #tpu.memory_space<hbm>> -> memref<1x1x32x288xf32, #tpu.memory_space<hbm>>
    %dma_wait3A_488 = tpu.memref_squeeze %dma_wait3A_487 : memref<1x1x32x288xf32, #tpu.memory_space<hbm>> -> memref<32x288xf32, #tpu.memory_space<hbm>>
    tpu.wait_dma2 semaphore(%dma_wait3A_485 : memref<!tpu.dma_semaphore, #tpu.memory_space<semaphore_mem>>) src(%arg22 : memref<32x288xf32, #tpu.memory_space<vmem>>) dst(%dma_wait3A_488 : memref<32x288xf32, #tpu.memory_space<hbm>>)
    %dma_start3A_489 = arith.constant 1 : i32
    %dma_start3A_490 = arith.constant 416 : i32
    %dma_start3A_491 = tpu.memref_slice %arg20[%dma_start3A_490] : memref<512xi32, #tpu.memory_space<vmem>> -> memref<32xi32, #tpu.memory_space<vmem>>
    %dma_start3A_492 = arith.constant 0 : i32
    %dma_start3A_493 = arith.constant 0 : i32
    %dma_start3A_494 = tpu.memref_slice %arg6[%dma_start3A_492, %dma_start3A_493] : memref<8192x288xf32, #tpu.memory_space<hbm>> -> memref<8192x288xf32, #tpu.memory_space<hbm>>
    %dma_start3A_495 = tpu.memref_slice %arg25[%dma_start3A_489] : memref<4x!tpu.dma_semaphore, #tpu.memory_space<semaphore_mem>> -> memref<1x!tpu.dma_semaphore, #tpu.memory_space<semaphore_mem>>
    %dma_start3A_496 = tpu.memref_squeeze %dma_start3A_495 : memref<1x!tpu.dma_semaphore, #tpu.memory_space<semaphore_mem>> -> memref<!tpu.dma_semaphore, #tpu.memory_space<semaphore_mem>>
    tpu.enqueue_indirect_dma source(%dma_start3A_494 : memref<8192x288xf32, #tpu.memory_space<hbm>>) target(%arg22 : memref<32x288xf32, #tpu.memory_space<vmem>>) offsets(%dma_start3A_491 : memref<32xi32, #tpu.memory_space<vmem>>) semaphore(%dma_start3A_496 : memref<!tpu.dma_semaphore, #tpu.memory_space<semaphore_mem>>)
    %dma_wait3A_497 = arith.constant 0 : i32
    %dma_wait3A_498 = arith.constant 384 : i32
    %dma_wait3A_499 = tpu.memref_slice %arg20[%dma_wait3A_498] : memref<512xi32, #tpu.memory_space<vmem>> -> memref<32xi32, #tpu.memory_space<vmem>>
    %dma_wait3A_500 = arith.constant 0 : i32
    %dma_wait3A_501 = arith.constant 0 : i32
    %dma_wait3A_502 = tpu.memref_slice %arg6[%dma_wait3A_500, %dma_wait3A_501] : memref<8192x288xf32, #tpu.memory_space<hbm>> -> memref<8192x288xf32, #tpu.memory_space<hbm>>
    %dma_wait3A_503 = tpu.memref_slice %arg25[%dma_wait3A_497] : memref<4x!tpu.dma_semaphore, #tpu.memory_space<semaphore_mem>> -> memref<1x!tpu.dma_semaphore, #tpu.memory_space<semaphore_mem>>
    %dma_wait3A_504 = tpu.memref_squeeze %dma_wait3A_503 : memref<1x!tpu.dma_semaphore, #tpu.memory_space<semaphore_mem>> -> memref<!tpu.dma_semaphore, #tpu.memory_space<semaphore_mem>>
    tpu.wait_indirect_dma semaphore(%dma_wait3A_504 : memref<!tpu.dma_semaphore, #tpu.memory_space<semaphore_mem>>) src(%dma_wait3A_502 : memref<8192x288xf32, #tpu.memory_space<hbm>>) dst(%arg21 : memref<32x288xf32, #tpu.memory_space<vmem>>)
    %dma_start3A_505 = arith.constant 12 : i32
    %dma_start3A_506 = arith.constant 0 : i32
    %dma_start3A_507 = arith.constant 0 : i32
    %dma_start3A_508 = tpu.memref_slice %arg9[%select_n3A, %dma_start3A_505, %mul3A_32, %dma_start3A_507] : memref<4x16x256x288xf32, #tpu.memory_space<hbm>> -> memref<1x1x32x288xf32, #tpu.memory_space<hbm>>
    %dma_start3A_509 = tpu.memref_squeeze %dma_start3A_508 : memref<1x1x32x288xf32, #tpu.memory_space<hbm>> -> memref<32x288xf32, #tpu.memory_space<hbm>>
    %dma_start3A_510 = tpu.memref_slice %arg26[%dma_start3A_506] : memref<4x!tpu.dma_semaphore, #tpu.memory_space<semaphore_mem>> -> memref<1x!tpu.dma_semaphore, #tpu.memory_space<semaphore_mem>>
    %dma_start3A_511 = tpu.memref_squeeze %dma_start3A_510 : memref<1x!tpu.dma_semaphore, #tpu.memory_space<semaphore_mem>> -> memref<!tpu.dma_semaphore, #tpu.memory_space<semaphore_mem>>
    %dma_start3A_512 = arith.constant 0 : i32
    %dma_start3A_513 = tpu.memref_slice %arg9[%select_n3A, %dma_start3A_505, %mul3A_32, %dma_start3A_512] : memref<4x16x256x288xf32, #tpu.memory_space<hbm>> -> memref<1x1x32x288xf32, #tpu.memory_space<hbm>>
    %dma_start3A_514 = tpu.memref_squeeze %dma_start3A_513 : memref<1x1x32x288xf32, #tpu.memory_space<hbm>> -> memref<32x288xf32, #tpu.memory_space<hbm>>
    tpu.enqueue_dma source(%arg21 : memref<32x288xf32, #tpu.memory_space<vmem>>) target(%dma_start3A_514 : memref<32x288xf32, #tpu.memory_space<hbm>>) target_semaphore(%dma_start3A_511 : memref<!tpu.dma_semaphore, #tpu.memory_space<semaphore_mem>>)
    %dma_wait3A_515 = arith.constant 10 : i32
    %dma_wait3A_516 = arith.constant 2 : i32
    %dma_wait3A_517 = arith.constant 0 : i32
    %dma_wait3A_518 = tpu.memref_slice %arg9[%select_n3A, %dma_wait3A_515, %mul3A_32, %dma_wait3A_517] : memref<4x16x256x288xf32, #tpu.memory_space<hbm>> -> memref<1x1x32x288xf32, #tpu.memory_space<hbm>>
    %dma_wait3A_519 = tpu.memref_squeeze %dma_wait3A_518 : memref<1x1x32x288xf32, #tpu.memory_space<hbm>> -> memref<32x288xf32, #tpu.memory_space<hbm>>
    %dma_wait3A_520 = tpu.memref_slice %arg26[%dma_wait3A_516] : memref<4x!tpu.dma_semaphore, #tpu.memory_space<semaphore_mem>> -> memref<1x!tpu.dma_semaphore, #tpu.memory_space<semaphore_mem>>
    %dma_wait3A_521 = tpu.memref_squeeze %dma_wait3A_520 : memref<1x!tpu.dma_semaphore, #tpu.memory_space<semaphore_mem>> -> memref<!tpu.dma_semaphore, #tpu.memory_space<semaphore_mem>>
    %dma_wait3A_522 = arith.constant 0 : i32
    %dma_wait3A_523 = tpu.memref_slice %arg9[%select_n3A, %dma_wait3A_515, %mul3A_32, %dma_wait3A_522] : memref<4x16x256x288xf32, #tpu.memory_space<hbm>> -> memref<1x1x32x288xf32, #tpu.memory_space<hbm>>
    %dma_wait3A_524 = tpu.memref_squeeze %dma_wait3A_523 : memref<1x1x32x288xf32, #tpu.memory_space<hbm>> -> memref<32x288xf32, #tpu.memory_space<hbm>>
    tpu.wait_dma2 semaphore(%dma_wait3A_521 : memref<!tpu.dma_semaphore, #tpu.memory_space<semaphore_mem>>) src(%arg23 : memref<32x288xf32, #tpu.memory_space<vmem>>) dst(%dma_wait3A_524 : memref<32x288xf32, #tpu.memory_space<hbm>>)
    %dma_start3A_525 = arith.constant 2 : i32
    %dma_start3A_526 = arith.constant 448 : i32
    %dma_start3A_527 = tpu.memref_slice %arg20[%dma_start3A_526] : memref<512xi32, #tpu.memory_space<vmem>> -> memref<32xi32, #tpu.memory_space<vmem>>
    %dma_start3A_528 = arith.constant 0 : i32
    %dma_start3A_529 = arith.constant 0 : i32
    %dma_start3A_530 = tpu.memref_slice %arg6[%dma_start3A_528, %dma_start3A_529] : memref<8192x288xf32, #tpu.memory_space<hbm>> -> memref<8192x288xf32, #tpu.memory_space<hbm>>
    %dma_start3A_531 = tpu.memref_slice %arg25[%dma_start3A_525] : memref<4x!tpu.dma_semaphore, #tpu.memory_space<semaphore_mem>> -> memref<1x!tpu.dma_semaphore, #tpu.memory_space<semaphore_mem>>
    %dma_start3A_532 = tpu.memref_squeeze %dma_start3A_531 : memref<1x!tpu.dma_semaphore, #tpu.memory_space<semaphore_mem>> -> memref<!tpu.dma_semaphore, #tpu.memory_space<semaphore_mem>>
    tpu.enqueue_indirect_dma source(%dma_start3A_530 : memref<8192x288xf32, #tpu.memory_space<hbm>>) target(%arg23 : memref<32x288xf32, #tpu.memory_space<vmem>>) offsets(%dma_start3A_527 : memref<32xi32, #tpu.memory_space<vmem>>) semaphore(%dma_start3A_532 : memref<!tpu.dma_semaphore, #tpu.memory_space<semaphore_mem>>)
    %dma_wait3A_533 = arith.constant 1 : i32
    %dma_wait3A_534 = arith.constant 416 : i32
    %dma_wait3A_535 = tpu.memref_slice %arg20[%dma_wait3A_534] : memref<512xi32, #tpu.memory_space<vmem>> -> memref<32xi32, #tpu.memory_space<vmem>>
    %dma_wait3A_536 = arith.constant 0 : i32
    %dma_wait3A_537 = arith.constant 0 : i32
    %dma_wait3A_538 = tpu.memref_slice %arg6[%dma_wait3A_536, %dma_wait3A_537] : memref<8192x288xf32, #tpu.memory_space<hbm>> -> memref<8192x288xf32, #tpu.memory_space<hbm>>
    %dma_wait3A_539 = tpu.memref_slice %arg25[%dma_wait3A_533] : memref<4x!tpu.dma_semaphore, #tpu.memory_space<semaphore_mem>> -> memref<1x!tpu.dma_semaphore, #tpu.memory_space<semaphore_mem>>
    %dma_wait3A_540 = tpu.memref_squeeze %dma_wait3A_539 : memref<1x!tpu.dma_semaphore, #tpu.memory_space<semaphore_mem>> -> memref<!tpu.dma_semaphore, #tpu.memory_space<semaphore_mem>>
    tpu.wait_indirect_dma semaphore(%dma_wait3A_540 : memref<!tpu.dma_semaphore, #tpu.memory_space<semaphore_mem>>) src(%dma_wait3A_538 : memref<8192x288xf32, #tpu.memory_space<hbm>>) dst(%arg22 : memref<32x288xf32, #tpu.memory_space<vmem>>)
    %dma_start3A_541 = arith.constant 13 : i32
    %dma_start3A_542 = arith.constant 1 : i32
    %dma_start3A_543 = arith.constant 0 : i32
    %dma_start3A_544 = tpu.memref_slice %arg9[%select_n3A, %dma_start3A_541, %mul3A_32, %dma_start3A_543] : memref<4x16x256x288xf32, #tpu.memory_space<hbm>> -> memref<1x1x32x288xf32, #tpu.memory_space<hbm>>
    %dma_start3A_545 = tpu.memref_squeeze %dma_start3A_544 : memref<1x1x32x288xf32, #tpu.memory_space<hbm>> -> memref<32x288xf32, #tpu.memory_space<hbm>>
    %dma_start3A_546 = tpu.memref_slice %arg26[%dma_start3A_542] : memref<4x!tpu.dma_semaphore, #tpu.memory_space<semaphore_mem>> -> memref<1x!tpu.dma_semaphore, #tpu.memory_space<semaphore_mem>>
    %dma_start3A_547 = tpu.memref_squeeze %dma_start3A_546 : memref<1x!tpu.dma_semaphore, #tpu.memory_space<semaphore_mem>> -> memref<!tpu.dma_semaphore, #tpu.memory_space<semaphore_mem>>
    %dma_start3A_548 = arith.constant 0 : i32
    %dma_start3A_549 = tpu.memref_slice %arg9[%select_n3A, %dma_start3A_541, %mul3A_32, %dma_start3A_548] : memref<4x16x256x288xf32, #tpu.memory_space<hbm>> -> memref<1x1x32x288xf32, #tpu.memory_space<hbm>>
    %dma_start3A_550 = tpu.memref_squeeze %dma_start3A_549 : memref<1x1x32x288xf32, #tpu.memory_space<hbm>> -> memref<32x288xf32, #tpu.memory_space<hbm>>
    tpu.enqueue_dma source(%arg22 : memref<32x288xf32, #tpu.memory_space<vmem>>) target(%dma_start3A_550 : memref<32x288xf32, #tpu.memory_space<hbm>>) target_semaphore(%dma_start3A_547 : memref<!tpu.dma_semaphore, #tpu.memory_space<semaphore_mem>>)
    %dma_wait3A_551 = arith.constant 11 : i32
    %dma_wait3A_552 = arith.constant 3 : i32
    %dma_wait3A_553 = arith.constant 0 : i32
    %dma_wait3A_554 = tpu.memref_slice %arg9[%select_n3A, %dma_wait3A_551, %mul3A_32, %dma_wait3A_553] : memref<4x16x256x288xf32, #tpu.memory_space<hbm>> -> memref<1x1x32x288xf32, #tpu.memory_space<hbm>>
    %dma_wait3A_555 = tpu.memref_squeeze %dma_wait3A_554 : memref<1x1x32x288xf32, #tpu.memory_space<hbm>> -> memref<32x288xf32, #tpu.memory_space<hbm>>
    %dma_wait3A_556 = tpu.memref_slice %arg26[%dma_wait3A_552] : memref<4x!tpu.dma_semaphore, #tpu.memory_space<semaphore_mem>> -> memref<1x!tpu.dma_semaphore, #tpu.memory_space<semaphore_mem>>
    %dma_wait3A_557 = tpu.memref_squeeze %dma_wait3A_556 : memref<1x!tpu.dma_semaphore, #tpu.memory_space<semaphore_mem>> -> memref<!tpu.dma_semaphore, #tpu.memory_space<semaphore_mem>>
    %dma_wait3A_558 = arith.constant 0 : i32
    %dma_wait3A_559 = tpu.memref_slice %arg9[%select_n3A, %dma_wait3A_551, %mul3A_32, %dma_wait3A_558] : memref<4x16x256x288xf32, #tpu.memory_space<hbm>> -> memref<1x1x32x288xf32, #tpu.memory_space<hbm>>
    %dma_wait3A_560 = tpu.memref_squeeze %dma_wait3A_559 : memref<1x1x32x288xf32, #tpu.memory_space<hbm>> -> memref<32x288xf32, #tpu.memory_space<hbm>>
    tpu.wait_dma2 semaphore(%dma_wait3A_557 : memref<!tpu.dma_semaphore, #tpu.memory_space<semaphore_mem>>) src(%arg24 : memref<32x288xf32, #tpu.memory_space<vmem>>) dst(%dma_wait3A_560 : memref<32x288xf32, #tpu.memory_space<hbm>>)
    %dma_start3A_561 = arith.constant 3 : i32
    %dma_start3A_562 = arith.constant 480 : i32
    %dma_start3A_563 = tpu.memref_slice %arg20[%dma_start3A_562] : memref<512xi32, #tpu.memory_space<vmem>> -> memref<32xi32, #tpu.memory_space<vmem>>
    %dma_start3A_564 = arith.constant 0 : i32
    %dma_start3A_565 = arith.constant 0 : i32
    %dma_start3A_566 = tpu.memref_slice %arg6[%dma_start3A_564, %dma_start3A_565] : memref<8192x288xf32, #tpu.memory_space<hbm>> -> memref<8192x288xf32, #tpu.memory_space<hbm>>
    %dma_start3A_567 = tpu.memref_slice %arg25[%dma_start3A_561] : memref<4x!tpu.dma_semaphore, #tpu.memory_space<semaphore_mem>> -> memref<1x!tpu.dma_semaphore, #tpu.memory_space<semaphore_mem>>
    %dma_start3A_568 = tpu.memref_squeeze %dma_start3A_567 : memref<1x!tpu.dma_semaphore, #tpu.memory_space<semaphore_mem>> -> memref<!tpu.dma_semaphore, #tpu.memory_space<semaphore_mem>>
    tpu.enqueue_indirect_dma source(%dma_start3A_566 : memref<8192x288xf32, #tpu.memory_space<hbm>>) target(%arg24 : memref<32x288xf32, #tpu.memory_space<vmem>>) offsets(%dma_start3A_563 : memref<32xi32, #tpu.memory_space<vmem>>) semaphore(%dma_start3A_568 : memref<!tpu.dma_semaphore, #tpu.memory_space<semaphore_mem>>)
    %dma_wait3A_569 = arith.constant 2 : i32
    %dma_wait3A_570 = arith.constant 448 : i32
    %dma_wait3A_571 = tpu.memref_slice %arg20[%dma_wait3A_570] : memref<512xi32, #tpu.memory_space<vmem>> -> memref<32xi32, #tpu.memory_space<vmem>>
    %dma_wait3A_572 = arith.constant 0 : i32
    %dma_wait3A_573 = arith.constant 0 : i32
    %dma_wait3A_574 = tpu.memref_slice %arg6[%dma_wait3A_572, %dma_wait3A_573] : memref<8192x288xf32, #tpu.memory_space<hbm>> -> memref<8192x288xf32, #tpu.memory_space<hbm>>
    %dma_wait3A_575 = tpu.memref_slice %arg25[%dma_wait3A_569] : memref<4x!tpu.dma_semaphore, #tpu.memory_space<semaphore_mem>> -> memref<1x!tpu.dma_semaphore, #tpu.memory_space<semaphore_mem>>
    %dma_wait3A_576 = tpu.memref_squeeze %dma_wait3A_575 : memref<1x!tpu.dma_semaphore, #tpu.memory_space<semaphore_mem>> -> memref<!tpu.dma_semaphore, #tpu.memory_space<semaphore_mem>>
    tpu.wait_indirect_dma semaphore(%dma_wait3A_576 : memref<!tpu.dma_semaphore, #tpu.memory_space<semaphore_mem>>) src(%dma_wait3A_574 : memref<8192x288xf32, #tpu.memory_space<hbm>>) dst(%arg23 : memref<32x288xf32, #tpu.memory_space<vmem>>)
    %dma_start3A_577 = arith.constant 14 : i32
    %dma_start3A_578 = arith.constant 2 : i32
    %dma_start3A_579 = arith.constant 0 : i32
    %dma_start3A_580 = tpu.memref_slice %arg9[%select_n3A, %dma_start3A_577, %mul3A_32, %dma_start3A_579] : memref<4x16x256x288xf32, #tpu.memory_space<hbm>> -> memref<1x1x32x288xf32, #tpu.memory_space<hbm>>
    %dma_start3A_581 = tpu.memref_squeeze %dma_start3A_580 : memref<1x1x32x288xf32, #tpu.memory_space<hbm>> -> memref<32x288xf32, #tpu.memory_space<hbm>>
    %dma_start3A_582 = tpu.memref_slice %arg26[%dma_start3A_578] : memref<4x!tpu.dma_semaphore, #tpu.memory_space<semaphore_mem>> -> memref<1x!tpu.dma_semaphore, #tpu.memory_space<semaphore_mem>>
    %dma_start3A_583 = tpu.memref_squeeze %dma_start3A_582 : memref<1x!tpu.dma_semaphore, #tpu.memory_space<semaphore_mem>> -> memref<!tpu.dma_semaphore, #tpu.memory_space<semaphore_mem>>
    %dma_start3A_584 = arith.constant 0 : i32
    %dma_start3A_585 = tpu.memref_slice %arg9[%select_n3A, %dma_start3A_577, %mul3A_32, %dma_start3A_584] : memref<4x16x256x288xf32, #tpu.memory_space<hbm>> -> memref<1x1x32x288xf32, #tpu.memory_space<hbm>>
    %dma_start3A_586 = tpu.memref_squeeze %dma_start3A_585 : memref<1x1x32x288xf32, #tpu.memory_space<hbm>> -> memref<32x288xf32, #tpu.memory_space<hbm>>
    tpu.enqueue_dma source(%arg23 : memref<32x288xf32, #tpu.memory_space<vmem>>) target(%dma_start3A_586 : memref<32x288xf32, #tpu.memory_space<hbm>>) target_semaphore(%dma_start3A_583 : memref<!tpu.dma_semaphore, #tpu.memory_space<semaphore_mem>>)
    %dma_wait3A_587 = arith.constant 3 : i32
    %dma_wait3A_588 = arith.constant 480 : i32
    %dma_wait3A_589 = tpu.memref_slice %arg20[%dma_wait3A_588] : memref<512xi32, #tpu.memory_space<vmem>> -> memref<32xi32, #tpu.memory_space<vmem>>
    %dma_wait3A_590 = arith.constant 0 : i32
    %dma_wait3A_591 = arith.constant 0 : i32
    %dma_wait3A_592 = tpu.memref_slice %arg6[%dma_wait3A_590, %dma_wait3A_591] : memref<8192x288xf32, #tpu.memory_space<hbm>> -> memref<8192x288xf32, #tpu.memory_space<hbm>>
    %dma_wait3A_593 = tpu.memref_slice %arg25[%dma_wait3A_587] : memref<4x!tpu.dma_semaphore, #tpu.memory_space<semaphore_mem>> -> memref<1x!tpu.dma_semaphore, #tpu.memory_space<semaphore_mem>>
    %dma_wait3A_594 = tpu.memref_squeeze %dma_wait3A_593 : memref<1x!tpu.dma_semaphore, #tpu.memory_space<semaphore_mem>> -> memref<!tpu.dma_semaphore, #tpu.memory_space<semaphore_mem>>
    tpu.wait_indirect_dma semaphore(%dma_wait3A_594 : memref<!tpu.dma_semaphore, #tpu.memory_space<semaphore_mem>>) src(%dma_wait3A_592 : memref<8192x288xf32, #tpu.memory_space<hbm>>) dst(%arg24 : memref<32x288xf32, #tpu.memory_space<vmem>>)
    %dma_start3A_595 = arith.constant 15 : i32
    %dma_start3A_596 = arith.constant 3 : i32
    %dma_start3A_597 = arith.constant 0 : i32
    %dma_start3A_598 = tpu.memref_slice %arg9[%select_n3A, %dma_start3A_595, %mul3A_32, %dma_start3A_597] : memref<4x16x256x288xf32, #tpu.memory_space<hbm>> -> memref<1x1x32x288xf32, #tpu.memory_space<hbm>>
    %dma_start3A_599 = tpu.memref_squeeze %dma_start3A_598 : memref<1x1x32x288xf32, #tpu.memory_space<hbm>> -> memref<32x288xf32, #tpu.memory_space<hbm>>
    %dma_start3A_600 = tpu.memref_slice %arg26[%dma_start3A_596] : memref<4x!tpu.dma_semaphore, #tpu.memory_space<semaphore_mem>> -> memref<1x!tpu.dma_semaphore, #tpu.memory_space<semaphore_mem>>
    %dma_start3A_601 = tpu.memref_squeeze %dma_start3A_600 : memref<1x!tpu.dma_semaphore, #tpu.memory_space<semaphore_mem>> -> memref<!tpu.dma_semaphore, #tpu.memory_space<semaphore_mem>>
    %dma_start3A_602 = arith.constant 0 : i32
    %dma_start3A_603 = tpu.memref_slice %arg9[%select_n3A, %dma_start3A_595, %mul3A_32, %dma_start3A_602] : memref<4x16x256x288xf32, #tpu.memory_space<hbm>> -> memref<1x1x32x288xf32, #tpu.memory_space<hbm>>
    %dma_start3A_604 = tpu.memref_squeeze %dma_start3A_603 : memref<1x1x32x288xf32, #tpu.memory_space<hbm>> -> memref<32x288xf32, #tpu.memory_space<hbm>>
    tpu.enqueue_dma source(%arg24 : memref<32x288xf32, #tpu.memory_space<vmem>>) target(%dma_start3A_604 : memref<32x288xf32, #tpu.memory_space<hbm>>) target_semaphore(%dma_start3A_601 : memref<!tpu.dma_semaphore, #tpu.memory_space<semaphore_mem>>)
    %dma_wait3A_605 = arith.constant 12 : i32
    %dma_wait3A_606 = arith.constant 0 : i32
    %dma_wait3A_607 = arith.constant 0 : i32
    %dma_wait3A_608 = tpu.memref_slice %arg9[%select_n3A, %dma_wait3A_605, %mul3A_32, %dma_wait3A_607] : memref<4x16x256x288xf32, #tpu.memory_space<hbm>> -> memref<1x1x32x288xf32, #tpu.memory_space<hbm>>
    %dma_wait3A_609 = tpu.memref_squeeze %dma_wait3A_608 : memref<1x1x32x288xf32, #tpu.memory_space<hbm>> -> memref<32x288xf32, #tpu.memory_space<hbm>>
    %dma_wait3A_610 = tpu.memref_slice %arg26[%dma_wait3A_606] : memref<4x!tpu.dma_semaphore, #tpu.memory_space<semaphore_mem>> -> memref<1x!tpu.dma_semaphore, #tpu.memory_space<semaphore_mem>>
    %dma_wait3A_611 = tpu.memref_squeeze %dma_wait3A_610 : memref<1x!tpu.dma_semaphore, #tpu.memory_space<semaphore_mem>> -> memref<!tpu.dma_semaphore, #tpu.memory_space<semaphore_mem>>
    %dma_wait3A_612 = arith.constant 0 : i32
    %dma_wait3A_613 = tpu.memref_slice %arg9[%select_n3A, %dma_wait3A_605, %mul3A_32, %dma_wait3A_612] : memref<4x16x256x288xf32, #tpu.memory_space<hbm>> -> memref<1x1x32x288xf32, #tpu.memory_space<hbm>>
    %dma_wait3A_614 = tpu.memref_squeeze %dma_wait3A_613 : memref<1x1x32x288xf32, #tpu.memory_space<hbm>> -> memref<32x288xf32, #tpu.memory_space<hbm>>
    tpu.wait_dma2 semaphore(%dma_wait3A_611 : memref<!tpu.dma_semaphore, #tpu.memory_space<semaphore_mem>>) src(%arg21 : memref<32x288xf32, #tpu.memory_space<vmem>>) dst(%dma_wait3A_614 : memref<32x288xf32, #tpu.memory_space<hbm>>)
    %dma_wait3A_615 = arith.constant 13 : i32
    %dma_wait3A_616 = arith.constant 1 : i32
    %dma_wait3A_617 = arith.constant 0 : i32
    %dma_wait3A_618 = tpu.memref_slice %arg9[%select_n3A, %dma_wait3A_615, %mul3A_32, %dma_wait3A_617] : memref<4x16x256x288xf32, #tpu.memory_space<hbm>> -> memref<1x1x32x288xf32, #tpu.memory_space<hbm>>
    %dma_wait3A_619 = tpu.memref_squeeze %dma_wait3A_618 : memref<1x1x32x288xf32, #tpu.memory_space<hbm>> -> memref<32x288xf32, #tpu.memory_space<hbm>>
    %dma_wait3A_620 = tpu.memref_slice %arg26[%dma_wait3A_616] : memref<4x!tpu.dma_semaphore, #tpu.memory_space<semaphore_mem>> -> memref<1x!tpu.dma_semaphore, #tpu.memory_space<semaphore_mem>>
    %dma_wait3A_621 = tpu.memref_squeeze %dma_wait3A_620 : memref<1x!tpu.dma_semaphore, #tpu.memory_space<semaphore_mem>> -> memref<!tpu.dma_semaphore, #tpu.memory_space<semaphore_mem>>
    %dma_wait3A_622 = arith.constant 0 : i32
    %dma_wait3A_623 = tpu.memref_slice %arg9[%select_n3A, %dma_wait3A_615, %mul3A_32, %dma_wait3A_622] : memref<4x16x256x288xf32, #tpu.memory_space<hbm>> -> memref<1x1x32x288xf32, #tpu.memory_space<hbm>>
    %dma_wait3A_624 = tpu.memref_squeeze %dma_wait3A_623 : memref<1x1x32x288xf32, #tpu.memory_space<hbm>> -> memref<32x288xf32, #tpu.memory_space<hbm>>
    tpu.wait_dma2 semaphore(%dma_wait3A_621 : memref<!tpu.dma_semaphore, #tpu.memory_space<semaphore_mem>>) src(%arg22 : memref<32x288xf32, #tpu.memory_space<vmem>>) dst(%dma_wait3A_624 : memref<32x288xf32, #tpu.memory_space<hbm>>)
    %dma_wait3A_625 = arith.constant 14 : i32
    %dma_wait3A_626 = arith.constant 2 : i32
    %dma_wait3A_627 = arith.constant 0 : i32
    %dma_wait3A_628 = tpu.memref_slice %arg9[%select_n3A, %dma_wait3A_625, %mul3A_32, %dma_wait3A_627] : memref<4x16x256x288xf32, #tpu.memory_space<hbm>> -> memref<1x1x32x288xf32, #tpu.memory_space<hbm>>
    %dma_wait3A_629 = tpu.memref_squeeze %dma_wait3A_628 : memref<1x1x32x288xf32, #tpu.memory_space<hbm>> -> memref<32x288xf32, #tpu.memory_space<hbm>>
    %dma_wait3A_630 = tpu.memref_slice %arg26[%dma_wait3A_626] : memref<4x!tpu.dma_semaphore, #tpu.memory_space<semaphore_mem>> -> memref<1x!tpu.dma_semaphore, #tpu.memory_space<semaphore_mem>>
    %dma_wait3A_631 = tpu.memref_squeeze %dma_wait3A_630 : memref<1x!tpu.dma_semaphore, #tpu.memory_space<semaphore_mem>> -> memref<!tpu.dma_semaphore, #tpu.memory_space<semaphore_mem>>
    %dma_wait3A_632 = arith.constant 0 : i32
    %dma_wait3A_633 = tpu.memref_slice %arg9[%select_n3A, %dma_wait3A_625, %mul3A_32, %dma_wait3A_632] : memref<4x16x256x288xf32, #tpu.memory_space<hbm>> -> memref<1x1x32x288xf32, #tpu.memory_space<hbm>>
    %dma_wait3A_634 = tpu.memref_squeeze %dma_wait3A_633 : memref<1x1x32x288xf32, #tpu.memory_space<hbm>> -> memref<32x288xf32, #tpu.memory_space<hbm>>
    tpu.wait_dma2 semaphore(%dma_wait3A_631 : memref<!tpu.dma_semaphore, #tpu.memory_space<semaphore_mem>>) src(%arg23 : memref<32x288xf32, #tpu.memory_space<vmem>>) dst(%dma_wait3A_634 : memref<32x288xf32, #tpu.memory_space<hbm>>)
    %dma_wait3A_635 = arith.constant 15 : i32
    %dma_wait3A_636 = arith.constant 3 : i32
    %dma_wait3A_637 = arith.constant 0 : i32
    %dma_wait3A_638 = tpu.memref_slice %arg9[%select_n3A, %dma_wait3A_635, %mul3A_32, %dma_wait3A_637] : memref<4x16x256x288xf32, #tpu.memory_space<hbm>> -> memref<1x1x32x288xf32, #tpu.memory_space<hbm>>
    %dma_wait3A_639 = tpu.memref_squeeze %dma_wait3A_638 : memref<1x1x32x288xf32, #tpu.memory_space<hbm>> -> memref<32x288xf32, #tpu.memory_space<hbm>>
    %dma_wait3A_640 = tpu.memref_slice %arg26[%dma_wait3A_636] : memref<4x!tpu.dma_semaphore, #tpu.memory_space<semaphore_mem>> -> memref<1x!tpu.dma_semaphore, #tpu.memory_space<semaphore_mem>>
    %dma_wait3A_641 = tpu.memref_squeeze %dma_wait3A_640 : memref<1x!tpu.dma_semaphore, #tpu.memory_space<semaphore_mem>> -> memref<!tpu.dma_semaphore, #tpu.memory_space<semaphore_mem>>
    %dma_wait3A_642 = arith.constant 0 : i32
    %dma_wait3A_643 = tpu.memref_slice %arg9[%select_n3A, %dma_wait3A_635, %mul3A_32, %dma_wait3A_642] : memref<4x16x256x288xf32, #tpu.memory_space<hbm>> -> memref<1x1x32x288xf32, #tpu.memory_space<hbm>>
    %dma_wait3A_644 = tpu.memref_squeeze %dma_wait3A_643 : memref<1x1x32x288xf32, #tpu.memory_space<hbm>> -> memref<32x288xf32, #tpu.memory_space<hbm>>
    tpu.wait_dma2 semaphore(%dma_wait3A_641 : memref<!tpu.dma_semaphore, #tpu.memory_space<semaphore_mem>>) src(%arg24 : memref<32x288xf32, #tpu.memory_space<vmem>>) dst(%dma_wait3A_644 : memref<32x288xf32, #tpu.memory_space<hbm>>)
    return
  }
}

#map = affine_map<(d0, d1) -> (0, 0)>
#map1 = affine_map<(d0, d1) -> (0, 0, 0)>
#map2 = affine_map<(d0, d1) -> (0, 0, 0, 0)>
module attributes {stable_mosaic.version = 14 : i64} {
  func.func @_ballq_body(%arg0: i32, %arg1: i32, %arg2: memref<4x2048xf32, #tpu.memory_space<hbm>>, %arg3: memref<4x2048xf32, #tpu.memory_space<hbm>>, %arg4: memref<4x2048xf32, #tpu.memory_space<hbm>>, %arg5: memref<4x256xi32, #tpu.memory_space<hbm>>, %arg6: memref<8192x288xf32, #tpu.memory_space<hbm>>, %arg7: memref<4x256x3xf32, #tpu.memory_space<hbm>>, %arg8: memref<4x16x256x3xf32, #tpu.memory_space<hbm>>, %arg9: memref<4x16x256x288xf32, #tpu.memory_space<hbm>>, %arg10: memref<2048xf32, #tpu.memory_space<vmem>>, %arg11: memref<2048xf32, #tpu.memory_space<vmem>>, %arg12: memref<2048xf32, #tpu.memory_space<vmem>>, %arg13: memref<32xi32, #tpu.memory_space<vmem>>, %arg14: memref<48xf32, #tpu.memory_space<vmem>>, %arg15: memref<48xf32, #tpu.memory_space<vmem>>, %arg16: memref<48xf32, #tpu.memory_space<vmem>>, %arg17: memref<32x3xf32, #tpu.memory_space<vmem>>, %arg18: memref<32xi32, #tpu.memory_space<vmem>>, %arg19: memref<16x32x3xf32, #tpu.memory_space<vmem>>, %arg20: memref<512xi32, #tpu.memory_space<vmem>>, %arg21: memref<32x288xf32, #tpu.memory_space<vmem>>, %arg22: memref<32x288xf32, #tpu.memory_space<vmem>>, %arg23: memref<32x288xf32, #tpu.memory_space<vmem>>, %arg24: memref<32x288xf32, #tpu.memory_space<vmem>>, %arg25: memref<4x!tpu.dma_semaphore, #tpu.memory_space<semaphore_mem>>, %arg26: memref<4x!tpu.dma_semaphore, #tpu.memory_space<semaphore_mem>>) attributes {dimension_semantics = [#tpu.dimension_semantics<core_parallel>, #tpu.dimension_semantics<subcore_parallel>], iteration_bounds = array<i64: 2, 16>, scalar_prefetch = 0 : i64, scratch_operands = 17 : i64, tpu.core_type = #tpu.core_type<sc_vector_subcore>, window_params = [{transform_indices = #map}, {transform_indices = #map}, {transform_indices = #map}, {transform_indices = #map}, {transform_indices = #map}, {transform_indices = #map1}, {transform_indices = #map2}, {transform_indices = #map2}]} {
    %mul3A = arith.constant 2 : i32
    %mul3A_0 = arith.muli %arg1, %mul3A : i32
    %add3A = arith.addi %mul3A_0, %arg0 : i32
    %jit3A = arith.constant 8 : i32
    %div3A = arith.divsi %add3A, %jit3A : i32
    %sign3A = arith.constant 0 : i32
    %sign3A_1 = arith.cmpi sgt, %add3A, %sign3A : i32
    %sign3A_2 = arith.extui %sign3A_1 : i1 to i32
    %sign3A_3 = arith.constant 0 : i32
    %sign3A_4 = arith.cmpi slt, %add3A, %sign3A_3 : i32
    %sign3A_5 = arith.extui %sign3A_4 : i1 to i32
    %sign3A_6 = arith.subi %sign3A_2, %sign3A_5 : i32
    %sign3A_7 = arith.constant 0 : i32
    %sign3A_8 = arith.cmpi sgt, %jit3A, %sign3A_7 : i32
    %sign3A_9 = arith.extui %sign3A_8 : i1 to i32
    %sign3A_10 = arith.constant 0 : i32
    %sign3A_11 = arith.cmpi slt, %jit3A, %sign3A_10 : i32
    %sign3A_12 = arith.extui %sign3A_11 : i1 to i32
    %sign3A_13 = arith.subi %sign3A_9, %sign3A_12 : i32
    %ne3A = arith.cmpi ne, %sign3A_6, %sign3A_13 : i32
    %rem3A = arith.remsi %add3A, %jit3A : i32
    %ne3A_14 = arith.constant 0 : i32
    %ne3A_15 = arith.cmpi ne, %rem3A, %ne3A_14 : i32
    %and3A = arith.andi %ne3A, %ne3A_15 : i1
    %sub3A = arith.constant 1 : i32
    %sub3A_16 = arith.subi %div3A, %sub3A : i32
    %select_n3A = arith.select %and3A, %sub3A_16, %div3A : i32
    %jit3A_17 = arith.constant 8 : i32
    %eq3A = arith.constant 0 : i32
    %eq3A_18 = arith.cmpi eq, %jit3A_17, %eq3A : i32
    %jit3A_19 = arith.constant 1 : i32
    %select_n3A_20 = arith.select %eq3A_18, %jit3A_19, %jit3A_17 : i32
    %rem3A_21 = arith.remsi %add3A, %select_n3A_20 : i32
    %ne3A_22 = arith.constant 0 : i32
    %ne3A_23 = arith.cmpi ne, %rem3A_21, %ne3A_22 : i32
    %lt3A = arith.constant 0 : i32
    %lt3A_24 = arith.cmpi slt, %rem3A_21, %lt3A : i32
    %lt3A_25 = arith.constant 0 : i32
    %lt3A_26 = arith.cmpi slt, %select_n3A_20, %lt3A_25 : i32
    %ne3A_27 = arith.xori %lt3A_24, %lt3A_26 : i1
    %and3A_28 = arith.andi %ne3A_27, %ne3A_23 : i1
    %add3A_29 = arith.addi %rem3A_21, %select_n3A_20 : i32
    %select_n3A_30 = arith.select %and3A_28, %add3A_29, %rem3A_21 : i32
    %mul3A_31 = arith.constant 32 : i32
    %mul3A_32 = arith.muli %select_n3A_30, %mul3A_31 : i32
    "tpu.region"() ({
      %run_scoped3A = tpu.sem_alloc : memref<!tpu.dma_semaphore, #tpu.memory_space<semaphore_mem>>
      %dma_start3A_645 = arith.constant 0 : i32
      %dma_start3A_646 = tpu.memref_slice %arg2[%select_n3A, %dma_start3A_645] : memref<4x2048xf32, #tpu.memory_space<hbm>> -> memref<1x2048xf32, #tpu.memory_space<hbm>>
      %dma_start3A_647 = tpu.memref_squeeze %dma_start3A_646 : memref<1x2048xf32, #tpu.memory_space<hbm>> -> memref<2048xf32, #tpu.memory_space<hbm>>
      %dma_start3A_648 = arith.constant 0 : i32
      %dma_start3A_649 = tpu.memref_slice %arg2[%select_n3A, %dma_start3A_648] : memref<4x2048xf32, #tpu.memory_space<hbm>> -> memref<1x2048xf32, #tpu.memory_space<hbm>>
      %dma_start3A_650 = tpu.memref_squeeze %dma_start3A_649 : memref<1x2048xf32, #tpu.memory_space<hbm>> -> memref<2048xf32, #tpu.memory_space<hbm>>
      tpu.enqueue_dma source(%dma_start3A_650 : memref<2048xf32, #tpu.memory_space<hbm>>) target(%arg10 : memref<2048xf32, #tpu.memory_space<vmem>>) target_semaphore(%run_scoped3A : memref<!tpu.dma_semaphore, #tpu.memory_space<semaphore_mem>>)
      %dma_wait3A_651 = arith.constant 0 : i32
      %dma_wait3A_652 = tpu.memref_slice %arg2[%select_n3A, %dma_wait3A_651] : memref<4x2048xf32, #tpu.memory_space<hbm>> -> memref<1x2048xf32, #tpu.memory_space<hbm>>
      %dma_wait3A_653 = tpu.memref_squeeze %dma_wait3A_652 : memref<1x2048xf32, #tpu.memory_space<hbm>> -> memref<2048xf32, #tpu.memory_space<hbm>>
      %dma_wait3A_654 = arith.constant 0 : i32
      %dma_wait3A_655 = tpu.memref_slice %arg2[%select_n3A, %dma_wait3A_654] : memref<4x2048xf32, #tpu.memory_space<hbm>> -> memref<1x2048xf32, #tpu.memory_space<hbm>>
      %dma_wait3A_656 = tpu.memref_squeeze %dma_wait3A_655 : memref<1x2048xf32, #tpu.memory_space<hbm>> -> memref<2048xf32, #tpu.memory_space<hbm>>
      tpu.wait_dma2 semaphore(%run_scoped3A : memref<!tpu.dma_semaphore, #tpu.memory_space<semaphore_mem>>) src(%dma_wait3A_656 : memref<2048xf32, #tpu.memory_space<hbm>>) dst(%arg10 : memref<2048xf32, #tpu.memory_space<vmem>>)
      tpu.yield
    }) : () -> ()
    "tpu.region"() ({
      %run_scoped3A = tpu.sem_alloc : memref<!tpu.dma_semaphore, #tpu.memory_space<semaphore_mem>>
      %dma_start3A_645 = arith.constant 0 : i32
      %dma_start3A_646 = tpu.memref_slice %arg3[%select_n3A, %dma_start3A_645] : memref<4x2048xf32, #tpu.memory_space<hbm>> -> memref<1x2048xf32, #tpu.memory_space<hbm>>
      %dma_start3A_647 = tpu.memref_squeeze %dma_start3A_646 : memref<1x2048xf32, #tpu.memory_space<hbm>> -> memref<2048xf32, #tpu.memory_space<hbm>>
      %dma_start3A_648 = arith.constant 0 : i32
      %dma_start3A_649 = tpu.memref_slice %arg3[%select_n3A, %dma_start3A_648] : memref<4x2048xf32, #tpu.memory_space<hbm>> -> memref<1x2048xf32, #tpu.memory_space<hbm>>
      %dma_start3A_650 = tpu.memref_squeeze %dma_start3A_649 : memref<1x2048xf32, #tpu.memory_space<hbm>> -> memref<2048xf32, #tpu.memory_space<hbm>>
      tpu.enqueue_dma source(%dma_start3A_650 : memref<2048xf32, #tpu.memory_space<hbm>>) target(%arg11 : memref<2048xf32, #tpu.memory_space<vmem>>) target_semaphore(%run_scoped3A : memref<!tpu.dma_semaphore, #tpu.memory_space<semaphore_mem>>)
      %dma_wait3A_651 = arith.constant 0 : i32
      %dma_wait3A_652 = tpu.memref_slice %arg3[%select_n3A, %dma_wait3A_651] : memref<4x2048xf32, #tpu.memory_space<hbm>> -> memref<1x2048xf32, #tpu.memory_space<hbm>>
      %dma_wait3A_653 = tpu.memref_squeeze %dma_wait3A_652 : memref<1x2048xf32, #tpu.memory_space<hbm>> -> memref<2048xf32, #tpu.memory_space<hbm>>
      %dma_wait3A_654 = arith.constant 0 : i32
      %dma_wait3A_655 = tpu.memref_slice %arg3[%select_n3A, %dma_wait3A_654] : memref<4x2048xf32, #tpu.memory_space<hbm>> -> memref<1x2048xf32, #tpu.memory_space<hbm>>
      %dma_wait3A_656 = tpu.memref_squeeze %dma_wait3A_655 : memref<1x2048xf32, #tpu.memory_space<hbm>> -> memref<2048xf32, #tpu.memory_space<hbm>>
      tpu.wait_dma2 semaphore(%run_scoped3A : memref<!tpu.dma_semaphore, #tpu.memory_space<semaphore_mem>>) src(%dma_wait3A_656 : memref<2048xf32, #tpu.memory_space<hbm>>) dst(%arg11 : memref<2048xf32, #tpu.memory_space<vmem>>)
      tpu.yield
    }) : () -> ()
    "tpu.region"() ({
      %run_scoped3A = tpu.sem_alloc : memref<!tpu.dma_semaphore, #tpu.memory_space<semaphore_mem>>
      %dma_start3A_645 = arith.constant 0 : i32
      %dma_start3A_646 = tpu.memref_slice %arg4[%select_n3A, %dma_start3A_645] : memref<4x2048xf32, #tpu.memory_space<hbm>> -> memref<1x2048xf32, #tpu.memory_space<hbm>>
      %dma_start3A_647 = tpu.memref_squeeze %dma_start3A_646 : memref<1x2048xf32, #tpu.memory_space<hbm>> -> memref<2048xf32, #tpu.memory_space<hbm>>
      %dma_start3A_648 = arith.constant 0 : i32
      %dma_start3A_649 = tpu.memref_slice %arg4[%select_n3A, %dma_start3A_648] : memref<4x2048xf32, #tpu.memory_space<hbm>> -> memref<1x2048xf32, #tpu.memory_space<hbm>>
      %dma_start3A_650 = tpu.memref_squeeze %dma_start3A_649 : memref<1x2048xf32, #tpu.memory_space<hbm>> -> memref<2048xf32, #tpu.memory_space<hbm>>
      tpu.enqueue_dma source(%dma_start3A_650 : memref<2048xf32, #tpu.memory_space<hbm>>) target(%arg12 : memref<2048xf32, #tpu.memory_space<vmem>>) target_semaphore(%run_scoped3A : memref<!tpu.dma_semaphore, #tpu.memory_space<semaphore_mem>>)
      %dma_wait3A_651 = arith.constant 0 : i32
      %dma_wait3A_652 = tpu.memref_slice %arg4[%select_n3A, %dma_wait3A_651] : memref<4x2048xf32, #tpu.memory_space<hbm>> -> memref<1x2048xf32, #tpu.memory_space<hbm>>
      %dma_wait3A_653 = tpu.memref_squeeze %dma_wait3A_652 : memref<1x2048xf32, #tpu.memory_space<hbm>> -> memref<2048xf32, #tpu.memory_space<hbm>>
      %dma_wait3A_654 = arith.constant 0 : i32
      %dma_wait3A_655 = tpu.memref_slice %arg4[%select_n3A, %dma_wait3A_654] : memref<4x2048xf32, #tpu.memory_space<hbm>> -> memref<1x2048xf32, #tpu.memory_space<hbm>>
      %dma_wait3A_656 = tpu.memref_squeeze %dma_wait3A_655 : memref<1x2048xf32, #tpu.memory_space<hbm>> -> memref<2048xf32, #tpu.memory_space<hbm>>
      tpu.wait_dma2 semaphore(%run_scoped3A : memref<!tpu.dma_semaphore, #tpu.memory_space<semaphore_mem>>) src(%dma_wait3A_656 : memref<2048xf32, #tpu.memory_space<hbm>>) dst(%arg12 : memref<2048xf32, #tpu.memory_space<vmem>>)
      tpu.yield
    }) : () -> ()
    "tpu.region"() ({
      %run_scoped3A = tpu.sem_alloc : memref<!tpu.dma_semaphore, #tpu.memory_space<semaphore_mem>>
      %dma_start3A_645 = tpu.memref_slice %arg5[%select_n3A, %mul3A_32] : memref<4x256xi32, #tpu.memory_space<hbm>> -> memref<1x32xi32, #tpu.memory_space<hbm>>
      %dma_start3A_646 = tpu.memref_squeeze %dma_start3A_645 : memref<1x32xi32, #tpu.memory_space<hbm>> -> memref<32xi32, #tpu.memory_space<hbm>>
      %dma_start3A_647 = tpu.memref_slice %arg5[%select_n3A, %mul3A_32] : memref<4x256xi32, #tpu.memory_space<hbm>> -> memref<1x32xi32, #tpu.memory_space<hbm>>
      %dma_start3A_648 = tpu.memref_squeeze %dma_start3A_647 : memref<1x32xi32, #tpu.memory_space<hbm>> -> memref<32xi32, #tpu.memory_space<hbm>>
      tpu.enqueue_dma source(%dma_start3A_648 : memref<32xi32, #tpu.memory_space<hbm>>) target(%arg13 : memref<32xi32, #tpu.memory_space<vmem>>) target_semaphore(%run_scoped3A : memref<!tpu.dma_semaphore, #tpu.memory_space<semaphore_mem>>)
      %dma_wait3A_649 = tpu.memref_slice %arg5[%select_n3A, %mul3A_32] : memref<4x256xi32, #tpu.memory_space<hbm>> -> memref<1x32xi32, #tpu.memory_space<hbm>>
      %dma_wait3A_650 = tpu.memref_squeeze %dma_wait3A_649 : memref<1x32xi32, #tpu.memory_space<hbm>> -> memref<32xi32, #tpu.memory_space<hbm>>
      %dma_wait3A_651 = tpu.memref_slice %arg5[%select_n3A, %mul3A_32] : memref<4x256xi32, #tpu.memory_space<hbm>> -> memref<1x32xi32, #tpu.memory_space<hbm>>
      %dma_wait3A_652 = tpu.memref_squeeze %dma_wait3A_651 : memref<1x32xi32, #tpu.memory_space<hbm>> -> memref<32xi32, #tpu.memory_space<hbm>>
      tpu.wait_dma2 semaphore(%run_scoped3A : memref<!tpu.dma_semaphore, #tpu.memory_space<semaphore_mem>>) src(%dma_wait3A_652 : memref<32xi32, #tpu.memory_space<hbm>>) dst(%arg13 : memref<32xi32, #tpu.memory_space<vmem>>)
      tpu.yield
    }) : () -> ()
    %iota3A = tpu.iota {dimensions = array<i32: 0>} : vector<16xi32>
    %broadcast_in_dim3A = arith.constant 0 : i32
    %broadcast_in_dim3A_33 = vector.broadcast %broadcast_in_dim3A : i32 to vector<16xi32>
    %broadcast_in_dim3A_34 = arith.constant 1 : i32
    %broadcast_in_dim3A_35 = vector.broadcast %broadcast_in_dim3A_34 : i32 to vector<16xi32>
    %broadcast_in_dim3A_36 = arith.constant 2 : i32
    %broadcast_in_dim3A_37 = vector.broadcast %broadcast_in_dim3A_36 : i32 to vector<16xi32>
    %get3A = arith.constant 0 : index
    %get3A_38 = tpu.vector_load %arg13[%get3A] {strides = array<i32>} : memref<32xi32, #tpu.memory_space<vmem>>, vector<16xi32>,
    %gather3A = tpu.vector_load_idx %arg10[%get3A_38] : memref<2048xf32, #tpu.memory_space<vmem>>[vector<16xi32>], vector<16xf32>,
    %gather3A_39 = tpu.vector_load_idx %arg11[%get3A_38] : memref<2048xf32, #tpu.memory_space<vmem>>[vector<16xi32>], vector<16xf32>,
    %gather3A_40 = tpu.vector_load_idx %arg12[%get3A_38] : memref<2048xf32, #tpu.memory_space<vmem>>[vector<16xi32>], vector<16xf32>,
    %swap3A = arith.constant 0 : index
    %swap3A_41 = tpu.vector_load %arg14[%swap3A] {strides = array<i32>} : memref<48xf32, #tpu.memory_space<vmem>>, vector<16xf32>,
    tpu.vector_store %arg14[%swap3A], %gather3A {strides = array<i32>} : memref<48xf32, #tpu.memory_space<vmem>>, vector<16xf32>,
    %swap3A_42 = arith.constant 0 : index
    %swap3A_43 = tpu.vector_load %arg15[%swap3A_42] {strides = array<i32>} : memref<48xf32, #tpu.memory_space<vmem>>, vector<16xf32>,
    tpu.vector_store %arg15[%swap3A_42], %gather3A_39 {strides = array<i32>} : memref<48xf32, #tpu.memory_space<vmem>>, vector<16xf32>,
    %swap3A_44 = arith.constant 0 : index
    %swap3A_45 = tpu.vector_load %arg16[%swap3A_44] {strides = array<i32>} : memref<48xf32, #tpu.memory_space<vmem>>, vector<16xf32>,
    tpu.vector_store %arg16[%swap3A_44], %gather3A_40 {strides = array<i32>} : memref<48xf32, #tpu.memory_space<vmem>>, vector<16xf32>,
    %add3A_46 = arith.constant 0 : i32
    %add3A_47 = vector.broadcast %add3A_46 : i32 to vector<16xi32>
    %add3A_48 = arith.addi %iota3A, %add3A_47 : vector<16xi32>
    tpu.vector_store_idx %arg17[%add3A_48, %broadcast_in_dim3A_33], %gather3A : memref<32x3xf32, #tpu.memory_space<vmem>>[vector<16xi32>, vector<16xi32>], vector<16xf32>,
    tpu.vector_store_idx %arg17[%add3A_48, %broadcast_in_dim3A_35], %gather3A_39 : memref<32x3xf32, #tpu.memory_space<vmem>>[vector<16xi32>, vector<16xi32>], vector<16xf32>,
    tpu.vector_store_idx %arg17[%add3A_48, %broadcast_in_dim3A_37], %gather3A_40 : memref<32x3xf32, #tpu.memory_space<vmem>>[vector<16xi32>, vector<16xi32>], vector<16xf32>,
    %get3A_49 = arith.constant 16 : index
    %get3A_50 = tpu.vector_load %arg13[%get3A_49] {strides = array<i32>} : memref<32xi32, #tpu.memory_space<vmem>>, vector<16xi32>,
    %gather3A_51 = tpu.vector_load_idx %arg10[%get3A_50] : memref<2048xf32, #tpu.memory_space<vmem>>[vector<16xi32>], vector<16xf32>,
    %gather3A_52 = tpu.vector_load_idx %arg11[%get3A_50] : memref<2048xf32, #tpu.memory_space<vmem>>[vector<16xi32>], vector<16xf32>,
    %gather3A_53 = tpu.vector_load_idx %arg12[%get3A_50] : memref<2048xf32, #tpu.memory_space<vmem>>[vector<16xi32>], vector<16xf32>,
    %swap3A_54 = arith.constant 16 : index
    %swap3A_55 = tpu.vector_load %arg14[%swap3A_54] {strides = array<i32>} : memref<48xf32, #tpu.memory_space<vmem>>, vector<16xf32>,
    tpu.vector_store %arg14[%swap3A_54], %gather3A_51 {strides = array<i32>} : memref<48xf32, #tpu.memory_space<vmem>>, vector<16xf32>,
    %swap3A_56 = arith.constant 16 : index
    %swap3A_57 = tpu.vector_load %arg15[%swap3A_56] {strides = array<i32>} : memref<48xf32, #tpu.memory_space<vmem>>, vector<16xf32>,
    tpu.vector_store %arg15[%swap3A_56], %gather3A_52 {strides = array<i32>} : memref<48xf32, #tpu.memory_space<vmem>>, vector<16xf32>,
    %swap3A_58 = arith.constant 16 : index
    %swap3A_59 = tpu.vector_load %arg16[%swap3A_58] {strides = array<i32>} : memref<48xf32, #tpu.memory_space<vmem>>, vector<16xf32>,
    tpu.vector_store %arg16[%swap3A_58], %gather3A_53 {strides = array<i32>} : memref<48xf32, #tpu.memory_space<vmem>>, vector<16xf32>,
    %add3A_60 = arith.constant 16 : i32
    %add3A_61 = vector.broadcast %add3A_60 : i32 to vector<16xi32>
    %add3A_62 = arith.addi %iota3A, %add3A_61 : vector<16xi32>
    tpu.vector_store_idx %arg17[%add3A_62, %broadcast_in_dim3A_33], %gather3A_51 : memref<32x3xf32, #tpu.memory_space<vmem>>[vector<16xi32>, vector<16xi32>], vector<16xf32>,
    tpu.vector_store_idx %arg17[%add3A_62, %broadcast_in_dim3A_35], %gather3A_52 : memref<32x3xf32, #tpu.memory_space<vmem>>[vector<16xi32>, vector<16xi32>], vector<16xf32>,
    tpu.vector_store_idx %arg17[%add3A_62, %broadcast_in_dim3A_37], %gather3A_53 : memref<32x3xf32, #tpu.memory_space<vmem>>[vector<16xi32>, vector<16xi32>], vector<16xf32>,
    "tpu.region"() ({
      %run_scoped3A = tpu.sem_alloc : memref<!tpu.dma_semaphore, #tpu.memory_space<semaphore_mem>>
      %dma_start3A_645 = arith.constant 0 : i32
      %dma_start3A_646 = tpu.memref_slice %arg7[%select_n3A, %mul3A_32, %dma_start3A_645] : memref<4x256x3xf32, #tpu.memory_space<hbm>> -> memref<1x32x3xf32, #tpu.memory_space<hbm>>
      %dma_start3A_647 = tpu.memref_squeeze %dma_start3A_646 : memref<1x32x3xf32, #tpu.memory_space<hbm>> -> memref<32x3xf32, #tpu.memory_space<hbm>>
      %dma_start3A_648 = arith.constant 0 : i32
      %dma_start3A_649 = tpu.memref_slice %arg7[%select_n3A, %mul3A_32, %dma_start3A_648] : memref<4x256x3xf32, #tpu.memory_space<hbm>> -> memref<1x32x3xf32, #tpu.memory_space<hbm>>
      %dma_start3A_650 = tpu.memref_squeeze %dma_start3A_649 : memref<1x32x3xf32, #tpu.memory_space<hbm>> -> memref<32x3xf32, #tpu.memory_space<hbm>>
      tpu.enqueue_dma source(%arg17 : memref<32x3xf32, #tpu.memory_space<vmem>>) target(%dma_start3A_650 : memref<32x3xf32, #tpu.memory_space<hbm>>) target_semaphore(%run_scoped3A : memref<!tpu.dma_semaphore, #tpu.memory_space<semaphore_mem>>)
      %dma_wait3A_651 = arith.constant 0 : i32
      %dma_wait3A_652 = tpu.memref_slice %arg7[%select_n3A, %mul3A_32, %dma_wait3A_651] : memref<4x256x3xf32, #tpu.memory_space<hbm>> -> memref<1x32x3xf32, #tpu.memory_space<hbm>>
      %dma_wait3A_653 = tpu.memref_squeeze %dma_wait3A_652 : memref<1x32x3xf32, #tpu.memory_space<hbm>> -> memref<32x3xf32, #tpu.memory_space<hbm>>
      %dma_wait3A_654 = arith.constant 0 : i32
      %dma_wait3A_655 = tpu.memref_slice %arg7[%select_n3A, %mul3A_32, %dma_wait3A_654] : memref<4x256x3xf32, #tpu.memory_space<hbm>> -> memref<1x32x3xf32, #tpu.memory_space<hbm>>
      %dma_wait3A_656 = tpu.memref_squeeze %dma_wait3A_655 : memref<1x32x3xf32, #tpu.memory_space<hbm>> -> memref<32x3xf32, #tpu.memory_space<hbm>>
      tpu.wait_dma2 semaphore(%run_scoped3A : memref<!tpu.dma_semaphore, #tpu.memory_space<semaphore_mem>>) src(%arg17 : memref<32x3xf32, #tpu.memory_space<vmem>>) dst(%dma_wait3A_656 : memref<32x3xf32, #tpu.memory_space<hbm>>)
      tpu.yield
    }) : () -> ()
    %scan3A = arith.constant 9.000000e-02 : f32
    %scan3A_63 = arith.constant 3.000000e-01 : f32
    %scan3A_64 = arith.constant 0 : i32
    %scan3A_65 = arith.constant 0 : i32
    %scan3A_66 = arith.constant 32 : i32
    %scan3A_67 = arith.addi %scan3A_65, %scan3A_66 : i32
    %scan3A_68 = arith.constant 1 : i32
    %scan3A_69 = scf.for %scan3A_645 = %scan3A_65 to %scan3A_67 step %scan3A_68 iter_args(%scan3A_646 = %scan3A_64) -> (i32)  : i32 {
      %get3A_647 = arith.index_cast %scan3A_645 : i32 to index
      %get3A_648 = tpu.vector_load %arg14[%get3A_647] {strides = array<i32>} : memref<48xf32, #tpu.memory_space<vmem>>, vector<16xf32>,
      %slice3A = vector.extract_strided_slice %get3A_648 {offsets = [0], sizes = [1], strides = [1]} : vector<16xf32> to vector<1xf32>
      %squeeze3A = vector.extract %slice3A[0] : f32 from vector<1xf32>
      %broadcast_in_dim3A_649 = vector.broadcast %squeeze3A : f32 to vector<16xf32>
      %get3A_650 = arith.index_cast %scan3A_645 : i32 to index
      %get3A_651 = tpu.vector_load %arg15[%get3A_650] {strides = array<i32>} : memref<48xf32, #tpu.memory_space<vmem>>, vector<16xf32>,
      %slice3A_652 = vector.extract_strided_slice %get3A_651 {offsets = [0], sizes = [1], strides = [1]} : vector<16xf32> to vector<1xf32>
      %squeeze3A_653 = vector.extract %slice3A_652[0] : f32 from vector<1xf32>
      %broadcast_in_dim3A_654 = vector.broadcast %squeeze3A_653 : f32 to vector<16xf32>
      %get3A_655 = arith.index_cast %scan3A_645 : i32 to index
      %get3A_656 = tpu.vector_load %arg16[%get3A_655] {strides = array<i32>} : memref<48xf32, #tpu.memory_space<vmem>>, vector<16xf32>,
      %slice3A_657 = vector.extract_strided_slice %get3A_656 {offsets = [0], sizes = [1], strides = [1]} : vector<16xf32> to vector<1xf32>
      %squeeze3A_658 = vector.extract %slice3A_657[0] : f32 from vector<1xf32>
      %broadcast_in_dim3A_659 = vector.broadcast %squeeze3A_658 : f32 to vector<16xf32>
      %scan3A_660 = arith.constant 0 : i32
      %scan3A_661 = arith.constant 0 : i32
      %scan3A_662 = arith.constant 32 : i32
      %scan3A_663 = arith.addi %scan3A_661, %scan3A_662 : i32
      %scan3A_664 = arith.constant 1 : i32
      %scan3A_665 = scf.for %scan3A_698 = %scan3A_661 to %scan3A_663 step %scan3A_664 iter_args(%scan3A_699 = %scan3A_660) -> (i32)  : i32 {
        %mul3A_700 = arith.constant 64 : i32
        %mul3A_701 = arith.muli %scan3A_698, %mul3A_700 : i32
        %add3A_702 = arith.constant 0 : i32
        %add3A_703 = arith.addi %mul3A_701, %add3A_702 : i32
        %get3A_704 = arith.index_cast %add3A_703 : i32 to index
        %get3A_705 = tpu.vector_load %arg10[%get3A_704] {strides = array<i32>} : memref<2048xf32, #tpu.memory_space<vmem>>, vector<16xf32>,
        %get3A_706 = arith.index_cast %add3A_703 : i32 to index
        %get3A_707 = tpu.vector_load %arg11[%get3A_706] {strides = array<i32>} : memref<2048xf32, #tpu.memory_space<vmem>>, vector<16xf32>,
        %get3A_708 = arith.index_cast %add3A_703 : i32 to index
        %get3A_709 = tpu.vector_load %arg12[%get3A_708] {strides = array<i32>} : memref<2048xf32, #tpu.memory_space<vmem>>, vector<16xf32>,
        %sub3A_710 = arith.subf %get3A_705, %broadcast_in_dim3A_649 : vector<16xf32>
        %sub3A_711 = arith.subf %get3A_707, %broadcast_in_dim3A_654 : vector<16xf32>
        %sub3A_712 = arith.subf %get3A_709, %broadcast_in_dim3A_659 : vector<16xf32>
        %mul3A_713 = arith.mulf %sub3A_710, %sub3A_710 : vector<16xf32>
        %mul3A_714 = arith.mulf %sub3A_711, %sub3A_711 : vector<16xf32>
        %add3A_715 = arith.addf %mul3A_713, %mul3A_714 : vector<16xf32>
        %mul3A_716 = arith.mulf %sub3A_712, %sub3A_712 : vector<16xf32>
        %add3A_717 = arith.addf %add3A_715, %mul3A_716 : vector<16xf32>
        %lt3A_718 = vector.broadcast %scan3A : f32 to vector<16xf32>
        %lt3A_719 = arith.cmpf olt, %add3A_717, %lt3A_718 : vector<16xf32>
        %all_reduce_population_count3A = tpu.all_reduce %lt3A_719 {dim = 0 : i64, kind = #tpu.reduction_kind<sum>} : vector<16xi1> -> vector<16xi32>
        %slice3A_720 = vector.extract_strided_slice %all_reduce_population_count3A {offsets = [0], sizes = [1], strides = [1]} : vector<16xi32> to vector<1xi32>
        %squeeze3A_721 = vector.extract %slice3A_720[0] : i32 from vector<1xi32>
        %min3A_722 = arith.constant 16 : i32
        %min3A_723 = arith.minsi %scan3A_699, %min3A_722 : i32
        %add3A_724 = vector.broadcast %add3A_703 : i32 to vector<16xi32>
        %add3A_725 = arith.addi %iota3A, %add3A_724 : vector<16xi32>
        %swap3A_726 = arith.index_cast %min3A_723 : i32 to index
        %swap3A_727 = tpu.vector_load %arg18[%swap3A_726] masked %lt3A_719 {strides = array<i32>} : memref<32xi32, #tpu.memory_space<vmem>>, vector<16xi32>, vector<16xi1>
        tpu.vector_store %arg18[%swap3A_726], %add3A_725 masked %lt3A_719 {strides = array<i32>} : memref<32xi32, #tpu.memory_space<vmem>>, vector<16xi32>, vector<16xi1>
        %add3A_728 = arith.addi %scan3A_699, %squeeze3A_721 : i32
        %mul3A_729 = arith.constant 64 : i32
        %mul3A_730 = arith.muli %scan3A_698, %mul3A_729 : i32
        %add3A_731 = arith.constant 16 : i32
        %add3A_732 = arith.addi %mul3A_730, %add3A_731 : i32
        %get3A_733 = arith.index_cast %add3A_732 : i32 to index
        %get3A_734 = tpu.vector_load %arg10[%get3A_733] {strides = array<i32>} : memref<2048xf32, #tpu.memory_space<vmem>>, vector<16xf32>,
        %get3A_735 = arith.index_cast %add3A_732 : i32 to index
        %get3A_736 = tpu.vector_load %arg11[%get3A_735] {strides = array<i32>} : memref<2048xf32, #tpu.memory_space<vmem>>, vector<16xf32>,
        %get3A_737 = arith.index_cast %add3A_732 : i32 to index
        %get3A_738 = tpu.vector_load %arg12[%get3A_737] {strides = array<i32>} : memref<2048xf32, #tpu.memory_space<vmem>>, vector<16xf32>,
        %sub3A_739 = arith.subf %get3A_734, %broadcast_in_dim3A_649 : vector<16xf32>
        %sub3A_740 = arith.subf %get3A_736, %broadcast_in_dim3A_654 : vector<16xf32>
        %sub3A_741 = arith.subf %get3A_738, %broadcast_in_dim3A_659 : vector<16xf32>
        %mul3A_742 = arith.mulf %sub3A_739, %sub3A_739 : vector<16xf32>
        %mul3A_743 = arith.mulf %sub3A_740, %sub3A_740 : vector<16xf32>
        %add3A_744 = arith.addf %mul3A_742, %mul3A_743 : vector<16xf32>
        %mul3A_745 = arith.mulf %sub3A_741, %sub3A_741 : vector<16xf32>
        %add3A_746 = arith.addf %add3A_744, %mul3A_745 : vector<16xf32>
        %lt3A_747 = vector.broadcast %scan3A : f32 to vector<16xf32>
        %lt3A_748 = arith.cmpf olt, %add3A_746, %lt3A_747 : vector<16xf32>
        %all_reduce_population_count3A_749 = tpu.all_reduce %lt3A_748 {dim = 0 : i64, kind = #tpu.reduction_kind<sum>} : vector<16xi1> -> vector<16xi32>
        %slice3A_750 = vector.extract_strided_slice %all_reduce_population_count3A_749 {offsets = [0], sizes = [1], strides = [1]} : vector<16xi32> to vector<1xi32>
        %squeeze3A_751 = vector.extract %slice3A_750[0] : i32 from vector<1xi32>
        %min3A_752 = arith.constant 16 : i32
        %min3A_753 = arith.minsi %add3A_728, %min3A_752 : i32
        %add3A_754 = vector.broadcast %add3A_732 : i32 to vector<16xi32>
        %add3A_755 = arith.addi %iota3A, %add3A_754 : vector<16xi32>
        %swap3A_756 = arith.index_cast %min3A_753 : i32 to index
        %swap3A_757 = tpu.vector_load %arg18[%swap3A_756] masked %lt3A_748 {strides = array<i32>} : memref<32xi32, #tpu.memory_space<vmem>>, vector<16xi32>, vector<16xi1>
        tpu.vector_store %arg18[%swap3A_756], %add3A_755 masked %lt3A_748 {strides = array<i32>} : memref<32xi32, #tpu.memory_space<vmem>>, vector<16xi32>, vector<16xi1>
        %add3A_758 = arith.addi %add3A_728, %squeeze3A_751 : i32
        %mul3A_759 = arith.constant 64 : i32
        %mul3A_760 = arith.muli %scan3A_698, %mul3A_759 : i32
        %add3A_761 = arith.constant 32 : i32
        %add3A_762 = arith.addi %mul3A_760, %add3A_761 : i32
        %get3A_763 = arith.index_cast %add3A_762 : i32 to index
        %get3A_764 = tpu.vector_load %arg10[%get3A_763] {strides = array<i32>} : memref<2048xf32, #tpu.memory_space<vmem>>, vector<16xf32>,
        %get3A_765 = arith.index_cast %add3A_762 : i32 to index
        %get3A_766 = tpu.vector_load %arg11[%get3A_765] {strides = array<i32>} : memref<2048xf32, #tpu.memory_space<vmem>>, vector<16xf32>,
        %get3A_767 = arith.index_cast %add3A_762 : i32 to index
        %get3A_768 = tpu.vector_load %arg12[%get3A_767] {strides = array<i32>} : memref<2048xf32, #tpu.memory_space<vmem>>, vector<16xf32>,
        %sub3A_769 = arith.subf %get3A_764, %broadcast_in_dim3A_649 : vector<16xf32>
        %sub3A_770 = arith.subf %get3A_766, %broadcast_in_dim3A_654 : vector<16xf32>
        %sub3A_771 = arith.subf %get3A_768, %broadcast_in_dim3A_659 : vector<16xf32>
        %mul3A_772 = arith.mulf %sub3A_769, %sub3A_769 : vector<16xf32>
        %mul3A_773 = arith.mulf %sub3A_770, %sub3A_770 : vector<16xf32>
        %add3A_774 = arith.addf %mul3A_772, %mul3A_773 : vector<16xf32>
        %mul3A_775 = arith.mulf %sub3A_771, %sub3A_771 : vector<16xf32>
        %add3A_776 = arith.addf %add3A_774, %mul3A_775 : vector<16xf32>
        %lt3A_777 = vector.broadcast %scan3A : f32 to vector<16xf32>
        %lt3A_778 = arith.cmpf olt, %add3A_776, %lt3A_777 : vector<16xf32>
        %all_reduce_population_count3A_779 = tpu.all_reduce %lt3A_778 {dim = 0 : i64, kind = #tpu.reduction_kind<sum>} : vector<16xi1> -> vector<16xi32>
        %slice3A_780 = vector.extract_strided_slice %all_reduce_population_count3A_779 {offsets = [0], sizes = [1], strides = [1]} : vector<16xi32> to vector<1xi32>
        %squeeze3A_781 = vector.extract %slice3A_780[0] : i32 from vector<1xi32>
        %min3A_782 = arith.constant 16 : i32
        %min3A_783 = arith.minsi %add3A_758, %min3A_782 : i32
        %add3A_784 = vector.broadcast %add3A_762 : i32 to vector<16xi32>
        %add3A_785 = arith.addi %iota3A, %add3A_784 : vector<16xi32>
        %swap3A_786 = arith.index_cast %min3A_783 : i32 to index
        %swap3A_787 = tpu.vector_load %arg18[%swap3A_786] masked %lt3A_778 {strides = array<i32>} : memref<32xi32, #tpu.memory_space<vmem>>, vector<16xi32>, vector<16xi1>
        tpu.vector_store %arg18[%swap3A_786], %add3A_785 masked %lt3A_778 {strides = array<i32>} : memref<32xi32, #tpu.memory_space<vmem>>, vector<16xi32>, vector<16xi1>
        %add3A_788 = arith.addi %add3A_758, %squeeze3A_781 : i32
        %mul3A_789 = arith.constant 64 : i32
        %mul3A_790 = arith.muli %scan3A_698, %mul3A_789 : i32
        %add3A_791 = arith.constant 48 : i32
        %add3A_792 = arith.addi %mul3A_790, %add3A_791 : i32
        %get3A_793 = arith.index_cast %add3A_792 : i32 to index
        %get3A_794 = tpu.vector_load %arg10[%get3A_793] {strides = array<i32>} : memref<2048xf32, #tpu.memory_space<vmem>>, vector<16xf32>,
        %get3A_795 = arith.index_cast %add3A_792 : i32 to index
        %get3A_796 = tpu.vector_load %arg11[%get3A_795] {strides = array<i32>} : memref<2048xf32, #tpu.memory_space<vmem>>, vector<16xf32>,
        %get3A_797 = arith.index_cast %add3A_792 : i32 to index
        %get3A_798 = tpu.vector_load %arg12[%get3A_797] {strides = array<i32>} : memref<2048xf32, #tpu.memory_space<vmem>>, vector<16xf32>,
        %sub3A_799 = arith.subf %get3A_794, %broadcast_in_dim3A_649 : vector<16xf32>
        %sub3A_800 = arith.subf %get3A_796, %broadcast_in_dim3A_654 : vector<16xf32>
        %sub3A_801 = arith.subf %get3A_798, %broadcast_in_dim3A_659 : vector<16xf32>
        %mul3A_802 = arith.mulf %sub3A_799, %sub3A_799 : vector<16xf32>
        %mul3A_803 = arith.mulf %sub3A_800, %sub3A_800 : vector<16xf32>
        %add3A_804 = arith.addf %mul3A_802, %mul3A_803 : vector<16xf32>
        %mul3A_805 = arith.mulf %sub3A_801, %sub3A_801 : vector<16xf32>
        %add3A_806 = arith.addf %add3A_804, %mul3A_805 : vector<16xf32>
        %lt3A_807 = vector.broadcast %scan3A : f32 to vector<16xf32>
        %lt3A_808 = arith.cmpf olt, %add3A_806, %lt3A_807 : vector<16xf32>
        %all_reduce_population_count3A_809 = tpu.all_reduce %lt3A_808 {dim = 0 : i64, kind = #tpu.reduction_kind<sum>} : vector<16xi1> -> vector<16xi32>
        %slice3A_810 = vector.extract_strided_slice %all_reduce_population_count3A_809 {offsets = [0], sizes = [1], strides = [1]} : vector<16xi32> to vector<1xi32>
        %squeeze3A_811 = vector.extract %slice3A_810[0] : i32 from vector<1xi32>
        %min3A_812 = arith.constant 16 : i32
        %min3A_813 = arith.minsi %add3A_788, %min3A_812 : i32
        %add3A_814 = vector.broadcast %add3A_792 : i32 to vector<16xi32>
        %add3A_815 = arith.addi %iota3A, %add3A_814 : vector<16xi32>
        %swap3A_816 = arith.index_cast %min3A_813 : i32 to index
        %swap3A_817 = tpu.vector_load %arg18[%swap3A_816] masked %lt3A_808 {strides = array<i32>} : memref<32xi32, #tpu.memory_space<vmem>>, vector<16xi32>, vector<16xi1>
        tpu.vector_store %arg18[%swap3A_816], %add3A_815 masked %lt3A_808 {strides = array<i32>} : memref<32xi32, #tpu.memory_space<vmem>>, vector<16xi32>, vector<16xi1>
        %add3A_818 = arith.addi %add3A_788, %squeeze3A_811 : i32
        scf.yield %add3A_818 : i32
      }
      %scan3A_666 = arith.constant 32 : i32
      %min3A = arith.constant 16 : i32
      %min3A_667 = arith.minsi %scan3A_665, %min3A : i32
      %get3A_668 = arith.constant 0 : index
      %get3A_669 = tpu.vector_load %arg18[%get3A_668] {strides = array<i32>} : memref<32xi32, #tpu.memory_space<vmem>>, vector<16xi32>,
      %slice3A_670 = vector.extract_strided_slice %get3A_669 {offsets = [0], sizes = [1], strides = [1]} : vector<16xi32> to vector<1xi32>
      %squeeze3A_671 = vector.extract %slice3A_670[0] : i32 from vector<1xi32>
      %broadcast_in_dim3A_672 = vector.broadcast %squeeze3A_671 : i32 to vector<16xi32>
      %lt3A_673 = vector.broadcast %min3A_667 : i32 to vector<16xi32>
      %lt3A_674 = arith.cmpi slt, %iota3A, %lt3A_673 : vector<16xi32>
      %select_n3A_675 = arith.select %lt3A_674, %get3A_669, %broadcast_in_dim3A_672 : vector<16xi1>, vector<16xi32>
      %gather3A_676 = tpu.vector_load_idx %arg10[%select_n3A_675] : memref<2048xf32, #tpu.memory_space<vmem>>[vector<16xi32>], vector<16xf32>,
      %sub3A_677 = arith.subf %gather3A_676, %broadcast_in_dim3A_649 : vector<16xf32>
      %div3A_678 = vector.broadcast %scan3A_63 : f32 to vector<16xf32>
      %div3A_679 = arith.divf %sub3A_677, %div3A_678 : vector<16xf32>
      %gather3A_680 = tpu.vector_load_idx %arg11[%select_n3A_675] : memref<2048xf32, #tpu.memory_space<vmem>>[vector<16xi32>], vector<16xf32>,
      %sub3A_681 = arith.subf %gather3A_680, %broadcast_in_dim3A_654 : vector<16xf32>
      %div3A_682 = vector.broadcast %scan3A_63 : f32 to vector<16xf32>
      %div3A_683 = arith.divf %sub3A_681, %div3A_682 : vector<16xf32>
      %gather3A_684 = tpu.vector_load_idx %arg12[%select_n3A_675] : memref<2048xf32, #tpu.memory_space<vmem>>[vector<16xi32>], vector<16xf32>,
      %sub3A_685 = arith.subf %gather3A_684, %broadcast_in_dim3A_659 : vector<16xf32>
      %div3A_686 = vector.broadcast %scan3A_63 : f32 to vector<16xf32>
      %div3A_687 = arith.divf %sub3A_685, %div3A_686 : vector<16xf32>
      %broadcast_in_dim3A_688 = vector.broadcast %scan3A_645 : i32 to vector<16xi32>
      tpu.vector_store_idx %arg19[%iota3A, %broadcast_in_dim3A_688, %broadcast_in_dim3A_33], %div3A_679 : memref<16x32x3xf32, #tpu.memory_space<vmem>>[vector<16xi32>, vector<16xi32>, vector<16xi32>], vector<16xf32>,
      tpu.vector_store_idx %arg19[%iota3A, %broadcast_in_dim3A_688, %broadcast_in_dim3A_35], %div3A_683 : memref<16x32x3xf32, #tpu.memory_space<vmem>>[vector<16xi32>, vector<16xi32>, vector<16xi32>], vector<16xf32>,
      tpu.vector_store_idx %arg19[%iota3A, %broadcast_in_dim3A_688, %broadcast_in_dim3A_37], %div3A_687 : memref<16x32x3xf32, #tpu.memory_space<vmem>>[vector<16xi32>, vector<16xi32>, vector<16xi32>], vector<16xf32>,
      %mul3A_689 = arith.constant 32 : i32
      %mul3A_690 = vector.broadcast %mul3A_689 : i32 to vector<16xi32>
      %mul3A_691 = arith.muli %iota3A, %mul3A_690 : vector<16xi32>
      %add3A_692 = arith.addi %mul3A_691, %broadcast_in_dim3A_688 : vector<16xi32>
      %mul3A_693 = arith.constant 2048 : i32
      %mul3A_694 = arith.muli %select_n3A, %mul3A_693 : i32
      %add3A_695 = vector.broadcast %mul3A_694 : i32 to vector<16xi32>
      %add3A_696 = arith.addi %select_n3A_675, %add3A_695 : vector<16xi32>
      tpu.vector_store_idx %arg20[%add3A_692], %add3A_696 : memref<512xi32, #tpu.memory_space<vmem>>[vector<16xi32>], vector<16xi32>,
      %scan3A_697 = arith.constant 0 : i32
      scf.yield %scan3A_697 : i32
    }
    %scan3A_70 = arith.constant 32 : i32
    "tpu.region"() ({
      %run_scoped3A = tpu.sem_alloc : memref<!tpu.dma_semaphore, #tpu.memory_space<semaphore_mem>>
      %dma_start3A_645 = arith.constant 0 : i32
      %dma_start3A_646 = arith.constant 0 : i32
      %dma_start3A_647 = tpu.memref_slice %arg8[%select_n3A, %dma_start3A_645, %mul3A_32, %dma_start3A_646] : memref<4x16x256x3xf32, #tpu.memory_space<hbm>> -> memref<1x16x32x3xf32, #tpu.memory_space<hbm>>
      %dma_start3A_648 = tpu.memref_squeeze %dma_start3A_647 : memref<1x16x32x3xf32, #tpu.memory_space<hbm>> -> memref<16x32x3xf32, #tpu.memory_space<hbm>>
      %dma_start3A_649 = arith.constant 0 : i32
      %dma_start3A_650 = arith.constant 0 : i32
      %dma_start3A_651 = tpu.memref_slice %arg8[%select_n3A, %dma_start3A_649, %mul3A_32, %dma_start3A_650] : memref<4x16x256x3xf32, #tpu.memory_space<hbm>> -> memref<1x16x32x3xf32, #tpu.memory_space<hbm>>
      %dma_start3A_652 = tpu.memref_squeeze %dma_start3A_651 : memref<1x16x32x3xf32, #tpu.memory_space<hbm>> -> memref<16x32x3xf32, #tpu.memory_space<hbm>>
      tpu.enqueue_dma source(%arg19 : memref<16x32x3xf32, #tpu.memory_space<vmem>>) target(%dma_start3A_652 : memref<16x32x3xf32, #tpu.memory_space<hbm>>) target_semaphore(%run_scoped3A : memref<!tpu.dma_semaphore, #tpu.memory_space<semaphore_mem>>)
      %dma_wait3A_653 = arith.constant 0 : i32
      %dma_wait3A_654 = arith.constant 0 : i32
      %dma_wait3A_655 = tpu.memref_slice %arg8[%select_n3A, %dma_wait3A_653, %mul3A_32, %dma_wait3A_654] : memref<4x16x256x3xf32, #tpu.memory_space<hbm>> -> memref<1x16x32x3xf32, #tpu.memory_space<hbm>>
      %dma_wait3A_656 = tpu.memref_squeeze %dma_wait3A_655 : memref<1x16x32x3xf32, #tpu.memory_space<hbm>> -> memref<16x32x3xf32, #tpu.memory_space<hbm>>
      %dma_wait3A_657 = arith.constant 0 : i32
      %dma_wait3A_658 = arith.constant 0 : i32
      %dma_wait3A_659 = tpu.memref_slice %arg8[%select_n3A, %dma_wait3A_657, %mul3A_32, %dma_wait3A_658] : memref<4x16x256x3xf32, #tpu.memory_space<hbm>> -> memref<1x16x32x3xf32, #tpu.memory_space<hbm>>
      %dma_wait3A_660 = tpu.memref_squeeze %dma_wait3A_659 : memref<1x16x32x3xf32, #tpu.memory_space<hbm>> -> memref<16x32x3xf32, #tpu.memory_space<hbm>>
      tpu.wait_dma2 semaphore(%run_scoped3A : memref<!tpu.dma_semaphore, #tpu.memory_space<semaphore_mem>>) src(%arg19 : memref<16x32x3xf32, #tpu.memory_space<vmem>>) dst(%dma_wait3A_660 : memref<16x32x3xf32, #tpu.memory_space<hbm>>)
      tpu.yield
    }) : () -> ()
    %dma_start3A = arith.constant 0 : i32
    %dma_start3A_71 = arith.constant 0 : i32
    %dma_start3A_72 = tpu.memref_slice %arg20[%dma_start3A_71] : memref<512xi32, #tpu.memory_space<vmem>> -> memref<32xi32, #tpu.memory_space<vmem>>
    %dma_start3A_73 = arith.constant 0 : i32
    %dma_start3A_74 = arith.constant 0 : i32
    %dma_start3A_75 = tpu.memref_slice %arg6[%dma_start3A_73, %dma_start3A_74] : memref<8192x288xf32, #tpu.memory_space<hbm>> -> memref<8192x288xf32, #tpu.memory_space<hbm>>
    %dma_start3A_76 = tpu.memref_slice %arg25[%dma_start3A] : memref<4x!tpu.dma_semaphore, #tpu.memory_space<semaphore_mem>> -> memref<1x!tpu.dma_semaphore, #tpu.memory_space<semaphore_mem>>
    %dma_start3A_77 = tpu.memref_squeeze %dma_start3A_76 : memref<1x!tpu.dma_semaphore, #tpu.memory_space<semaphore_mem>> -> memref<!tpu.dma_semaphore, #tpu.memory_space<semaphore_mem>>
    tpu.enqueue_indirect_dma source(%dma_start3A_75 : memref<8192x288xf32, #tpu.memory_space<hbm>>) target(%arg21 : memref<32x288xf32, #tpu.memory_space<vmem>>) offsets(%dma_start3A_72 : memref<32xi32, #tpu.memory_space<vmem>>) semaphore(%dma_start3A_77 : memref<!tpu.dma_semaphore, #tpu.memory_space<semaphore_mem>>)
    %dma_start3A_78 = arith.constant 1 : i32
    %dma_start3A_79 = arith.constant 32 : i32
    %dma_start3A_80 = tpu.memref_slice %arg20[%dma_start3A_79] : memref<512xi32, #tpu.memory_space<vmem>> -> memref<32xi32, #tpu.memory_space<vmem>>
    %dma_start3A_81 = arith.constant 0 : i32
    %dma_start3A_82 = arith.constant 0 : i32
    %dma_start3A_83 = tpu.memref_slice %arg6[%dma_start3A_81, %dma_start3A_82] : memref<8192x288xf32, #tpu.memory_space<hbm>> -> memref<8192x288xf32, #tpu.memory_space<hbm>>
    %dma_start3A_84 = tpu.memref_slice %arg25[%dma_start3A_78] : memref<4x!tpu.dma_semaphore, #tpu.memory_space<semaphore_mem>> -> memref<1x!tpu.dma_semaphore, #tpu.memory_space<semaphore_mem>>
    %dma_start3A_85 = tpu.memref_squeeze %dma_start3A_84 : memref<1x!tpu.dma_semaphore, #tpu.memory_space<semaphore_mem>> -> memref<!tpu.dma_semaphore, #tpu.memory_space<semaphore_mem>>
    tpu.enqueue_indirect_dma source(%dma_start3A_83 : memref<8192x288xf32, #tpu.memory_space<hbm>>) target(%arg22 : memref<32x288xf32, #tpu.memory_space<vmem>>) offsets(%dma_start3A_80 : memref<32xi32, #tpu.memory_space<vmem>>) semaphore(%dma_start3A_85 : memref<!tpu.dma_semaphore, #tpu.memory_space<semaphore_mem>>)
    %dma_start3A_86 = arith.constant 2 : i32
    %dma_start3A_87 = arith.constant 64 : i32
    %dma_start3A_88 = tpu.memref_slice %arg20[%dma_start3A_87] : memref<512xi32, #tpu.memory_space<vmem>> -> memref<32xi32, #tpu.memory_space<vmem>>
    %dma_start3A_89 = arith.constant 0 : i32
    %dma_start3A_90 = arith.constant 0 : i32
    %dma_start3A_91 = tpu.memref_slice %arg6[%dma_start3A_89, %dma_start3A_90] : memref<8192x288xf32, #tpu.memory_space<hbm>> -> memref<8192x288xf32, #tpu.memory_space<hbm>>
    %dma_start3A_92 = tpu.memref_slice %arg25[%dma_start3A_86] : memref<4x!tpu.dma_semaphore, #tpu.memory_space<semaphore_mem>> -> memref<1x!tpu.dma_semaphore, #tpu.memory_space<semaphore_mem>>
    %dma_start3A_93 = tpu.memref_squeeze %dma_start3A_92 : memref<1x!tpu.dma_semaphore, #tpu.memory_space<semaphore_mem>> -> memref<!tpu.dma_semaphore, #tpu.memory_space<semaphore_mem>>
    tpu.enqueue_indirect_dma source(%dma_start3A_91 : memref<8192x288xf32, #tpu.memory_space<hbm>>) target(%arg23 : memref<32x288xf32, #tpu.memory_space<vmem>>) offsets(%dma_start3A_88 : memref<32xi32, #tpu.memory_space<vmem>>) semaphore(%dma_start3A_93 : memref<!tpu.dma_semaphore, #tpu.memory_space<semaphore_mem>>)
    %dma_start3A_94 = arith.constant 3 : i32
    %dma_start3A_95 = arith.constant 96 : i32
    %dma_start3A_96 = tpu.memref_slice %arg20[%dma_start3A_95] : memref<512xi32, #tpu.memory_space<vmem>> -> memref<32xi32, #tpu.memory_space<vmem>>
    %dma_start3A_97 = arith.constant 0 : i32
    %dma_start3A_98 = arith.constant 0 : i32
    %dma_start3A_99 = tpu.memref_slice %arg6[%dma_start3A_97, %dma_start3A_98] : memref<8192x288xf32, #tpu.memory_space<hbm>> -> memref<8192x288xf32, #tpu.memory_space<hbm>>
    %dma_start3A_100 = tpu.memref_slice %arg25[%dma_start3A_94] : memref<4x!tpu.dma_semaphore, #tpu.memory_space<semaphore_mem>> -> memref<1x!tpu.dma_semaphore, #tpu.memory_space<semaphore_mem>>
    %dma_start3A_101 = tpu.memref_squeeze %dma_start3A_100 : memref<1x!tpu.dma_semaphore, #tpu.memory_space<semaphore_mem>> -> memref<!tpu.dma_semaphore, #tpu.memory_space<semaphore_mem>>
    tpu.enqueue_indirect_dma source(%dma_start3A_99 : memref<8192x288xf32, #tpu.memory_space<hbm>>) target(%arg24 : memref<32x288xf32, #tpu.memory_space<vmem>>) offsets(%dma_start3A_96 : memref<32xi32, #tpu.memory_space<vmem>>) semaphore(%dma_start3A_101 : memref<!tpu.dma_semaphore, #tpu.memory_space<semaphore_mem>>)
    %dma_wait3A = arith.constant 0 : i32
    %dma_wait3A_102 = arith.constant 0 : i32
    %dma_wait3A_103 = tpu.memref_slice %arg20[%dma_wait3A_102] : memref<512xi32, #tpu.memory_space<vmem>> -> memref<32xi32, #tpu.memory_space<vmem>>
    %dma_wait3A_104 = arith.constant 0 : i32
    %dma_wait3A_105 = arith.constant 0 : i32
    %dma_wait3A_106 = tpu.memref_slice %arg6[%dma_wait3A_104, %dma_wait3A_105] : memref<8192x288xf32, #tpu.memory_space<hbm>> -> memref<8192x288xf32, #tpu.memory_space<hbm>>
    %dma_wait3A_107 = tpu.memref_slice %arg25[%dma_wait3A] : memref<4x!tpu.dma_semaphore, #tpu.memory_space<semaphore_mem>> -> memref<1x!tpu.dma_semaphore, #tpu.memory_space<semaphore_mem>>
    %dma_wait3A_108 = tpu.memref_squeeze %dma_wait3A_107 : memref<1x!tpu.dma_semaphore, #tpu.memory_space<semaphore_mem>> -> memref<!tpu.dma_semaphore, #tpu.memory_space<semaphore_mem>>
    tpu.wait_indirect_dma semaphore(%dma_wait3A_108 : memref<!tpu.dma_semaphore, #tpu.memory_space<semaphore_mem>>) src(%dma_wait3A_106 : memref<8192x288xf32, #tpu.memory_space<hbm>>) dst(%arg21 : memref<32x288xf32, #tpu.memory_space<vmem>>)
    %dma_start3A_109 = arith.constant 0 : i32
    %dma_start3A_110 = arith.constant 0 : i32
    %dma_start3A_111 = arith.constant 0 : i32
    %dma_start3A_112 = tpu.memref_slice %arg9[%select_n3A, %dma_start3A_109, %mul3A_32, %dma_start3A_111] : memref<4x16x256x288xf32, #tpu.memory_space<hbm>> -> memref<1x1x32x288xf32, #tpu.memory_space<hbm>>
    %dma_start3A_113 = tpu.memref_squeeze %dma_start3A_112 : memref<1x1x32x288xf32, #tpu.memory_space<hbm>> -> memref<32x288xf32, #tpu.memory_space<hbm>>
    %dma_start3A_114 = tpu.memref_slice %arg26[%dma_start3A_110] : memref<4x!tpu.dma_semaphore, #tpu.memory_space<semaphore_mem>> -> memref<1x!tpu.dma_semaphore, #tpu.memory_space<semaphore_mem>>
    %dma_start3A_115 = tpu.memref_squeeze %dma_start3A_114 : memref<1x!tpu.dma_semaphore, #tpu.memory_space<semaphore_mem>> -> memref<!tpu.dma_semaphore, #tpu.memory_space<semaphore_mem>>
    %dma_start3A_116 = arith.constant 0 : i32
    %dma_start3A_117 = tpu.memref_slice %arg9[%select_n3A, %dma_start3A_109, %mul3A_32, %dma_start3A_116] : memref<4x16x256x288xf32, #tpu.memory_space<hbm>> -> memref<1x1x32x288xf32, #tpu.memory_space<hbm>>
    %dma_start3A_118 = tpu.memref_squeeze %dma_start3A_117 : memref<1x1x32x288xf32, #tpu.memory_space<hbm>> -> memref<32x288xf32, #tpu.memory_space<hbm>>
    tpu.enqueue_dma source(%arg21 : memref<32x288xf32, #tpu.memory_space<vmem>>) target(%dma_start3A_118 : memref<32x288xf32, #tpu.memory_space<hbm>>) target_semaphore(%dma_start3A_115 : memref<!tpu.dma_semaphore, #tpu.memory_space<semaphore_mem>>)
    %dma_wait3A_119 = arith.constant 1 : i32
    %dma_wait3A_120 = arith.constant 32 : i32
    %dma_wait3A_121 = tpu.memref_slice %arg20[%dma_wait3A_120] : memref<512xi32, #tpu.memory_space<vmem>> -> memref<32xi32, #tpu.memory_space<vmem>>
    %dma_wait3A_122 = arith.constant 0 : i32
    %dma_wait3A_123 = arith.constant 0 : i32
    %dma_wait3A_124 = tpu.memref_slice %arg6[%dma_wait3A_122, %dma_wait3A_123] : memref<8192x288xf32, #tpu.memory_space<hbm>> -> memref<8192x288xf32, #tpu.memory_space<hbm>>
    %dma_wait3A_125 = tpu.memref_slice %arg25[%dma_wait3A_119] : memref<4x!tpu.dma_semaphore, #tpu.memory_space<semaphore_mem>> -> memref<1x!tpu.dma_semaphore, #tpu.memory_space<semaphore_mem>>
    %dma_wait3A_126 = tpu.memref_squeeze %dma_wait3A_125 : memref<1x!tpu.dma_semaphore, #tpu.memory_space<semaphore_mem>> -> memref<!tpu.dma_semaphore, #tpu.memory_space<semaphore_mem>>
    tpu.wait_indirect_dma semaphore(%dma_wait3A_126 : memref<!tpu.dma_semaphore, #tpu.memory_space<semaphore_mem>>) src(%dma_wait3A_124 : memref<8192x288xf32, #tpu.memory_space<hbm>>) dst(%arg22 : memref<32x288xf32, #tpu.memory_space<vmem>>)
    %dma_start3A_127 = arith.constant 1 : i32
    %dma_start3A_128 = arith.constant 1 : i32
    %dma_start3A_129 = arith.constant 0 : i32
    %dma_start3A_130 = tpu.memref_slice %arg9[%select_n3A, %dma_start3A_127, %mul3A_32, %dma_start3A_129] : memref<4x16x256x288xf32, #tpu.memory_space<hbm>> -> memref<1x1x32x288xf32, #tpu.memory_space<hbm>>
    %dma_start3A_131 = tpu.memref_squeeze %dma_start3A_130 : memref<1x1x32x288xf32, #tpu.memory_space<hbm>> -> memref<32x288xf32, #tpu.memory_space<hbm>>
    %dma_start3A_132 = tpu.memref_slice %arg26[%dma_start3A_128] : memref<4x!tpu.dma_semaphore, #tpu.memory_space<semaphore_mem>> -> memref<1x!tpu.dma_semaphore, #tpu.memory_space<semaphore_mem>>
    %dma_start3A_133 = tpu.memref_squeeze %dma_start3A_132 : memref<1x!tpu.dma_semaphore, #tpu.memory_space<semaphore_mem>> -> memref<!tpu.dma_semaphore, #tpu.memory_space<semaphore_mem>>
    %dma_start3A_134 = arith.constant 0 : i32
    %dma_start3A_135 = tpu.memref_slice %arg9[%select_n3A, %dma_start3A_127, %mul3A_32, %dma_start3A_134] : memref<4x16x256x288xf32, #tpu.memory_space<hbm>> -> memref<1x1x32x288xf32, #tpu.memory_space<hbm>>
    %dma_start3A_136 = tpu.memref_squeeze %dma_start3A_135 : memref<1x1x32x288xf32, #tpu.memory_space<hbm>> -> memref<32x288xf32, #tpu.memory_space<hbm>>
    tpu.enqueue_dma source(%arg22 : memref<32x288xf32, #tpu.memory_space<vmem>>) target(%dma_start3A_136 : memref<32x288xf32, #tpu.memory_space<hbm>>) target_semaphore(%dma_start3A_133 : memref<!tpu.dma_semaphore, #tpu.memory_space<semaphore_mem>>)
    %dma_wait3A_137 = arith.constant 2 : i32
    %dma_wait3A_138 = arith.constant 64 : i32
    %dma_wait3A_139 = tpu.memref_slice %arg20[%dma_wait3A_138] : memref<512xi32, #tpu.memory_space<vmem>> -> memref<32xi32, #tpu.memory_space<vmem>>
    %dma_wait3A_140 = arith.constant 0 : i32
    %dma_wait3A_141 = arith.constant 0 : i32
    %dma_wait3A_142 = tpu.memref_slice %arg6[%dma_wait3A_140, %dma_wait3A_141] : memref<8192x288xf32, #tpu.memory_space<hbm>> -> memref<8192x288xf32, #tpu.memory_space<hbm>>
    %dma_wait3A_143 = tpu.memref_slice %arg25[%dma_wait3A_137] : memref<4x!tpu.dma_semaphore, #tpu.memory_space<semaphore_mem>> -> memref<1x!tpu.dma_semaphore, #tpu.memory_space<semaphore_mem>>
    %dma_wait3A_144 = tpu.memref_squeeze %dma_wait3A_143 : memref<1x!tpu.dma_semaphore, #tpu.memory_space<semaphore_mem>> -> memref<!tpu.dma_semaphore, #tpu.memory_space<semaphore_mem>>
    tpu.wait_indirect_dma semaphore(%dma_wait3A_144 : memref<!tpu.dma_semaphore, #tpu.memory_space<semaphore_mem>>) src(%dma_wait3A_142 : memref<8192x288xf32, #tpu.memory_space<hbm>>) dst(%arg23 : memref<32x288xf32, #tpu.memory_space<vmem>>)
    %dma_start3A_145 = arith.constant 2 : i32
    %dma_start3A_146 = arith.constant 2 : i32
    %dma_start3A_147 = arith.constant 0 : i32
    %dma_start3A_148 = tpu.memref_slice %arg9[%select_n3A, %dma_start3A_145, %mul3A_32, %dma_start3A_147] : memref<4x16x256x288xf32, #tpu.memory_space<hbm>> -> memref<1x1x32x288xf32, #tpu.memory_space<hbm>>
    %dma_start3A_149 = tpu.memref_squeeze %dma_start3A_148 : memref<1x1x32x288xf32, #tpu.memory_space<hbm>> -> memref<32x288xf32, #tpu.memory_space<hbm>>
    %dma_start3A_150 = tpu.memref_slice %arg26[%dma_start3A_146] : memref<4x!tpu.dma_semaphore, #tpu.memory_space<semaphore_mem>> -> memref<1x!tpu.dma_semaphore, #tpu.memory_space<semaphore_mem>>
    %dma_start3A_151 = tpu.memref_squeeze %dma_start3A_150 : memref<1x!tpu.dma_semaphore, #tpu.memory_space<semaphore_mem>> -> memref<!tpu.dma_semaphore, #tpu.memory_space<semaphore_mem>>
    %dma_start3A_152 = arith.constant 0 : i32
    %dma_start3A_153 = tpu.memref_slice %arg9[%select_n3A, %dma_start3A_145, %mul3A_32, %dma_start3A_152] : memref<4x16x256x288xf32, #tpu.memory_space<hbm>> -> memref<1x1x32x288xf32, #tpu.memory_space<hbm>>
    %dma_start3A_154 = tpu.memref_squeeze %dma_start3A_153 : memref<1x1x32x288xf32, #tpu.memory_space<hbm>> -> memref<32x288xf32, #tpu.memory_space<hbm>>
    tpu.enqueue_dma source(%arg23 : memref<32x288xf32, #tpu.memory_space<vmem>>) target(%dma_start3A_154 : memref<32x288xf32, #tpu.memory_space<hbm>>) target_semaphore(%dma_start3A_151 : memref<!tpu.dma_semaphore, #tpu.memory_space<semaphore_mem>>)
    %dma_wait3A_155 = arith.constant 0 : i32
    %dma_wait3A_156 = arith.constant 0 : i32
    %dma_wait3A_157 = arith.constant 0 : i32
    %dma_wait3A_158 = tpu.memref_slice %arg9[%select_n3A, %dma_wait3A_155, %mul3A_32, %dma_wait3A_157] : memref<4x16x256x288xf32, #tpu.memory_space<hbm>> -> memref<1x1x32x288xf32, #tpu.memory_space<hbm>>
    %dma_wait3A_159 = tpu.memref_squeeze %dma_wait3A_158 : memref<1x1x32x288xf32, #tpu.memory_space<hbm>> -> memref<32x288xf32, #tpu.memory_space<hbm>>
    %dma_wait3A_160 = tpu.memref_slice %arg26[%dma_wait3A_156] : memref<4x!tpu.dma_semaphore, #tpu.memory_space<semaphore_mem>> -> memref<1x!tpu.dma_semaphore, #tpu.memory_space<semaphore_mem>>
    %dma_wait3A_161 = tpu.memref_squeeze %dma_wait3A_160 : memref<1x!tpu.dma_semaphore, #tpu.memory_space<semaphore_mem>> -> memref<!tpu.dma_semaphore, #tpu.memory_space<semaphore_mem>>
    %dma_wait3A_162 = arith.constant 0 : i32
    %dma_wait3A_163 = tpu.memref_slice %arg9[%select_n3A, %dma_wait3A_155, %mul3A_32, %dma_wait3A_162] : memref<4x16x256x288xf32, #tpu.memory_space<hbm>> -> memref<1x1x32x288xf32, #tpu.memory_space<hbm>>
    %dma_wait3A_164 = tpu.memref_squeeze %dma_wait3A_163 : memref<1x1x32x288xf32, #tpu.memory_space<hbm>> -> memref<32x288xf32, #tpu.memory_space<hbm>>
    tpu.wait_dma2 semaphore(%dma_wait3A_161 : memref<!tpu.dma_semaphore, #tpu.memory_space<semaphore_mem>>) src(%arg21 : memref<32x288xf32, #tpu.memory_space<vmem>>) dst(%dma_wait3A_164 : memref<32x288xf32, #tpu.memory_space<hbm>>)
    %dma_start3A_165 = arith.constant 0 : i32
    %dma_start3A_166 = arith.constant 128 : i32
    %dma_start3A_167 = tpu.memref_slice %arg20[%dma_start3A_166] : memref<512xi32, #tpu.memory_space<vmem>> -> memref<32xi32, #tpu.memory_space<vmem>>
    %dma_start3A_168 = arith.constant 0 : i32
    %dma_start3A_169 = arith.constant 0 : i32
    %dma_start3A_170 = tpu.memref_slice %arg6[%dma_start3A_168, %dma_start3A_169] : memref<8192x288xf32, #tpu.memory_space<hbm>> -> memref<8192x288xf32, #tpu.memory_space<hbm>>
    %dma_start3A_171 = tpu.memref_slice %arg25[%dma_start3A_165] : memref<4x!tpu.dma_semaphore, #tpu.memory_space<semaphore_mem>> -> memref<1x!tpu.dma_semaphore, #tpu.memory_space<semaphore_mem>>
    %dma_start3A_172 = tpu.memref_squeeze %dma_start3A_171 : memref<1x!tpu.dma_semaphore, #tpu.memory_space<semaphore_mem>> -> memref<!tpu.dma_semaphore, #tpu.memory_space<semaphore_mem>>
    tpu.enqueue_indirect_dma source(%dma_start3A_170 : memref<8192x288xf32, #tpu.memory_space<hbm>>) target(%arg21 : memref<32x288xf32, #tpu.memory_space<vmem>>) offsets(%dma_start3A_167 : memref<32xi32, #tpu.memory_space<vmem>>) semaphore(%dma_start3A_172 : memref<!tpu.dma_semaphore, #tpu.memory_space<semaphore_mem>>)
    %dma_wait3A_173 = arith.constant 3 : i32
    %dma_wait3A_174 = arith.constant 96 : i32
    %dma_wait3A_175 = tpu.memref_slice %arg20[%dma_wait3A_174] : memref<512xi32, #tpu.memory_space<vmem>> -> memref<32xi32, #tpu.memory_space<vmem>>
    %dma_wait3A_176 = arith.constant 0 : i32
    %dma_wait3A_177 = arith.constant 0 : i32
    %dma_wait3A_178 = tpu.memref_slice %arg6[%dma_wait3A_176, %dma_wait3A_177] : memref<8192x288xf32, #tpu.memory_space<hbm>> -> memref<8192x288xf32, #tpu.memory_space<hbm>>
    %dma_wait3A_179 = tpu.memref_slice %arg25[%dma_wait3A_173] : memref<4x!tpu.dma_semaphore, #tpu.memory_space<semaphore_mem>> -> memref<1x!tpu.dma_semaphore, #tpu.memory_space<semaphore_mem>>
    %dma_wait3A_180 = tpu.memref_squeeze %dma_wait3A_179 : memref<1x!tpu.dma_semaphore, #tpu.memory_space<semaphore_mem>> -> memref<!tpu.dma_semaphore, #tpu.memory_space<semaphore_mem>>
    tpu.wait_indirect_dma semaphore(%dma_wait3A_180 : memref<!tpu.dma_semaphore, #tpu.memory_space<semaphore_mem>>) src(%dma_wait3A_178 : memref<8192x288xf32, #tpu.memory_space<hbm>>) dst(%arg24 : memref<32x288xf32, #tpu.memory_space<vmem>>)
    %dma_start3A_181 = arith.constant 3 : i32
    %dma_start3A_182 = arith.constant 3 : i32
    %dma_start3A_183 = arith.constant 0 : i32
    %dma_start3A_184 = tpu.memref_slice %arg9[%select_n3A, %dma_start3A_181, %mul3A_32, %dma_start3A_183] : memref<4x16x256x288xf32, #tpu.memory_space<hbm>> -> memref<1x1x32x288xf32, #tpu.memory_space<hbm>>
    %dma_start3A_185 = tpu.memref_squeeze %dma_start3A_184 : memref<1x1x32x288xf32, #tpu.memory_space<hbm>> -> memref<32x288xf32, #tpu.memory_space<hbm>>
    %dma_start3A_186 = tpu.memref_slice %arg26[%dma_start3A_182] : memref<4x!tpu.dma_semaphore, #tpu.memory_space<semaphore_mem>> -> memref<1x!tpu.dma_semaphore, #tpu.memory_space<semaphore_mem>>
    %dma_start3A_187 = tpu.memref_squeeze %dma_start3A_186 : memref<1x!tpu.dma_semaphore, #tpu.memory_space<semaphore_mem>> -> memref<!tpu.dma_semaphore, #tpu.memory_space<semaphore_mem>>
    %dma_start3A_188 = arith.constant 0 : i32
    %dma_start3A_189 = tpu.memref_slice %arg9[%select_n3A, %dma_start3A_181, %mul3A_32, %dma_start3A_188] : memref<4x16x256x288xf32, #tpu.memory_space<hbm>> -> memref<1x1x32x288xf32, #tpu.memory_space<hbm>>
    %dma_start3A_190 = tpu.memref_squeeze %dma_start3A_189 : memref<1x1x32x288xf32, #tpu.memory_space<hbm>> -> memref<32x288xf32, #tpu.memory_space<hbm>>
    tpu.enqueue_dma source(%arg24 : memref<32x288xf32, #tpu.memory_space<vmem>>) target(%dma_start3A_190 : memref<32x288xf32, #tpu.memory_space<hbm>>) target_semaphore(%dma_start3A_187 : memref<!tpu.dma_semaphore, #tpu.memory_space<semaphore_mem>>)
    %dma_wait3A_191 = arith.constant 1 : i32
    %dma_wait3A_192 = arith.constant 1 : i32
    %dma_wait3A_193 = arith.constant 0 : i32
    %dma_wait3A_194 = tpu.memref_slice %arg9[%select_n3A, %dma_wait3A_191, %mul3A_32, %dma_wait3A_193] : memref<4x16x256x288xf32, #tpu.memory_space<hbm>> -> memref<1x1x32x288xf32, #tpu.memory_space<hbm>>
    %dma_wait3A_195 = tpu.memref_squeeze %dma_wait3A_194 : memref<1x1x32x288xf32, #tpu.memory_space<hbm>> -> memref<32x288xf32, #tpu.memory_space<hbm>>
    %dma_wait3A_196 = tpu.memref_slice %arg26[%dma_wait3A_192] : memref<4x!tpu.dma_semaphore, #tpu.memory_space<semaphore_mem>> -> memref<1x!tpu.dma_semaphore, #tpu.memory_space<semaphore_mem>>
    %dma_wait3A_197 = tpu.memref_squeeze %dma_wait3A_196 : memref<1x!tpu.dma_semaphore, #tpu.memory_space<semaphore_mem>> -> memref<!tpu.dma_semaphore, #tpu.memory_space<semaphore_mem>>
    %dma_wait3A_198 = arith.constant 0 : i32
    %dma_wait3A_199 = tpu.memref_slice %arg9[%select_n3A, %dma_wait3A_191, %mul3A_32, %dma_wait3A_198] : memref<4x16x256x288xf32, #tpu.memory_space<hbm>> -> memref<1x1x32x288xf32, #tpu.memory_space<hbm>>
    %dma_wait3A_200 = tpu.memref_squeeze %dma_wait3A_199 : memref<1x1x32x288xf32, #tpu.memory_space<hbm>> -> memref<32x288xf32, #tpu.memory_space<hbm>>
    tpu.wait_dma2 semaphore(%dma_wait3A_197 : memref<!tpu.dma_semaphore, #tpu.memory_space<semaphore_mem>>) src(%arg22 : memref<32x288xf32, #tpu.memory_space<vmem>>) dst(%dma_wait3A_200 : memref<32x288xf32, #tpu.memory_space<hbm>>)
    %dma_start3A_201 = arith.constant 1 : i32
    %dma_start3A_202 = arith.constant 160 : i32
    %dma_start3A_203 = tpu.memref_slice %arg20[%dma_start3A_202] : memref<512xi32, #tpu.memory_space<vmem>> -> memref<32xi32, #tpu.memory_space<vmem>>
    %dma_start3A_204 = arith.constant 0 : i32
    %dma_start3A_205 = arith.constant 0 : i32
    %dma_start3A_206 = tpu.memref_slice %arg6[%dma_start3A_204, %dma_start3A_205] : memref<8192x288xf32, #tpu.memory_space<hbm>> -> memref<8192x288xf32, #tpu.memory_space<hbm>>
    %dma_start3A_207 = tpu.memref_slice %arg25[%dma_start3A_201] : memref<4x!tpu.dma_semaphore, #tpu.memory_space<semaphore_mem>> -> memref<1x!tpu.dma_semaphore, #tpu.memory_space<semaphore_mem>>
    %dma_start3A_208 = tpu.memref_squeeze %dma_start3A_207 : memref<1x!tpu.dma_semaphore, #tpu.memory_space<semaphore_mem>> -> memref<!tpu.dma_semaphore, #tpu.memory_space<semaphore_mem>>
    tpu.enqueue_indirect_dma source(%dma_start3A_206 : memref<8192x288xf32, #tpu.memory_space<hbm>>) target(%arg22 : memref<32x288xf32, #tpu.memory_space<vmem>>) offsets(%dma_start3A_203 : memref<32xi32, #tpu.memory_space<vmem>>) semaphore(%dma_start3A_208 : memref<!tpu.dma_semaphore, #tpu.memory_space<semaphore_mem>>)
    %dma_wait3A_209 = arith.constant 0 : i32
    %dma_wait3A_210 = arith.constant 128 : i32
    %dma_wait3A_211 = tpu.memref_slice %arg20[%dma_wait3A_210] : memref<512xi32, #tpu.memory_space<vmem>> -> memref<32xi32, #tpu.memory_space<vmem>>
    %dma_wait3A_212 = arith.constant 0 : i32
    %dma_wait3A_213 = arith.constant 0 : i32
    %dma_wait3A_214 = tpu.memref_slice %arg6[%dma_wait3A_212, %dma_wait3A_213] : memref<8192x288xf32, #tpu.memory_space<hbm>> -> memref<8192x288xf32, #tpu.memory_space<hbm>>
    %dma_wait3A_215 = tpu.memref_slice %arg25[%dma_wait3A_209] : memref<4x!tpu.dma_semaphore, #tpu.memory_space<semaphore_mem>> -> memref<1x!tpu.dma_semaphore, #tpu.memory_space<semaphore_mem>>
    %dma_wait3A_216 = tpu.memref_squeeze %dma_wait3A_215 : memref<1x!tpu.dma_semaphore, #tpu.memory_space<semaphore_mem>> -> memref<!tpu.dma_semaphore, #tpu.memory_space<semaphore_mem>>
    tpu.wait_indirect_dma semaphore(%dma_wait3A_216 : memref<!tpu.dma_semaphore, #tpu.memory_space<semaphore_mem>>) src(%dma_wait3A_214 : memref<8192x288xf32, #tpu.memory_space<hbm>>) dst(%arg21 : memref<32x288xf32, #tpu.memory_space<vmem>>)
    %dma_start3A_217 = arith.constant 4 : i32
    %dma_start3A_218 = arith.constant 0 : i32
    %dma_start3A_219 = arith.constant 0 : i32
    %dma_start3A_220 = tpu.memref_slice %arg9[%select_n3A, %dma_start3A_217, %mul3A_32, %dma_start3A_219] : memref<4x16x256x288xf32, #tpu.memory_space<hbm>> -> memref<1x1x32x288xf32, #tpu.memory_space<hbm>>
    %dma_start3A_221 = tpu.memref_squeeze %dma_start3A_220 : memref<1x1x32x288xf32, #tpu.memory_space<hbm>> -> memref<32x288xf32, #tpu.memory_space<hbm>>
    %dma_start3A_222 = tpu.memref_slice %arg26[%dma_start3A_218] : memref<4x!tpu.dma_semaphore, #tpu.memory_space<semaphore_mem>> -> memref<1x!tpu.dma_semaphore, #tpu.memory_space<semaphore_mem>>
    %dma_start3A_223 = tpu.memref_squeeze %dma_start3A_222 : memref<1x!tpu.dma_semaphore, #tpu.memory_space<semaphore_mem>> -> memref<!tpu.dma_semaphore, #tpu.memory_space<semaphore_mem>>
    %dma_start3A_224 = arith.constant 0 : i32
    %dma_start3A_225 = tpu.memref_slice %arg9[%select_n3A, %dma_start3A_217, %mul3A_32, %dma_start3A_224] : memref<4x16x256x288xf32, #tpu.memory_space<hbm>> -> memref<1x1x32x288xf32, #tpu.memory_space<hbm>>
    %dma_start3A_226 = tpu.memref_squeeze %dma_start3A_225 : memref<1x1x32x288xf32, #tpu.memory_space<hbm>> -> memref<32x288xf32, #tpu.memory_space<hbm>>
    tpu.enqueue_dma source(%arg21 : memref<32x288xf32, #tpu.memory_space<vmem>>) target(%dma_start3A_226 : memref<32x288xf32, #tpu.memory_space<hbm>>) target_semaphore(%dma_start3A_223 : memref<!tpu.dma_semaphore, #tpu.memory_space<semaphore_mem>>)
    %dma_wait3A_227 = arith.constant 2 : i32
    %dma_wait3A_228 = arith.constant 2 : i32
    %dma_wait3A_229 = arith.constant 0 : i32
    %dma_wait3A_230 = tpu.memref_slice %arg9[%select_n3A, %dma_wait3A_227, %mul3A_32, %dma_wait3A_229] : memref<4x16x256x288xf32, #tpu.memory_space<hbm>> -> memref<1x1x32x288xf32, #tpu.memory_space<hbm>>
    %dma_wait3A_231 = tpu.memref_squeeze %dma_wait3A_230 : memref<1x1x32x288xf32, #tpu.memory_space<hbm>> -> memref<32x288xf32, #tpu.memory_space<hbm>>
    %dma_wait3A_232 = tpu.memref_slice %arg26[%dma_wait3A_228] : memref<4x!tpu.dma_semaphore, #tpu.memory_space<semaphore_mem>> -> memref<1x!tpu.dma_semaphore, #tpu.memory_space<semaphore_mem>>
    %dma_wait3A_233 = tpu.memref_squeeze %dma_wait3A_232 : memref<1x!tpu.dma_semaphore, #tpu.memory_space<semaphore_mem>> -> memref<!tpu.dma_semaphore, #tpu.memory_space<semaphore_mem>>
    %dma_wait3A_234 = arith.constant 0 : i32
    %dma_wait3A_235 = tpu.memref_slice %arg9[%select_n3A, %dma_wait3A_227, %mul3A_32, %dma_wait3A_234] : memref<4x16x256x288xf32, #tpu.memory_space<hbm>> -> memref<1x1x32x288xf32, #tpu.memory_space<hbm>>
    %dma_wait3A_236 = tpu.memref_squeeze %dma_wait3A_235 : memref<1x1x32x288xf32, #tpu.memory_space<hbm>> -> memref<32x288xf32, #tpu.memory_space<hbm>>
    tpu.wait_dma2 semaphore(%dma_wait3A_233 : memref<!tpu.dma_semaphore, #tpu.memory_space<semaphore_mem>>) src(%arg23 : memref<32x288xf32, #tpu.memory_space<vmem>>) dst(%dma_wait3A_236 : memref<32x288xf32, #tpu.memory_space<hbm>>)
    %dma_start3A_237 = arith.constant 2 : i32
    %dma_start3A_238 = arith.constant 192 : i32
    %dma_start3A_239 = tpu.memref_slice %arg20[%dma_start3A_238] : memref<512xi32, #tpu.memory_space<vmem>> -> memref<32xi32, #tpu.memory_space<vmem>>
    %dma_start3A_240 = arith.constant 0 : i32
    %dma_start3A_241 = arith.constant 0 : i32
    %dma_start3A_242 = tpu.memref_slice %arg6[%dma_start3A_240, %dma_start3A_241] : memref<8192x288xf32, #tpu.memory_space<hbm>> -> memref<8192x288xf32, #tpu.memory_space<hbm>>
    %dma_start3A_243 = tpu.memref_slice %arg25[%dma_start3A_237] : memref<4x!tpu.dma_semaphore, #tpu.memory_space<semaphore_mem>> -> memref<1x!tpu.dma_semaphore, #tpu.memory_space<semaphore_mem>>
    %dma_start3A_244 = tpu.memref_squeeze %dma_start3A_243 : memref<1x!tpu.dma_semaphore, #tpu.memory_space<semaphore_mem>> -> memref<!tpu.dma_semaphore, #tpu.memory_space<semaphore_mem>>
    tpu.enqueue_indirect_dma source(%dma_start3A_242 : memref<8192x288xf32, #tpu.memory_space<hbm>>) target(%arg23 : memref<32x288xf32, #tpu.memory_space<vmem>>) offsets(%dma_start3A_239 : memref<32xi32, #tpu.memory_space<vmem>>) semaphore(%dma_start3A_244 : memref<!tpu.dma_semaphore, #tpu.memory_space<semaphore_mem>>)
    %dma_wait3A_245 = arith.constant 1 : i32
    %dma_wait3A_246 = arith.constant 160 : i32
    %dma_wait3A_247 = tpu.memref_slice %arg20[%dma_wait3A_246] : memref<512xi32, #tpu.memory_space<vmem>> -> memref<32xi32, #tpu.memory_space<vmem>>
    %dma_wait3A_248 = arith.constant 0 : i32
    %dma_wait3A_249 = arith.constant 0 : i32
    %dma_wait3A_250 = tpu.memref_slice %arg6[%dma_wait3A_248, %dma_wait3A_249] : memref<8192x288xf32, #tpu.memory_space<hbm>> -> memref<8192x288xf32, #tpu.memory_space<hbm>>
    %dma_wait3A_251 = tpu.memref_slice %arg25[%dma_wait3A_245] : memref<4x!tpu.dma_semaphore, #tpu.memory_space<semaphore_mem>> -> memref<1x!tpu.dma_semaphore, #tpu.memory_space<semaphore_mem>>
    %dma_wait3A_252 = tpu.memref_squeeze %dma_wait3A_251 : memref<1x!tpu.dma_semaphore, #tpu.memory_space<semaphore_mem>> -> memref<!tpu.dma_semaphore, #tpu.memory_space<semaphore_mem>>
    tpu.wait_indirect_dma semaphore(%dma_wait3A_252 : memref<!tpu.dma_semaphore, #tpu.memory_space<semaphore_mem>>) src(%dma_wait3A_250 : memref<8192x288xf32, #tpu.memory_space<hbm>>) dst(%arg22 : memref<32x288xf32, #tpu.memory_space<vmem>>)
    %dma_start3A_253 = arith.constant 5 : i32
    %dma_start3A_254 = arith.constant 1 : i32
    %dma_start3A_255 = arith.constant 0 : i32
    %dma_start3A_256 = tpu.memref_slice %arg9[%select_n3A, %dma_start3A_253, %mul3A_32, %dma_start3A_255] : memref<4x16x256x288xf32, #tpu.memory_space<hbm>> -> memref<1x1x32x288xf32, #tpu.memory_space<hbm>>
    %dma_start3A_257 = tpu.memref_squeeze %dma_start3A_256 : memref<1x1x32x288xf32, #tpu.memory_space<hbm>> -> memref<32x288xf32, #tpu.memory_space<hbm>>
    %dma_start3A_258 = tpu.memref_slice %arg26[%dma_start3A_254] : memref<4x!tpu.dma_semaphore, #tpu.memory_space<semaphore_mem>> -> memref<1x!tpu.dma_semaphore, #tpu.memory_space<semaphore_mem>>
    %dma_start3A_259 = tpu.memref_squeeze %dma_start3A_258 : memref<1x!tpu.dma_semaphore, #tpu.memory_space<semaphore_mem>> -> memref<!tpu.dma_semaphore, #tpu.memory_space<semaphore_mem>>
    %dma_start3A_260 = arith.constant 0 : i32
    %dma_start3A_261 = tpu.memref_slice %arg9[%select_n3A, %dma_start3A_253, %mul3A_32, %dma_start3A_260] : memref<4x16x256x288xf32, #tpu.memory_space<hbm>> -> memref<1x1x32x288xf32, #tpu.memory_space<hbm>>
    %dma_start3A_262 = tpu.memref_squeeze %dma_start3A_261 : memref<1x1x32x288xf32, #tpu.memory_space<hbm>> -> memref<32x288xf32, #tpu.memory_space<hbm>>
    tpu.enqueue_dma source(%arg22 : memref<32x288xf32, #tpu.memory_space<vmem>>) target(%dma_start3A_262 : memref<32x288xf32, #tpu.memory_space<hbm>>) target_semaphore(%dma_start3A_259 : memref<!tpu.dma_semaphore, #tpu.memory_space<semaphore_mem>>)
    %dma_wait3A_263 = arith.constant 3 : i32
    %dma_wait3A_264 = arith.constant 3 : i32
    %dma_wait3A_265 = arith.constant 0 : i32
    %dma_wait3A_266 = tpu.memref_slice %arg9[%select_n3A, %dma_wait3A_263, %mul3A_32, %dma_wait3A_265] : memref<4x16x256x288xf32, #tpu.memory_space<hbm>> -> memref<1x1x32x288xf32, #tpu.memory_space<hbm>>
    %dma_wait3A_267 = tpu.memref_squeeze %dma_wait3A_266 : memref<1x1x32x288xf32, #tpu.memory_space<hbm>> -> memref<32x288xf32, #tpu.memory_space<hbm>>
    %dma_wait3A_268 = tpu.memref_slice %arg26[%dma_wait3A_264] : memref<4x!tpu.dma_semaphore, #tpu.memory_space<semaphore_mem>> -> memref<1x!tpu.dma_semaphore, #tpu.memory_space<semaphore_mem>>
    %dma_wait3A_269 = tpu.memref_squeeze %dma_wait3A_268 : memref<1x!tpu.dma_semaphore, #tpu.memory_space<semaphore_mem>> -> memref<!tpu.dma_semaphore, #tpu.memory_space<semaphore_mem>>
    %dma_wait3A_270 = arith.constant 0 : i32
    %dma_wait3A_271 = tpu.memref_slice %arg9[%select_n3A, %dma_wait3A_263, %mul3A_32, %dma_wait3A_270] : memref<4x16x256x288xf32, #tpu.memory_space<hbm>> -> memref<1x1x32x288xf32, #tpu.memory_space<hbm>>
    %dma_wait3A_272 = tpu.memref_squeeze %dma_wait3A_271 : memref<1x1x32x288xf32, #tpu.memory_space<hbm>> -> memref<32x288xf32, #tpu.memory_space<hbm>>
    tpu.wait_dma2 semaphore(%dma_wait3A_269 : memref<!tpu.dma_semaphore, #tpu.memory_space<semaphore_mem>>) src(%arg24 : memref<32x288xf32, #tpu.memory_space<vmem>>) dst(%dma_wait3A_272 : memref<32x288xf32, #tpu.memory_space<hbm>>)
    %dma_start3A_273 = arith.constant 3 : i32
    %dma_start3A_274 = arith.constant 224 : i32
    %dma_start3A_275 = tpu.memref_slice %arg20[%dma_start3A_274] : memref<512xi32, #tpu.memory_space<vmem>> -> memref<32xi32, #tpu.memory_space<vmem>>
    %dma_start3A_276 = arith.constant 0 : i32
    %dma_start3A_277 = arith.constant 0 : i32
    %dma_start3A_278 = tpu.memref_slice %arg6[%dma_start3A_276, %dma_start3A_277] : memref<8192x288xf32, #tpu.memory_space<hbm>> -> memref<8192x288xf32, #tpu.memory_space<hbm>>
    %dma_start3A_279 = tpu.memref_slice %arg25[%dma_start3A_273] : memref<4x!tpu.dma_semaphore, #tpu.memory_space<semaphore_mem>> -> memref<1x!tpu.dma_semaphore, #tpu.memory_space<semaphore_mem>>
    %dma_start3A_280 = tpu.memref_squeeze %dma_start3A_279 : memref<1x!tpu.dma_semaphore, #tpu.memory_space<semaphore_mem>> -> memref<!tpu.dma_semaphore, #tpu.memory_space<semaphore_mem>>
    tpu.enqueue_indirect_dma source(%dma_start3A_278 : memref<8192x288xf32, #tpu.memory_space<hbm>>) target(%arg24 : memref<32x288xf32, #tpu.memory_space<vmem>>) offsets(%dma_start3A_275 : memref<32xi32, #tpu.memory_space<vmem>>) semaphore(%dma_start3A_280 : memref<!tpu.dma_semaphore, #tpu.memory_space<semaphore_mem>>)
    %dma_wait3A_281 = arith.constant 2 : i32
    %dma_wait3A_282 = arith.constant 192 : i32
    %dma_wait3A_283 = tpu.memref_slice %arg20[%dma_wait3A_282] : memref<512xi32, #tpu.memory_space<vmem>> -> memref<32xi32, #tpu.memory_space<vmem>>
    %dma_wait3A_284 = arith.constant 0 : i32
    %dma_wait3A_285 = arith.constant 0 : i32
    %dma_wait3A_286 = tpu.memref_slice %arg6[%dma_wait3A_284, %dma_wait3A_285] : memref<8192x288xf32, #tpu.memory_space<hbm>> -> memref<8192x288xf32, #tpu.memory_space<hbm>>
    %dma_wait3A_287 = tpu.memref_slice %arg25[%dma_wait3A_281] : memref<4x!tpu.dma_semaphore, #tpu.memory_space<semaphore_mem>> -> memref<1x!tpu.dma_semaphore, #tpu.memory_space<semaphore_mem>>
    %dma_wait3A_288 = tpu.memref_squeeze %dma_wait3A_287 : memref<1x!tpu.dma_semaphore, #tpu.memory_space<semaphore_mem>> -> memref<!tpu.dma_semaphore, #tpu.memory_space<semaphore_mem>>
    tpu.wait_indirect_dma semaphore(%dma_wait3A_288 : memref<!tpu.dma_semaphore, #tpu.memory_space<semaphore_mem>>) src(%dma_wait3A_286 : memref<8192x288xf32, #tpu.memory_space<hbm>>) dst(%arg23 : memref<32x288xf32, #tpu.memory_space<vmem>>)
    %dma_start3A_289 = arith.constant 6 : i32
    %dma_start3A_290 = arith.constant 2 : i32
    %dma_start3A_291 = arith.constant 0 : i32
    %dma_start3A_292 = tpu.memref_slice %arg9[%select_n3A, %dma_start3A_289, %mul3A_32, %dma_start3A_291] : memref<4x16x256x288xf32, #tpu.memory_space<hbm>> -> memref<1x1x32x288xf32, #tpu.memory_space<hbm>>
    %dma_start3A_293 = tpu.memref_squeeze %dma_start3A_292 : memref<1x1x32x288xf32, #tpu.memory_space<hbm>> -> memref<32x288xf32, #tpu.memory_space<hbm>>
    %dma_start3A_294 = tpu.memref_slice %arg26[%dma_start3A_290] : memref<4x!tpu.dma_semaphore, #tpu.memory_space<semaphore_mem>> -> memref<1x!tpu.dma_semaphore, #tpu.memory_space<semaphore_mem>>
    %dma_start3A_295 = tpu.memref_squeeze %dma_start3A_294 : memref<1x!tpu.dma_semaphore, #tpu.memory_space<semaphore_mem>> -> memref<!tpu.dma_semaphore, #tpu.memory_space<semaphore_mem>>
    %dma_start3A_296 = arith.constant 0 : i32
    %dma_start3A_297 = tpu.memref_slice %arg9[%select_n3A, %dma_start3A_289, %mul3A_32, %dma_start3A_296] : memref<4x16x256x288xf32, #tpu.memory_space<hbm>> -> memref<1x1x32x288xf32, #tpu.memory_space<hbm>>
    %dma_start3A_298 = tpu.memref_squeeze %dma_start3A_297 : memref<1x1x32x288xf32, #tpu.memory_space<hbm>> -> memref<32x288xf32, #tpu.memory_space<hbm>>
    tpu.enqueue_dma source(%arg23 : memref<32x288xf32, #tpu.memory_space<vmem>>) target(%dma_start3A_298 : memref<32x288xf32, #tpu.memory_space<hbm>>) target_semaphore(%dma_start3A_295 : memref<!tpu.dma_semaphore, #tpu.memory_space<semaphore_mem>>)
    %dma_wait3A_299 = arith.constant 4 : i32
    %dma_wait3A_300 = arith.constant 0 : i32
    %dma_wait3A_301 = arith.constant 0 : i32
    %dma_wait3A_302 = tpu.memref_slice %arg9[%select_n3A, %dma_wait3A_299, %mul3A_32, %dma_wait3A_301] : memref<4x16x256x288xf32, #tpu.memory_space<hbm>> -> memref<1x1x32x288xf32, #tpu.memory_space<hbm>>
    %dma_wait3A_303 = tpu.memref_squeeze %dma_wait3A_302 : memref<1x1x32x288xf32, #tpu.memory_space<hbm>> -> memref<32x288xf32, #tpu.memory_space<hbm>>
    %dma_wait3A_304 = tpu.memref_slice %arg26[%dma_wait3A_300] : memref<4x!tpu.dma_semaphore, #tpu.memory_space<semaphore_mem>> -> memref<1x!tpu.dma_semaphore, #tpu.memory_space<semaphore_mem>>
    %dma_wait3A_305 = tpu.memref_squeeze %dma_wait3A_304 : memref<1x!tpu.dma_semaphore, #tpu.memory_space<semaphore_mem>> -> memref<!tpu.dma_semaphore, #tpu.memory_space<semaphore_mem>>
    %dma_wait3A_306 = arith.constant 0 : i32
    %dma_wait3A_307 = tpu.memref_slice %arg9[%select_n3A, %dma_wait3A_299, %mul3A_32, %dma_wait3A_306] : memref<4x16x256x288xf32, #tpu.memory_space<hbm>> -> memref<1x1x32x288xf32, #tpu.memory_space<hbm>>
    %dma_wait3A_308 = tpu.memref_squeeze %dma_wait3A_307 : memref<1x1x32x288xf32, #tpu.memory_space<hbm>> -> memref<32x288xf32, #tpu.memory_space<hbm>>
    tpu.wait_dma2 semaphore(%dma_wait3A_305 : memref<!tpu.dma_semaphore, #tpu.memory_space<semaphore_mem>>) src(%arg21 : memref<32x288xf32, #tpu.memory_space<vmem>>) dst(%dma_wait3A_308 : memref<32x288xf32, #tpu.memory_space<hbm>>)
    %dma_start3A_309 = arith.constant 0 : i32
    %dma_start3A_310 = arith.constant 256 : i32
    %dma_start3A_311 = tpu.memref_slice %arg20[%dma_start3A_310] : memref<512xi32, #tpu.memory_space<vmem>> -> memref<32xi32, #tpu.memory_space<vmem>>
    %dma_start3A_312 = arith.constant 0 : i32
    %dma_start3A_313 = arith.constant 0 : i32
    %dma_start3A_314 = tpu.memref_slice %arg6[%dma_start3A_312, %dma_start3A_313] : memref<8192x288xf32, #tpu.memory_space<hbm>> -> memref<8192x288xf32, #tpu.memory_space<hbm>>
    %dma_start3A_315 = tpu.memref_slice %arg25[%dma_start3A_309] : memref<4x!tpu.dma_semaphore, #tpu.memory_space<semaphore_mem>> -> memref<1x!tpu.dma_semaphore, #tpu.memory_space<semaphore_mem>>
    %dma_start3A_316 = tpu.memref_squeeze %dma_start3A_315 : memref<1x!tpu.dma_semaphore, #tpu.memory_space<semaphore_mem>> -> memref<!tpu.dma_semaphore, #tpu.memory_space<semaphore_mem>>
    tpu.enqueue_indirect_dma source(%dma_start3A_314 : memref<8192x288xf32, #tpu.memory_space<hbm>>) target(%arg21 : memref<32x288xf32, #tpu.memory_space<vmem>>) offsets(%dma_start3A_311 : memref<32xi32, #tpu.memory_space<vmem>>) semaphore(%dma_start3A_316 : memref<!tpu.dma_semaphore, #tpu.memory_space<semaphore_mem>>)
    %dma_wait3A_317 = arith.constant 3 : i32
    %dma_wait3A_318 = arith.constant 224 : i32
    %dma_wait3A_319 = tpu.memref_slice %arg20[%dma_wait3A_318] : memref<512xi32, #tpu.memory_space<vmem>> -> memref<32xi32, #tpu.memory_space<vmem>>
    %dma_wait3A_320 = arith.constant 0 : i32
    %dma_wait3A_321 = arith.constant 0 : i32
    %dma_wait3A_322 = tpu.memref_slice %arg6[%dma_wait3A_320, %dma_wait3A_321] : memref<8192x288xf32, #tpu.memory_space<hbm>> -> memref<8192x288xf32, #tpu.memory_space<hbm>>
    %dma_wait3A_323 = tpu.memref_slice %arg25[%dma_wait3A_317] : memref<4x!tpu.dma_semaphore, #tpu.memory_space<semaphore_mem>> -> memref<1x!tpu.dma_semaphore, #tpu.memory_space<semaphore_mem>>
    %dma_wait3A_324 = tpu.memref_squeeze %dma_wait3A_323 : memref<1x!tpu.dma_semaphore, #tpu.memory_space<semaphore_mem>> -> memref<!tpu.dma_semaphore, #tpu.memory_space<semaphore_mem>>
    tpu.wait_indirect_dma semaphore(%dma_wait3A_324 : memref<!tpu.dma_semaphore, #tpu.memory_space<semaphore_mem>>) src(%dma_wait3A_322 : memref<8192x288xf32, #tpu.memory_space<hbm>>) dst(%arg24 : memref<32x288xf32, #tpu.memory_space<vmem>>)
    %dma_start3A_325 = arith.constant 7 : i32
    %dma_start3A_326 = arith.constant 3 : i32
    %dma_start3A_327 = arith.constant 0 : i32
    %dma_start3A_328 = tpu.memref_slice %arg9[%select_n3A, %dma_start3A_325, %mul3A_32, %dma_start3A_327] : memref<4x16x256x288xf32, #tpu.memory_space<hbm>> -> memref<1x1x32x288xf32, #tpu.memory_space<hbm>>
    %dma_start3A_329 = tpu.memref_squeeze %dma_start3A_328 : memref<1x1x32x288xf32, #tpu.memory_space<hbm>> -> memref<32x288xf32, #tpu.memory_space<hbm>>
    %dma_start3A_330 = tpu.memref_slice %arg26[%dma_start3A_326] : memref<4x!tpu.dma_semaphore, #tpu.memory_space<semaphore_mem>> -> memref<1x!tpu.dma_semaphore, #tpu.memory_space<semaphore_mem>>
    %dma_start3A_331 = tpu.memref_squeeze %dma_start3A_330 : memref<1x!tpu.dma_semaphore, #tpu.memory_space<semaphore_mem>> -> memref<!tpu.dma_semaphore, #tpu.memory_space<semaphore_mem>>
    %dma_start3A_332 = arith.constant 0 : i32
    %dma_start3A_333 = tpu.memref_slice %arg9[%select_n3A, %dma_start3A_325, %mul3A_32, %dma_start3A_332] : memref<4x16x256x288xf32, #tpu.memory_space<hbm>> -> memref<1x1x32x288xf32, #tpu.memory_space<hbm>>
    %dma_start3A_334 = tpu.memref_squeeze %dma_start3A_333 : memref<1x1x32x288xf32, #tpu.memory_space<hbm>> -> memref<32x288xf32, #tpu.memory_space<hbm>>
    tpu.enqueue_dma source(%arg24 : memref<32x288xf32, #tpu.memory_space<vmem>>) target(%dma_start3A_334 : memref<32x288xf32, #tpu.memory_space<hbm>>) target_semaphore(%dma_start3A_331 : memref<!tpu.dma_semaphore, #tpu.memory_space<semaphore_mem>>)
    %dma_wait3A_335 = arith.constant 5 : i32
    %dma_wait3A_336 = arith.constant 1 : i32
    %dma_wait3A_337 = arith.constant 0 : i32
    %dma_wait3A_338 = tpu.memref_slice %arg9[%select_n3A, %dma_wait3A_335, %mul3A_32, %dma_wait3A_337] : memref<4x16x256x288xf32, #tpu.memory_space<hbm>> -> memref<1x1x32x288xf32, #tpu.memory_space<hbm>>
    %dma_wait3A_339 = tpu.memref_squeeze %dma_wait3A_338 : memref<1x1x32x288xf32, #tpu.memory_space<hbm>> -> memref<32x288xf32, #tpu.memory_space<hbm>>
    %dma_wait3A_340 = tpu.memref_slice %arg26[%dma_wait3A_336] : memref<4x!tpu.dma_semaphore, #tpu.memory_space<semaphore_mem>> -> memref<1x!tpu.dma_semaphore, #tpu.memory_space<semaphore_mem>>
    %dma_wait3A_341 = tpu.memref_squeeze %dma_wait3A_340 : memref<1x!tpu.dma_semaphore, #tpu.memory_space<semaphore_mem>> -> memref<!tpu.dma_semaphore, #tpu.memory_space<semaphore_mem>>
    %dma_wait3A_342 = arith.constant 0 : i32
    %dma_wait3A_343 = tpu.memref_slice %arg9[%select_n3A, %dma_wait3A_335, %mul3A_32, %dma_wait3A_342] : memref<4x16x256x288xf32, #tpu.memory_space<hbm>> -> memref<1x1x32x288xf32, #tpu.memory_space<hbm>>
    %dma_wait3A_344 = tpu.memref_squeeze %dma_wait3A_343 : memref<1x1x32x288xf32, #tpu.memory_space<hbm>> -> memref<32x288xf32, #tpu.memory_space<hbm>>
    tpu.wait_dma2 semaphore(%dma_wait3A_341 : memref<!tpu.dma_semaphore, #tpu.memory_space<semaphore_mem>>) src(%arg22 : memref<32x288xf32, #tpu.memory_space<vmem>>) dst(%dma_wait3A_344 : memref<32x288xf32, #tpu.memory_space<hbm>>)
    %dma_start3A_345 = arith.constant 1 : i32
    %dma_start3A_346 = arith.constant 288 : i32
    %dma_start3A_347 = tpu.memref_slice %arg20[%dma_start3A_346] : memref<512xi32, #tpu.memory_space<vmem>> -> memref<32xi32, #tpu.memory_space<vmem>>
    %dma_start3A_348 = arith.constant 0 : i32
    %dma_start3A_349 = arith.constant 0 : i32
    %dma_start3A_350 = tpu.memref_slice %arg6[%dma_start3A_348, %dma_start3A_349] : memref<8192x288xf32, #tpu.memory_space<hbm>> -> memref<8192x288xf32, #tpu.memory_space<hbm>>
    %dma_start3A_351 = tpu.memref_slice %arg25[%dma_start3A_345] : memref<4x!tpu.dma_semaphore, #tpu.memory_space<semaphore_mem>> -> memref<1x!tpu.dma_semaphore, #tpu.memory_space<semaphore_mem>>
    %dma_start3A_352 = tpu.memref_squeeze %dma_start3A_351 : memref<1x!tpu.dma_semaphore, #tpu.memory_space<semaphore_mem>> -> memref<!tpu.dma_semaphore, #tpu.memory_space<semaphore_mem>>
    tpu.enqueue_indirect_dma source(%dma_start3A_350 : memref<8192x288xf32, #tpu.memory_space<hbm>>) target(%arg22 : memref<32x288xf32, #tpu.memory_space<vmem>>) offsets(%dma_start3A_347 : memref<32xi32, #tpu.memory_space<vmem>>) semaphore(%dma_start3A_352 : memref<!tpu.dma_semaphore, #tpu.memory_space<semaphore_mem>>)
    %dma_wait3A_353 = arith.constant 0 : i32
    %dma_wait3A_354 = arith.constant 256 : i32
    %dma_wait3A_355 = tpu.memref_slice %arg20[%dma_wait3A_354] : memref<512xi32, #tpu.memory_space<vmem>> -> memref<32xi32, #tpu.memory_space<vmem>>
    %dma_wait3A_356 = arith.constant 0 : i32
    %dma_wait3A_357 = arith.constant 0 : i32
    %dma_wait3A_358 = tpu.memref_slice %arg6[%dma_wait3A_356, %dma_wait3A_357] : memref<8192x288xf32, #tpu.memory_space<hbm>> -> memref<8192x288xf32, #tpu.memory_space<hbm>>
    %dma_wait3A_359 = tpu.memref_slice %arg25[%dma_wait3A_353] : memref<4x!tpu.dma_semaphore, #tpu.memory_space<semaphore_mem>> -> memref<1x!tpu.dma_semaphore, #tpu.memory_space<semaphore_mem>>
    %dma_wait3A_360 = tpu.memref_squeeze %dma_wait3A_359 : memref<1x!tpu.dma_semaphore, #tpu.memory_space<semaphore_mem>> -> memref<!tpu.dma_semaphore, #tpu.memory_space<semaphore_mem>>
    tpu.wait_indirect_dma semaphore(%dma_wait3A_360 : memref<!tpu.dma_semaphore, #tpu.memory_space<semaphore_mem>>) src(%dma_wait3A_358 : memref<8192x288xf32, #tpu.memory_space<hbm>>) dst(%arg21 : memref<32x288xf32, #tpu.memory_space<vmem>>)
    %dma_start3A_361 = arith.constant 8 : i32
    %dma_start3A_362 = arith.constant 0 : i32
    %dma_start3A_363 = arith.constant 0 : i32
    %dma_start3A_364 = tpu.memref_slice %arg9[%select_n3A, %dma_start3A_361, %mul3A_32, %dma_start3A_363] : memref<4x16x256x288xf32, #tpu.memory_space<hbm>> -> memref<1x1x32x288xf32, #tpu.memory_space<hbm>>
    %dma_start3A_365 = tpu.memref_squeeze %dma_start3A_364 : memref<1x1x32x288xf32, #tpu.memory_space<hbm>> -> memref<32x288xf32, #tpu.memory_space<hbm>>
    %dma_start3A_366 = tpu.memref_slice %arg26[%dma_start3A_362] : memref<4x!tpu.dma_semaphore, #tpu.memory_space<semaphore_mem>> -> memref<1x!tpu.dma_semaphore, #tpu.memory_space<semaphore_mem>>
    %dma_start3A_367 = tpu.memref_squeeze %dma_start3A_366 : memref<1x!tpu.dma_semaphore, #tpu.memory_space<semaphore_mem>> -> memref<!tpu.dma_semaphore, #tpu.memory_space<semaphore_mem>>
    %dma_start3A_368 = arith.constant 0 : i32
    %dma_start3A_369 = tpu.memref_slice %arg9[%select_n3A, %dma_start3A_361, %mul3A_32, %dma_start3A_368] : memref<4x16x256x288xf32, #tpu.memory_space<hbm>> -> memref<1x1x32x288xf32, #tpu.memory_space<hbm>>
    %dma_start3A_370 = tpu.memref_squeeze %dma_start3A_369 : memref<1x1x32x288xf32, #tpu.memory_space<hbm>> -> memref<32x288xf32, #tpu.memory_space<hbm>>
    tpu.enqueue_dma source(%arg21 : memref<32x288xf32, #tpu.memory_space<vmem>>) target(%dma_start3A_370 : memref<32x288xf32, #tpu.memory_space<hbm>>) target_semaphore(%dma_start3A_367 : memref<!tpu.dma_semaphore, #tpu.memory_space<semaphore_mem>>)
    %dma_wait3A_371 = arith.constant 6 : i32
    %dma_wait3A_372 = arith.constant 2 : i32
    %dma_wait3A_373 = arith.constant 0 : i32
    %dma_wait3A_374 = tpu.memref_slice %arg9[%select_n3A, %dma_wait3A_371, %mul3A_32, %dma_wait3A_373] : memref<4x16x256x288xf32, #tpu.memory_space<hbm>> -> memref<1x1x32x288xf32, #tpu.memory_space<hbm>>
    %dma_wait3A_375 = tpu.memref_squeeze %dma_wait3A_374 : memref<1x1x32x288xf32, #tpu.memory_space<hbm>> -> memref<32x288xf32, #tpu.memory_space<hbm>>
    %dma_wait3A_376 = tpu.memref_slice %arg26[%dma_wait3A_372] : memref<4x!tpu.dma_semaphore, #tpu.memory_space<semaphore_mem>> -> memref<1x!tpu.dma_semaphore, #tpu.memory_space<semaphore_mem>>
    %dma_wait3A_377 = tpu.memref_squeeze %dma_wait3A_376 : memref<1x!tpu.dma_semaphore, #tpu.memory_space<semaphore_mem>> -> memref<!tpu.dma_semaphore, #tpu.memory_space<semaphore_mem>>
    %dma_wait3A_378 = arith.constant 0 : i32
    %dma_wait3A_379 = tpu.memref_slice %arg9[%select_n3A, %dma_wait3A_371, %mul3A_32, %dma_wait3A_378] : memref<4x16x256x288xf32, #tpu.memory_space<hbm>> -> memref<1x1x32x288xf32, #tpu.memory_space<hbm>>
    %dma_wait3A_380 = tpu.memref_squeeze %dma_wait3A_379 : memref<1x1x32x288xf32, #tpu.memory_space<hbm>> -> memref<32x288xf32, #tpu.memory_space<hbm>>
    tpu.wait_dma2 semaphore(%dma_wait3A_377 : memref<!tpu.dma_semaphore, #tpu.memory_space<semaphore_mem>>) src(%arg23 : memref<32x288xf32, #tpu.memory_space<vmem>>) dst(%dma_wait3A_380 : memref<32x288xf32, #tpu.memory_space<hbm>>)
    %dma_start3A_381 = arith.constant 2 : i32
    %dma_start3A_382 = arith.constant 320 : i32
    %dma_start3A_383 = tpu.memref_slice %arg20[%dma_start3A_382] : memref<512xi32, #tpu.memory_space<vmem>> -> memref<32xi32, #tpu.memory_space<vmem>>
    %dma_start3A_384 = arith.constant 0 : i32
    %dma_start3A_385 = arith.constant 0 : i32
    %dma_start3A_386 = tpu.memref_slice %arg6[%dma_start3A_384, %dma_start3A_385] : memref<8192x288xf32, #tpu.memory_space<hbm>> -> memref<8192x288xf32, #tpu.memory_space<hbm>>
    %dma_start3A_387 = tpu.memref_slice %arg25[%dma_start3A_381] : memref<4x!tpu.dma_semaphore, #tpu.memory_space<semaphore_mem>> -> memref<1x!tpu.dma_semaphore, #tpu.memory_space<semaphore_mem>>
    %dma_start3A_388 = tpu.memref_squeeze %dma_start3A_387 : memref<1x!tpu.dma_semaphore, #tpu.memory_space<semaphore_mem>> -> memref<!tpu.dma_semaphore, #tpu.memory_space<semaphore_mem>>
    tpu.enqueue_indirect_dma source(%dma_start3A_386 : memref<8192x288xf32, #tpu.memory_space<hbm>>) target(%arg23 : memref<32x288xf32, #tpu.memory_space<vmem>>) offsets(%dma_start3A_383 : memref<32xi32, #tpu.memory_space<vmem>>) semaphore(%dma_start3A_388 : memref<!tpu.dma_semaphore, #tpu.memory_space<semaphore_mem>>)
    %dma_wait3A_389 = arith.constant 1 : i32
    %dma_wait3A_390 = arith.constant 288 : i32
    %dma_wait3A_391 = tpu.memref_slice %arg20[%dma_wait3A_390] : memref<512xi32, #tpu.memory_space<vmem>> -> memref<32xi32, #tpu.memory_space<vmem>>
    %dma_wait3A_392 = arith.constant 0 : i32
    %dma_wait3A_393 = arith.constant 0 : i32
    %dma_wait3A_394 = tpu.memref_slice %arg6[%dma_wait3A_392, %dma_wait3A_393] : memref<8192x288xf32, #tpu.memory_space<hbm>> -> memref<8192x288xf32, #tpu.memory_space<hbm>>
    %dma_wait3A_395 = tpu.memref_slice %arg25[%dma_wait3A_389] : memref<4x!tpu.dma_semaphore, #tpu.memory_space<semaphore_mem>> -> memref<1x!tpu.dma_semaphore, #tpu.memory_space<semaphore_mem>>
    %dma_wait3A_396 = tpu.memref_squeeze %dma_wait3A_395 : memref<1x!tpu.dma_semaphore, #tpu.memory_space<semaphore_mem>> -> memref<!tpu.dma_semaphore, #tpu.memory_space<semaphore_mem>>
    tpu.wait_indirect_dma semaphore(%dma_wait3A_396 : memref<!tpu.dma_semaphore, #tpu.memory_space<semaphore_mem>>) src(%dma_wait3A_394 : memref<8192x288xf32, #tpu.memory_space<hbm>>) dst(%arg22 : memref<32x288xf32, #tpu.memory_space<vmem>>)
    %dma_start3A_397 = arith.constant 9 : i32
    %dma_start3A_398 = arith.constant 1 : i32
    %dma_start3A_399 = arith.constant 0 : i32
    %dma_start3A_400 = tpu.memref_slice %arg9[%select_n3A, %dma_start3A_397, %mul3A_32, %dma_start3A_399] : memref<4x16x256x288xf32, #tpu.memory_space<hbm>> -> memref<1x1x32x288xf32, #tpu.memory_space<hbm>>
    %dma_start3A_401 = tpu.memref_squeeze %dma_start3A_400 : memref<1x1x32x288xf32, #tpu.memory_space<hbm>> -> memref<32x288xf32, #tpu.memory_space<hbm>>
    %dma_start3A_402 = tpu.memref_slice %arg26[%dma_start3A_398] : memref<4x!tpu.dma_semaphore, #tpu.memory_space<semaphore_mem>> -> memref<1x!tpu.dma_semaphore, #tpu.memory_space<semaphore_mem>>
    %dma_start3A_403 = tpu.memref_squeeze %dma_start3A_402 : memref<1x!tpu.dma_semaphore, #tpu.memory_space<semaphore_mem>> -> memref<!tpu.dma_semaphore, #tpu.memory_space<semaphore_mem>>
    %dma_start3A_404 = arith.constant 0 : i32
    %dma_start3A_405 = tpu.memref_slice %arg9[%select_n3A, %dma_start3A_397, %mul3A_32, %dma_start3A_404] : memref<4x16x256x288xf32, #tpu.memory_space<hbm>> -> memref<1x1x32x288xf32, #tpu.memory_space<hbm>>
    %dma_start3A_406 = tpu.memref_squeeze %dma_start3A_405 : memref<1x1x32x288xf32, #tpu.memory_space<hbm>> -> memref<32x288xf32, #tpu.memory_space<hbm>>
    tpu.enqueue_dma source(%arg22 : memref<32x288xf32, #tpu.memory_space<vmem>>) target(%dma_start3A_406 : memref<32x288xf32, #tpu.memory_space<hbm>>) target_semaphore(%dma_start3A_403 : memref<!tpu.dma_semaphore, #tpu.memory_space<semaphore_mem>>)
    %dma_wait3A_407 = arith.constant 7 : i32
    %dma_wait3A_408 = arith.constant 3 : i32
    %dma_wait3A_409 = arith.constant 0 : i32
    %dma_wait3A_410 = tpu.memref_slice %arg9[%select_n3A, %dma_wait3A_407, %mul3A_32, %dma_wait3A_409] : memref<4x16x256x288xf32, #tpu.memory_space<hbm>> -> memref<1x1x32x288xf32, #tpu.memory_space<hbm>>
    %dma_wait3A_411 = tpu.memref_squeeze %dma_wait3A_410 : memref<1x1x32x288xf32, #tpu.memory_space<hbm>> -> memref<32x288xf32, #tpu.memory_space<hbm>>
    %dma_wait3A_412 = tpu.memref_slice %arg26[%dma_wait3A_408] : memref<4x!tpu.dma_semaphore, #tpu.memory_space<semaphore_mem>> -> memref<1x!tpu.dma_semaphore, #tpu.memory_space<semaphore_mem>>
    %dma_wait3A_413 = tpu.memref_squeeze %dma_wait3A_412 : memref<1x!tpu.dma_semaphore, #tpu.memory_space<semaphore_mem>> -> memref<!tpu.dma_semaphore, #tpu.memory_space<semaphore_mem>>
    %dma_wait3A_414 = arith.constant 0 : i32
    %dma_wait3A_415 = tpu.memref_slice %arg9[%select_n3A, %dma_wait3A_407, %mul3A_32, %dma_wait3A_414] : memref<4x16x256x288xf32, #tpu.memory_space<hbm>> -> memref<1x1x32x288xf32, #tpu.memory_space<hbm>>
    %dma_wait3A_416 = tpu.memref_squeeze %dma_wait3A_415 : memref<1x1x32x288xf32, #tpu.memory_space<hbm>> -> memref<32x288xf32, #tpu.memory_space<hbm>>
    tpu.wait_dma2 semaphore(%dma_wait3A_413 : memref<!tpu.dma_semaphore, #tpu.memory_space<semaphore_mem>>) src(%arg24 : memref<32x288xf32, #tpu.memory_space<vmem>>) dst(%dma_wait3A_416 : memref<32x288xf32, #tpu.memory_space<hbm>>)
    %dma_start3A_417 = arith.constant 3 : i32
    %dma_start3A_418 = arith.constant 352 : i32
    %dma_start3A_419 = tpu.memref_slice %arg20[%dma_start3A_418] : memref<512xi32, #tpu.memory_space<vmem>> -> memref<32xi32, #tpu.memory_space<vmem>>
    %dma_start3A_420 = arith.constant 0 : i32
    %dma_start3A_421 = arith.constant 0 : i32
    %dma_start3A_422 = tpu.memref_slice %arg6[%dma_start3A_420, %dma_start3A_421] : memref<8192x288xf32, #tpu.memory_space<hbm>> -> memref<8192x288xf32, #tpu.memory_space<hbm>>
    %dma_start3A_423 = tpu.memref_slice %arg25[%dma_start3A_417] : memref<4x!tpu.dma_semaphore, #tpu.memory_space<semaphore_mem>> -> memref<1x!tpu.dma_semaphore, #tpu.memory_space<semaphore_mem>>
    %dma_start3A_424 = tpu.memref_squeeze %dma_start3A_423 : memref<1x!tpu.dma_semaphore, #tpu.memory_space<semaphore_mem>> -> memref<!tpu.dma_semaphore, #tpu.memory_space<semaphore_mem>>
    tpu.enqueue_indirect_dma source(%dma_start3A_422 : memref<8192x288xf32, #tpu.memory_space<hbm>>) target(%arg24 : memref<32x288xf32, #tpu.memory_space<vmem>>) offsets(%dma_start3A_419 : memref<32xi32, #tpu.memory_space<vmem>>) semaphore(%dma_start3A_424 : memref<!tpu.dma_semaphore, #tpu.memory_space<semaphore_mem>>)
    %dma_wait3A_425 = arith.constant 2 : i32
    %dma_wait3A_426 = arith.constant 320 : i32
    %dma_wait3A_427 = tpu.memref_slice %arg20[%dma_wait3A_426] : memref<512xi32, #tpu.memory_space<vmem>> -> memref<32xi32, #tpu.memory_space<vmem>>
    %dma_wait3A_428 = arith.constant 0 : i32
    %dma_wait3A_429 = arith.constant 0 : i32
    %dma_wait3A_430 = tpu.memref_slice %arg6[%dma_wait3A_428, %dma_wait3A_429] : memref<8192x288xf32, #tpu.memory_space<hbm>> -> memref<8192x288xf32, #tpu.memory_space<hbm>>
    %dma_wait3A_431 = tpu.memref_slice %arg25[%dma_wait3A_425] : memref<4x!tpu.dma_semaphore, #tpu.memory_space<semaphore_mem>> -> memref<1x!tpu.dma_semaphore, #tpu.memory_space<semaphore_mem>>
    %dma_wait3A_432 = tpu.memref_squeeze %dma_wait3A_431 : memref<1x!tpu.dma_semaphore, #tpu.memory_space<semaphore_mem>> -> memref<!tpu.dma_semaphore, #tpu.memory_space<semaphore_mem>>
    tpu.wait_indirect_dma semaphore(%dma_wait3A_432 : memref<!tpu.dma_semaphore, #tpu.memory_space<semaphore_mem>>) src(%dma_wait3A_430 : memref<8192x288xf32, #tpu.memory_space<hbm>>) dst(%arg23 : memref<32x288xf32, #tpu.memory_space<vmem>>)
    %dma_start3A_433 = arith.constant 10 : i32
    %dma_start3A_434 = arith.constant 2 : i32
    %dma_start3A_435 = arith.constant 0 : i32
    %dma_start3A_436 = tpu.memref_slice %arg9[%select_n3A, %dma_start3A_433, %mul3A_32, %dma_start3A_435] : memref<4x16x256x288xf32, #tpu.memory_space<hbm>> -> memref<1x1x32x288xf32, #tpu.memory_space<hbm>>
    %dma_start3A_437 = tpu.memref_squeeze %dma_start3A_436 : memref<1x1x32x288xf32, #tpu.memory_space<hbm>> -> memref<32x288xf32, #tpu.memory_space<hbm>>
    %dma_start3A_438 = tpu.memref_slice %arg26[%dma_start3A_434] : memref<4x!tpu.dma_semaphore, #tpu.memory_space<semaphore_mem>> -> memref<1x!tpu.dma_semaphore, #tpu.memory_space<semaphore_mem>>
    %dma_start3A_439 = tpu.memref_squeeze %dma_start3A_438 : memref<1x!tpu.dma_semaphore, #tpu.memory_space<semaphore_mem>> -> memref<!tpu.dma_semaphore, #tpu.memory_space<semaphore_mem>>
    %dma_start3A_440 = arith.constant 0 : i32
    %dma_start3A_441 = tpu.memref_slice %arg9[%select_n3A, %dma_start3A_433, %mul3A_32, %dma_start3A_440] : memref<4x16x256x288xf32, #tpu.memory_space<hbm>> -> memref<1x1x32x288xf32, #tpu.memory_space<hbm>>
    %dma_start3A_442 = tpu.memref_squeeze %dma_start3A_441 : memref<1x1x32x288xf32, #tpu.memory_space<hbm>> -> memref<32x288xf32, #tpu.memory_space<hbm>>
    tpu.enqueue_dma source(%arg23 : memref<32x288xf32, #tpu.memory_space<vmem>>) target(%dma_start3A_442 : memref<32x288xf32, #tpu.memory_space<hbm>>) target_semaphore(%dma_start3A_439 : memref<!tpu.dma_semaphore, #tpu.memory_space<semaphore_mem>>)
    %dma_wait3A_443 = arith.constant 8 : i32
    %dma_wait3A_444 = arith.constant 0 : i32
    %dma_wait3A_445 = arith.constant 0 : i32
    %dma_wait3A_446 = tpu.memref_slice %arg9[%select_n3A, %dma_wait3A_443, %mul3A_32, %dma_wait3A_445] : memref<4x16x256x288xf32, #tpu.memory_space<hbm>> -> memref<1x1x32x288xf32, #tpu.memory_space<hbm>>
    %dma_wait3A_447 = tpu.memref_squeeze %dma_wait3A_446 : memref<1x1x32x288xf32, #tpu.memory_space<hbm>> -> memref<32x288xf32, #tpu.memory_space<hbm>>
    %dma_wait3A_448 = tpu.memref_slice %arg26[%dma_wait3A_444] : memref<4x!tpu.dma_semaphore, #tpu.memory_space<semaphore_mem>> -> memref<1x!tpu.dma_semaphore, #tpu.memory_space<semaphore_mem>>
    %dma_wait3A_449 = tpu.memref_squeeze %dma_wait3A_448 : memref<1x!tpu.dma_semaphore, #tpu.memory_space<semaphore_mem>> -> memref<!tpu.dma_semaphore, #tpu.memory_space<semaphore_mem>>
    %dma_wait3A_450 = arith.constant 0 : i32
    %dma_wait3A_451 = tpu.memref_slice %arg9[%select_n3A, %dma_wait3A_443, %mul3A_32, %dma_wait3A_450] : memref<4x16x256x288xf32, #tpu.memory_space<hbm>> -> memref<1x1x32x288xf32, #tpu.memory_space<hbm>>
    %dma_wait3A_452 = tpu.memref_squeeze %dma_wait3A_451 : memref<1x1x32x288xf32, #tpu.memory_space<hbm>> -> memref<32x288xf32, #tpu.memory_space<hbm>>
    tpu.wait_dma2 semaphore(%dma_wait3A_449 : memref<!tpu.dma_semaphore, #tpu.memory_space<semaphore_mem>>) src(%arg21 : memref<32x288xf32, #tpu.memory_space<vmem>>) dst(%dma_wait3A_452 : memref<32x288xf32, #tpu.memory_space<hbm>>)
    %dma_start3A_453 = arith.constant 0 : i32
    %dma_start3A_454 = arith.constant 384 : i32
    %dma_start3A_455 = tpu.memref_slice %arg20[%dma_start3A_454] : memref<512xi32, #tpu.memory_space<vmem>> -> memref<32xi32, #tpu.memory_space<vmem>>
    %dma_start3A_456 = arith.constant 0 : i32
    %dma_start3A_457 = arith.constant 0 : i32
    %dma_start3A_458 = tpu.memref_slice %arg6[%dma_start3A_456, %dma_start3A_457] : memref<8192x288xf32, #tpu.memory_space<hbm>> -> memref<8192x288xf32, #tpu.memory_space<hbm>>
    %dma_start3A_459 = tpu.memref_slice %arg25[%dma_start3A_453] : memref<4x!tpu.dma_semaphore, #tpu.memory_space<semaphore_mem>> -> memref<1x!tpu.dma_semaphore, #tpu.memory_space<semaphore_mem>>
    %dma_start3A_460 = tpu.memref_squeeze %dma_start3A_459 : memref<1x!tpu.dma_semaphore, #tpu.memory_space<semaphore_mem>> -> memref<!tpu.dma_semaphore, #tpu.memory_space<semaphore_mem>>
    tpu.enqueue_indirect_dma source(%dma_start3A_458 : memref<8192x288xf32, #tpu.memory_space<hbm>>) target(%arg21 : memref<32x288xf32, #tpu.memory_space<vmem>>) offsets(%dma_start3A_455 : memref<32xi32, #tpu.memory_space<vmem>>) semaphore(%dma_start3A_460 : memref<!tpu.dma_semaphore, #tpu.memory_space<semaphore_mem>>)
    %dma_wait3A_461 = arith.constant 3 : i32
    %dma_wait3A_462 = arith.constant 352 : i32
    %dma_wait3A_463 = tpu.memref_slice %arg20[%dma_wait3A_462] : memref<512xi32, #tpu.memory_space<vmem>> -> memref<32xi32, #tpu.memory_space<vmem>>
    %dma_wait3A_464 = arith.constant 0 : i32
    %dma_wait3A_465 = arith.constant 0 : i32
    %dma_wait3A_466 = tpu.memref_slice %arg6[%dma_wait3A_464, %dma_wait3A_465] : memref<8192x288xf32, #tpu.memory_space<hbm>> -> memref<8192x288xf32, #tpu.memory_space<hbm>>
    %dma_wait3A_467 = tpu.memref_slice %arg25[%dma_wait3A_461] : memref<4x!tpu.dma_semaphore, #tpu.memory_space<semaphore_mem>> -> memref<1x!tpu.dma_semaphore, #tpu.memory_space<semaphore_mem>>
    %dma_wait3A_468 = tpu.memref_squeeze %dma_wait3A_467 : memref<1x!tpu.dma_semaphore, #tpu.memory_space<semaphore_mem>> -> memref<!tpu.dma_semaphore, #tpu.memory_space<semaphore_mem>>
    tpu.wait_indirect_dma semaphore(%dma_wait3A_468 : memref<!tpu.dma_semaphore, #tpu.memory_space<semaphore_mem>>) src(%dma_wait3A_466 : memref<8192x288xf32, #tpu.memory_space<hbm>>) dst(%arg24 : memref<32x288xf32, #tpu.memory_space<vmem>>)
    %dma_start3A_469 = arith.constant 11 : i32
    %dma_start3A_470 = arith.constant 3 : i32
    %dma_start3A_471 = arith.constant 0 : i32
    %dma_start3A_472 = tpu.memref_slice %arg9[%select_n3A, %dma_start3A_469, %mul3A_32, %dma_start3A_471] : memref<4x16x256x288xf32, #tpu.memory_space<hbm>> -> memref<1x1x32x288xf32, #tpu.memory_space<hbm>>
    %dma_start3A_473 = tpu.memref_squeeze %dma_start3A_472 : memref<1x1x32x288xf32, #tpu.memory_space<hbm>> -> memref<32x288xf32, #tpu.memory_space<hbm>>
    %dma_start3A_474 = tpu.memref_slice %arg26[%dma_start3A_470] : memref<4x!tpu.dma_semaphore, #tpu.memory_space<semaphore_mem>> -> memref<1x!tpu.dma_semaphore, #tpu.memory_space<semaphore_mem>>
    %dma_start3A_475 = tpu.memref_squeeze %dma_start3A_474 : memref<1x!tpu.dma_semaphore, #tpu.memory_space<semaphore_mem>> -> memref<!tpu.dma_semaphore, #tpu.memory_space<semaphore_mem>>
    %dma_start3A_476 = arith.constant 0 : i32
    %dma_start3A_477 = tpu.memref_slice %arg9[%select_n3A, %dma_start3A_469, %mul3A_32, %dma_start3A_476] : memref<4x16x256x288xf32, #tpu.memory_space<hbm>> -> memref<1x1x32x288xf32, #tpu.memory_space<hbm>>
    %dma_start3A_478 = tpu.memref_squeeze %dma_start3A_477 : memref<1x1x32x288xf32, #tpu.memory_space<hbm>> -> memref<32x288xf32, #tpu.memory_space<hbm>>
    tpu.enqueue_dma source(%arg24 : memref<32x288xf32, #tpu.memory_space<vmem>>) target(%dma_start3A_478 : memref<32x288xf32, #tpu.memory_space<hbm>>) target_semaphore(%dma_start3A_475 : memref<!tpu.dma_semaphore, #tpu.memory_space<semaphore_mem>>)
    %dma_wait3A_479 = arith.constant 9 : i32
    %dma_wait3A_480 = arith.constant 1 : i32
    %dma_wait3A_481 = arith.constant 0 : i32
    %dma_wait3A_482 = tpu.memref_slice %arg9[%select_n3A, %dma_wait3A_479, %mul3A_32, %dma_wait3A_481] : memref<4x16x256x288xf32, #tpu.memory_space<hbm>> -> memref<1x1x32x288xf32, #tpu.memory_space<hbm>>
    %dma_wait3A_483 = tpu.memref_squeeze %dma_wait3A_482 : memref<1x1x32x288xf32, #tpu.memory_space<hbm>> -> memref<32x288xf32, #tpu.memory_space<hbm>>
    %dma_wait3A_484 = tpu.memref_slice %arg26[%dma_wait3A_480] : memref<4x!tpu.dma_semaphore, #tpu.memory_space<semaphore_mem>> -> memref<1x!tpu.dma_semaphore, #tpu.memory_space<semaphore_mem>>
    %dma_wait3A_485 = tpu.memref_squeeze %dma_wait3A_484 : memref<1x!tpu.dma_semaphore, #tpu.memory_space<semaphore_mem>> -> memref<!tpu.dma_semaphore, #tpu.memory_space<semaphore_mem>>
    %dma_wait3A_486 = arith.constant 0 : i32
    %dma_wait3A_487 = tpu.memref_slice %arg9[%select_n3A, %dma_wait3A_479, %mul3A_32, %dma_wait3A_486] : memref<4x16x256x288xf32, #tpu.memory_space<hbm>> -> memref<1x1x32x288xf32, #tpu.memory_space<hbm>>
    %dma_wait3A_488 = tpu.memref_squeeze %dma_wait3A_487 : memref<1x1x32x288xf32, #tpu.memory_space<hbm>> -> memref<32x288xf32, #tpu.memory_space<hbm>>
    tpu.wait_dma2 semaphore(%dma_wait3A_485 : memref<!tpu.dma_semaphore, #tpu.memory_space<semaphore_mem>>) src(%arg22 : memref<32x288xf32, #tpu.memory_space<vmem>>) dst(%dma_wait3A_488 : memref<32x288xf32, #tpu.memory_space<hbm>>)
    %dma_start3A_489 = arith.constant 1 : i32
    %dma_start3A_490 = arith.constant 416 : i32
    %dma_start3A_491 = tpu.memref_slice %arg20[%dma_start3A_490] : memref<512xi32, #tpu.memory_space<vmem>> -> memref<32xi32, #tpu.memory_space<vmem>>
    %dma_start3A_492 = arith.constant 0 : i32
    %dma_start3A_493 = arith.constant 0 : i32
    %dma_start3A_494 = tpu.memref_slice %arg6[%dma_start3A_492, %dma_start3A_493] : memref<8192x288xf32, #tpu.memory_space<hbm>> -> memref<8192x288xf32, #tpu.memory_space<hbm>>
    %dma_start3A_495 = tpu.memref_slice %arg25[%dma_start3A_489] : memref<4x!tpu.dma_semaphore, #tpu.memory_space<semaphore_mem>> -> memref<1x!tpu.dma_semaphore, #tpu.memory_space<semaphore_mem>>
    %dma_start3A_496 = tpu.memref_squeeze %dma_start3A_495 : memref<1x!tpu.dma_semaphore, #tpu.memory_space<semaphore_mem>> -> memref<!tpu.dma_semaphore, #tpu.memory_space<semaphore_mem>>
    tpu.enqueue_indirect_dma source(%dma_start3A_494 : memref<8192x288xf32, #tpu.memory_space<hbm>>) target(%arg22 : memref<32x288xf32, #tpu.memory_space<vmem>>) offsets(%dma_start3A_491 : memref<32xi32, #tpu.memory_space<vmem>>) semaphore(%dma_start3A_496 : memref<!tpu.dma_semaphore, #tpu.memory_space<semaphore_mem>>)
    %dma_wait3A_497 = arith.constant 0 : i32
    %dma_wait3A_498 = arith.constant 384 : i32
    %dma_wait3A_499 = tpu.memref_slice %arg20[%dma_wait3A_498] : memref<512xi32, #tpu.memory_space<vmem>> -> memref<32xi32, #tpu.memory_space<vmem>>
    %dma_wait3A_500 = arith.constant 0 : i32
    %dma_wait3A_501 = arith.constant 0 : i32
    %dma_wait3A_502 = tpu.memref_slice %arg6[%dma_wait3A_500, %dma_wait3A_501] : memref<8192x288xf32, #tpu.memory_space<hbm>> -> memref<8192x288xf32, #tpu.memory_space<hbm>>
    %dma_wait3A_503 = tpu.memref_slice %arg25[%dma_wait3A_497] : memref<4x!tpu.dma_semaphore, #tpu.memory_space<semaphore_mem>> -> memref<1x!tpu.dma_semaphore, #tpu.memory_space<semaphore_mem>>
    %dma_wait3A_504 = tpu.memref_squeeze %dma_wait3A_503 : memref<1x!tpu.dma_semaphore, #tpu.memory_space<semaphore_mem>> -> memref<!tpu.dma_semaphore, #tpu.memory_space<semaphore_mem>>
    tpu.wait_indirect_dma semaphore(%dma_wait3A_504 : memref<!tpu.dma_semaphore, #tpu.memory_space<semaphore_mem>>) src(%dma_wait3A_502 : memref<8192x288xf32, #tpu.memory_space<hbm>>) dst(%arg21 : memref<32x288xf32, #tpu.memory_space<vmem>>)
    %dma_start3A_505 = arith.constant 12 : i32
    %dma_start3A_506 = arith.constant 0 : i32
    %dma_start3A_507 = arith.constant 0 : i32
    %dma_start3A_508 = tpu.memref_slice %arg9[%select_n3A, %dma_start3A_505, %mul3A_32, %dma_start3A_507] : memref<4x16x256x288xf32, #tpu.memory_space<hbm>> -> memref<1x1x32x288xf32, #tpu.memory_space<hbm>>
    %dma_start3A_509 = tpu.memref_squeeze %dma_start3A_508 : memref<1x1x32x288xf32, #tpu.memory_space<hbm>> -> memref<32x288xf32, #tpu.memory_space<hbm>>
    %dma_start3A_510 = tpu.memref_slice %arg26[%dma_start3A_506] : memref<4x!tpu.dma_semaphore, #tpu.memory_space<semaphore_mem>> -> memref<1x!tpu.dma_semaphore, #tpu.memory_space<semaphore_mem>>
    %dma_start3A_511 = tpu.memref_squeeze %dma_start3A_510 : memref<1x!tpu.dma_semaphore, #tpu.memory_space<semaphore_mem>> -> memref<!tpu.dma_semaphore, #tpu.memory_space<semaphore_mem>>
    %dma_start3A_512 = arith.constant 0 : i32
    %dma_start3A_513 = tpu.memref_slice %arg9[%select_n3A, %dma_start3A_505, %mul3A_32, %dma_start3A_512] : memref<4x16x256x288xf32, #tpu.memory_space<hbm>> -> memref<1x1x32x288xf32, #tpu.memory_space<hbm>>
    %dma_start3A_514 = tpu.memref_squeeze %dma_start3A_513 : memref<1x1x32x288xf32, #tpu.memory_space<hbm>> -> memref<32x288xf32, #tpu.memory_space<hbm>>
    tpu.enqueue_dma source(%arg21 : memref<32x288xf32, #tpu.memory_space<vmem>>) target(%dma_start3A_514 : memref<32x288xf32, #tpu.memory_space<hbm>>) target_semaphore(%dma_start3A_511 : memref<!tpu.dma_semaphore, #tpu.memory_space<semaphore_mem>>)
    %dma_wait3A_515 = arith.constant 10 : i32
    %dma_wait3A_516 = arith.constant 2 : i32
    %dma_wait3A_517 = arith.constant 0 : i32
    %dma_wait3A_518 = tpu.memref_slice %arg9[%select_n3A, %dma_wait3A_515, %mul3A_32, %dma_wait3A_517] : memref<4x16x256x288xf32, #tpu.memory_space<hbm>> -> memref<1x1x32x288xf32, #tpu.memory_space<hbm>>
    %dma_wait3A_519 = tpu.memref_squeeze %dma_wait3A_518 : memref<1x1x32x288xf32, #tpu.memory_space<hbm>> -> memref<32x288xf32, #tpu.memory_space<hbm>>
    %dma_wait3A_520 = tpu.memref_slice %arg26[%dma_wait3A_516] : memref<4x!tpu.dma_semaphore, #tpu.memory_space<semaphore_mem>> -> memref<1x!tpu.dma_semaphore, #tpu.memory_space<semaphore_mem>>
    %dma_wait3A_521 = tpu.memref_squeeze %dma_wait3A_520 : memref<1x!tpu.dma_semaphore, #tpu.memory_space<semaphore_mem>> -> memref<!tpu.dma_semaphore, #tpu.memory_space<semaphore_mem>>
    %dma_wait3A_522 = arith.constant 0 : i32
    %dma_wait3A_523 = tpu.memref_slice %arg9[%select_n3A, %dma_wait3A_515, %mul3A_32, %dma_wait3A_522] : memref<4x16x256x288xf32, #tpu.memory_space<hbm>> -> memref<1x1x32x288xf32, #tpu.memory_space<hbm>>
    %dma_wait3A_524 = tpu.memref_squeeze %dma_wait3A_523 : memref<1x1x32x288xf32, #tpu.memory_space<hbm>> -> memref<32x288xf32, #tpu.memory_space<hbm>>
    tpu.wait_dma2 semaphore(%dma_wait3A_521 : memref<!tpu.dma_semaphore, #tpu.memory_space<semaphore_mem>>) src(%arg23 : memref<32x288xf32, #tpu.memory_space<vmem>>) dst(%dma_wait3A_524 : memref<32x288xf32, #tpu.memory_space<hbm>>)
    %dma_start3A_525 = arith.constant 2 : i32
    %dma_start3A_526 = arith.constant 448 : i32
    %dma_start3A_527 = tpu.memref_slice %arg20[%dma_start3A_526] : memref<512xi32, #tpu.memory_space<vmem>> -> memref<32xi32, #tpu.memory_space<vmem>>
    %dma_start3A_528 = arith.constant 0 : i32
    %dma_start3A_529 = arith.constant 0 : i32
    %dma_start3A_530 = tpu.memref_slice %arg6[%dma_start3A_528, %dma_start3A_529] : memref<8192x288xf32, #tpu.memory_space<hbm>> -> memref<8192x288xf32, #tpu.memory_space<hbm>>
    %dma_start3A_531 = tpu.memref_slice %arg25[%dma_start3A_525] : memref<4x!tpu.dma_semaphore, #tpu.memory_space<semaphore_mem>> -> memref<1x!tpu.dma_semaphore, #tpu.memory_space<semaphore_mem>>
    %dma_start3A_532 = tpu.memref_squeeze %dma_start3A_531 : memref<1x!tpu.dma_semaphore, #tpu.memory_space<semaphore_mem>> -> memref<!tpu.dma_semaphore, #tpu.memory_space<semaphore_mem>>
    tpu.enqueue_indirect_dma source(%dma_start3A_530 : memref<8192x288xf32, #tpu.memory_space<hbm>>) target(%arg23 : memref<32x288xf32, #tpu.memory_space<vmem>>) offsets(%dma_start3A_527 : memref<32xi32, #tpu.memory_space<vmem>>) semaphore(%dma_start3A_532 : memref<!tpu.dma_semaphore, #tpu.memory_space<semaphore_mem>>)
    %dma_wait3A_533 = arith.constant 1 : i32
    %dma_wait3A_534 = arith.constant 416 : i32
    %dma_wait3A_535 = tpu.memref_slice %arg20[%dma_wait3A_534] : memref<512xi32, #tpu.memory_space<vmem>> -> memref<32xi32, #tpu.memory_space<vmem>>
    %dma_wait3A_536 = arith.constant 0 : i32
    %dma_wait3A_537 = arith.constant 0 : i32
    %dma_wait3A_538 = tpu.memref_slice %arg6[%dma_wait3A_536, %dma_wait3A_537] : memref<8192x288xf32, #tpu.memory_space<hbm>> -> memref<8192x288xf32, #tpu.memory_space<hbm>>
    %dma_wait3A_539 = tpu.memref_slice %arg25[%dma_wait3A_533] : memref<4x!tpu.dma_semaphore, #tpu.memory_space<semaphore_mem>> -> memref<1x!tpu.dma_semaphore, #tpu.memory_space<semaphore_mem>>
    %dma_wait3A_540 = tpu.memref_squeeze %dma_wait3A_539 : memref<1x!tpu.dma_semaphore, #tpu.memory_space<semaphore_mem>> -> memref<!tpu.dma_semaphore, #tpu.memory_space<semaphore_mem>>
    tpu.wait_indirect_dma semaphore(%dma_wait3A_540 : memref<!tpu.dma_semaphore, #tpu.memory_space<semaphore_mem>>) src(%dma_wait3A_538 : memref<8192x288xf32, #tpu.memory_space<hbm>>) dst(%arg22 : memref<32x288xf32, #tpu.memory_space<vmem>>)
    %dma_start3A_541 = arith.constant 13 : i32
    %dma_start3A_542 = arith.constant 1 : i32
    %dma_start3A_543 = arith.constant 0 : i32
    %dma_start3A_544 = tpu.memref_slice %arg9[%select_n3A, %dma_start3A_541, %mul3A_32, %dma_start3A_543] : memref<4x16x256x288xf32, #tpu.memory_space<hbm>> -> memref<1x1x32x288xf32, #tpu.memory_space<hbm>>
    %dma_start3A_545 = tpu.memref_squeeze %dma_start3A_544 : memref<1x1x32x288xf32, #tpu.memory_space<hbm>> -> memref<32x288xf32, #tpu.memory_space<hbm>>
    %dma_start3A_546 = tpu.memref_slice %arg26[%dma_start3A_542] : memref<4x!tpu.dma_semaphore, #tpu.memory_space<semaphore_mem>> -> memref<1x!tpu.dma_semaphore, #tpu.memory_space<semaphore_mem>>
    %dma_start3A_547 = tpu.memref_squeeze %dma_start3A_546 : memref<1x!tpu.dma_semaphore, #tpu.memory_space<semaphore_mem>> -> memref<!tpu.dma_semaphore, #tpu.memory_space<semaphore_mem>>
    %dma_start3A_548 = arith.constant 0 : i32
    %dma_start3A_549 = tpu.memref_slice %arg9[%select_n3A, %dma_start3A_541, %mul3A_32, %dma_start3A_548] : memref<4x16x256x288xf32, #tpu.memory_space<hbm>> -> memref<1x1x32x288xf32, #tpu.memory_space<hbm>>
    %dma_start3A_550 = tpu.memref_squeeze %dma_start3A_549 : memref<1x1x32x288xf32, #tpu.memory_space<hbm>> -> memref<32x288xf32, #tpu.memory_space<hbm>>
    tpu.enqueue_dma source(%arg22 : memref<32x288xf32, #tpu.memory_space<vmem>>) target(%dma_start3A_550 : memref<32x288xf32, #tpu.memory_space<hbm>>) target_semaphore(%dma_start3A_547 : memref<!tpu.dma_semaphore, #tpu.memory_space<semaphore_mem>>)
    %dma_wait3A_551 = arith.constant 11 : i32
    %dma_wait3A_552 = arith.constant 3 : i32
    %dma_wait3A_553 = arith.constant 0 : i32
    %dma_wait3A_554 = tpu.memref_slice %arg9[%select_n3A, %dma_wait3A_551, %mul3A_32, %dma_wait3A_553] : memref<4x16x256x288xf32, #tpu.memory_space<hbm>> -> memref<1x1x32x288xf32, #tpu.memory_space<hbm>>
    %dma_wait3A_555 = tpu.memref_squeeze %dma_wait3A_554 : memref<1x1x32x288xf32, #tpu.memory_space<hbm>> -> memref<32x288xf32, #tpu.memory_space<hbm>>
    %dma_wait3A_556 = tpu.memref_slice %arg26[%dma_wait3A_552] : memref<4x!tpu.dma_semaphore, #tpu.memory_space<semaphore_mem>> -> memref<1x!tpu.dma_semaphore, #tpu.memory_space<semaphore_mem>>
    %dma_wait3A_557 = tpu.memref_squeeze %dma_wait3A_556 : memref<1x!tpu.dma_semaphore, #tpu.memory_space<semaphore_mem>> -> memref<!tpu.dma_semaphore, #tpu.memory_space<semaphore_mem>>
    %dma_wait3A_558 = arith.constant 0 : i32
    %dma_wait3A_559 = tpu.memref_slice %arg9[%select_n3A, %dma_wait3A_551, %mul3A_32, %dma_wait3A_558] : memref<4x16x256x288xf32, #tpu.memory_space<hbm>> -> memref<1x1x32x288xf32, #tpu.memory_space<hbm>>
    %dma_wait3A_560 = tpu.memref_squeeze %dma_wait3A_559 : memref<1x1x32x288xf32, #tpu.memory_space<hbm>> -> memref<32x288xf32, #tpu.memory_space<hbm>>
    tpu.wait_dma2 semaphore(%dma_wait3A_557 : memref<!tpu.dma_semaphore, #tpu.memory_space<semaphore_mem>>) src(%arg24 : memref<32x288xf32, #tpu.memory_space<vmem>>) dst(%dma_wait3A_560 : memref<32x288xf32, #tpu.memory_space<hbm>>)
    %dma_start3A_561 = arith.constant 3 : i32
    %dma_start3A_562 = arith.constant 480 : i32
    %dma_start3A_563 = tpu.memref_slice %arg20[%dma_start3A_562] : memref<512xi32, #tpu.memory_space<vmem>> -> memref<32xi32, #tpu.memory_space<vmem>>
    %dma_start3A_564 = arith.constant 0 : i32
    %dma_start3A_565 = arith.constant 0 : i32
    %dma_start3A_566 = tpu.memref_slice %arg6[%dma_start3A_564, %dma_start3A_565] : memref<8192x288xf32, #tpu.memory_space<hbm>> -> memref<8192x288xf32, #tpu.memory_space<hbm>>
    %dma_start3A_567 = tpu.memref_slice %arg25[%dma_start3A_561] : memref<4x!tpu.dma_semaphore, #tpu.memory_space<semaphore_mem>> -> memref<1x!tpu.dma_semaphore, #tpu.memory_space<semaphore_mem>>
    %dma_start3A_568 = tpu.memref_squeeze %dma_start3A_567 : memref<1x!tpu.dma_semaphore, #tpu.memory_space<semaphore_mem>> -> memref<!tpu.dma_semaphore, #tpu.memory_space<semaphore_mem>>
    tpu.enqueue_indirect_dma source(%dma_start3A_566 : memref<8192x288xf32, #tpu.memory_space<hbm>>) target(%arg24 : memref<32x288xf32, #tpu.memory_space<vmem>>) offsets(%dma_start3A_563 : memref<32xi32, #tpu.memory_space<vmem>>) semaphore(%dma_start3A_568 : memref<!tpu.dma_semaphore, #tpu.memory_space<semaphore_mem>>)
    %dma_wait3A_569 = arith.constant 2 : i32
    %dma_wait3A_570 = arith.constant 448 : i32
    %dma_wait3A_571 = tpu.memref_slice %arg20[%dma_wait3A_570] : memref<512xi32, #tpu.memory_space<vmem>> -> memref<32xi32, #tpu.memory_space<vmem>>
    %dma_wait3A_572 = arith.constant 0 : i32
    %dma_wait3A_573 = arith.constant 0 : i32
    %dma_wait3A_574 = tpu.memref_slice %arg6[%dma_wait3A_572, %dma_wait3A_573] : memref<8192x288xf32, #tpu.memory_space<hbm>> -> memref<8192x288xf32, #tpu.memory_space<hbm>>
    %dma_wait3A_575 = tpu.memref_slice %arg25[%dma_wait3A_569] : memref<4x!tpu.dma_semaphore, #tpu.memory_space<semaphore_mem>> -> memref<1x!tpu.dma_semaphore, #tpu.memory_space<semaphore_mem>>
    %dma_wait3A_576 = tpu.memref_squeeze %dma_wait3A_575 : memref<1x!tpu.dma_semaphore, #tpu.memory_space<semaphore_mem>> -> memref<!tpu.dma_semaphore, #tpu.memory_space<semaphore_mem>>
    tpu.wait_indirect_dma semaphore(%dma_wait3A_576 : memref<!tpu.dma_semaphore, #tpu.memory_space<semaphore_mem>>) src(%dma_wait3A_574 : memref<8192x288xf32, #tpu.memory_space<hbm>>) dst(%arg23 : memref<32x288xf32, #tpu.memory_space<vmem>>)
    %dma_start3A_577 = arith.constant 14 : i32
    %dma_start3A_578 = arith.constant 2 : i32
    %dma_start3A_579 = arith.constant 0 : i32
    %dma_start3A_580 = tpu.memref_slice %arg9[%select_n3A, %dma_start3A_577, %mul3A_32, %dma_start3A_579] : memref<4x16x256x288xf32, #tpu.memory_space<hbm>> -> memref<1x1x32x288xf32, #tpu.memory_space<hbm>>
    %dma_start3A_581 = tpu.memref_squeeze %dma_start3A_580 : memref<1x1x32x288xf32, #tpu.memory_space<hbm>> -> memref<32x288xf32, #tpu.memory_space<hbm>>
    %dma_start3A_582 = tpu.memref_slice %arg26[%dma_start3A_578] : memref<4x!tpu.dma_semaphore, #tpu.memory_space<semaphore_mem>> -> memref<1x!tpu.dma_semaphore, #tpu.memory_space<semaphore_mem>>
    %dma_start3A_583 = tpu.memref_squeeze %dma_start3A_582 : memref<1x!tpu.dma_semaphore, #tpu.memory_space<semaphore_mem>> -> memref<!tpu.dma_semaphore, #tpu.memory_space<semaphore_mem>>
    %dma_start3A_584 = arith.constant 0 : i32
    %dma_start3A_585 = tpu.memref_slice %arg9[%select_n3A, %dma_start3A_577, %mul3A_32, %dma_start3A_584] : memref<4x16x256x288xf32, #tpu.memory_space<hbm>> -> memref<1x1x32x288xf32, #tpu.memory_space<hbm>>
    %dma_start3A_586 = tpu.memref_squeeze %dma_start3A_585 : memref<1x1x32x288xf32, #tpu.memory_space<hbm>> -> memref<32x288xf32, #tpu.memory_space<hbm>>
    tpu.enqueue_dma source(%arg23 : memref<32x288xf32, #tpu.memory_space<vmem>>) target(%dma_start3A_586 : memref<32x288xf32, #tpu.memory_space<hbm>>) target_semaphore(%dma_start3A_583 : memref<!tpu.dma_semaphore, #tpu.memory_space<semaphore_mem>>)
    %dma_wait3A_587 = arith.constant 3 : i32
    %dma_wait3A_588 = arith.constant 480 : i32
    %dma_wait3A_589 = tpu.memref_slice %arg20[%dma_wait3A_588] : memref<512xi32, #tpu.memory_space<vmem>> -> memref<32xi32, #tpu.memory_space<vmem>>
    %dma_wait3A_590 = arith.constant 0 : i32
    %dma_wait3A_591 = arith.constant 0 : i32
    %dma_wait3A_592 = tpu.memref_slice %arg6[%dma_wait3A_590, %dma_wait3A_591] : memref<8192x288xf32, #tpu.memory_space<hbm>> -> memref<8192x288xf32, #tpu.memory_space<hbm>>
    %dma_wait3A_593 = tpu.memref_slice %arg25[%dma_wait3A_587] : memref<4x!tpu.dma_semaphore, #tpu.memory_space<semaphore_mem>> -> memref<1x!tpu.dma_semaphore, #tpu.memory_space<semaphore_mem>>
    %dma_wait3A_594 = tpu.memref_squeeze %dma_wait3A_593 : memref<1x!tpu.dma_semaphore, #tpu.memory_space<semaphore_mem>> -> memref<!tpu.dma_semaphore, #tpu.memory_space<semaphore_mem>>
    tpu.wait_indirect_dma semaphore(%dma_wait3A_594 : memref<!tpu.dma_semaphore, #tpu.memory_space<semaphore_mem>>) src(%dma_wait3A_592 : memref<8192x288xf32, #tpu.memory_space<hbm>>) dst(%arg24 : memref<32x288xf32, #tpu.memory_space<vmem>>)
    %dma_start3A_595 = arith.constant 15 : i32
    %dma_start3A_596 = arith.constant 3 : i32
    %dma_start3A_597 = arith.constant 0 : i32
    %dma_start3A_598 = tpu.memref_slice %arg9[%select_n3A, %dma_start3A_595, %mul3A_32, %dma_start3A_597] : memref<4x16x256x288xf32, #tpu.memory_space<hbm>> -> memref<1x1x32x288xf32, #tpu.memory_space<hbm>>
    %dma_start3A_599 = tpu.memref_squeeze %dma_start3A_598 : memref<1x1x32x288xf32, #tpu.memory_space<hbm>> -> memref<32x288xf32, #tpu.memory_space<hbm>>
    %dma_start3A_600 = tpu.memref_slice %arg26[%dma_start3A_596] : memref<4x!tpu.dma_semaphore, #tpu.memory_space<semaphore_mem>> -> memref<1x!tpu.dma_semaphore, #tpu.memory_space<semaphore_mem>>
    %dma_start3A_601 = tpu.memref_squeeze %dma_start3A_600 : memref<1x!tpu.dma_semaphore, #tpu.memory_space<semaphore_mem>> -> memref<!tpu.dma_semaphore, #tpu.memory_space<semaphore_mem>>
    %dma_start3A_602 = arith.constant 0 : i32
    %dma_start3A_603 = tpu.memref_slice %arg9[%select_n3A, %dma_start3A_595, %mul3A_32, %dma_start3A_602] : memref<4x16x256x288xf32, #tpu.memory_space<hbm>> -> memref<1x1x32x288xf32, #tpu.memory_space<hbm>>
    %dma_start3A_604 = tpu.memref_squeeze %dma_start3A_603 : memref<1x1x32x288xf32, #tpu.memory_space<hbm>> -> memref<32x288xf32, #tpu.memory_space<hbm>>
    tpu.enqueue_dma source(%arg24 : memref<32x288xf32, #tpu.memory_space<vmem>>) target(%dma_start3A_604 : memref<32x288xf32, #tpu.memory_space<hbm>>) target_semaphore(%dma_start3A_601 : memref<!tpu.dma_semaphore, #tpu.memory_space<semaphore_mem>>)
    %dma_wait3A_605 = arith.constant 12 : i32
    %dma_wait3A_606 = arith.constant 0 : i32
    %dma_wait3A_607 = arith.constant 0 : i32
    %dma_wait3A_608 = tpu.memref_slice %arg9[%select_n3A, %dma_wait3A_605, %mul3A_32, %dma_wait3A_607] : memref<4x16x256x288xf32, #tpu.memory_space<hbm>> -> memref<1x1x32x288xf32, #tpu.memory_space<hbm>>
    %dma_wait3A_609 = tpu.memref_squeeze %dma_wait3A_608 : memref<1x1x32x288xf32, #tpu.memory_space<hbm>> -> memref<32x288xf32, #tpu.memory_space<hbm>>
    %dma_wait3A_610 = tpu.memref_slice %arg26[%dma_wait3A_606] : memref<4x!tpu.dma_semaphore, #tpu.memory_space<semaphore_mem>> -> memref<1x!tpu.dma_semaphore, #tpu.memory_space<semaphore_mem>>
    %dma_wait3A_611 = tpu.memref_squeeze %dma_wait3A_610 : memref<1x!tpu.dma_semaphore, #tpu.memory_space<semaphore_mem>> -> memref<!tpu.dma_semaphore, #tpu.memory_space<semaphore_mem>>
    %dma_wait3A_612 = arith.constant 0 : i32
    %dma_wait3A_613 = tpu.memref_slice %arg9[%select_n3A, %dma_wait3A_605, %mul3A_32, %dma_wait3A_612] : memref<4x16x256x288xf32, #tpu.memory_space<hbm>> -> memref<1x1x32x288xf32, #tpu.memory_space<hbm>>
    %dma_wait3A_614 = tpu.memref_squeeze %dma_wait3A_613 : memref<1x1x32x288xf32, #tpu.memory_space<hbm>> -> memref<32x288xf32, #tpu.memory_space<hbm>>
    tpu.wait_dma2 semaphore(%dma_wait3A_611 : memref<!tpu.dma_semaphore, #tpu.memory_space<semaphore_mem>>) src(%arg21 : memref<32x288xf32, #tpu.memory_space<vmem>>) dst(%dma_wait3A_614 : memref<32x288xf32, #tpu.memory_space<hbm>>)
    %dma_wait3A_615 = arith.constant 13 : i32
    %dma_wait3A_616 = arith.constant 1 : i32
    %dma_wait3A_617 = arith.constant 0 : i32
    %dma_wait3A_618 = tpu.memref_slice %arg9[%select_n3A, %dma_wait3A_615, %mul3A_32, %dma_wait3A_617] : memref<4x16x256x288xf32, #tpu.memory_space<hbm>> -> memref<1x1x32x288xf32, #tpu.memory_space<hbm>>
    %dma_wait3A_619 = tpu.memref_squeeze %dma_wait3A_618 : memref<1x1x32x288xf32, #tpu.memory_space<hbm>> -> memref<32x288xf32, #tpu.memory_space<hbm>>
    %dma_wait3A_620 = tpu.memref_slice %arg26[%dma_wait3A_616] : memref<4x!tpu.dma_semaphore, #tpu.memory_space<semaphore_mem>> -> memref<1x!tpu.dma_semaphore, #tpu.memory_space<semaphore_mem>>
    %dma_wait3A_621 = tpu.memref_squeeze %dma_wait3A_620 : memref<1x!tpu.dma_semaphore, #tpu.memory_space<semaphore_mem>> -> memref<!tpu.dma_semaphore, #tpu.memory_space<semaphore_mem>>
    %dma_wait3A_622 = arith.constant 0 : i32
    %dma_wait3A_623 = tpu.memref_slice %arg9[%select_n3A, %dma_wait3A_615, %mul3A_32, %dma_wait3A_622] : memref<4x16x256x288xf32, #tpu.memory_space<hbm>> -> memref<1x1x32x288xf32, #tpu.memory_space<hbm>>
    %dma_wait3A_624 = tpu.memref_squeeze %dma_wait3A_623 : memref<1x1x32x288xf32, #tpu.memory_space<hbm>> -> memref<32x288xf32, #tpu.memory_space<hbm>>
    tpu.wait_dma2 semaphore(%dma_wait3A_621 : memref<!tpu.dma_semaphore, #tpu.memory_space<semaphore_mem>>) src(%arg22 : memref<32x288xf32, #tpu.memory_space<vmem>>) dst(%dma_wait3A_624 : memref<32x288xf32, #tpu.memory_space<hbm>>)
    %dma_wait3A_625 = arith.constant 14 : i32
    %dma_wait3A_626 = arith.constant 2 : i32
    %dma_wait3A_627 = arith.constant 0 : i32
    %dma_wait3A_628 = tpu.memref_slice %arg9[%select_n3A, %dma_wait3A_625, %mul3A_32, %dma_wait3A_627] : memref<4x16x256x288xf32, #tpu.memory_space<hbm>> -> memref<1x1x32x288xf32, #tpu.memory_space<hbm>>
    %dma_wait3A_629 = tpu.memref_squeeze %dma_wait3A_628 : memref<1x1x32x288xf32, #tpu.memory_space<hbm>> -> memref<32x288xf32, #tpu.memory_space<hbm>>
    %dma_wait3A_630 = tpu.memref_slice %arg26[%dma_wait3A_626] : memref<4x!tpu.dma_semaphore, #tpu.memory_space<semaphore_mem>> -> memref<1x!tpu.dma_semaphore, #tpu.memory_space<semaphore_mem>>
    %dma_wait3A_631 = tpu.memref_squeeze %dma_wait3A_630 : memref<1x!tpu.dma_semaphore, #tpu.memory_space<semaphore_mem>> -> memref<!tpu.dma_semaphore, #tpu.memory_space<semaphore_mem>>
    %dma_wait3A_632 = arith.constant 0 : i32
    %dma_wait3A_633 = tpu.memref_slice %arg9[%select_n3A, %dma_wait3A_625, %mul3A_32, %dma_wait3A_632] : memref<4x16x256x288xf32, #tpu.memory_space<hbm>> -> memref<1x1x32x288xf32, #tpu.memory_space<hbm>>
    %dma_wait3A_634 = tpu.memref_squeeze %dma_wait3A_633 : memref<1x1x32x288xf32, #tpu.memory_space<hbm>> -> memref<32x288xf32, #tpu.memory_space<hbm>>
    tpu.wait_dma2 semaphore(%dma_wait3A_631 : memref<!tpu.dma_semaphore, #tpu.memory_space<semaphore_mem>>) src(%arg23 : memref<32x288xf32, #tpu.memory_space<vmem>>) dst(%dma_wait3A_634 : memref<32x288xf32, #tpu.memory_space<hbm>>)
    %dma_wait3A_635 = arith.constant 15 : i32
    %dma_wait3A_636 = arith.constant 3 : i32
    %dma_wait3A_637 = arith.constant 0 : i32
    %dma_wait3A_638 = tpu.memref_slice %arg9[%select_n3A, %dma_wait3A_635, %mul3A_32, %dma_wait3A_637] : memref<4x16x256x288xf32, #tpu.memory_space<hbm>> -> memref<1x1x32x288xf32, #tpu.memory_space<hbm>>
    %dma_wait3A_639 = tpu.memref_squeeze %dma_wait3A_638 : memref<1x1x32x288xf32, #tpu.memory_space<hbm>> -> memref<32x288xf32, #tpu.memory_space<hbm>>
    %dma_wait3A_640 = tpu.memref_slice %arg26[%dma_wait3A_636] : memref<4x!tpu.dma_semaphore, #tpu.memory_space<semaphore_mem>> -> memref<1x!tpu.dma_semaphore, #tpu.memory_space<semaphore_mem>>
    %dma_wait3A_641 = tpu.memref_squeeze %dma_wait3A_640 : memref<1x!tpu.dma_semaphore, #tpu.memory_space<semaphore_mem>> -> memref<!tpu.dma_semaphore, #tpu.memory_space<semaphore_mem>>
    %dma_wait3A_642 = arith.constant 0 : i32
    %dma_wait3A_643 = tpu.memref_slice %arg9[%select_n3A, %dma_wait3A_635, %mul3A_32, %dma_wait3A_642] : memref<4x16x256x288xf32, #tpu.memory_space<hbm>> -> memref<1x1x32x288xf32, #tpu.memory_space<hbm>>
    %dma_wait3A_644 = tpu.memref_squeeze %dma_wait3A_643 : memref<1x1x32x288xf32, #tpu.memory_space<hbm>> -> memref<32x288xf32, #tpu.memory_space<hbm>>
    tpu.wait_dma2 semaphore(%dma_wait3A_641 : memref<!tpu.dma_semaphore, #tpu.memory_space<semaphore_mem>>) src(%arg24 : memref<32x288xf32, #tpu.memory_space<vmem>>) dst(%dma_wait3A_644 : memref<32x288xf32, #tpu.memory_space<hbm>>)
    return
  }
}

module attributes {stable_mosaic.version = 14 : i64} {
  func.func @_k1_body(%arg0: i32, %arg1: i32, %arg2: memref<1x1024x288xf32, #tpu.memory_space<vmem>>, %arg3: memref<1x1024x3xf32, #tpu.memory_space<vmem>>, %arg4: memref<288x288xbf16, #tpu.memory_space<vmem>>, %arg5: memref<1x288xf32, #tpu.memory_space<vmem>>, %arg6: memref<1x288xf32, #tpu.memory_space<vmem>>, %arg7: memref<1x288xf32, #tpu.memory_space<vmem>>, %arg8: memref<288x288xbf16, #tpu.memory_space<vmem>>, %arg9: memref<1x288xf32, #tpu.memory_space<vmem>>, %arg10: memref<1x288xf32, #tpu.memory_space<vmem>>, %arg11: memref<1x288xf32, #tpu.memory_space<vmem>>, %arg12: memref<288x3xbf16, #tpu.memory_space<vmem>>, %arg13: memref<1x3xf32, #tpu.memory_space<vmem>>, %arg14: memref<288x288xbf16, #tpu.memory_space<vmem>>, %arg15: memref<1x288xf32, #tpu.memory_space<vmem>>, %arg16: memref<288x288xbf16, #tpu.memory_space<vmem>>, %arg17: memref<1x288xf32, #tpu.memory_space<vmem>>, %arg18: memref<1x1024x3xf32, #tpu.memory_space<vmem>>, %arg19: memref<1024x288xf32, #tpu.memory_space<vmem>>) attributes {dimension_semantics = [#tpu.dimension_semantics<arbitrary>, #tpu.dimension_semantics<arbitrary>], iteration_bounds = array<i64: 4, 2>, scalar_prefetch = 0 : i64, scratch_operands = 0 : i64, tpu.core_type = #tpu.core_type<tc>, window_params = [{transform_indices = @transform_0, window_bounds = array<i64: 1, 1024, 288>}, {transform_indices = @transform_1, window_bounds = array<i64: 1, 1024, 3>}, {pipeline_mode = #tpu.pipeline_mode<synchronous>, transform_indices = @transform_2, window_bounds = array<i64: 288, 288>}, {pipeline_mode = #tpu.pipeline_mode<synchronous>, transform_indices = @transform_3, window_bounds = array<i64: 1, 288>}, {pipeline_mode = #tpu.pipeline_mode<synchronous>, transform_indices = @transform_4, window_bounds = array<i64: 1, 288>}, {pipeline_mode = #tpu.pipeline_mode<synchronous>, transform_indices = @transform_5, window_bounds = array<i64: 1, 288>}, {pipeline_mode = #tpu.pipeline_mode<synchronous>, transform_indices = @transform_6, window_bounds = array<i64: 288, 288>}, {pipeline_mode = #tpu.pipeline_mode<synchronous>, transform_indices = @transform_7, window_bounds = array<i64: 1, 288>}, {pipeline_mode = #tpu.pipeline_mode<synchronous>, transform_indices = @transform_8, window_bounds = array<i64: 1, 288>}, {pipeline_mode = #tpu.pipeline_mode<synchronous>, transform_indices = @transform_9, window_bounds = array<i64: 1, 288>}, {pipeline_mode = #tpu.pipeline_mode<synchronous>, transform_indices = @transform_10, window_bounds = array<i64: 288, 3>}, {pipeline_mode = #tpu.pipeline_mode<synchronous>, transform_indices = @transform_11, window_bounds = array<i64: 1, 3>}, {pipeline_mode = #tpu.pipeline_mode<synchronous>, transform_indices = @transform_12, window_bounds = array<i64: 288, 288>}, {pipeline_mode = #tpu.pipeline_mode<synchronous>, transform_indices = @transform_13, window_bounds = array<i64: 1, 288>}, {pipeline_mode = #tpu.pipeline_mode<synchronous>, transform_indices = @transform_14, window_bounds = array<i64: 288, 288>}, {pipeline_mode = #tpu.pipeline_mode<synchronous>, transform_indices = @transform_15, window_bounds = array<i64: 1, 288>}, {transform_indices = @transform_16, window_bounds = array<i64: 1, 1024, 3>}, {transform_indices = @transform_17, window_bounds = array<i64: 1024, 288>}]} {
    %get3A = arith.constant 0 : index
    %get3A_0 = arith.constant 0 : index
    %get3A_1 = arith.constant 0 : index
    %get3A_2 = vector.load %arg2[%get3A, %get3A_0, %get3A_1] : memref<1x1024x288xf32, #tpu.memory_space<vmem>>, vector<1x1024x288xf32>
    %get3A_3 = vector.shape_cast %get3A_2 : vector<1x1024x288xf32> to vector<1024x288xf32>
    %convert_element_type3A = arith.truncf %get3A_3 : vector<1024x288xf32> to vector<1024x288xbf16>
    %get3A_4 = arith.constant 0 : index
    %get3A_5 = arith.constant 0 : index
    %get3A_6 = vector.load %arg4[%get3A_4, %get3A_5] : memref<288x288xbf16, #tpu.memory_space<vmem>>, vector<288x288xbf16>
    %dot_general3A = arith.constant dense<0.000000e+00> : vector<1024x288xf32>
    %dot_general3A_7 = tpu.matmul %convert_element_type3A, %get3A_6, %dot_general3A {dimension_numbers = #tpu.dot_dimension_numbers<[1], [0], [0], [1], [0, 0, 1, 1], [], []>, transpose_lhs_hint = false} : vector<1024x288xbf16>, vector<288x288xbf16>, vector<1024x288xf32> -> vector<1024x288xf32>
    %get3A_8 = arith.constant 0 : index
    %get3A_9 = arith.constant 0 : index
    %get3A_10 = vector.load %arg5[%get3A_8, %get3A_9] : memref<1x288xf32, #tpu.memory_space<vmem>>, vector<1x288xf32>
    %add3A = vector.broadcast %get3A_10 : vector<1x288xf32> to vector<1024x288xf32>
    %add3A_11 = arith.addf %dot_general3A_7, %add3A : vector<1024x288xf32>
    %get3A_12 = arith.constant 0 : index
    %get3A_13 = arith.constant 0 : index
    %get3A_14 = vector.load %arg6[%get3A_12, %get3A_13] : memref<1x288xf32, #tpu.memory_space<vmem>>, vector<1x288xf32>
    %mul3A = vector.broadcast %get3A_14 : vector<1x288xf32> to vector<1024x288xf32>
    %mul3A_15 = arith.mulf %add3A_11, %mul3A : vector<1024x288xf32>
    %get3A_16 = arith.constant 0 : index
    %get3A_17 = arith.constant 0 : index
    %get3A_18 = vector.load %arg7[%get3A_16, %get3A_17] : memref<1x288xf32, #tpu.memory_space<vmem>>, vector<1x288xf32>
    %add3A_19 = vector.broadcast %get3A_18 : vector<1x288xf32> to vector<1024x288xf32>
    %add3A_20 = arith.addf %mul3A_15, %add3A_19 : vector<1024x288xf32>
    %max3A = arith.constant 0.000000e+00 : f32
    %max3A_21 = vector.broadcast %max3A : f32 to vector<1024x288xf32>
    %max3A_22 = arith.maximumf %add3A_20, %max3A_21 : vector<1024x288xf32>
    %convert_element_type3A_23 = arith.truncf %max3A_22 : vector<1024x288xf32> to vector<1024x288xbf16>
    %get3A_24 = arith.constant 0 : index
    %get3A_25 = arith.constant 0 : index
    %get3A_26 = vector.load %arg8[%get3A_24, %get3A_25] : memref<288x288xbf16, #tpu.memory_space<vmem>>, vector<288x288xbf16>
    %dot_general3A_27 = arith.constant dense<0.000000e+00> : vector<1024x288xf32>
    %dot_general3A_28 = tpu.matmul %convert_element_type3A_23, %get3A_26, %dot_general3A_27 {dimension_numbers = #tpu.dot_dimension_numbers<[1], [0], [0], [1], [0, 0, 1, 1], [], []>, transpose_lhs_hint = false} : vector<1024x288xbf16>, vector<288x288xbf16>, vector<1024x288xf32> -> vector<1024x288xf32>
    %get3A_29 = arith.constant 0 : index
    %get3A_30 = arith.constant 0 : index
    %get3A_31 = vector.load %arg9[%get3A_29, %get3A_30] : memref<1x288xf32, #tpu.memory_space<vmem>>, vector<1x288xf32>
    %add3A_32 = vector.broadcast %get3A_31 : vector<1x288xf32> to vector<1024x288xf32>
    %add3A_33 = arith.addf %dot_general3A_28, %add3A_32 : vector<1024x288xf32>
    %get3A_34 = arith.constant 0 : index
    %get3A_35 = arith.constant 0 : index
    %get3A_36 = vector.load %arg10[%get3A_34, %get3A_35] : memref<1x288xf32, #tpu.memory_space<vmem>>, vector<1x288xf32>
    %mul3A_37 = vector.broadcast %get3A_36 : vector<1x288xf32> to vector<1024x288xf32>
    %mul3A_38 = arith.mulf %add3A_33, %mul3A_37 : vector<1024x288xf32>
    %get3A_39 = arith.constant 0 : index
    %get3A_40 = arith.constant 0 : index
    %get3A_41 = vector.load %arg11[%get3A_39, %get3A_40] : memref<1x288xf32, #tpu.memory_space<vmem>>, vector<1x288xf32>
    %add3A_42 = vector.broadcast %get3A_41 : vector<1x288xf32> to vector<1024x288xf32>
    %add3A_43 = arith.addf %mul3A_38, %add3A_42 : vector<1024x288xf32>
    %max3A_44 = arith.constant 0.000000e+00 : f32
    %max3A_45 = vector.broadcast %max3A_44 : f32 to vector<1024x288xf32>
    %max3A_46 = arith.maximumf %add3A_43, %max3A_45 : vector<1024x288xf32>
    %convert_element_type3A_47 = arith.truncf %max3A_46 : vector<1024x288xf32> to vector<1024x288xbf16>
    %get3A_48 = arith.constant 0 : index
    %get3A_49 = arith.constant 0 : index
    %get3A_50 = vector.load %arg12[%get3A_48, %get3A_49] : memref<288x3xbf16, #tpu.memory_space<vmem>>, vector<288x3xbf16>
    %dot_general3A_51 = arith.constant dense<0.000000e+00> : vector<1024x3xf32>
    %dot_general3A_52 = tpu.matmul %convert_element_type3A_47, %get3A_50, %dot_general3A_51 {dimension_numbers = #tpu.dot_dimension_numbers<[1], [0], [0], [1], [0, 0, 1, 1], [], []>, transpose_lhs_hint = false} : vector<1024x288xbf16>, vector<288x3xbf16>, vector<1024x3xf32> -> vector<1024x3xf32>
    %get3A_53 = arith.constant 0 : index
    %get3A_54 = arith.constant 0 : index
    %get3A_55 = vector.load %arg13[%get3A_53, %get3A_54] : memref<1x3xf32, #tpu.memory_space<vmem>>, vector<1x3xf32>
    %add3A_56 = vector.broadcast %get3A_55 : vector<1x3xf32> to vector<1024x3xf32>
    %add3A_57 = arith.addf %dot_general3A_52, %add3A_56 : vector<1024x3xf32>
    %convert_element_type3A_58 = arith.truncf %max3A_46 : vector<1024x288xf32> to vector<1024x288xbf16>
    %get3A_59 = arith.constant 0 : index
    %get3A_60 = arith.constant 0 : index
    %get3A_61 = vector.load %arg14[%get3A_59, %get3A_60] : memref<288x288xbf16, #tpu.memory_space<vmem>>, vector<288x288xbf16>
    %dot_general3A_62 = arith.constant dense<0.000000e+00> : vector<1024x288xf32>
    %dot_general3A_63 = tpu.matmul %convert_element_type3A_58, %get3A_61, %dot_general3A_62 {dimension_numbers = #tpu.dot_dimension_numbers<[1], [0], [0], [1], [0, 0, 1, 1], [], []>, transpose_lhs_hint = false} : vector<1024x288xbf16>, vector<288x288xbf16>, vector<1024x288xf32> -> vector<1024x288xf32>
    %get3A_64 = arith.constant 0 : index
    %get3A_65 = arith.constant 0 : index
    %get3A_66 = vector.load %arg15[%get3A_64, %get3A_65] : memref<1x288xf32, #tpu.memory_space<vmem>>, vector<1x288xf32>
    %add3A_67 = vector.broadcast %get3A_66 : vector<1x288xf32> to vector<1024x288xf32>
    %add3A_68 = arith.addf %dot_general3A_63, %add3A_67 : vector<1024x288xf32>
    %add3A_69 = arith.addf %get3A_3, %add3A_68 : vector<1024x288xf32>
    %mul3A_70 = arith.mulf %add3A_69, %add3A_69 : vector<1024x288xf32>
    %reduce_sum3A = arith.constant dense<0.000000e+00> : vector<1024xf32>
    %reduce_sum3A_71 = vector.multi_reduction <add>, %mul3A_70, %reduce_sum3A [1] : vector<1024x288xf32> to vector<1024xf32>
    %broadcast_in_dim3A = vector.shape_cast %reduce_sum3A_71 : vector<1024xf32> to vector<1024x1xf32>
    %sqrt3A = math.sqrt %broadcast_in_dim3A : vector<1024x1xf32>
    %div3A = vector.broadcast %sqrt3A : vector<1024x1xf32> to vector<1024x288xf32>
    %div3A_72 = arith.divf %add3A_69, %div3A : vector<1024x288xf32>
    %convert_element_type3A_73 = arith.truncf %div3A_72 : vector<1024x288xf32> to vector<1024x288xbf16>
    %get3A_74 = arith.constant 0 : index
    %get3A_75 = arith.constant 0 : index
    %get3A_76 = vector.load %arg16[%get3A_74, %get3A_75] : memref<288x288xbf16, #tpu.memory_space<vmem>>, vector<288x288xbf16>
    %dot_general3A_77 = arith.constant dense<0.000000e+00> : vector<1024x288xf32>
    %dot_general3A_78 = tpu.matmul %convert_element_type3A_73, %get3A_76, %dot_general3A_77 {dimension_numbers = #tpu.dot_dimension_numbers<[1], [0], [0], [1], [0, 0, 1, 1], [], []>, transpose_lhs_hint = false} : vector<1024x288xbf16>, vector<288x288xbf16>, vector<1024x288xf32> -> vector<1024x288xf32>
    %get3A_79 = arith.constant 0 : index
    %get3A_80 = arith.constant 0 : index
    %get3A_81 = vector.load %arg17[%get3A_79, %get3A_80] : memref<1x288xf32, #tpu.memory_space<vmem>>, vector<1x288xf32>
    %mul3A_82 = vector.broadcast %get3A_81 : vector<1x288xf32> to vector<1024x288xf32>
    %mul3A_83 = arith.mulf %dot_general3A_78, %mul3A_82 : vector<1024x288xf32>
    %swap3A = arith.constant 0 : index
    %swap3A_84 = arith.constant 0 : index
    %swap3A_85 = vector.load %arg19[%swap3A, %swap3A_84] : memref<1024x288xf32, #tpu.memory_space<vmem>>, vector<1024x288xf32>
    tpu.vector_store %arg19[%swap3A, %swap3A_84], %mul3A_83 {strides = array<i32>} : memref<1024x288xf32, #tpu.memory_space<vmem>>, vector<1024x288xf32>,
    %logistic3A = arith.negf %add3A_57 : vector<1024x3xf32>
    %logistic3A_86 = math.exp %logistic3A : vector<1024x3xf32>
    %logistic3A_87 = arith.constant 1.000000e+00 : f32
    %logistic3A_88 = vector.broadcast %logistic3A_87 : f32 to vector<1024x3xf32>
    %logistic3A_89 = arith.addf %logistic3A_88, %logistic3A_86 : vector<1024x3xf32>
    %logistic3A_90 = arith.divf %logistic3A_88, %logistic3A_89 : vector<1024x3xf32>
    %jit3A = arith.constant 1.000000e-01 : f32
    %jit3A_91 = arith.constant 0.899999976 : f32
    %max3A_92 = vector.broadcast %jit3A : f32 to vector<1024x3xf32>
    %max3A_93 = arith.maximumf %max3A_92, %logistic3A_90 : vector<1024x3xf32>
    %min3A = vector.broadcast %jit3A_91 : f32 to vector<1024x3xf32>
    %min3A_94 = arith.minimumf %min3A, %max3A_93 : vector<1024x3xf32>
    %get3A_95 = arith.constant 0 : index
    %get3A_96 = arith.constant 0 : index
    %get3A_97 = arith.constant 0 : index
    %get3A_98 = vector.load %arg3[%get3A_95, %get3A_96, %get3A_97] : memref<1x1024x3xf32, #tpu.memory_space<vmem>>, vector<1x1024x3xf32>
    %get3A_99 = vector.shape_cast %get3A_98 : vector<1x1024x3xf32> to vector<1024x3xf32>
    %add3A_100 = arith.addf %get3A_99, %min3A_94 : vector<1024x3xf32>
    %sub3A = arith.constant 5.000000e-01 : f32
    %sub3A_101 = vector.broadcast %sub3A : f32 to vector<1024x3xf32>
    %sub3A_102 = arith.subf %add3A_100, %sub3A_101 : vector<1024x3xf32>
    %swap3A_103 = arith.constant 0 : index
    %swap3A_104 = arith.constant 0 : index
    %swap3A_105 = arith.constant 0 : index
    %swap3A_106 = vector.load %arg18[%swap3A_103, %swap3A_104, %swap3A_105] : memref<1x1024x3xf32, #tpu.memory_space<vmem>>, vector<1x1024x3xf32>
    %swap3A_107 = vector.shape_cast %swap3A_106 : vector<1x1024x3xf32> to vector<1024x3xf32>
    %swap3A_108 = vector.shape_cast %sub3A_102 : vector<1024x3xf32> to vector<1x1024x3xf32>
    tpu.vector_store %arg18[%swap3A_103, %swap3A_104, %swap3A_105], %swap3A_108 {strides = array<i32>} : memref<1x1024x3xf32, #tpu.memory_space<vmem>>, vector<1x1024x3xf32>,
    return
  }
  func.func @transform_0(%arg0: i32, %arg1: i32) -> (i32, i32, i32) {
    %c0_i32 = arith.constant 0 : i32
    %c0_i32_0 = arith.constant 0 : i32
    return %arg0, %arg1, %c0_i32 : i32, i32, i32
  }
  func.func @transform_1(%arg0: i32, %arg1: i32) -> (i32, i32, i32) {
    %c0_i32 = arith.constant 0 : i32
    %c0_i32_0 = arith.constant 0 : i32
    return %arg0, %arg1, %c0_i32 : i32, i32, i32
  }
  func.func @transform_2(%arg0: i32, %arg1: i32) -> (i32, i32) {
    %c0_i32 = arith.constant 0 : i32
    %c0_i32_0 = arith.constant 0 : i32
    %c0_i32_1 = arith.constant 0 : i32
    return %c0_i32, %c0_i32_0 : i32, i32
  }
  func.func @transform_3(%arg0: i32, %arg1: i32) -> (i32, i32) {
    %c0_i32 = arith.constant 0 : i32
    %c0_i32_0 = arith.constant 0 : i32
    %c0_i32_1 = arith.constant 0 : i32
    return %c0_i32, %c0_i32_0 : i32, i32
  }
  func.func @transform_4(%arg0: i32, %arg1: i32) -> (i32, i32) {
    %c0_i32 = arith.constant 0 : i32
    %c0_i32_0 = arith.constant 0 : i32
    %c0_i32_1 = arith.constant 0 : i32
    return %c0_i32, %c0_i32_0 : i32, i32
  }
  func.func @transform_5(%arg0: i32, %arg1: i32) -> (i32, i32) {
    %c0_i32 = arith.constant 0 : i32
    %c0_i32_0 = arith.constant 0 : i32
    %c0_i32_1 = arith.constant 0 : i32
    return %c0_i32, %c0_i32_0 : i32, i32
  }
  func.func @transform_6(%arg0: i32, %arg1: i32) -> (i32, i32) {
    %c0_i32 = arith.constant 0 : i32
    %c0_i32_0 = arith.constant 0 : i32
    %c0_i32_1 = arith.constant 0 : i32
    return %c0_i32, %c0_i32_0 : i32, i32
  }
  func.func @transform_7(%arg0: i32, %arg1: i32) -> (i32, i32) {
    %c0_i32 = arith.constant 0 : i32
    %c0_i32_0 = arith.constant 0 : i32
    %c0_i32_1 = arith.constant 0 : i32
    return %c0_i32, %c0_i32_0 : i32, i32
  }
  func.func @transform_8(%arg0: i32, %arg1: i32) -> (i32, i32) {
    %c0_i32 = arith.constant 0 : i32
    %c0_i32_0 = arith.constant 0 : i32
    %c0_i32_1 = arith.constant 0 : i32
    return %c0_i32, %c0_i32_0 : i32, i32
  }
  func.func @transform_9(%arg0: i32, %arg1: i32) -> (i32, i32) {
    %c0_i32 = arith.constant 0 : i32
    %c0_i32_0 = arith.constant 0 : i32
    %c0_i32_1 = arith.constant 0 : i32
    return %c0_i32, %c0_i32_0 : i32, i32
  }
  func.func @transform_10(%arg0: i32, %arg1: i32) -> (i32, i32) {
    %c0_i32 = arith.constant 0 : i32
    %c0_i32_0 = arith.constant 0 : i32
    %c0_i32_1 = arith.constant 0 : i32
    return %c0_i32, %c0_i32_0 : i32, i32
  }
  func.func @transform_11(%arg0: i32, %arg1: i32) -> (i32, i32) {
    %c0_i32 = arith.constant 0 : i32
    %c0_i32_0 = arith.constant 0 : i32
    %c0_i32_1 = arith.constant 0 : i32
    return %c0_i32, %c0_i32_0 : i32, i32
  }
  func.func @transform_12(%arg0: i32, %arg1: i32) -> (i32, i32) {
    %c0_i32 = arith.constant 0 : i32
    %c0_i32_0 = arith.constant 0 : i32
    %c0_i32_1 = arith.constant 0 : i32
    return %c0_i32, %c0_i32_0 : i32, i32
  }
  func.func @transform_13(%arg0: i32, %arg1: i32) -> (i32, i32) {
    %c0_i32 = arith.constant 0 : i32
    %c0_i32_0 = arith.constant 0 : i32
    %c0_i32_1 = arith.constant 0 : i32
    return %c0_i32, %c0_i32_0 : i32, i32
  }
  func.func @transform_14(%arg0: i32, %arg1: i32) -> (i32, i32) {
    %c0_i32 = arith.constant 0 : i32
    %c0_i32_0 = arith.constant 0 : i32
    %c0_i32_1 = arith.constant 0 : i32
    return %c0_i32, %c0_i32_0 : i32, i32
  }
  func.func @transform_15(%arg0: i32, %arg1: i32) -> (i32, i32) {
    %c0_i32 = arith.constant 0 : i32
    %c0_i32_0 = arith.constant 0 : i32
    %c0_i32_1 = arith.constant 0 : i32
    return %c0_i32, %c0_i32_0 : i32, i32
  }
  func.func @transform_16(%arg0: i32, %arg1: i32) -> (i32, i32, i32) {
    %c0_i32 = arith.constant 0 : i32
    %c0_i32_0 = arith.constant 0 : i32
    return %arg0, %arg1, %c0_i32 : i32, i32, i32
  }
  func.func @transform_17(%arg0: i32, %arg1: i32) -> (i32, i32) {
    %mul3A = arith.constant 2 : i32
    %mul3A_0 = arith.muli %arg0, %mul3A : i32
    %add3A = arith.addi %mul3A_0, %arg1 : i32
    %c0_i32 = arith.constant 0 : i32
    %c0_i32_1 = arith.constant 0 : i32
    return %add3A, %c0_i32 : i32, i32
  }
}

module attributes {stable_mosaic.version = 14 : i64} {
  func.func @_fps_body(%arg0: memref<8x2048xf32, #tpu.memory_space<vmem>>, %arg1: memref<8x2048xf32, #tpu.memory_space<vmem>>, %arg2: memref<8x2048xf32, #tpu.memory_space<vmem>>, %arg3: memref<8x256xi32, #tpu.memory_space<vmem>>) attributes {dimension_semantics = [], scalar_prefetch = 0 : i64, scratch_operands = 0 : i64, tpu.core_type = #tpu.core_type<tc>} {
    %get3A = arith.constant 0 : index
    %get3A_0 = arith.constant 0 : index
    %get3A_1 = vector.load %arg0[%get3A, %get3A_0] : memref<8x2048xf32, #tpu.memory_space<vmem>>, vector<8x2048xf32>
    %get3A_2 = arith.constant 0 : index
    %get3A_3 = arith.constant 0 : index
    %get3A_4 = vector.load %arg1[%get3A_2, %get3A_3] : memref<8x2048xf32, #tpu.memory_space<vmem>>, vector<8x2048xf32>
    %get3A_5 = arith.constant 0 : index
    %get3A_6 = arith.constant 0 : index
    %get3A_7 = vector.load %arg2[%get3A_5, %get3A_6] : memref<8x2048xf32, #tpu.memory_space<vmem>>, vector<8x2048xf32>
    %iota3A = tpu.iota {dimensions = array<i32: 1>} : vector<8x2048xi32>
    %iota3A_8 = tpu.iota {dimensions = array<i32: 1>} : vector<8x256xi32>
    %broadcast_in_dim3A = arith.constant 1.000000e+10 : f32
    %broadcast_in_dim3A_9 = vector.broadcast %broadcast_in_dim3A : f32 to vector<8x2048xf32>
    %broadcast_in_dim3A_10 = arith.constant 0 : i32
    %broadcast_in_dim3A_11 = vector.broadcast %broadcast_in_dim3A_10 : i32 to vector<8x1xi32>
    %scan3A = arith.constant 0 : i32
    %scan3A_12 = arith.constant 256 : i32
    %scan3A_13 = arith.addi %scan3A, %scan3A_12 : i32
    %scan3A_14 = arith.constant 1 : i32
    %scan3A_15:2 = scf.for %scan3A_17 = %scan3A to %scan3A_13 step %scan3A_14 iter_args(%scan3A_18 = %broadcast_in_dim3A_9, %scan3A_19 = %broadcast_in_dim3A_11) -> (vector<8x2048xf32>, vector<8x1xi32>)  : i32 {
      %eq3A = vector.broadcast %scan3A_17 : i32 to vector<8x256xi32>
      %eq3A_20 = arith.cmpi eq, %iota3A_8, %eq3A : vector<8x256xi32>
      %broadcast_in_dim3A_21 = vector.shape_cast %scan3A_19 : vector<8x1xi32> to vector<8x1xi32>
      %broadcast_in_dim3A_22 = vector.broadcast %broadcast_in_dim3A_21 : vector<8x1xi32> to vector<8x256xi32>
      %get3A_23 = arith.constant 0 : index
      %get3A_24 = arith.constant 0 : index
      %get3A_25 = vector.load %arg3[%get3A_23, %get3A_24] : memref<8x256xi32, #tpu.memory_space<vmem>>, vector<8x256xi32>
      %select_n3A = arith.select %eq3A_20, %broadcast_in_dim3A_22, %get3A_25 : vector<8x256xi1>, vector<8x256xi32>
      %swap3A = arith.constant 0 : index
      %swap3A_26 = arith.constant 0 : index
      %swap3A_27 = vector.load %arg3[%swap3A, %swap3A_26] : memref<8x256xi32, #tpu.memory_space<vmem>>, vector<8x256xi32>
      tpu.vector_store %arg3[%swap3A, %swap3A_26], %select_n3A {strides = array<i32>} : memref<8x256xi32, #tpu.memory_space<vmem>>, vector<8x256xi32>,
      %eq3A_28 = vector.broadcast %scan3A_19 : vector<8x1xi32> to vector<8x2048xi32>
      %eq3A_29 = arith.cmpi eq, %iota3A, %eq3A_28 : vector<8x2048xi32>
      %jit3A = arith.constant 0.000000e+00 : f32
      %broadcast_in_dim3A_30 = vector.broadcast %jit3A : f32 to vector<8x2048xf32>
      %select_n3A_31 = arith.select %eq3A_29, %get3A_1, %broadcast_in_dim3A_30 : vector<8x2048xi1>, vector<8x2048xf32>
      %reduce_sum3A = arith.constant dense<0.000000e+00> : vector<8xf32>
      %reduce_sum3A_32 = vector.multi_reduction <add>, %select_n3A_31, %reduce_sum3A [1] : vector<8x2048xf32> to vector<8xf32>
      %broadcast_in_dim3A_33 = vector.shape_cast %reduce_sum3A_32 : vector<8xf32> to vector<8x1xf32>
      %jit3A_34 = arith.constant 0.000000e+00 : f32
      %broadcast_in_dim3A_35 = vector.broadcast %jit3A_34 : f32 to vector<8x2048xf32>
      %select_n3A_36 = arith.select %eq3A_29, %get3A_4, %broadcast_in_dim3A_35 : vector<8x2048xi1>, vector<8x2048xf32>
      %reduce_sum3A_37 = arith.constant dense<0.000000e+00> : vector<8xf32>
      %reduce_sum3A_38 = vector.multi_reduction <add>, %select_n3A_36, %reduce_sum3A_37 [1] : vector<8x2048xf32> to vector<8xf32>
      %broadcast_in_dim3A_39 = vector.shape_cast %reduce_sum3A_38 : vector<8xf32> to vector<8x1xf32>
      %jit3A_40 = arith.constant 0.000000e+00 : f32
      %broadcast_in_dim3A_41 = vector.broadcast %jit3A_40 : f32 to vector<8x2048xf32>
      %select_n3A_42 = arith.select %eq3A_29, %get3A_7, %broadcast_in_dim3A_41 : vector<8x2048xi1>, vector<8x2048xf32>
      %reduce_sum3A_43 = arith.constant dense<0.000000e+00> : vector<8xf32>
      %reduce_sum3A_44 = vector.multi_reduction <add>, %select_n3A_42, %reduce_sum3A_43 [1] : vector<8x2048xf32> to vector<8xf32>
      %broadcast_in_dim3A_45 = vector.shape_cast %reduce_sum3A_44 : vector<8xf32> to vector<8x1xf32>
      %sub3A = vector.broadcast %broadcast_in_dim3A_33 : vector<8x1xf32> to vector<8x2048xf32>
      %sub3A_46 = arith.subf %get3A_1, %sub3A : vector<8x2048xf32>
      %integer_pow3A = arith.mulf %sub3A_46, %sub3A_46 : vector<8x2048xf32>
      %sub3A_47 = vector.broadcast %broadcast_in_dim3A_39 : vector<8x1xf32> to vector<8x2048xf32>
      %sub3A_48 = arith.subf %get3A_4, %sub3A_47 : vector<8x2048xf32>
      %integer_pow3A_49 = arith.mulf %sub3A_48, %sub3A_48 : vector<8x2048xf32>
      %add3A = arith.addf %integer_pow3A, %integer_pow3A_49 : vector<8x2048xf32>
      %sub3A_50 = vector.broadcast %broadcast_in_dim3A_45 : vector<8x1xf32> to vector<8x2048xf32>
      %sub3A_51 = arith.subf %get3A_7, %sub3A_50 : vector<8x2048xf32>
      %integer_pow3A_52 = arith.mulf %sub3A_51, %sub3A_51 : vector<8x2048xf32>
      %add3A_53 = arith.addf %add3A, %integer_pow3A_52 : vector<8x2048xf32>
      %min3A = arith.minimumf %scan3A_18, %add3A_53 : vector<8x2048xf32>
      %reduce_max3A = arith.constant dense<0xFF800000> : vector<8xf32>
      %reduce_max3A_54 = vector.multi_reduction <maximumf>, %min3A, %reduce_max3A [1] : vector<8x2048xf32> to vector<8xf32>
      %broadcast_in_dim3A_55 = vector.shape_cast %reduce_max3A_54 : vector<8xf32> to vector<8x1xf32>
      %eq3A_56 = vector.broadcast %broadcast_in_dim3A_55 : vector<8x1xf32> to vector<8x2048xf32>
      %eq3A_57 = arith.cmpf oeq, %min3A, %eq3A_56 : vector<8x2048xf32>
      %jit3A_58 = arith.constant 2048 : i32
      %broadcast_in_dim3A_59 = vector.broadcast %jit3A_58 : i32 to vector<8x2048xi32>
      %select_n3A_60 = arith.select %eq3A_57, %iota3A, %broadcast_in_dim3A_59 : vector<8x2048xi1>, vector<8x2048xi32>
      %reduce_min3A = arith.constant dense<2147483647> : vector<8xi32>
      %reduce_min3A_61 = vector.multi_reduction <minsi>, %select_n3A_60, %reduce_min3A [1] : vector<8x2048xi32> to vector<8xi32>
      %broadcast_in_dim3A_62 = vector.shape_cast %reduce_min3A_61 : vector<8xi32> to vector<8x1xi32>
      scf.yield %min3A, %broadcast_in_dim3A_62 : vector<8x2048xf32>, vector<8x1xi32>
    }
    %scan3A_16 = arith.constant 256 : i32
    return
  }
}

module attributes {stable_mosaic.version = 14 : i64} {
  func.func @_k4_body(%arg0: i32, %arg1: memref<1x16x256x288xf32, #tpu.memory_space<vmem>>, %arg2: memref<1x16x256x3xf32, #tpu.memory_space<vmem>>, %arg3: memref<3x288xf32, #tpu.memory_space<vmem>>, %arg4: memref<1x288xf32, #tpu.memory_space<vmem>>, %arg5: memref<1x288xf32, #tpu.memory_space<vmem>>, %arg6: memref<288x288xbf16, #tpu.memory_space<vmem>>, %arg7: memref<1x288xf32, #tpu.memory_space<vmem>>, %arg8: memref<1x288xf32, #tpu.memory_space<vmem>>, %arg9: memref<288x288xbf16, #tpu.memory_space<vmem>>, %arg10: memref<1x288xf32, #tpu.memory_space<vmem>>, %arg11: memref<1x288xf32, #tpu.memory_space<vmem>>, %arg12: memref<1x256x288xf32, #tpu.memory_space<vmem>>) attributes {dimension_semantics = [#tpu.dimension_semantics<arbitrary>], iteration_bounds = array<i64: 4>, scalar_prefetch = 0 : i64, scratch_operands = 0 : i64, tpu.core_type = #tpu.core_type<tc>, window_params = [{transform_indices = @transform_0, window_bounds = array<i64: 1, 16, 256, 288>}, {transform_indices = @transform_1, window_bounds = array<i64: 1, 16, 256, 3>}, {pipeline_mode = #tpu.pipeline_mode<synchronous>, transform_indices = @transform_2, window_bounds = array<i64: 3, 288>}, {pipeline_mode = #tpu.pipeline_mode<synchronous>, transform_indices = @transform_3, window_bounds = array<i64: 1, 288>}, {pipeline_mode = #tpu.pipeline_mode<synchronous>, transform_indices = @transform_4, window_bounds = array<i64: 1, 288>}, {pipeline_mode = #tpu.pipeline_mode<synchronous>, transform_indices = @transform_5, window_bounds = array<i64: 288, 288>}, {pipeline_mode = #tpu.pipeline_mode<synchronous>, transform_indices = @transform_6, window_bounds = array<i64: 1, 288>}, {pipeline_mode = #tpu.pipeline_mode<synchronous>, transform_indices = @transform_7, window_bounds = array<i64: 1, 288>}, {pipeline_mode = #tpu.pipeline_mode<synchronous>, transform_indices = @transform_8, window_bounds = array<i64: 288, 288>}, {pipeline_mode = #tpu.pipeline_mode<synchronous>, transform_indices = @transform_9, window_bounds = array<i64: 1, 288>}, {pipeline_mode = #tpu.pipeline_mode<synchronous>, transform_indices = @transform_10, window_bounds = array<i64: 1, 288>}, {transform_indices = @transform_11, window_bounds = array<i64: 1, 256, 288>}]} {
    %broadcast_in_dim3A = arith.constant 0.000000e+00 : f32
    %broadcast_in_dim3A_0 = vector.broadcast %broadcast_in_dim3A : f32 to vector<256x288xf32>
    %get3A = arith.constant 0 : index
    %get3A_1 = arith.constant 0 : index
    %get3A_2 = vector.load %arg3[%get3A, %get3A_1] : memref<3x288xf32, #tpu.memory_space<vmem>>, vector<3x288xf32>
    %get3A_3 = arith.constant 0 : index
    %get3A_4 = arith.constant 0 : index
    %get3A_5 = arith.constant 0 : index
    %get3A_6 = arith.constant 0 : index
    %get3A_7 = vector.load %arg1[%get3A_3, %get3A_4, %get3A_5, %get3A_6] : memref<1x16x256x288xf32, #tpu.memory_space<vmem>>, vector<1x1x256x288xf32>
    %get3A_8 = vector.shape_cast %get3A_7 : vector<1x1x256x288xf32> to vector<256x288xf32>
    %get3A_9 = arith.constant 0 : index
    %get3A_10 = arith.constant 0 : index
    %get3A_11 = arith.constant 0 : index
    %get3A_12 = arith.constant 0 : index
    %get3A_13 = vector.load %arg2[%get3A_9, %get3A_10, %get3A_11, %get3A_12] : memref<1x16x256x3xf32, #tpu.memory_space<vmem>>, vector<1x1x256x3xf32>
    %get3A_14 = vector.shape_cast %get3A_13 : vector<1x1x256x3xf32> to vector<256x3xf32>
    %convert_element_type3A = arith.truncf %get3A_14 : vector<256x3xf32> to vector<256x3xbf16>
    %convert_element_type3A_15 = arith.extf %convert_element_type3A : vector<256x3xbf16> to vector<256x3xf32>
    %slice3A = vector.extract_strided_slice %convert_element_type3A_15 {offsets = [0, 0], sizes = [256, 1], strides = [1, 1]} : vector<256x3xf32> to vector<256x1xf32>
    %slice3A_16 = vector.extract_strided_slice %get3A_2 {offsets = [0, 0], sizes = [1, 288], strides = [1, 1]} : vector<3x288xf32> to vector<1x288xf32>
    %mul3A = vector.broadcast %slice3A : vector<256x1xf32> to vector<256x288xf32>
    %mul3A_17 = vector.broadcast %slice3A_16 : vector<1x288xf32> to vector<256x288xf32>
    %mul3A_18 = arith.mulf %mul3A, %mul3A_17 : vector<256x288xf32>
    %slice3A_19 = vector.extract_strided_slice %convert_element_type3A_15 {offsets = [0, 1], sizes = [256, 1], strides = [1, 1]} : vector<256x3xf32> to vector<256x1xf32>
    %slice3A_20 = vector.extract_strided_slice %get3A_2 {offsets = [1, 0], sizes = [1, 288], strides = [1, 1]} : vector<3x288xf32> to vector<1x288xf32>
    %mul3A_21 = vector.broadcast %slice3A_19 : vector<256x1xf32> to vector<256x288xf32>
    %mul3A_22 = vector.broadcast %slice3A_20 : vector<1x288xf32> to vector<256x288xf32>
    %mul3A_23 = arith.mulf %mul3A_21, %mul3A_22 : vector<256x288xf32>
    %add3A = arith.addf %mul3A_18, %mul3A_23 : vector<256x288xf32>
    %slice3A_24 = vector.extract_strided_slice %convert_element_type3A_15 {offsets = [0, 2], sizes = [256, 1], strides = [1, 1]} : vector<256x3xf32> to vector<256x1xf32>
    %slice3A_25 = vector.extract_strided_slice %get3A_2 {offsets = [2, 0], sizes = [1, 288], strides = [1, 1]} : vector<3x288xf32> to vector<1x288xf32>
    %mul3A_26 = vector.broadcast %slice3A_24 : vector<256x1xf32> to vector<256x288xf32>
    %mul3A_27 = vector.broadcast %slice3A_25 : vector<1x288xf32> to vector<256x288xf32>
    %mul3A_28 = arith.mulf %mul3A_26, %mul3A_27 : vector<256x288xf32>
    %add3A_29 = arith.addf %add3A, %mul3A_28 : vector<256x288xf32>
    %get3A_30 = arith.constant 0 : index
    %get3A_31 = arith.constant 0 : index
    %get3A_32 = vector.load %arg4[%get3A_30, %get3A_31] : memref<1x288xf32, #tpu.memory_space<vmem>>, vector<1x288xf32>
    %mul3A_33 = vector.broadcast %get3A_32 : vector<1x288xf32> to vector<256x288xf32>
    %mul3A_34 = arith.mulf %add3A_29, %mul3A_33 : vector<256x288xf32>
    %add3A_35 = arith.addf %get3A_8, %mul3A_34 : vector<256x288xf32>
    %get3A_36 = arith.constant 0 : index
    %get3A_37 = arith.constant 0 : index
    %get3A_38 = vector.load %arg5[%get3A_36, %get3A_37] : memref<1x288xf32, #tpu.memory_space<vmem>>, vector<1x288xf32>
    %add3A_39 = vector.broadcast %get3A_38 : vector<1x288xf32> to vector<256x288xf32>
    %add3A_40 = arith.addf %add3A_35, %add3A_39 : vector<256x288xf32>
    %max3A = arith.constant 0.000000e+00 : f32
    %max3A_41 = vector.broadcast %max3A : f32 to vector<256x288xf32>
    %max3A_42 = arith.maximumf %add3A_40, %max3A_41 : vector<256x288xf32>
    %convert_element_type3A_43 = arith.truncf %max3A_42 : vector<256x288xf32> to vector<256x288xbf16>
    %get3A_44 = arith.constant 0 : index
    %get3A_45 = arith.constant 0 : index
    %get3A_46 = vector.load %arg6[%get3A_44, %get3A_45] : memref<288x288xbf16, #tpu.memory_space<vmem>>, vector<288x288xbf16>
    %dot_general3A = arith.constant dense<0.000000e+00> : vector<256x288xf32>
    %dot_general3A_47 = tpu.matmul %convert_element_type3A_43, %get3A_46, %dot_general3A {dimension_numbers = #tpu.dot_dimension_numbers<[1], [0], [0], [1], [0, 0, 1, 1], [], []>, transpose_lhs_hint = false} : vector<256x288xbf16>, vector<288x288xbf16>, vector<256x288xf32> -> vector<256x288xf32>
    %get3A_48 = arith.constant 0 : index
    %get3A_49 = arith.constant 0 : index
    %get3A_50 = vector.load %arg7[%get3A_48, %get3A_49] : memref<1x288xf32, #tpu.memory_space<vmem>>, vector<1x288xf32>
    %mul3A_51 = vector.broadcast %get3A_50 : vector<1x288xf32> to vector<256x288xf32>
    %mul3A_52 = arith.mulf %dot_general3A_47, %mul3A_51 : vector<256x288xf32>
    %get3A_53 = arith.constant 0 : index
    %get3A_54 = arith.constant 0 : index
    %get3A_55 = vector.load %arg8[%get3A_53, %get3A_54] : memref<1x288xf32, #tpu.memory_space<vmem>>, vector<1x288xf32>
    %add3A_56 = vector.broadcast %get3A_55 : vector<1x288xf32> to vector<256x288xf32>
    %add3A_57 = arith.addf %mul3A_52, %add3A_56 : vector<256x288xf32>
    %max3A_58 = arith.constant 0.000000e+00 : f32
    %max3A_59 = vector.broadcast %max3A_58 : f32 to vector<256x288xf32>
    %max3A_60 = arith.maximumf %add3A_57, %max3A_59 : vector<256x288xf32>
    %convert_element_type3A_61 = arith.truncf %max3A_60 : vector<256x288xf32> to vector<256x288xbf16>
    %get3A_62 = arith.constant 0 : index
    %get3A_63 = arith.constant 0 : index
    %get3A_64 = vector.load %arg9[%get3A_62, %get3A_63] : memref<288x288xbf16, #tpu.memory_space<vmem>>, vector<288x288xbf16>
    %dot_general3A_65 = arith.constant dense<0.000000e+00> : vector<256x288xf32>
    %dot_general3A_66 = tpu.matmul %convert_element_type3A_61, %get3A_64, %dot_general3A_65 {dimension_numbers = #tpu.dot_dimension_numbers<[1], [0], [0], [1], [0, 0, 1, 1], [], []>, transpose_lhs_hint = false} : vector<256x288xbf16>, vector<288x288xbf16>, vector<256x288xf32> -> vector<256x288xf32>
    %get3A_67 = arith.constant 0 : index
    %get3A_68 = arith.constant 0 : index
    %get3A_69 = vector.load %arg10[%get3A_67, %get3A_68] : memref<1x288xf32, #tpu.memory_space<vmem>>, vector<1x288xf32>
    %mul3A_70 = vector.broadcast %get3A_69 : vector<1x288xf32> to vector<256x288xf32>
    %mul3A_71 = arith.mulf %dot_general3A_66, %mul3A_70 : vector<256x288xf32>
    %get3A_72 = arith.constant 0 : index
    %get3A_73 = arith.constant 0 : index
    %get3A_74 = vector.load %arg11[%get3A_72, %get3A_73] : memref<1x288xf32, #tpu.memory_space<vmem>>, vector<1x288xf32>
    %add3A_75 = vector.broadcast %get3A_74 : vector<1x288xf32> to vector<256x288xf32>
    %add3A_76 = arith.addf %mul3A_71, %add3A_75 : vector<256x288xf32>
    %max3A_77 = arith.constant 0.000000e+00 : f32
    %max3A_78 = vector.broadcast %max3A_77 : f32 to vector<256x288xf32>
    %max3A_79 = arith.maximumf %add3A_76, %max3A_78 : vector<256x288xf32>
    %max3A_80 = arith.maximumf %broadcast_in_dim3A_0, %max3A_79 : vector<256x288xf32>
    %get3A_81 = arith.constant 0 : index
    %get3A_82 = arith.constant 1 : index
    %get3A_83 = arith.constant 0 : index
    %get3A_84 = arith.constant 0 : index
    %get3A_85 = vector.load %arg1[%get3A_81, %get3A_82, %get3A_83, %get3A_84] : memref<1x16x256x288xf32, #tpu.memory_space<vmem>>, vector<1x1x256x288xf32>
    %get3A_86 = vector.shape_cast %get3A_85 : vector<1x1x256x288xf32> to vector<256x288xf32>
    %get3A_87 = arith.constant 0 : index
    %get3A_88 = arith.constant 1 : index
    %get3A_89 = arith.constant 0 : index
    %get3A_90 = arith.constant 0 : index
    %get3A_91 = vector.load %arg2[%get3A_87, %get3A_88, %get3A_89, %get3A_90] : memref<1x16x256x3xf32, #tpu.memory_space<vmem>>, vector<1x1x256x3xf32>
    %get3A_92 = vector.shape_cast %get3A_91 : vector<1x1x256x3xf32> to vector<256x3xf32>
    %convert_element_type3A_93 = arith.truncf %get3A_92 : vector<256x3xf32> to vector<256x3xbf16>
    %convert_element_type3A_94 = arith.extf %convert_element_type3A_93 : vector<256x3xbf16> to vector<256x3xf32>
    %slice3A_95 = vector.extract_strided_slice %convert_element_type3A_94 {offsets = [0, 0], sizes = [256, 1], strides = [1, 1]} : vector<256x3xf32> to vector<256x1xf32>
    %slice3A_96 = vector.extract_strided_slice %get3A_2 {offsets = [0, 0], sizes = [1, 288], strides = [1, 1]} : vector<3x288xf32> to vector<1x288xf32>
    %mul3A_97 = vector.broadcast %slice3A_95 : vector<256x1xf32> to vector<256x288xf32>
    %mul3A_98 = vector.broadcast %slice3A_96 : vector<1x288xf32> to vector<256x288xf32>
    %mul3A_99 = arith.mulf %mul3A_97, %mul3A_98 : vector<256x288xf32>
    %slice3A_100 = vector.extract_strided_slice %convert_element_type3A_94 {offsets = [0, 1], sizes = [256, 1], strides = [1, 1]} : vector<256x3xf32> to vector<256x1xf32>
    %slice3A_101 = vector.extract_strided_slice %get3A_2 {offsets = [1, 0], sizes = [1, 288], strides = [1, 1]} : vector<3x288xf32> to vector<1x288xf32>
    %mul3A_102 = vector.broadcast %slice3A_100 : vector<256x1xf32> to vector<256x288xf32>
    %mul3A_103 = vector.broadcast %slice3A_101 : vector<1x288xf32> to vector<256x288xf32>
    %mul3A_104 = arith.mulf %mul3A_102, %mul3A_103 : vector<256x288xf32>
    %add3A_105 = arith.addf %mul3A_99, %mul3A_104 : vector<256x288xf32>
    %slice3A_106 = vector.extract_strided_slice %convert_element_type3A_94 {offsets = [0, 2], sizes = [256, 1], strides = [1, 1]} : vector<256x3xf32> to vector<256x1xf32>
    %slice3A_107 = vector.extract_strided_slice %get3A_2 {offsets = [2, 0], sizes = [1, 288], strides = [1, 1]} : vector<3x288xf32> to vector<1x288xf32>
    %mul3A_108 = vector.broadcast %slice3A_106 : vector<256x1xf32> to vector<256x288xf32>
    %mul3A_109 = vector.broadcast %slice3A_107 : vector<1x288xf32> to vector<256x288xf32>
    %mul3A_110 = arith.mulf %mul3A_108, %mul3A_109 : vector<256x288xf32>
    %add3A_111 = arith.addf %add3A_105, %mul3A_110 : vector<256x288xf32>
    %get3A_112 = arith.constant 0 : index
    %get3A_113 = arith.constant 0 : index
    %get3A_114 = vector.load %arg4[%get3A_112, %get3A_113] : memref<1x288xf32, #tpu.memory_space<vmem>>, vector<1x288xf32>
    %mul3A_115 = vector.broadcast %get3A_114 : vector<1x288xf32> to vector<256x288xf32>
    %mul3A_116 = arith.mulf %add3A_111, %mul3A_115 : vector<256x288xf32>
    %add3A_117 = arith.addf %get3A_86, %mul3A_116 : vector<256x288xf32>
    %get3A_118 = arith.constant 0 : index
    %get3A_119 = arith.constant 0 : index
    %get3A_120 = vector.load %arg5[%get3A_118, %get3A_119] : memref<1x288xf32, #tpu.memory_space<vmem>>, vector<1x288xf32>
    %add3A_121 = vector.broadcast %get3A_120 : vector<1x288xf32> to vector<256x288xf32>
    %add3A_122 = arith.addf %add3A_117, %add3A_121 : vector<256x288xf32>
    %max3A_123 = arith.constant 0.000000e+00 : f32
    %max3A_124 = vector.broadcast %max3A_123 : f32 to vector<256x288xf32>
    %max3A_125 = arith.maximumf %add3A_122, %max3A_124 : vector<256x288xf32>
    %convert_element_type3A_126 = arith.truncf %max3A_125 : vector<256x288xf32> to vector<256x288xbf16>
    %get3A_127 = arith.constant 0 : index
    %get3A_128 = arith.constant 0 : index
    %get3A_129 = vector.load %arg6[%get3A_127, %get3A_128] : memref<288x288xbf16, #tpu.memory_space<vmem>>, vector<288x288xbf16>
    %dot_general3A_130 = arith.constant dense<0.000000e+00> : vector<256x288xf32>
    %dot_general3A_131 = tpu.matmul %convert_element_type3A_126, %get3A_129, %dot_general3A_130 {dimension_numbers = #tpu.dot_dimension_numbers<[1], [0], [0], [1], [0, 0, 1, 1], [], []>, transpose_lhs_hint = false} : vector<256x288xbf16>, vector<288x288xbf16>, vector<256x288xf32> -> vector<256x288xf32>
    %get3A_132 = arith.constant 0 : index
    %get3A_133 = arith.constant 0 : index
    %get3A_134 = vector.load %arg7[%get3A_132, %get3A_133] : memref<1x288xf32, #tpu.memory_space<vmem>>, vector<1x288xf32>
    %mul3A_135 = vector.broadcast %get3A_134 : vector<1x288xf32> to vector<256x288xf32>
    %mul3A_136 = arith.mulf %dot_general3A_131, %mul3A_135 : vector<256x288xf32>
    %get3A_137 = arith.constant 0 : index
    %get3A_138 = arith.constant 0 : index
    %get3A_139 = vector.load %arg8[%get3A_137, %get3A_138] : memref<1x288xf32, #tpu.memory_space<vmem>>, vector<1x288xf32>
    %add3A_140 = vector.broadcast %get3A_139 : vector<1x288xf32> to vector<256x288xf32>
    %add3A_141 = arith.addf %mul3A_136, %add3A_140 : vector<256x288xf32>
    %max3A_142 = arith.constant 0.000000e+00 : f32
    %max3A_143 = vector.broadcast %max3A_142 : f32 to vector<256x288xf32>
    %max3A_144 = arith.maximumf %add3A_141, %max3A_143 : vector<256x288xf32>
    %convert_element_type3A_145 = arith.truncf %max3A_144 : vector<256x288xf32> to vector<256x288xbf16>
    %get3A_146 = arith.constant 0 : index
    %get3A_147 = arith.constant 0 : index
    %get3A_148 = vector.load %arg9[%get3A_146, %get3A_147] : memref<288x288xbf16, #tpu.memory_space<vmem>>, vector<288x288xbf16>
    %dot_general3A_149 = arith.constant dense<0.000000e+00> : vector<256x288xf32>
    %dot_general3A_150 = tpu.matmul %convert_element_type3A_145, %get3A_148, %dot_general3A_149 {dimension_numbers = #tpu.dot_dimension_numbers<[1], [0], [0], [1], [0, 0, 1, 1], [], []>, transpose_lhs_hint = false} : vector<256x288xbf16>, vector<288x288xbf16>, vector<256x288xf32> -> vector<256x288xf32>
    %get3A_151 = arith.constant 0 : index
    %get3A_152 = arith.constant 0 : index
    %get3A_153 = vector.load %arg10[%get3A_151, %get3A_152] : memref<1x288xf32, #tpu.memory_space<vmem>>, vector<1x288xf32>
    %mul3A_154 = vector.broadcast %get3A_153 : vector<1x288xf32> to vector<256x288xf32>
    %mul3A_155 = arith.mulf %dot_general3A_150, %mul3A_154 : vector<256x288xf32>
    %get3A_156 = arith.constant 0 : index
    %get3A_157 = arith.constant 0 : index
    %get3A_158 = vector.load %arg11[%get3A_156, %get3A_157] : memref<1x288xf32, #tpu.memory_space<vmem>>, vector<1x288xf32>
    %add3A_159 = vector.broadcast %get3A_158 : vector<1x288xf32> to vector<256x288xf32>
    %add3A_160 = arith.addf %mul3A_155, %add3A_159 : vector<256x288xf32>
    %max3A_161 = arith.constant 0.000000e+00 : f32
    %max3A_162 = vector.broadcast %max3A_161 : f32 to vector<256x288xf32>
    %max3A_163 = arith.maximumf %add3A_160, %max3A_162 : vector<256x288xf32>
    %max3A_164 = arith.maximumf %max3A_80, %max3A_163 : vector<256x288xf32>
    %get3A_165 = arith.constant 0 : index
    %get3A_166 = arith.constant 2 : index
    %get3A_167 = arith.constant 0 : index
    %get3A_168 = arith.constant 0 : index
    %get3A_169 = vector.load %arg1[%get3A_165, %get3A_166, %get3A_167, %get3A_168] : memref<1x16x256x288xf32, #tpu.memory_space<vmem>>, vector<1x1x256x288xf32>
    %get3A_170 = vector.shape_cast %get3A_169 : vector<1x1x256x288xf32> to vector<256x288xf32>
    %get3A_171 = arith.constant 0 : index
    %get3A_172 = arith.constant 2 : index
    %get3A_173 = arith.constant 0 : index
    %get3A_174 = arith.constant 0 : index
    %get3A_175 = vector.load %arg2[%get3A_171, %get3A_172, %get3A_173, %get3A_174] : memref<1x16x256x3xf32, #tpu.memory_space<vmem>>, vector<1x1x256x3xf32>
    %get3A_176 = vector.shape_cast %get3A_175 : vector<1x1x256x3xf32> to vector<256x3xf32>
    %convert_element_type3A_177 = arith.truncf %get3A_176 : vector<256x3xf32> to vector<256x3xbf16>
    %convert_element_type3A_178 = arith.extf %convert_element_type3A_177 : vector<256x3xbf16> to vector<256x3xf32>
    %slice3A_179 = vector.extract_strided_slice %convert_element_type3A_178 {offsets = [0, 0], sizes = [256, 1], strides = [1, 1]} : vector<256x3xf32> to vector<256x1xf32>
    %slice3A_180 = vector.extract_strided_slice %get3A_2 {offsets = [0, 0], sizes = [1, 288], strides = [1, 1]} : vector<3x288xf32> to vector<1x288xf32>
    %mul3A_181 = vector.broadcast %slice3A_179 : vector<256x1xf32> to vector<256x288xf32>
    %mul3A_182 = vector.broadcast %slice3A_180 : vector<1x288xf32> to vector<256x288xf32>
    %mul3A_183 = arith.mulf %mul3A_181, %mul3A_182 : vector<256x288xf32>
    %slice3A_184 = vector.extract_strided_slice %convert_element_type3A_178 {offsets = [0, 1], sizes = [256, 1], strides = [1, 1]} : vector<256x3xf32> to vector<256x1xf32>
    %slice3A_185 = vector.extract_strided_slice %get3A_2 {offsets = [1, 0], sizes = [1, 288], strides = [1, 1]} : vector<3x288xf32> to vector<1x288xf32>
    %mul3A_186 = vector.broadcast %slice3A_184 : vector<256x1xf32> to vector<256x288xf32>
    %mul3A_187 = vector.broadcast %slice3A_185 : vector<1x288xf32> to vector<256x288xf32>
    %mul3A_188 = arith.mulf %mul3A_186, %mul3A_187 : vector<256x288xf32>
    %add3A_189 = arith.addf %mul3A_183, %mul3A_188 : vector<256x288xf32>
    %slice3A_190 = vector.extract_strided_slice %convert_element_type3A_178 {offsets = [0, 2], sizes = [256, 1], strides = [1, 1]} : vector<256x3xf32> to vector<256x1xf32>
    %slice3A_191 = vector.extract_strided_slice %get3A_2 {offsets = [2, 0], sizes = [1, 288], strides = [1, 1]} : vector<3x288xf32> to vector<1x288xf32>
    %mul3A_192 = vector.broadcast %slice3A_190 : vector<256x1xf32> to vector<256x288xf32>
    %mul3A_193 = vector.broadcast %slice3A_191 : vector<1x288xf32> to vector<256x288xf32>
    %mul3A_194 = arith.mulf %mul3A_192, %mul3A_193 : vector<256x288xf32>
    %add3A_195 = arith.addf %add3A_189, %mul3A_194 : vector<256x288xf32>
    %get3A_196 = arith.constant 0 : index
    %get3A_197 = arith.constant 0 : index
    %get3A_198 = vector.load %arg4[%get3A_196, %get3A_197] : memref<1x288xf32, #tpu.memory_space<vmem>>, vector<1x288xf32>
    %mul3A_199 = vector.broadcast %get3A_198 : vector<1x288xf32> to vector<256x288xf32>
    %mul3A_200 = arith.mulf %add3A_195, %mul3A_199 : vector<256x288xf32>
    %add3A_201 = arith.addf %get3A_170, %mul3A_200 : vector<256x288xf32>
    %get3A_202 = arith.constant 0 : index
    %get3A_203 = arith.constant 0 : index
    %get3A_204 = vector.load %arg5[%get3A_202, %get3A_203] : memref<1x288xf32, #tpu.memory_space<vmem>>, vector<1x288xf32>
    %add3A_205 = vector.broadcast %get3A_204 : vector<1x288xf32> to vector<256x288xf32>
    %add3A_206 = arith.addf %add3A_201, %add3A_205 : vector<256x288xf32>
    %max3A_207 = arith.constant 0.000000e+00 : f32
    %max3A_208 = vector.broadcast %max3A_207 : f32 to vector<256x288xf32>
    %max3A_209 = arith.maximumf %add3A_206, %max3A_208 : vector<256x288xf32>
    %convert_element_type3A_210 = arith.truncf %max3A_209 : vector<256x288xf32> to vector<256x288xbf16>
    %get3A_211 = arith.constant 0 : index
    %get3A_212 = arith.constant 0 : index
    %get3A_213 = vector.load %arg6[%get3A_211, %get3A_212] : memref<288x288xbf16, #tpu.memory_space<vmem>>, vector<288x288xbf16>
    %dot_general3A_214 = arith.constant dense<0.000000e+00> : vector<256x288xf32>
    %dot_general3A_215 = tpu.matmul %convert_element_type3A_210, %get3A_213, %dot_general3A_214 {dimension_numbers = #tpu.dot_dimension_numbers<[1], [0], [0], [1], [0, 0, 1, 1], [], []>, transpose_lhs_hint = false} : vector<256x288xbf16>, vector<288x288xbf16>, vector<256x288xf32> -> vector<256x288xf32>
    %get3A_216 = arith.constant 0 : index
    %get3A_217 = arith.constant 0 : index
    %get3A_218 = vector.load %arg7[%get3A_216, %get3A_217] : memref<1x288xf32, #tpu.memory_space<vmem>>, vector<1x288xf32>
    %mul3A_219 = vector.broadcast %get3A_218 : vector<1x288xf32> to vector<256x288xf32>
    %mul3A_220 = arith.mulf %dot_general3A_215, %mul3A_219 : vector<256x288xf32>
    %get3A_221 = arith.constant 0 : index
    %get3A_222 = arith.constant 0 : index
    %get3A_223 = vector.load %arg8[%get3A_221, %get3A_222] : memref<1x288xf32, #tpu.memory_space<vmem>>, vector<1x288xf32>
    %add3A_224 = vector.broadcast %get3A_223 : vector<1x288xf32> to vector<256x288xf32>
    %add3A_225 = arith.addf %mul3A_220, %add3A_224 : vector<256x288xf32>
    %max3A_226 = arith.constant 0.000000e+00 : f32
    %max3A_227 = vector.broadcast %max3A_226 : f32 to vector<256x288xf32>
    %max3A_228 = arith.maximumf %add3A_225, %max3A_227 : vector<256x288xf32>
    %convert_element_type3A_229 = arith.truncf %max3A_228 : vector<256x288xf32> to vector<256x288xbf16>
    %get3A_230 = arith.constant 0 : index
    %get3A_231 = arith.constant 0 : index
    %get3A_232 = vector.load %arg9[%get3A_230, %get3A_231] : memref<288x288xbf16, #tpu.memory_space<vmem>>, vector<288x288xbf16>
    %dot_general3A_233 = arith.constant dense<0.000000e+00> : vector<256x288xf32>
    %dot_general3A_234 = tpu.matmul %convert_element_type3A_229, %get3A_232, %dot_general3A_233 {dimension_numbers = #tpu.dot_dimension_numbers<[1], [0], [0], [1], [0, 0, 1, 1], [], []>, transpose_lhs_hint = false} : vector<256x288xbf16>, vector<288x288xbf16>, vector<256x288xf32> -> vector<256x288xf32>
    %get3A_235 = arith.constant 0 : index
    %get3A_236 = arith.constant 0 : index
    %get3A_237 = vector.load %arg10[%get3A_235, %get3A_236] : memref<1x288xf32, #tpu.memory_space<vmem>>, vector<1x288xf32>
    %mul3A_238 = vector.broadcast %get3A_237 : vector<1x288xf32> to vector<256x288xf32>
    %mul3A_239 = arith.mulf %dot_general3A_234, %mul3A_238 : vector<256x288xf32>
    %get3A_240 = arith.constant 0 : index
    %get3A_241 = arith.constant 0 : index
    %get3A_242 = vector.load %arg11[%get3A_240, %get3A_241] : memref<1x288xf32, #tpu.memory_space<vmem>>, vector<1x288xf32>
    %add3A_243 = vector.broadcast %get3A_242 : vector<1x288xf32> to vector<256x288xf32>
    %add3A_244 = arith.addf %mul3A_239, %add3A_243 : vector<256x288xf32>
    %max3A_245 = arith.constant 0.000000e+00 : f32
    %max3A_246 = vector.broadcast %max3A_245 : f32 to vector<256x288xf32>
    %max3A_247 = arith.maximumf %add3A_244, %max3A_246 : vector<256x288xf32>
    %max3A_248 = arith.maximumf %max3A_164, %max3A_247 : vector<256x288xf32>
    %get3A_249 = arith.constant 0 : index
    %get3A_250 = arith.constant 3 : index
    %get3A_251 = arith.constant 0 : index
    %get3A_252 = arith.constant 0 : index
    %get3A_253 = vector.load %arg1[%get3A_249, %get3A_250, %get3A_251, %get3A_252] : memref<1x16x256x288xf32, #tpu.memory_space<vmem>>, vector<1x1x256x288xf32>
    %get3A_254 = vector.shape_cast %get3A_253 : vector<1x1x256x288xf32> to vector<256x288xf32>
    %get3A_255 = arith.constant 0 : index
    %get3A_256 = arith.constant 3 : index
    %get3A_257 = arith.constant 0 : index
    %get3A_258 = arith.constant 0 : index
    %get3A_259 = vector.load %arg2[%get3A_255, %get3A_256, %get3A_257, %get3A_258] : memref<1x16x256x3xf32, #tpu.memory_space<vmem>>, vector<1x1x256x3xf32>
    %get3A_260 = vector.shape_cast %get3A_259 : vector<1x1x256x3xf32> to vector<256x3xf32>
    %convert_element_type3A_261 = arith.truncf %get3A_260 : vector<256x3xf32> to vector<256x3xbf16>
    %convert_element_type3A_262 = arith.extf %convert_element_type3A_261 : vector<256x3xbf16> to vector<256x3xf32>
    %slice3A_263 = vector.extract_strided_slice %convert_element_type3A_262 {offsets = [0, 0], sizes = [256, 1], strides = [1, 1]} : vector<256x3xf32> to vector<256x1xf32>
    %slice3A_264 = vector.extract_strided_slice %get3A_2 {offsets = [0, 0], sizes = [1, 288], strides = [1, 1]} : vector<3x288xf32> to vector<1x288xf32>
    %mul3A_265 = vector.broadcast %slice3A_263 : vector<256x1xf32> to vector<256x288xf32>
    %mul3A_266 = vector.broadcast %slice3A_264 : vector<1x288xf32> to vector<256x288xf32>
    %mul3A_267 = arith.mulf %mul3A_265, %mul3A_266 : vector<256x288xf32>
    %slice3A_268 = vector.extract_strided_slice %convert_element_type3A_262 {offsets = [0, 1], sizes = [256, 1], strides = [1, 1]} : vector<256x3xf32> to vector<256x1xf32>
    %slice3A_269 = vector.extract_strided_slice %get3A_2 {offsets = [1, 0], sizes = [1, 288], strides = [1, 1]} : vector<3x288xf32> to vector<1x288xf32>
    %mul3A_270 = vector.broadcast %slice3A_268 : vector<256x1xf32> to vector<256x288xf32>
    %mul3A_271 = vector.broadcast %slice3A_269 : vector<1x288xf32> to vector<256x288xf32>
    %mul3A_272 = arith.mulf %mul3A_270, %mul3A_271 : vector<256x288xf32>
    %add3A_273 = arith.addf %mul3A_267, %mul3A_272 : vector<256x288xf32>
    %slice3A_274 = vector.extract_strided_slice %convert_element_type3A_262 {offsets = [0, 2], sizes = [256, 1], strides = [1, 1]} : vector<256x3xf32> to vector<256x1xf32>
    %slice3A_275 = vector.extract_strided_slice %get3A_2 {offsets = [2, 0], sizes = [1, 288], strides = [1, 1]} : vector<3x288xf32> to vector<1x288xf32>
    %mul3A_276 = vector.broadcast %slice3A_274 : vector<256x1xf32> to vector<256x288xf32>
    %mul3A_277 = vector.broadcast %slice3A_275 : vector<1x288xf32> to vector<256x288xf32>
    %mul3A_278 = arith.mulf %mul3A_276, %mul3A_277 : vector<256x288xf32>
    %add3A_279 = arith.addf %add3A_273, %mul3A_278 : vector<256x288xf32>
    %get3A_280 = arith.constant 0 : index
    %get3A_281 = arith.constant 0 : index
    %get3A_282 = vector.load %arg4[%get3A_280, %get3A_281] : memref<1x288xf32, #tpu.memory_space<vmem>>, vector<1x288xf32>
    %mul3A_283 = vector.broadcast %get3A_282 : vector<1x288xf32> to vector<256x288xf32>
    %mul3A_284 = arith.mulf %add3A_279, %mul3A_283 : vector<256x288xf32>
    %add3A_285 = arith.addf %get3A_254, %mul3A_284 : vector<256x288xf32>
    %get3A_286 = arith.constant 0 : index
    %get3A_287 = arith.constant 0 : index
    %get3A_288 = vector.load %arg5[%get3A_286, %get3A_287] : memref<1x288xf32, #tpu.memory_space<vmem>>, vector<1x288xf32>
    %add3A_289 = vector.broadcast %get3A_288 : vector<1x288xf32> to vector<256x288xf32>
    %add3A_290 = arith.addf %add3A_285, %add3A_289 : vector<256x288xf32>
    %max3A_291 = arith.constant 0.000000e+00 : f32
    %max3A_292 = vector.broadcast %max3A_291 : f32 to vector<256x288xf32>
    %max3A_293 = arith.maximumf %add3A_290, %max3A_292 : vector<256x288xf32>
    %convert_element_type3A_294 = arith.truncf %max3A_293 : vector<256x288xf32> to vector<256x288xbf16>
    %get3A_295 = arith.constant 0 : index
    %get3A_296 = arith.constant 0 : index
    %get3A_297 = vector.load %arg6[%get3A_295, %get3A_296] : memref<288x288xbf16, #tpu.memory_space<vmem>>, vector<288x288xbf16>
    %dot_general3A_298 = arith.constant dense<0.000000e+00> : vector<256x288xf32>
    %dot_general3A_299 = tpu.matmul %convert_element_type3A_294, %get3A_297, %dot_general3A_298 {dimension_numbers = #tpu.dot_dimension_numbers<[1], [0], [0], [1], [0, 0, 1, 1], [], []>, transpose_lhs_hint = false} : vector<256x288xbf16>, vector<288x288xbf16>, vector<256x288xf32> -> vector<256x288xf32>
    %get3A_300 = arith.constant 0 : index
    %get3A_301 = arith.constant 0 : index
    %get3A_302 = vector.load %arg7[%get3A_300, %get3A_301] : memref<1x288xf32, #tpu.memory_space<vmem>>, vector<1x288xf32>
    %mul3A_303 = vector.broadcast %get3A_302 : vector<1x288xf32> to vector<256x288xf32>
    %mul3A_304 = arith.mulf %dot_general3A_299, %mul3A_303 : vector<256x288xf32>
    %get3A_305 = arith.constant 0 : index
    %get3A_306 = arith.constant 0 : index
    %get3A_307 = vector.load %arg8[%get3A_305, %get3A_306] : memref<1x288xf32, #tpu.memory_space<vmem>>, vector<1x288xf32>
    %add3A_308 = vector.broadcast %get3A_307 : vector<1x288xf32> to vector<256x288xf32>
    %add3A_309 = arith.addf %mul3A_304, %add3A_308 : vector<256x288xf32>
    %max3A_310 = arith.constant 0.000000e+00 : f32
    %max3A_311 = vector.broadcast %max3A_310 : f32 to vector<256x288xf32>
    %max3A_312 = arith.maximumf %add3A_309, %max3A_311 : vector<256x288xf32>
    %convert_element_type3A_313 = arith.truncf %max3A_312 : vector<256x288xf32> to vector<256x288xbf16>
    %get3A_314 = arith.constant 0 : index
    %get3A_315 = arith.constant 0 : index
    %get3A_316 = vector.load %arg9[%get3A_314, %get3A_315] : memref<288x288xbf16, #tpu.memory_space<vmem>>, vector<288x288xbf16>
    %dot_general3A_317 = arith.constant dense<0.000000e+00> : vector<256x288xf32>
    %dot_general3A_318 = tpu.matmul %convert_element_type3A_313, %get3A_316, %dot_general3A_317 {dimension_numbers = #tpu.dot_dimension_numbers<[1], [0], [0], [1], [0, 0, 1, 1], [], []>, transpose_lhs_hint = false} : vector<256x288xbf16>, vector<288x288xbf16>, vector<256x288xf32> -> vector<256x288xf32>
    %get3A_319 = arith.constant 0 : index
    %get3A_320 = arith.constant 0 : index
    %get3A_321 = vector.load %arg10[%get3A_319, %get3A_320] : memref<1x288xf32, #tpu.memory_space<vmem>>, vector<1x288xf32>
    %mul3A_322 = vector.broadcast %get3A_321 : vector<1x288xf32> to vector<256x288xf32>
    %mul3A_323 = arith.mulf %dot_general3A_318, %mul3A_322 : vector<256x288xf32>
    %get3A_324 = arith.constant 0 : index
    %get3A_325 = arith.constant 0 : index
    %get3A_326 = vector.load %arg11[%get3A_324, %get3A_325] : memref<1x288xf32, #tpu.memory_space<vmem>>, vector<1x288xf32>
    %add3A_327 = vector.broadcast %get3A_326 : vector<1x288xf32> to vector<256x288xf32>
    %add3A_328 = arith.addf %mul3A_323, %add3A_327 : vector<256x288xf32>
    %max3A_329 = arith.constant 0.000000e+00 : f32
    %max3A_330 = vector.broadcast %max3A_329 : f32 to vector<256x288xf32>
    %max3A_331 = arith.maximumf %add3A_328, %max3A_330 : vector<256x288xf32>
    %max3A_332 = arith.maximumf %max3A_248, %max3A_331 : vector<256x288xf32>
    %get3A_333 = arith.constant 0 : index
    %get3A_334 = arith.constant 4 : index
    %get3A_335 = arith.constant 0 : index
    %get3A_336 = arith.constant 0 : index
    %get3A_337 = vector.load %arg1[%get3A_333, %get3A_334, %get3A_335, %get3A_336] : memref<1x16x256x288xf32, #tpu.memory_space<vmem>>, vector<1x1x256x288xf32>
    %get3A_338 = vector.shape_cast %get3A_337 : vector<1x1x256x288xf32> to vector<256x288xf32>
    %get3A_339 = arith.constant 0 : index
    %get3A_340 = arith.constant 4 : index
    %get3A_341 = arith.constant 0 : index
    %get3A_342 = arith.constant 0 : index
    %get3A_343 = vector.load %arg2[%get3A_339, %get3A_340, %get3A_341, %get3A_342] : memref<1x16x256x3xf32, #tpu.memory_space<vmem>>, vector<1x1x256x3xf32>
    %get3A_344 = vector.shape_cast %get3A_343 : vector<1x1x256x3xf32> to vector<256x3xf32>
    %convert_element_type3A_345 = arith.truncf %get3A_344 : vector<256x3xf32> to vector<256x3xbf16>
    %convert_element_type3A_346 = arith.extf %convert_element_type3A_345 : vector<256x3xbf16> to vector<256x3xf32>
    %slice3A_347 = vector.extract_strided_slice %convert_element_type3A_346 {offsets = [0, 0], sizes = [256, 1], strides = [1, 1]} : vector<256x3xf32> to vector<256x1xf32>
    %slice3A_348 = vector.extract_strided_slice %get3A_2 {offsets = [0, 0], sizes = [1, 288], strides = [1, 1]} : vector<3x288xf32> to vector<1x288xf32>
    %mul3A_349 = vector.broadcast %slice3A_347 : vector<256x1xf32> to vector<256x288xf32>
    %mul3A_350 = vector.broadcast %slice3A_348 : vector<1x288xf32> to vector<256x288xf32>
    %mul3A_351 = arith.mulf %mul3A_349, %mul3A_350 : vector<256x288xf32>
    %slice3A_352 = vector.extract_strided_slice %convert_element_type3A_346 {offsets = [0, 1], sizes = [256, 1], strides = [1, 1]} : vector<256x3xf32> to vector<256x1xf32>
    %slice3A_353 = vector.extract_strided_slice %get3A_2 {offsets = [1, 0], sizes = [1, 288], strides = [1, 1]} : vector<3x288xf32> to vector<1x288xf32>
    %mul3A_354 = vector.broadcast %slice3A_352 : vector<256x1xf32> to vector<256x288xf32>
    %mul3A_355 = vector.broadcast %slice3A_353 : vector<1x288xf32> to vector<256x288xf32>
    %mul3A_356 = arith.mulf %mul3A_354, %mul3A_355 : vector<256x288xf32>
    %add3A_357 = arith.addf %mul3A_351, %mul3A_356 : vector<256x288xf32>
    %slice3A_358 = vector.extract_strided_slice %convert_element_type3A_346 {offsets = [0, 2], sizes = [256, 1], strides = [1, 1]} : vector<256x3xf32> to vector<256x1xf32>
    %slice3A_359 = vector.extract_strided_slice %get3A_2 {offsets = [2, 0], sizes = [1, 288], strides = [1, 1]} : vector<3x288xf32> to vector<1x288xf32>
    %mul3A_360 = vector.broadcast %slice3A_358 : vector<256x1xf32> to vector<256x288xf32>
    %mul3A_361 = vector.broadcast %slice3A_359 : vector<1x288xf32> to vector<256x288xf32>
    %mul3A_362 = arith.mulf %mul3A_360, %mul3A_361 : vector<256x288xf32>
    %add3A_363 = arith.addf %add3A_357, %mul3A_362 : vector<256x288xf32>
    %get3A_364 = arith.constant 0 : index
    %get3A_365 = arith.constant 0 : index
    %get3A_366 = vector.load %arg4[%get3A_364, %get3A_365] : memref<1x288xf32, #tpu.memory_space<vmem>>, vector<1x288xf32>
    %mul3A_367 = vector.broadcast %get3A_366 : vector<1x288xf32> to vector<256x288xf32>
    %mul3A_368 = arith.mulf %add3A_363, %mul3A_367 : vector<256x288xf32>
    %add3A_369 = arith.addf %get3A_338, %mul3A_368 : vector<256x288xf32>
    %get3A_370 = arith.constant 0 : index
    %get3A_371 = arith.constant 0 : index
    %get3A_372 = vector.load %arg5[%get3A_370, %get3A_371] : memref<1x288xf32, #tpu.memory_space<vmem>>, vector<1x288xf32>
    %add3A_373 = vector.broadcast %get3A_372 : vector<1x288xf32> to vector<256x288xf32>
    %add3A_374 = arith.addf %add3A_369, %add3A_373 : vector<256x288xf32>
    %max3A_375 = arith.constant 0.000000e+00 : f32
    %max3A_376 = vector.broadcast %max3A_375 : f32 to vector<256x288xf32>
    %max3A_377 = arith.maximumf %add3A_374, %max3A_376 : vector<256x288xf32>
    %convert_element_type3A_378 = arith.truncf %max3A_377 : vector<256x288xf32> to vector<256x288xbf16>
    %get3A_379 = arith.constant 0 : index
    %get3A_380 = arith.constant 0 : index
    %get3A_381 = vector.load %arg6[%get3A_379, %get3A_380] : memref<288x288xbf16, #tpu.memory_space<vmem>>, vector<288x288xbf16>
    %dot_general3A_382 = arith.constant dense<0.000000e+00> : vector<256x288xf32>
    %dot_general3A_383 = tpu.matmul %convert_element_type3A_378, %get3A_381, %dot_general3A_382 {dimension_numbers = #tpu.dot_dimension_numbers<[1], [0], [0], [1], [0, 0, 1, 1], [], []>, transpose_lhs_hint = false} : vector<256x288xbf16>, vector<288x288xbf16>, vector<256x288xf32> -> vector<256x288xf32>
    %get3A_384 = arith.constant 0 : index
    %get3A_385 = arith.constant 0 : index
    %get3A_386 = vector.load %arg7[%get3A_384, %get3A_385] : memref<1x288xf32, #tpu.memory_space<vmem>>, vector<1x288xf32>
    %mul3A_387 = vector.broadcast %get3A_386 : vector<1x288xf32> to vector<256x288xf32>
    %mul3A_388 = arith.mulf %dot_general3A_383, %mul3A_387 : vector<256x288xf32>
    %get3A_389 = arith.constant 0 : index
    %get3A_390 = arith.constant 0 : index
    %get3A_391 = vector.load %arg8[%get3A_389, %get3A_390] : memref<1x288xf32, #tpu.memory_space<vmem>>, vector<1x288xf32>
    %add3A_392 = vector.broadcast %get3A_391 : vector<1x288xf32> to vector<256x288xf32>
    %add3A_393 = arith.addf %mul3A_388, %add3A_392 : vector<256x288xf32>
    %max3A_394 = arith.constant 0.000000e+00 : f32
    %max3A_395 = vector.broadcast %max3A_394 : f32 to vector<256x288xf32>
    %max3A_396 = arith.maximumf %add3A_393, %max3A_395 : vector<256x288xf32>
    %convert_element_type3A_397 = arith.truncf %max3A_396 : vector<256x288xf32> to vector<256x288xbf16>
    %get3A_398 = arith.constant 0 : index
    %get3A_399 = arith.constant 0 : index
    %get3A_400 = vector.load %arg9[%get3A_398, %get3A_399] : memref<288x288xbf16, #tpu.memory_space<vmem>>, vector<288x288xbf16>
    %dot_general3A_401 = arith.constant dense<0.000000e+00> : vector<256x288xf32>
    %dot_general3A_402 = tpu.matmul %convert_element_type3A_397, %get3A_400, %dot_general3A_401 {dimension_numbers = #tpu.dot_dimension_numbers<[1], [0], [0], [1], [0, 0, 1, 1], [], []>, transpose_lhs_hint = false} : vector<256x288xbf16>, vector<288x288xbf16>, vector<256x288xf32> -> vector<256x288xf32>
    %get3A_403 = arith.constant 0 : index
    %get3A_404 = arith.constant 0 : index
    %get3A_405 = vector.load %arg10[%get3A_403, %get3A_404] : memref<1x288xf32, #tpu.memory_space<vmem>>, vector<1x288xf32>
    %mul3A_406 = vector.broadcast %get3A_405 : vector<1x288xf32> to vector<256x288xf32>
    %mul3A_407 = arith.mulf %dot_general3A_402, %mul3A_406 : vector<256x288xf32>
    %get3A_408 = arith.constant 0 : index
    %get3A_409 = arith.constant 0 : index
    %get3A_410 = vector.load %arg11[%get3A_408, %get3A_409] : memref<1x288xf32, #tpu.memory_space<vmem>>, vector<1x288xf32>
    %add3A_411 = vector.broadcast %get3A_410 : vector<1x288xf32> to vector<256x288xf32>
    %add3A_412 = arith.addf %mul3A_407, %add3A_411 : vector<256x288xf32>
    %max3A_413 = arith.constant 0.000000e+00 : f32
    %max3A_414 = vector.broadcast %max3A_413 : f32 to vector<256x288xf32>
    %max3A_415 = arith.maximumf %add3A_412, %max3A_414 : vector<256x288xf32>
    %max3A_416 = arith.maximumf %max3A_332, %max3A_415 : vector<256x288xf32>
    %get3A_417 = arith.constant 0 : index
    %get3A_418 = arith.constant 5 : index
    %get3A_419 = arith.constant 0 : index
    %get3A_420 = arith.constant 0 : index
    %get3A_421 = vector.load %arg1[%get3A_417, %get3A_418, %get3A_419, %get3A_420] : memref<1x16x256x288xf32, #tpu.memory_space<vmem>>, vector<1x1x256x288xf32>
    %get3A_422 = vector.shape_cast %get3A_421 : vector<1x1x256x288xf32> to vector<256x288xf32>
    %get3A_423 = arith.constant 0 : index
    %get3A_424 = arith.constant 5 : index
    %get3A_425 = arith.constant 0 : index
    %get3A_426 = arith.constant 0 : index
    %get3A_427 = vector.load %arg2[%get3A_423, %get3A_424, %get3A_425, %get3A_426] : memref<1x16x256x3xf32, #tpu.memory_space<vmem>>, vector<1x1x256x3xf32>
    %get3A_428 = vector.shape_cast %get3A_427 : vector<1x1x256x3xf32> to vector<256x3xf32>
    %convert_element_type3A_429 = arith.truncf %get3A_428 : vector<256x3xf32> to vector<256x3xbf16>
    %convert_element_type3A_430 = arith.extf %convert_element_type3A_429 : vector<256x3xbf16> to vector<256x3xf32>
    %slice3A_431 = vector.extract_strided_slice %convert_element_type3A_430 {offsets = [0, 0], sizes = [256, 1], strides = [1, 1]} : vector<256x3xf32> to vector<256x1xf32>
    %slice3A_432 = vector.extract_strided_slice %get3A_2 {offsets = [0, 0], sizes = [1, 288], strides = [1, 1]} : vector<3x288xf32> to vector<1x288xf32>
    %mul3A_433 = vector.broadcast %slice3A_431 : vector<256x1xf32> to vector<256x288xf32>
    %mul3A_434 = vector.broadcast %slice3A_432 : vector<1x288xf32> to vector<256x288xf32>
    %mul3A_435 = arith.mulf %mul3A_433, %mul3A_434 : vector<256x288xf32>
    %slice3A_436 = vector.extract_strided_slice %convert_element_type3A_430 {offsets = [0, 1], sizes = [256, 1], strides = [1, 1]} : vector<256x3xf32> to vector<256x1xf32>
    %slice3A_437 = vector.extract_strided_slice %get3A_2 {offsets = [1, 0], sizes = [1, 288], strides = [1, 1]} : vector<3x288xf32> to vector<1x288xf32>
    %mul3A_438 = vector.broadcast %slice3A_436 : vector<256x1xf32> to vector<256x288xf32>
    %mul3A_439 = vector.broadcast %slice3A_437 : vector<1x288xf32> to vector<256x288xf32>
    %mul3A_440 = arith.mulf %mul3A_438, %mul3A_439 : vector<256x288xf32>
    %add3A_441 = arith.addf %mul3A_435, %mul3A_440 : vector<256x288xf32>
    %slice3A_442 = vector.extract_strided_slice %convert_element_type3A_430 {offsets = [0, 2], sizes = [256, 1], strides = [1, 1]} : vector<256x3xf32> to vector<256x1xf32>
    %slice3A_443 = vector.extract_strided_slice %get3A_2 {offsets = [2, 0], sizes = [1, 288], strides = [1, 1]} : vector<3x288xf32> to vector<1x288xf32>
    %mul3A_444 = vector.broadcast %slice3A_442 : vector<256x1xf32> to vector<256x288xf32>
    %mul3A_445 = vector.broadcast %slice3A_443 : vector<1x288xf32> to vector<256x288xf32>
    %mul3A_446 = arith.mulf %mul3A_444, %mul3A_445 : vector<256x288xf32>
    %add3A_447 = arith.addf %add3A_441, %mul3A_446 : vector<256x288xf32>
    %get3A_448 = arith.constant 0 : index
    %get3A_449 = arith.constant 0 : index
    %get3A_450 = vector.load %arg4[%get3A_448, %get3A_449] : memref<1x288xf32, #tpu.memory_space<vmem>>, vector<1x288xf32>
    %mul3A_451 = vector.broadcast %get3A_450 : vector<1x288xf32> to vector<256x288xf32>
    %mul3A_452 = arith.mulf %add3A_447, %mul3A_451 : vector<256x288xf32>
    %add3A_453 = arith.addf %get3A_422, %mul3A_452 : vector<256x288xf32>
    %get3A_454 = arith.constant 0 : index
    %get3A_455 = arith.constant 0 : index
    %get3A_456 = vector.load %arg5[%get3A_454, %get3A_455] : memref<1x288xf32, #tpu.memory_space<vmem>>, vector<1x288xf32>
    %add3A_457 = vector.broadcast %get3A_456 : vector<1x288xf32> to vector<256x288xf32>
    %add3A_458 = arith.addf %add3A_453, %add3A_457 : vector<256x288xf32>
    %max3A_459 = arith.constant 0.000000e+00 : f32
    %max3A_460 = vector.broadcast %max3A_459 : f32 to vector<256x288xf32>
    %max3A_461 = arith.maximumf %add3A_458, %max3A_460 : vector<256x288xf32>
    %convert_element_type3A_462 = arith.truncf %max3A_461 : vector<256x288xf32> to vector<256x288xbf16>
    %get3A_463 = arith.constant 0 : index
    %get3A_464 = arith.constant 0 : index
    %get3A_465 = vector.load %arg6[%get3A_463, %get3A_464] : memref<288x288xbf16, #tpu.memory_space<vmem>>, vector<288x288xbf16>
    %dot_general3A_466 = arith.constant dense<0.000000e+00> : vector<256x288xf32>
    %dot_general3A_467 = tpu.matmul %convert_element_type3A_462, %get3A_465, %dot_general3A_466 {dimension_numbers = #tpu.dot_dimension_numbers<[1], [0], [0], [1], [0, 0, 1, 1], [], []>, transpose_lhs_hint = false} : vector<256x288xbf16>, vector<288x288xbf16>, vector<256x288xf32> -> vector<256x288xf32>
    %get3A_468 = arith.constant 0 : index
    %get3A_469 = arith.constant 0 : index
    %get3A_470 = vector.load %arg7[%get3A_468, %get3A_469] : memref<1x288xf32, #tpu.memory_space<vmem>>, vector<1x288xf32>
    %mul3A_471 = vector.broadcast %get3A_470 : vector<1x288xf32> to vector<256x288xf32>
    %mul3A_472 = arith.mulf %dot_general3A_467, %mul3A_471 : vector<256x288xf32>
    %get3A_473 = arith.constant 0 : index
    %get3A_474 = arith.constant 0 : index
    %get3A_475 = vector.load %arg8[%get3A_473, %get3A_474] : memref<1x288xf32, #tpu.memory_space<vmem>>, vector<1x288xf32>
    %add3A_476 = vector.broadcast %get3A_475 : vector<1x288xf32> to vector<256x288xf32>
    %add3A_477 = arith.addf %mul3A_472, %add3A_476 : vector<256x288xf32>
    %max3A_478 = arith.constant 0.000000e+00 : f32
    %max3A_479 = vector.broadcast %max3A_478 : f32 to vector<256x288xf32>
    %max3A_480 = arith.maximumf %add3A_477, %max3A_479 : vector<256x288xf32>
    %convert_element_type3A_481 = arith.truncf %max3A_480 : vector<256x288xf32> to vector<256x288xbf16>
    %get3A_482 = arith.constant 0 : index
    %get3A_483 = arith.constant 0 : index
    %get3A_484 = vector.load %arg9[%get3A_482, %get3A_483] : memref<288x288xbf16, #tpu.memory_space<vmem>>, vector<288x288xbf16>
    %dot_general3A_485 = arith.constant dense<0.000000e+00> : vector<256x288xf32>
    %dot_general3A_486 = tpu.matmul %convert_element_type3A_481, %get3A_484, %dot_general3A_485 {dimension_numbers = #tpu.dot_dimension_numbers<[1], [0], [0], [1], [0, 0, 1, 1], [], []>, transpose_lhs_hint = false} : vector<256x288xbf16>, vector<288x288xbf16>, vector<256x288xf32> -> vector<256x288xf32>
    %get3A_487 = arith.constant 0 : index
    %get3A_488 = arith.constant 0 : index
    %get3A_489 = vector.load %arg10[%get3A_487, %get3A_488] : memref<1x288xf32, #tpu.memory_space<vmem>>, vector<1x288xf32>
    %mul3A_490 = vector.broadcast %get3A_489 : vector<1x288xf32> to vector<256x288xf32>
    %mul3A_491 = arith.mulf %dot_general3A_486, %mul3A_490 : vector<256x288xf32>
    %get3A_492 = arith.constant 0 : index
    %get3A_493 = arith.constant 0 : index
    %get3A_494 = vector.load %arg11[%get3A_492, %get3A_493] : memref<1x288xf32, #tpu.memory_space<vmem>>, vector<1x288xf32>
    %add3A_495 = vector.broadcast %get3A_494 : vector<1x288xf32> to vector<256x288xf32>
    %add3A_496 = arith.addf %mul3A_491, %add3A_495 : vector<256x288xf32>
    %max3A_497 = arith.constant 0.000000e+00 : f32
    %max3A_498 = vector.broadcast %max3A_497 : f32 to vector<256x288xf32>
    %max3A_499 = arith.maximumf %add3A_496, %max3A_498 : vector<256x288xf32>
    %max3A_500 = arith.maximumf %max3A_416, %max3A_499 : vector<256x288xf32>
    %get3A_501 = arith.constant 0 : index
    %get3A_502 = arith.constant 6 : index
    %get3A_503 = arith.constant 0 : index
    %get3A_504 = arith.constant 0 : index
    %get3A_505 = vector.load %arg1[%get3A_501, %get3A_502, %get3A_503, %get3A_504] : memref<1x16x256x288xf32, #tpu.memory_space<vmem>>, vector<1x1x256x288xf32>
    %get3A_506 = vector.shape_cast %get3A_505 : vector<1x1x256x288xf32> to vector<256x288xf32>
    %get3A_507 = arith.constant 0 : index
    %get3A_508 = arith.constant 6 : index
    %get3A_509 = arith.constant 0 : index
    %get3A_510 = arith.constant 0 : index
    %get3A_511 = vector.load %arg2[%get3A_507, %get3A_508, %get3A_509, %get3A_510] : memref<1x16x256x3xf32, #tpu.memory_space<vmem>>, vector<1x1x256x3xf32>
    %get3A_512 = vector.shape_cast %get3A_511 : vector<1x1x256x3xf32> to vector<256x3xf32>
    %convert_element_type3A_513 = arith.truncf %get3A_512 : vector<256x3xf32> to vector<256x3xbf16>
    %convert_element_type3A_514 = arith.extf %convert_element_type3A_513 : vector<256x3xbf16> to vector<256x3xf32>
    %slice3A_515 = vector.extract_strided_slice %convert_element_type3A_514 {offsets = [0, 0], sizes = [256, 1], strides = [1, 1]} : vector<256x3xf32> to vector<256x1xf32>
    %slice3A_516 = vector.extract_strided_slice %get3A_2 {offsets = [0, 0], sizes = [1, 288], strides = [1, 1]} : vector<3x288xf32> to vector<1x288xf32>
    %mul3A_517 = vector.broadcast %slice3A_515 : vector<256x1xf32> to vector<256x288xf32>
    %mul3A_518 = vector.broadcast %slice3A_516 : vector<1x288xf32> to vector<256x288xf32>
    %mul3A_519 = arith.mulf %mul3A_517, %mul3A_518 : vector<256x288xf32>
    %slice3A_520 = vector.extract_strided_slice %convert_element_type3A_514 {offsets = [0, 1], sizes = [256, 1], strides = [1, 1]} : vector<256x3xf32> to vector<256x1xf32>
    %slice3A_521 = vector.extract_strided_slice %get3A_2 {offsets = [1, 0], sizes = [1, 288], strides = [1, 1]} : vector<3x288xf32> to vector<1x288xf32>
    %mul3A_522 = vector.broadcast %slice3A_520 : vector<256x1xf32> to vector<256x288xf32>
    %mul3A_523 = vector.broadcast %slice3A_521 : vector<1x288xf32> to vector<256x288xf32>
    %mul3A_524 = arith.mulf %mul3A_522, %mul3A_523 : vector<256x288xf32>
    %add3A_525 = arith.addf %mul3A_519, %mul3A_524 : vector<256x288xf32>
    %slice3A_526 = vector.extract_strided_slice %convert_element_type3A_514 {offsets = [0, 2], sizes = [256, 1], strides = [1, 1]} : vector<256x3xf32> to vector<256x1xf32>
    %slice3A_527 = vector.extract_strided_slice %get3A_2 {offsets = [2, 0], sizes = [1, 288], strides = [1, 1]} : vector<3x288xf32> to vector<1x288xf32>
    %mul3A_528 = vector.broadcast %slice3A_526 : vector<256x1xf32> to vector<256x288xf32>
    %mul3A_529 = vector.broadcast %slice3A_527 : vector<1x288xf32> to vector<256x288xf32>
    %mul3A_530 = arith.mulf %mul3A_528, %mul3A_529 : vector<256x288xf32>
    %add3A_531 = arith.addf %add3A_525, %mul3A_530 : vector<256x288xf32>
    %get3A_532 = arith.constant 0 : index
    %get3A_533 = arith.constant 0 : index
    %get3A_534 = vector.load %arg4[%get3A_532, %get3A_533] : memref<1x288xf32, #tpu.memory_space<vmem>>, vector<1x288xf32>
    %mul3A_535 = vector.broadcast %get3A_534 : vector<1x288xf32> to vector<256x288xf32>
    %mul3A_536 = arith.mulf %add3A_531, %mul3A_535 : vector<256x288xf32>
    %add3A_537 = arith.addf %get3A_506, %mul3A_536 : vector<256x288xf32>
    %get3A_538 = arith.constant 0 : index
    %get3A_539 = arith.constant 0 : index
    %get3A_540 = vector.load %arg5[%get3A_538, %get3A_539] : memref<1x288xf32, #tpu.memory_space<vmem>>, vector<1x288xf32>
    %add3A_541 = vector.broadcast %get3A_540 : vector<1x288xf32> to vector<256x288xf32>
    %add3A_542 = arith.addf %add3A_537, %add3A_541 : vector<256x288xf32>
    %max3A_543 = arith.constant 0.000000e+00 : f32
    %max3A_544 = vector.broadcast %max3A_543 : f32 to vector<256x288xf32>
    %max3A_545 = arith.maximumf %add3A_542, %max3A_544 : vector<256x288xf32>
    %convert_element_type3A_546 = arith.truncf %max3A_545 : vector<256x288xf32> to vector<256x288xbf16>
    %get3A_547 = arith.constant 0 : index
    %get3A_548 = arith.constant 0 : index
    %get3A_549 = vector.load %arg6[%get3A_547, %get3A_548] : memref<288x288xbf16, #tpu.memory_space<vmem>>, vector<288x288xbf16>
    %dot_general3A_550 = arith.constant dense<0.000000e+00> : vector<256x288xf32>
    %dot_general3A_551 = tpu.matmul %convert_element_type3A_546, %get3A_549, %dot_general3A_550 {dimension_numbers = #tpu.dot_dimension_numbers<[1], [0], [0], [1], [0, 0, 1, 1], [], []>, transpose_lhs_hint = false} : vector<256x288xbf16>, vector<288x288xbf16>, vector<256x288xf32> -> vector<256x288xf32>
    %get3A_552 = arith.constant 0 : index
    %get3A_553 = arith.constant 0 : index
    %get3A_554 = vector.load %arg7[%get3A_552, %get3A_553] : memref<1x288xf32, #tpu.memory_space<vmem>>, vector<1x288xf32>
    %mul3A_555 = vector.broadcast %get3A_554 : vector<1x288xf32> to vector<256x288xf32>
    %mul3A_556 = arith.mulf %dot_general3A_551, %mul3A_555 : vector<256x288xf32>
    %get3A_557 = arith.constant 0 : index
    %get3A_558 = arith.constant 0 : index
    %get3A_559 = vector.load %arg8[%get3A_557, %get3A_558] : memref<1x288xf32, #tpu.memory_space<vmem>>, vector<1x288xf32>
    %add3A_560 = vector.broadcast %get3A_559 : vector<1x288xf32> to vector<256x288xf32>
    %add3A_561 = arith.addf %mul3A_556, %add3A_560 : vector<256x288xf32>
    %max3A_562 = arith.constant 0.000000e+00 : f32
    %max3A_563 = vector.broadcast %max3A_562 : f32 to vector<256x288xf32>
    %max3A_564 = arith.maximumf %add3A_561, %max3A_563 : vector<256x288xf32>
    %convert_element_type3A_565 = arith.truncf %max3A_564 : vector<256x288xf32> to vector<256x288xbf16>
    %get3A_566 = arith.constant 0 : index
    %get3A_567 = arith.constant 0 : index
    %get3A_568 = vector.load %arg9[%get3A_566, %get3A_567] : memref<288x288xbf16, #tpu.memory_space<vmem>>, vector<288x288xbf16>
    %dot_general3A_569 = arith.constant dense<0.000000e+00> : vector<256x288xf32>
    %dot_general3A_570 = tpu.matmul %convert_element_type3A_565, %get3A_568, %dot_general3A_569 {dimension_numbers = #tpu.dot_dimension_numbers<[1], [0], [0], [1], [0, 0, 1, 1], [], []>, transpose_lhs_hint = false} : vector<256x288xbf16>, vector<288x288xbf16>, vector<256x288xf32> -> vector<256x288xf32>
    %get3A_571 = arith.constant 0 : index
    %get3A_572 = arith.constant 0 : index
    %get3A_573 = vector.load %arg10[%get3A_571, %get3A_572] : memref<1x288xf32, #tpu.memory_space<vmem>>, vector<1x288xf32>
    %mul3A_574 = vector.broadcast %get3A_573 : vector<1x288xf32> to vector<256x288xf32>
    %mul3A_575 = arith.mulf %dot_general3A_570, %mul3A_574 : vector<256x288xf32>
    %get3A_576 = arith.constant 0 : index
    %get3A_577 = arith.constant 0 : index
    %get3A_578 = vector.load %arg11[%get3A_576, %get3A_577] : memref<1x288xf32, #tpu.memory_space<vmem>>, vector<1x288xf32>
    %add3A_579 = vector.broadcast %get3A_578 : vector<1x288xf32> to vector<256x288xf32>
    %add3A_580 = arith.addf %mul3A_575, %add3A_579 : vector<256x288xf32>
    %max3A_581 = arith.constant 0.000000e+00 : f32
    %max3A_582 = vector.broadcast %max3A_581 : f32 to vector<256x288xf32>
    %max3A_583 = arith.maximumf %add3A_580, %max3A_582 : vector<256x288xf32>
    %max3A_584 = arith.maximumf %max3A_500, %max3A_583 : vector<256x288xf32>
    %get3A_585 = arith.constant 0 : index
    %get3A_586 = arith.constant 7 : index
    %get3A_587 = arith.constant 0 : index
    %get3A_588 = arith.constant 0 : index
    %get3A_589 = vector.load %arg1[%get3A_585, %get3A_586, %get3A_587, %get3A_588] : memref<1x16x256x288xf32, #tpu.memory_space<vmem>>, vector<1x1x256x288xf32>
    %get3A_590 = vector.shape_cast %get3A_589 : vector<1x1x256x288xf32> to vector<256x288xf32>
    %get3A_591 = arith.constant 0 : index
    %get3A_592 = arith.constant 7 : index
    %get3A_593 = arith.constant 0 : index
    %get3A_594 = arith.constant 0 : index
    %get3A_595 = vector.load %arg2[%get3A_591, %get3A_592, %get3A_593, %get3A_594] : memref<1x16x256x3xf32, #tpu.memory_space<vmem>>, vector<1x1x256x3xf32>
    %get3A_596 = vector.shape_cast %get3A_595 : vector<1x1x256x3xf32> to vector<256x3xf32>
    %convert_element_type3A_597 = arith.truncf %get3A_596 : vector<256x3xf32> to vector<256x3xbf16>
    %convert_element_type3A_598 = arith.extf %convert_element_type3A_597 : vector<256x3xbf16> to vector<256x3xf32>
    %slice3A_599 = vector.extract_strided_slice %convert_element_type3A_598 {offsets = [0, 0], sizes = [256, 1], strides = [1, 1]} : vector<256x3xf32> to vector<256x1xf32>
    %slice3A_600 = vector.extract_strided_slice %get3A_2 {offsets = [0, 0], sizes = [1, 288], strides = [1, 1]} : vector<3x288xf32> to vector<1x288xf32>
    %mul3A_601 = vector.broadcast %slice3A_599 : vector<256x1xf32> to vector<256x288xf32>
    %mul3A_602 = vector.broadcast %slice3A_600 : vector<1x288xf32> to vector<256x288xf32>
    %mul3A_603 = arith.mulf %mul3A_601, %mul3A_602 : vector<256x288xf32>
    %slice3A_604 = vector.extract_strided_slice %convert_element_type3A_598 {offsets = [0, 1], sizes = [256, 1], strides = [1, 1]} : vector<256x3xf32> to vector<256x1xf32>
    %slice3A_605 = vector.extract_strided_slice %get3A_2 {offsets = [1, 0], sizes = [1, 288], strides = [1, 1]} : vector<3x288xf32> to vector<1x288xf32>
    %mul3A_606 = vector.broadcast %slice3A_604 : vector<256x1xf32> to vector<256x288xf32>
    %mul3A_607 = vector.broadcast %slice3A_605 : vector<1x288xf32> to vector<256x288xf32>
    %mul3A_608 = arith.mulf %mul3A_606, %mul3A_607 : vector<256x288xf32>
    %add3A_609 = arith.addf %mul3A_603, %mul3A_608 : vector<256x288xf32>
    %slice3A_610 = vector.extract_strided_slice %convert_element_type3A_598 {offsets = [0, 2], sizes = [256, 1], strides = [1, 1]} : vector<256x3xf32> to vector<256x1xf32>
    %slice3A_611 = vector.extract_strided_slice %get3A_2 {offsets = [2, 0], sizes = [1, 288], strides = [1, 1]} : vector<3x288xf32> to vector<1x288xf32>
    %mul3A_612 = vector.broadcast %slice3A_610 : vector<256x1xf32> to vector<256x288xf32>
    %mul3A_613 = vector.broadcast %slice3A_611 : vector<1x288xf32> to vector<256x288xf32>
    %mul3A_614 = arith.mulf %mul3A_612, %mul3A_613 : vector<256x288xf32>
    %add3A_615 = arith.addf %add3A_609, %mul3A_614 : vector<256x288xf32>
    %get3A_616 = arith.constant 0 : index
    %get3A_617 = arith.constant 0 : index
    %get3A_618 = vector.load %arg4[%get3A_616, %get3A_617] : memref<1x288xf32, #tpu.memory_space<vmem>>, vector<1x288xf32>
    %mul3A_619 = vector.broadcast %get3A_618 : vector<1x288xf32> to vector<256x288xf32>
    %mul3A_620 = arith.mulf %add3A_615, %mul3A_619 : vector<256x288xf32>
    %add3A_621 = arith.addf %get3A_590, %mul3A_620 : vector<256x288xf32>
    %get3A_622 = arith.constant 0 : index
    %get3A_623 = arith.constant 0 : index
    %get3A_624 = vector.load %arg5[%get3A_622, %get3A_623] : memref<1x288xf32, #tpu.memory_space<vmem>>, vector<1x288xf32>
    %add3A_625 = vector.broadcast %get3A_624 : vector<1x288xf32> to vector<256x288xf32>
    %add3A_626 = arith.addf %add3A_621, %add3A_625 : vector<256x288xf32>
    %max3A_627 = arith.constant 0.000000e+00 : f32
    %max3A_628 = vector.broadcast %max3A_627 : f32 to vector<256x288xf32>
    %max3A_629 = arith.maximumf %add3A_626, %max3A_628 : vector<256x288xf32>
    %convert_element_type3A_630 = arith.truncf %max3A_629 : vector<256x288xf32> to vector<256x288xbf16>
    %get3A_631 = arith.constant 0 : index
    %get3A_632 = arith.constant 0 : index
    %get3A_633 = vector.load %arg6[%get3A_631, %get3A_632] : memref<288x288xbf16, #tpu.memory_space<vmem>>, vector<288x288xbf16>
    %dot_general3A_634 = arith.constant dense<0.000000e+00> : vector<256x288xf32>
    %dot_general3A_635 = tpu.matmul %convert_element_type3A_630, %get3A_633, %dot_general3A_634 {dimension_numbers = #tpu.dot_dimension_numbers<[1], [0], [0], [1], [0, 0, 1, 1], [], []>, transpose_lhs_hint = false} : vector<256x288xbf16>, vector<288x288xbf16>, vector<256x288xf32> -> vector<256x288xf32>
    %get3A_636 = arith.constant 0 : index
    %get3A_637 = arith.constant 0 : index
    %get3A_638 = vector.load %arg7[%get3A_636, %get3A_637] : memref<1x288xf32, #tpu.memory_space<vmem>>, vector<1x288xf32>
    %mul3A_639 = vector.broadcast %get3A_638 : vector<1x288xf32> to vector<256x288xf32>
    %mul3A_640 = arith.mulf %dot_general3A_635, %mul3A_639 : vector<256x288xf32>
    %get3A_641 = arith.constant 0 : index
    %get3A_642 = arith.constant 0 : index
    %get3A_643 = vector.load %arg8[%get3A_641, %get3A_642] : memref<1x288xf32, #tpu.memory_space<vmem>>, vector<1x288xf32>
    %add3A_644 = vector.broadcast %get3A_643 : vector<1x288xf32> to vector<256x288xf32>
    %add3A_645 = arith.addf %mul3A_640, %add3A_644 : vector<256x288xf32>
    %max3A_646 = arith.constant 0.000000e+00 : f32
    %max3A_647 = vector.broadcast %max3A_646 : f32 to vector<256x288xf32>
    %max3A_648 = arith.maximumf %add3A_645, %max3A_647 : vector<256x288xf32>
    %convert_element_type3A_649 = arith.truncf %max3A_648 : vector<256x288xf32> to vector<256x288xbf16>
    %get3A_650 = arith.constant 0 : index
    %get3A_651 = arith.constant 0 : index
    %get3A_652 = vector.load %arg9[%get3A_650, %get3A_651] : memref<288x288xbf16, #tpu.memory_space<vmem>>, vector<288x288xbf16>
    %dot_general3A_653 = arith.constant dense<0.000000e+00> : vector<256x288xf32>
    %dot_general3A_654 = tpu.matmul %convert_element_type3A_649, %get3A_652, %dot_general3A_653 {dimension_numbers = #tpu.dot_dimension_numbers<[1], [0], [0], [1], [0, 0, 1, 1], [], []>, transpose_lhs_hint = false} : vector<256x288xbf16>, vector<288x288xbf16>, vector<256x288xf32> -> vector<256x288xf32>
    %get3A_655 = arith.constant 0 : index
    %get3A_656 = arith.constant 0 : index
    %get3A_657 = vector.load %arg10[%get3A_655, %get3A_656] : memref<1x288xf32, #tpu.memory_space<vmem>>, vector<1x288xf32>
    %mul3A_658 = vector.broadcast %get3A_657 : vector<1x288xf32> to vector<256x288xf32>
    %mul3A_659 = arith.mulf %dot_general3A_654, %mul3A_658 : vector<256x288xf32>
    %get3A_660 = arith.constant 0 : index
    %get3A_661 = arith.constant 0 : index
    %get3A_662 = vector.load %arg11[%get3A_660, %get3A_661] : memref<1x288xf32, #tpu.memory_space<vmem>>, vector<1x288xf32>
    %add3A_663 = vector.broadcast %get3A_662 : vector<1x288xf32> to vector<256x288xf32>
    %add3A_664 = arith.addf %mul3A_659, %add3A_663 : vector<256x288xf32>
    %max3A_665 = arith.constant 0.000000e+00 : f32
    %max3A_666 = vector.broadcast %max3A_665 : f32 to vector<256x288xf32>
    %max3A_667 = arith.maximumf %add3A_664, %max3A_666 : vector<256x288xf32>
    %max3A_668 = arith.maximumf %max3A_584, %max3A_667 : vector<256x288xf32>
    %get3A_669 = arith.constant 0 : index
    %get3A_670 = arith.constant 8 : index
    %get3A_671 = arith.constant 0 : index
    %get3A_672 = arith.constant 0 : index
    %get3A_673 = vector.load %arg1[%get3A_669, %get3A_670, %get3A_671, %get3A_672] : memref<1x16x256x288xf32, #tpu.memory_space<vmem>>, vector<1x1x256x288xf32>
    %get3A_674 = vector.shape_cast %get3A_673 : vector<1x1x256x288xf32> to vector<256x288xf32>
    %get3A_675 = arith.constant 0 : index
    %get3A_676 = arith.constant 8 : index
    %get3A_677 = arith.constant 0 : index
    %get3A_678 = arith.constant 0 : index
    %get3A_679 = vector.load %arg2[%get3A_675, %get3A_676, %get3A_677, %get3A_678] : memref<1x16x256x3xf32, #tpu.memory_space<vmem>>, vector<1x1x256x3xf32>
    %get3A_680 = vector.shape_cast %get3A_679 : vector<1x1x256x3xf32> to vector<256x3xf32>
    %convert_element_type3A_681 = arith.truncf %get3A_680 : vector<256x3xf32> to vector<256x3xbf16>
    %convert_element_type3A_682 = arith.extf %convert_element_type3A_681 : vector<256x3xbf16> to vector<256x3xf32>
    %slice3A_683 = vector.extract_strided_slice %convert_element_type3A_682 {offsets = [0, 0], sizes = [256, 1], strides = [1, 1]} : vector<256x3xf32> to vector<256x1xf32>
    %slice3A_684 = vector.extract_strided_slice %get3A_2 {offsets = [0, 0], sizes = [1, 288], strides = [1, 1]} : vector<3x288xf32> to vector<1x288xf32>
    %mul3A_685 = vector.broadcast %slice3A_683 : vector<256x1xf32> to vector<256x288xf32>
    %mul3A_686 = vector.broadcast %slice3A_684 : vector<1x288xf32> to vector<256x288xf32>
    %mul3A_687 = arith.mulf %mul3A_685, %mul3A_686 : vector<256x288xf32>
    %slice3A_688 = vector.extract_strided_slice %convert_element_type3A_682 {offsets = [0, 1], sizes = [256, 1], strides = [1, 1]} : vector<256x3xf32> to vector<256x1xf32>
    %slice3A_689 = vector.extract_strided_slice %get3A_2 {offsets = [1, 0], sizes = [1, 288], strides = [1, 1]} : vector<3x288xf32> to vector<1x288xf32>
    %mul3A_690 = vector.broadcast %slice3A_688 : vector<256x1xf32> to vector<256x288xf32>
    %mul3A_691 = vector.broadcast %slice3A_689 : vector<1x288xf32> to vector<256x288xf32>
    %mul3A_692 = arith.mulf %mul3A_690, %mul3A_691 : vector<256x288xf32>
    %add3A_693 = arith.addf %mul3A_687, %mul3A_692 : vector<256x288xf32>
    %slice3A_694 = vector.extract_strided_slice %convert_element_type3A_682 {offsets = [0, 2], sizes = [256, 1], strides = [1, 1]} : vector<256x3xf32> to vector<256x1xf32>
    %slice3A_695 = vector.extract_strided_slice %get3A_2 {offsets = [2, 0], sizes = [1, 288], strides = [1, 1]} : vector<3x288xf32> to vector<1x288xf32>
    %mul3A_696 = vector.broadcast %slice3A_694 : vector<256x1xf32> to vector<256x288xf32>
    %mul3A_697 = vector.broadcast %slice3A_695 : vector<1x288xf32> to vector<256x288xf32>
    %mul3A_698 = arith.mulf %mul3A_696, %mul3A_697 : vector<256x288xf32>
    %add3A_699 = arith.addf %add3A_693, %mul3A_698 : vector<256x288xf32>
    %get3A_700 = arith.constant 0 : index
    %get3A_701 = arith.constant 0 : index
    %get3A_702 = vector.load %arg4[%get3A_700, %get3A_701] : memref<1x288xf32, #tpu.memory_space<vmem>>, vector<1x288xf32>
    %mul3A_703 = vector.broadcast %get3A_702 : vector<1x288xf32> to vector<256x288xf32>
    %mul3A_704 = arith.mulf %add3A_699, %mul3A_703 : vector<256x288xf32>
    %add3A_705 = arith.addf %get3A_674, %mul3A_704 : vector<256x288xf32>
    %get3A_706 = arith.constant 0 : index
    %get3A_707 = arith.constant 0 : index
    %get3A_708 = vector.load %arg5[%get3A_706, %get3A_707] : memref<1x288xf32, #tpu.memory_space<vmem>>, vector<1x288xf32>
    %add3A_709 = vector.broadcast %get3A_708 : vector<1x288xf32> to vector<256x288xf32>
    %add3A_710 = arith.addf %add3A_705, %add3A_709 : vector<256x288xf32>
    %max3A_711 = arith.constant 0.000000e+00 : f32
    %max3A_712 = vector.broadcast %max3A_711 : f32 to vector<256x288xf32>
    %max3A_713 = arith.maximumf %add3A_710, %max3A_712 : vector<256x288xf32>
    %convert_element_type3A_714 = arith.truncf %max3A_713 : vector<256x288xf32> to vector<256x288xbf16>
    %get3A_715 = arith.constant 0 : index
    %get3A_716 = arith.constant 0 : index
    %get3A_717 = vector.load %arg6[%get3A_715, %get3A_716] : memref<288x288xbf16, #tpu.memory_space<vmem>>, vector<288x288xbf16>
    %dot_general3A_718 = arith.constant dense<0.000000e+00> : vector<256x288xf32>
    %dot_general3A_719 = tpu.matmul %convert_element_type3A_714, %get3A_717, %dot_general3A_718 {dimension_numbers = #tpu.dot_dimension_numbers<[1], [0], [0], [1], [0, 0, 1, 1], [], []>, transpose_lhs_hint = false} : vector<256x288xbf16>, vector<288x288xbf16>, vector<256x288xf32> -> vector<256x288xf32>
    %get3A_720 = arith.constant 0 : index
    %get3A_721 = arith.constant 0 : index
    %get3A_722 = vector.load %arg7[%get3A_720, %get3A_721] : memref<1x288xf32, #tpu.memory_space<vmem>>, vector<1x288xf32>
    %mul3A_723 = vector.broadcast %get3A_722 : vector<1x288xf32> to vector<256x288xf32>
    %mul3A_724 = arith.mulf %dot_general3A_719, %mul3A_723 : vector<256x288xf32>
    %get3A_725 = arith.constant 0 : index
    %get3A_726 = arith.constant 0 : index
    %get3A_727 = vector.load %arg8[%get3A_725, %get3A_726] : memref<1x288xf32, #tpu.memory_space<vmem>>, vector<1x288xf32>
    %add3A_728 = vector.broadcast %get3A_727 : vector<1x288xf32> to vector<256x288xf32>
    %add3A_729 = arith.addf %mul3A_724, %add3A_728 : vector<256x288xf32>
    %max3A_730 = arith.constant 0.000000e+00 : f32
    %max3A_731 = vector.broadcast %max3A_730 : f32 to vector<256x288xf32>
    %max3A_732 = arith.maximumf %add3A_729, %max3A_731 : vector<256x288xf32>
    %convert_element_type3A_733 = arith.truncf %max3A_732 : vector<256x288xf32> to vector<256x288xbf16>
    %get3A_734 = arith.constant 0 : index
    %get3A_735 = arith.constant 0 : index
    %get3A_736 = vector.load %arg9[%get3A_734, %get3A_735] : memref<288x288xbf16, #tpu.memory_space<vmem>>, vector<288x288xbf16>
    %dot_general3A_737 = arith.constant dense<0.000000e+00> : vector<256x288xf32>
    %dot_general3A_738 = tpu.matmul %convert_element_type3A_733, %get3A_736, %dot_general3A_737 {dimension_numbers = #tpu.dot_dimension_numbers<[1], [0], [0], [1], [0, 0, 1, 1], [], []>, transpose_lhs_hint = false} : vector<256x288xbf16>, vector<288x288xbf16>, vector<256x288xf32> -> vector<256x288xf32>
    %get3A_739 = arith.constant 0 : index
    %get3A_740 = arith.constant 0 : index
    %get3A_741 = vector.load %arg10[%get3A_739, %get3A_740] : memref<1x288xf32, #tpu.memory_space<vmem>>, vector<1x288xf32>
    %mul3A_742 = vector.broadcast %get3A_741 : vector<1x288xf32> to vector<256x288xf32>
    %mul3A_743 = arith.mulf %dot_general3A_738, %mul3A_742 : vector<256x288xf32>
    %get3A_744 = arith.constant 0 : index
    %get3A_745 = arith.constant 0 : index
    %get3A_746 = vector.load %arg11[%get3A_744, %get3A_745] : memref<1x288xf32, #tpu.memory_space<vmem>>, vector<1x288xf32>
    %add3A_747 = vector.broadcast %get3A_746 : vector<1x288xf32> to vector<256x288xf32>
    %add3A_748 = arith.addf %mul3A_743, %add3A_747 : vector<256x288xf32>
    %max3A_749 = arith.constant 0.000000e+00 : f32
    %max3A_750 = vector.broadcast %max3A_749 : f32 to vector<256x288xf32>
    %max3A_751 = arith.maximumf %add3A_748, %max3A_750 : vector<256x288xf32>
    %max3A_752 = arith.maximumf %max3A_668, %max3A_751 : vector<256x288xf32>
    %get3A_753 = arith.constant 0 : index
    %get3A_754 = arith.constant 9 : index
    %get3A_755 = arith.constant 0 : index
    %get3A_756 = arith.constant 0 : index
    %get3A_757 = vector.load %arg1[%get3A_753, %get3A_754, %get3A_755, %get3A_756] : memref<1x16x256x288xf32, #tpu.memory_space<vmem>>, vector<1x1x256x288xf32>
    %get3A_758 = vector.shape_cast %get3A_757 : vector<1x1x256x288xf32> to vector<256x288xf32>
    %get3A_759 = arith.constant 0 : index
    %get3A_760 = arith.constant 9 : index
    %get3A_761 = arith.constant 0 : index
    %get3A_762 = arith.constant 0 : index
    %get3A_763 = vector.load %arg2[%get3A_759, %get3A_760, %get3A_761, %get3A_762] : memref<1x16x256x3xf32, #tpu.memory_space<vmem>>, vector<1x1x256x3xf32>
    %get3A_764 = vector.shape_cast %get3A_763 : vector<1x1x256x3xf32> to vector<256x3xf32>
    %convert_element_type3A_765 = arith.truncf %get3A_764 : vector<256x3xf32> to vector<256x3xbf16>
    %convert_element_type3A_766 = arith.extf %convert_element_type3A_765 : vector<256x3xbf16> to vector<256x3xf32>
    %slice3A_767 = vector.extract_strided_slice %convert_element_type3A_766 {offsets = [0, 0], sizes = [256, 1], strides = [1, 1]} : vector<256x3xf32> to vector<256x1xf32>
    %slice3A_768 = vector.extract_strided_slice %get3A_2 {offsets = [0, 0], sizes = [1, 288], strides = [1, 1]} : vector<3x288xf32> to vector<1x288xf32>
    %mul3A_769 = vector.broadcast %slice3A_767 : vector<256x1xf32> to vector<256x288xf32>
    %mul3A_770 = vector.broadcast %slice3A_768 : vector<1x288xf32> to vector<256x288xf32>
    %mul3A_771 = arith.mulf %mul3A_769, %mul3A_770 : vector<256x288xf32>
    %slice3A_772 = vector.extract_strided_slice %convert_element_type3A_766 {offsets = [0, 1], sizes = [256, 1], strides = [1, 1]} : vector<256x3xf32> to vector<256x1xf32>
    %slice3A_773 = vector.extract_strided_slice %get3A_2 {offsets = [1, 0], sizes = [1, 288], strides = [1, 1]} : vector<3x288xf32> to vector<1x288xf32>
    %mul3A_774 = vector.broadcast %slice3A_772 : vector<256x1xf32> to vector<256x288xf32>
    %mul3A_775 = vector.broadcast %slice3A_773 : vector<1x288xf32> to vector<256x288xf32>
    %mul3A_776 = arith.mulf %mul3A_774, %mul3A_775 : vector<256x288xf32>
    %add3A_777 = arith.addf %mul3A_771, %mul3A_776 : vector<256x288xf32>
    %slice3A_778 = vector.extract_strided_slice %convert_element_type3A_766 {offsets = [0, 2], sizes = [256, 1], strides = [1, 1]} : vector<256x3xf32> to vector<256x1xf32>
    %slice3A_779 = vector.extract_strided_slice %get3A_2 {offsets = [2, 0], sizes = [1, 288], strides = [1, 1]} : vector<3x288xf32> to vector<1x288xf32>
    %mul3A_780 = vector.broadcast %slice3A_778 : vector<256x1xf32> to vector<256x288xf32>
    %mul3A_781 = vector.broadcast %slice3A_779 : vector<1x288xf32> to vector<256x288xf32>
    %mul3A_782 = arith.mulf %mul3A_780, %mul3A_781 : vector<256x288xf32>
    %add3A_783 = arith.addf %add3A_777, %mul3A_782 : vector<256x288xf32>
    %get3A_784 = arith.constant 0 : index
    %get3A_785 = arith.constant 0 : index
    %get3A_786 = vector.load %arg4[%get3A_784, %get3A_785] : memref<1x288xf32, #tpu.memory_space<vmem>>, vector<1x288xf32>
    %mul3A_787 = vector.broadcast %get3A_786 : vector<1x288xf32> to vector<256x288xf32>
    %mul3A_788 = arith.mulf %add3A_783, %mul3A_787 : vector<256x288xf32>
    %add3A_789 = arith.addf %get3A_758, %mul3A_788 : vector<256x288xf32>
    %get3A_790 = arith.constant 0 : index
    %get3A_791 = arith.constant 0 : index
    %get3A_792 = vector.load %arg5[%get3A_790, %get3A_791] : memref<1x288xf32, #tpu.memory_space<vmem>>, vector<1x288xf32>
    %add3A_793 = vector.broadcast %get3A_792 : vector<1x288xf32> to vector<256x288xf32>
    %add3A_794 = arith.addf %add3A_789, %add3A_793 : vector<256x288xf32>
    %max3A_795 = arith.constant 0.000000e+00 : f32
    %max3A_796 = vector.broadcast %max3A_795 : f32 to vector<256x288xf32>
    %max3A_797 = arith.maximumf %add3A_794, %max3A_796 : vector<256x288xf32>
    %convert_element_type3A_798 = arith.truncf %max3A_797 : vector<256x288xf32> to vector<256x288xbf16>
    %get3A_799 = arith.constant 0 : index
    %get3A_800 = arith.constant 0 : index
    %get3A_801 = vector.load %arg6[%get3A_799, %get3A_800] : memref<288x288xbf16, #tpu.memory_space<vmem>>, vector<288x288xbf16>
    %dot_general3A_802 = arith.constant dense<0.000000e+00> : vector<256x288xf32>
    %dot_general3A_803 = tpu.matmul %convert_element_type3A_798, %get3A_801, %dot_general3A_802 {dimension_numbers = #tpu.dot_dimension_numbers<[1], [0], [0], [1], [0, 0, 1, 1], [], []>, transpose_lhs_hint = false} : vector<256x288xbf16>, vector<288x288xbf16>, vector<256x288xf32> -> vector<256x288xf32>
    %get3A_804 = arith.constant 0 : index
    %get3A_805 = arith.constant 0 : index
    %get3A_806 = vector.load %arg7[%get3A_804, %get3A_805] : memref<1x288xf32, #tpu.memory_space<vmem>>, vector<1x288xf32>
    %mul3A_807 = vector.broadcast %get3A_806 : vector<1x288xf32> to vector<256x288xf32>
    %mul3A_808 = arith.mulf %dot_general3A_803, %mul3A_807 : vector<256x288xf32>
    %get3A_809 = arith.constant 0 : index
    %get3A_810 = arith.constant 0 : index
    %get3A_811 = vector.load %arg8[%get3A_809, %get3A_810] : memref<1x288xf32, #tpu.memory_space<vmem>>, vector<1x288xf32>
    %add3A_812 = vector.broadcast %get3A_811 : vector<1x288xf32> to vector<256x288xf32>
    %add3A_813 = arith.addf %mul3A_808, %add3A_812 : vector<256x288xf32>
    %max3A_814 = arith.constant 0.000000e+00 : f32
    %max3A_815 = vector.broadcast %max3A_814 : f32 to vector<256x288xf32>
    %max3A_816 = arith.maximumf %add3A_813, %max3A_815 : vector<256x288xf32>
    %convert_element_type3A_817 = arith.truncf %max3A_816 : vector<256x288xf32> to vector<256x288xbf16>
    %get3A_818 = arith.constant 0 : index
    %get3A_819 = arith.constant 0 : index
    %get3A_820 = vector.load %arg9[%get3A_818, %get3A_819] : memref<288x288xbf16, #tpu.memory_space<vmem>>, vector<288x288xbf16>
    %dot_general3A_821 = arith.constant dense<0.000000e+00> : vector<256x288xf32>
    %dot_general3A_822 = tpu.matmul %convert_element_type3A_817, %get3A_820, %dot_general3A_821 {dimension_numbers = #tpu.dot_dimension_numbers<[1], [0], [0], [1], [0, 0, 1, 1], [], []>, transpose_lhs_hint = false} : vector<256x288xbf16>, vector<288x288xbf16>, vector<256x288xf32> -> vector<256x288xf32>
    %get3A_823 = arith.constant 0 : index
    %get3A_824 = arith.constant 0 : index
    %get3A_825 = vector.load %arg10[%get3A_823, %get3A_824] : memref<1x288xf32, #tpu.memory_space<vmem>>, vector<1x288xf32>
    %mul3A_826 = vector.broadcast %get3A_825 : vector<1x288xf32> to vector<256x288xf32>
    %mul3A_827 = arith.mulf %dot_general3A_822, %mul3A_826 : vector<256x288xf32>
    %get3A_828 = arith.constant 0 : index
    %get3A_829 = arith.constant 0 : index
    %get3A_830 = vector.load %arg11[%get3A_828, %get3A_829] : memref<1x288xf32, #tpu.memory_space<vmem>>, vector<1x288xf32>
    %add3A_831 = vector.broadcast %get3A_830 : vector<1x288xf32> to vector<256x288xf32>
    %add3A_832 = arith.addf %mul3A_827, %add3A_831 : vector<256x288xf32>
    %max3A_833 = arith.constant 0.000000e+00 : f32
    %max3A_834 = vector.broadcast %max3A_833 : f32 to vector<256x288xf32>
    %max3A_835 = arith.maximumf %add3A_832, %max3A_834 : vector<256x288xf32>
    %max3A_836 = arith.maximumf %max3A_752, %max3A_835 : vector<256x288xf32>
    %get3A_837 = arith.constant 0 : index
    %get3A_838 = arith.constant 10 : index
    %get3A_839 = arith.constant 0 : index
    %get3A_840 = arith.constant 0 : index
    %get3A_841 = vector.load %arg1[%get3A_837, %get3A_838, %get3A_839, %get3A_840] : memref<1x16x256x288xf32, #tpu.memory_space<vmem>>, vector<1x1x256x288xf32>
    %get3A_842 = vector.shape_cast %get3A_841 : vector<1x1x256x288xf32> to vector<256x288xf32>
    %get3A_843 = arith.constant 0 : index
    %get3A_844 = arith.constant 10 : index
    %get3A_845 = arith.constant 0 : index
    %get3A_846 = arith.constant 0 : index
    %get3A_847 = vector.load %arg2[%get3A_843, %get3A_844, %get3A_845, %get3A_846] : memref<1x16x256x3xf32, #tpu.memory_space<vmem>>, vector<1x1x256x3xf32>
    %get3A_848 = vector.shape_cast %get3A_847 : vector<1x1x256x3xf32> to vector<256x3xf32>
    %convert_element_type3A_849 = arith.truncf %get3A_848 : vector<256x3xf32> to vector<256x3xbf16>
    %convert_element_type3A_850 = arith.extf %convert_element_type3A_849 : vector<256x3xbf16> to vector<256x3xf32>
    %slice3A_851 = vector.extract_strided_slice %convert_element_type3A_850 {offsets = [0, 0], sizes = [256, 1], strides = [1, 1]} : vector<256x3xf32> to vector<256x1xf32>
    %slice3A_852 = vector.extract_strided_slice %get3A_2 {offsets = [0, 0], sizes = [1, 288], strides = [1, 1]} : vector<3x288xf32> to vector<1x288xf32>
    %mul3A_853 = vector.broadcast %slice3A_851 : vector<256x1xf32> to vector<256x288xf32>
    %mul3A_854 = vector.broadcast %slice3A_852 : vector<1x288xf32> to vector<256x288xf32>
    %mul3A_855 = arith.mulf %mul3A_853, %mul3A_854 : vector<256x288xf32>
    %slice3A_856 = vector.extract_strided_slice %convert_element_type3A_850 {offsets = [0, 1], sizes = [256, 1], strides = [1, 1]} : vector<256x3xf32> to vector<256x1xf32>
    %slice3A_857 = vector.extract_strided_slice %get3A_2 {offsets = [1, 0], sizes = [1, 288], strides = [1, 1]} : vector<3x288xf32> to vector<1x288xf32>
    %mul3A_858 = vector.broadcast %slice3A_856 : vector<256x1xf32> to vector<256x288xf32>
    %mul3A_859 = vector.broadcast %slice3A_857 : vector<1x288xf32> to vector<256x288xf32>
    %mul3A_860 = arith.mulf %mul3A_858, %mul3A_859 : vector<256x288xf32>
    %add3A_861 = arith.addf %mul3A_855, %mul3A_860 : vector<256x288xf32>
    %slice3A_862 = vector.extract_strided_slice %convert_element_type3A_850 {offsets = [0, 2], sizes = [256, 1], strides = [1, 1]} : vector<256x3xf32> to vector<256x1xf32>
    %slice3A_863 = vector.extract_strided_slice %get3A_2 {offsets = [2, 0], sizes = [1, 288], strides = [1, 1]} : vector<3x288xf32> to vector<1x288xf32>
    %mul3A_864 = vector.broadcast %slice3A_862 : vector<256x1xf32> to vector<256x288xf32>
    %mul3A_865 = vector.broadcast %slice3A_863 : vector<1x288xf32> to vector<256x288xf32>
    %mul3A_866 = arith.mulf %mul3A_864, %mul3A_865 : vector<256x288xf32>
    %add3A_867 = arith.addf %add3A_861, %mul3A_866 : vector<256x288xf32>
    %get3A_868 = arith.constant 0 : index
    %get3A_869 = arith.constant 0 : index
    %get3A_870 = vector.load %arg4[%get3A_868, %get3A_869] : memref<1x288xf32, #tpu.memory_space<vmem>>, vector<1x288xf32>
    %mul3A_871 = vector.broadcast %get3A_870 : vector<1x288xf32> to vector<256x288xf32>
    %mul3A_872 = arith.mulf %add3A_867, %mul3A_871 : vector<256x288xf32>
    %add3A_873 = arith.addf %get3A_842, %mul3A_872 : vector<256x288xf32>
    %get3A_874 = arith.constant 0 : index
    %get3A_875 = arith.constant 0 : index
    %get3A_876 = vector.load %arg5[%get3A_874, %get3A_875] : memref<1x288xf32, #tpu.memory_space<vmem>>, vector<1x288xf32>
    %add3A_877 = vector.broadcast %get3A_876 : vector<1x288xf32> to vector<256x288xf32>
    %add3A_878 = arith.addf %add3A_873, %add3A_877 : vector<256x288xf32>
    %max3A_879 = arith.constant 0.000000e+00 : f32
    %max3A_880 = vector.broadcast %max3A_879 : f32 to vector<256x288xf32>
    %max3A_881 = arith.maximumf %add3A_878, %max3A_880 : vector<256x288xf32>
    %convert_element_type3A_882 = arith.truncf %max3A_881 : vector<256x288xf32> to vector<256x288xbf16>
    %get3A_883 = arith.constant 0 : index
    %get3A_884 = arith.constant 0 : index
    %get3A_885 = vector.load %arg6[%get3A_883, %get3A_884] : memref<288x288xbf16, #tpu.memory_space<vmem>>, vector<288x288xbf16>
    %dot_general3A_886 = arith.constant dense<0.000000e+00> : vector<256x288xf32>
    %dot_general3A_887 = tpu.matmul %convert_element_type3A_882, %get3A_885, %dot_general3A_886 {dimension_numbers = #tpu.dot_dimension_numbers<[1], [0], [0], [1], [0, 0, 1, 1], [], []>, transpose_lhs_hint = false} : vector<256x288xbf16>, vector<288x288xbf16>, vector<256x288xf32> -> vector<256x288xf32>
    %get3A_888 = arith.constant 0 : index
    %get3A_889 = arith.constant 0 : index
    %get3A_890 = vector.load %arg7[%get3A_888, %get3A_889] : memref<1x288xf32, #tpu.memory_space<vmem>>, vector<1x288xf32>
    %mul3A_891 = vector.broadcast %get3A_890 : vector<1x288xf32> to vector<256x288xf32>
    %mul3A_892 = arith.mulf %dot_general3A_887, %mul3A_891 : vector<256x288xf32>
    %get3A_893 = arith.constant 0 : index
    %get3A_894 = arith.constant 0 : index
    %get3A_895 = vector.load %arg8[%get3A_893, %get3A_894] : memref<1x288xf32, #tpu.memory_space<vmem>>, vector<1x288xf32>
    %add3A_896 = vector.broadcast %get3A_895 : vector<1x288xf32> to vector<256x288xf32>
    %add3A_897 = arith.addf %mul3A_892, %add3A_896 : vector<256x288xf32>
    %max3A_898 = arith.constant 0.000000e+00 : f32
    %max3A_899 = vector.broadcast %max3A_898 : f32 to vector<256x288xf32>
    %max3A_900 = arith.maximumf %add3A_897, %max3A_899 : vector<256x288xf32>
    %convert_element_type3A_901 = arith.truncf %max3A_900 : vector<256x288xf32> to vector<256x288xbf16>
    %get3A_902 = arith.constant 0 : index
    %get3A_903 = arith.constant 0 : index
    %get3A_904 = vector.load %arg9[%get3A_902, %get3A_903] : memref<288x288xbf16, #tpu.memory_space<vmem>>, vector<288x288xbf16>
    %dot_general3A_905 = arith.constant dense<0.000000e+00> : vector<256x288xf32>
    %dot_general3A_906 = tpu.matmul %convert_element_type3A_901, %get3A_904, %dot_general3A_905 {dimension_numbers = #tpu.dot_dimension_numbers<[1], [0], [0], [1], [0, 0, 1, 1], [], []>, transpose_lhs_hint = false} : vector<256x288xbf16>, vector<288x288xbf16>, vector<256x288xf32> -> vector<256x288xf32>
    %get3A_907 = arith.constant 0 : index
    %get3A_908 = arith.constant 0 : index
    %get3A_909 = vector.load %arg10[%get3A_907, %get3A_908] : memref<1x288xf32, #tpu.memory_space<vmem>>, vector<1x288xf32>
    %mul3A_910 = vector.broadcast %get3A_909 : vector<1x288xf32> to vector<256x288xf32>
    %mul3A_911 = arith.mulf %dot_general3A_906, %mul3A_910 : vector<256x288xf32>
    %get3A_912 = arith.constant 0 : index
    %get3A_913 = arith.constant 0 : index
    %get3A_914 = vector.load %arg11[%get3A_912, %get3A_913] : memref<1x288xf32, #tpu.memory_space<vmem>>, vector<1x288xf32>
    %add3A_915 = vector.broadcast %get3A_914 : vector<1x288xf32> to vector<256x288xf32>
    %add3A_916 = arith.addf %mul3A_911, %add3A_915 : vector<256x288xf32>
    %max3A_917 = arith.constant 0.000000e+00 : f32
    %max3A_918 = vector.broadcast %max3A_917 : f32 to vector<256x288xf32>
    %max3A_919 = arith.maximumf %add3A_916, %max3A_918 : vector<256x288xf32>
    %max3A_920 = arith.maximumf %max3A_836, %max3A_919 : vector<256x288xf32>
    %get3A_921 = arith.constant 0 : index
    %get3A_922 = arith.constant 11 : index
    %get3A_923 = arith.constant 0 : index
    %get3A_924 = arith.constant 0 : index
    %get3A_925 = vector.load %arg1[%get3A_921, %get3A_922, %get3A_923, %get3A_924] : memref<1x16x256x288xf32, #tpu.memory_space<vmem>>, vector<1x1x256x288xf32>
    %get3A_926 = vector.shape_cast %get3A_925 : vector<1x1x256x288xf32> to vector<256x288xf32>
    %get3A_927 = arith.constant 0 : index
    %get3A_928 = arith.constant 11 : index
    %get3A_929 = arith.constant 0 : index
    %get3A_930 = arith.constant 0 : index
    %get3A_931 = vector.load %arg2[%get3A_927, %get3A_928, %get3A_929, %get3A_930] : memref<1x16x256x3xf32, #tpu.memory_space<vmem>>, vector<1x1x256x3xf32>
    %get3A_932 = vector.shape_cast %get3A_931 : vector<1x1x256x3xf32> to vector<256x3xf32>
    %convert_element_type3A_933 = arith.truncf %get3A_932 : vector<256x3xf32> to vector<256x3xbf16>
    %convert_element_type3A_934 = arith.extf %convert_element_type3A_933 : vector<256x3xbf16> to vector<256x3xf32>
    %slice3A_935 = vector.extract_strided_slice %convert_element_type3A_934 {offsets = [0, 0], sizes = [256, 1], strides = [1, 1]} : vector<256x3xf32> to vector<256x1xf32>
    %slice3A_936 = vector.extract_strided_slice %get3A_2 {offsets = [0, 0], sizes = [1, 288], strides = [1, 1]} : vector<3x288xf32> to vector<1x288xf32>
    %mul3A_937 = vector.broadcast %slice3A_935 : vector<256x1xf32> to vector<256x288xf32>
    %mul3A_938 = vector.broadcast %slice3A_936 : vector<1x288xf32> to vector<256x288xf32>
    %mul3A_939 = arith.mulf %mul3A_937, %mul3A_938 : vector<256x288xf32>
    %slice3A_940 = vector.extract_strided_slice %convert_element_type3A_934 {offsets = [0, 1], sizes = [256, 1], strides = [1, 1]} : vector<256x3xf32> to vector<256x1xf32>
    %slice3A_941 = vector.extract_strided_slice %get3A_2 {offsets = [1, 0], sizes = [1, 288], strides = [1, 1]} : vector<3x288xf32> to vector<1x288xf32>
    %mul3A_942 = vector.broadcast %slice3A_940 : vector<256x1xf32> to vector<256x288xf32>
    %mul3A_943 = vector.broadcast %slice3A_941 : vector<1x288xf32> to vector<256x288xf32>
    %mul3A_944 = arith.mulf %mul3A_942, %mul3A_943 : vector<256x288xf32>
    %add3A_945 = arith.addf %mul3A_939, %mul3A_944 : vector<256x288xf32>
    %slice3A_946 = vector.extract_strided_slice %convert_element_type3A_934 {offsets = [0, 2], sizes = [256, 1], strides = [1, 1]} : vector<256x3xf32> to vector<256x1xf32>
    %slice3A_947 = vector.extract_strided_slice %get3A_2 {offsets = [2, 0], sizes = [1, 288], strides = [1, 1]} : vector<3x288xf32> to vector<1x288xf32>
    %mul3A_948 = vector.broadcast %slice3A_946 : vector<256x1xf32> to vector<256x288xf32>
    %mul3A_949 = vector.broadcast %slice3A_947 : vector<1x288xf32> to vector<256x288xf32>
    %mul3A_950 = arith.mulf %mul3A_948, %mul3A_949 : vector<256x288xf32>
    %add3A_951 = arith.addf %add3A_945, %mul3A_950 : vector<256x288xf32>
    %get3A_952 = arith.constant 0 : index
    %get3A_953 = arith.constant 0 : index
    %get3A_954 = vector.load %arg4[%get3A_952, %get3A_953] : memref<1x288xf32, #tpu.memory_space<vmem>>, vector<1x288xf32>
    %mul3A_955 = vector.broadcast %get3A_954 : vector<1x288xf32> to vector<256x288xf32>
    %mul3A_956 = arith.mulf %add3A_951, %mul3A_955 : vector<256x288xf32>
    %add3A_957 = arith.addf %get3A_926, %mul3A_956 : vector<256x288xf32>
    %get3A_958 = arith.constant 0 : index
    %get3A_959 = arith.constant 0 : index
    %get3A_960 = vector.load %arg5[%get3A_958, %get3A_959] : memref<1x288xf32, #tpu.memory_space<vmem>>, vector<1x288xf32>
    %add3A_961 = vector.broadcast %get3A_960 : vector<1x288xf32> to vector<256x288xf32>
    %add3A_962 = arith.addf %add3A_957, %add3A_961 : vector<256x288xf32>
    %max3A_963 = arith.constant 0.000000e+00 : f32
    %max3A_964 = vector.broadcast %max3A_963 : f32 to vector<256x288xf32>
    %max3A_965 = arith.maximumf %add3A_962, %max3A_964 : vector<256x288xf32>
    %convert_element_type3A_966 = arith.truncf %max3A_965 : vector<256x288xf32> to vector<256x288xbf16>
    %get3A_967 = arith.constant 0 : index
    %get3A_968 = arith.constant 0 : index
    %get3A_969 = vector.load %arg6[%get3A_967, %get3A_968] : memref<288x288xbf16, #tpu.memory_space<vmem>>, vector<288x288xbf16>
    %dot_general3A_970 = arith.constant dense<0.000000e+00> : vector<256x288xf32>
    %dot_general3A_971 = tpu.matmul %convert_element_type3A_966, %get3A_969, %dot_general3A_970 {dimension_numbers = #tpu.dot_dimension_numbers<[1], [0], [0], [1], [0, 0, 1, 1], [], []>, transpose_lhs_hint = false} : vector<256x288xbf16>, vector<288x288xbf16>, vector<256x288xf32> -> vector<256x288xf32>
    %get3A_972 = arith.constant 0 : index
    %get3A_973 = arith.constant 0 : index
    %get3A_974 = vector.load %arg7[%get3A_972, %get3A_973] : memref<1x288xf32, #tpu.memory_space<vmem>>, vector<1x288xf32>
    %mul3A_975 = vector.broadcast %get3A_974 : vector<1x288xf32> to vector<256x288xf32>
    %mul3A_976 = arith.mulf %dot_general3A_971, %mul3A_975 : vector<256x288xf32>
    %get3A_977 = arith.constant 0 : index
    %get3A_978 = arith.constant 0 : index
    %get3A_979 = vector.load %arg8[%get3A_977, %get3A_978] : memref<1x288xf32, #tpu.memory_space<vmem>>, vector<1x288xf32>
    %add3A_980 = vector.broadcast %get3A_979 : vector<1x288xf32> to vector<256x288xf32>
    %add3A_981 = arith.addf %mul3A_976, %add3A_980 : vector<256x288xf32>
    %max3A_982 = arith.constant 0.000000e+00 : f32
    %max3A_983 = vector.broadcast %max3A_982 : f32 to vector<256x288xf32>
    %max3A_984 = arith.maximumf %add3A_981, %max3A_983 : vector<256x288xf32>
    %convert_element_type3A_985 = arith.truncf %max3A_984 : vector<256x288xf32> to vector<256x288xbf16>
    %get3A_986 = arith.constant 0 : index
    %get3A_987 = arith.constant 0 : index
    %get3A_988 = vector.load %arg9[%get3A_986, %get3A_987] : memref<288x288xbf16, #tpu.memory_space<vmem>>, vector<288x288xbf16>
    %dot_general3A_989 = arith.constant dense<0.000000e+00> : vector<256x288xf32>
    %dot_general3A_990 = tpu.matmul %convert_element_type3A_985, %get3A_988, %dot_general3A_989 {dimension_numbers = #tpu.dot_dimension_numbers<[1], [0], [0], [1], [0, 0, 1, 1], [], []>, transpose_lhs_hint = false} : vector<256x288xbf16>, vector<288x288xbf16>, vector<256x288xf32> -> vector<256x288xf32>
    %get3A_991 = arith.constant 0 : index
    %get3A_992 = arith.constant 0 : index
    %get3A_993 = vector.load %arg10[%get3A_991, %get3A_992] : memref<1x288xf32, #tpu.memory_space<vmem>>, vector<1x288xf32>
    %mul3A_994 = vector.broadcast %get3A_993 : vector<1x288xf32> to vector<256x288xf32>
    %mul3A_995 = arith.mulf %dot_general3A_990, %mul3A_994 : vector<256x288xf32>
    %get3A_996 = arith.constant 0 : index
    %get3A_997 = arith.constant 0 : index
    %get3A_998 = vector.load %arg11[%get3A_996, %get3A_997] : memref<1x288xf32, #tpu.memory_space<vmem>>, vector<1x288xf32>
    %add3A_999 = vector.broadcast %get3A_998 : vector<1x288xf32> to vector<256x288xf32>
    %add3A_1000 = arith.addf %mul3A_995, %add3A_999 : vector<256x288xf32>
    %max3A_1001 = arith.constant 0.000000e+00 : f32
    %max3A_1002 = vector.broadcast %max3A_1001 : f32 to vector<256x288xf32>
    %max3A_1003 = arith.maximumf %add3A_1000, %max3A_1002 : vector<256x288xf32>
    %max3A_1004 = arith.maximumf %max3A_920, %max3A_1003 : vector<256x288xf32>
    %get3A_1005 = arith.constant 0 : index
    %get3A_1006 = arith.constant 12 : index
    %get3A_1007 = arith.constant 0 : index
    %get3A_1008 = arith.constant 0 : index
    %get3A_1009 = vector.load %arg1[%get3A_1005, %get3A_1006, %get3A_1007, %get3A_1008] : memref<1x16x256x288xf32, #tpu.memory_space<vmem>>, vector<1x1x256x288xf32>
    %get3A_1010 = vector.shape_cast %get3A_1009 : vector<1x1x256x288xf32> to vector<256x288xf32>
    %get3A_1011 = arith.constant 0 : index
    %get3A_1012 = arith.constant 12 : index
    %get3A_1013 = arith.constant 0 : index
    %get3A_1014 = arith.constant 0 : index
    %get3A_1015 = vector.load %arg2[%get3A_1011, %get3A_1012, %get3A_1013, %get3A_1014] : memref<1x16x256x3xf32, #tpu.memory_space<vmem>>, vector<1x1x256x3xf32>
    %get3A_1016 = vector.shape_cast %get3A_1015 : vector<1x1x256x3xf32> to vector<256x3xf32>
    %convert_element_type3A_1017 = arith.truncf %get3A_1016 : vector<256x3xf32> to vector<256x3xbf16>
    %convert_element_type3A_1018 = arith.extf %convert_element_type3A_1017 : vector<256x3xbf16> to vector<256x3xf32>
    %slice3A_1019 = vector.extract_strided_slice %convert_element_type3A_1018 {offsets = [0, 0], sizes = [256, 1], strides = [1, 1]} : vector<256x3xf32> to vector<256x1xf32>
    %slice3A_1020 = vector.extract_strided_slice %get3A_2 {offsets = [0, 0], sizes = [1, 288], strides = [1, 1]} : vector<3x288xf32> to vector<1x288xf32>
    %mul3A_1021 = vector.broadcast %slice3A_1019 : vector<256x1xf32> to vector<256x288xf32>
    %mul3A_1022 = vector.broadcast %slice3A_1020 : vector<1x288xf32> to vector<256x288xf32>
    %mul3A_1023 = arith.mulf %mul3A_1021, %mul3A_1022 : vector<256x288xf32>
    %slice3A_1024 = vector.extract_strided_slice %convert_element_type3A_1018 {offsets = [0, 1], sizes = [256, 1], strides = [1, 1]} : vector<256x3xf32> to vector<256x1xf32>
    %slice3A_1025 = vector.extract_strided_slice %get3A_2 {offsets = [1, 0], sizes = [1, 288], strides = [1, 1]} : vector<3x288xf32> to vector<1x288xf32>
    %mul3A_1026 = vector.broadcast %slice3A_1024 : vector<256x1xf32> to vector<256x288xf32>
    %mul3A_1027 = vector.broadcast %slice3A_1025 : vector<1x288xf32> to vector<256x288xf32>
    %mul3A_1028 = arith.mulf %mul3A_1026, %mul3A_1027 : vector<256x288xf32>
    %add3A_1029 = arith.addf %mul3A_1023, %mul3A_1028 : vector<256x288xf32>
    %slice3A_1030 = vector.extract_strided_slice %convert_element_type3A_1018 {offsets = [0, 2], sizes = [256, 1], strides = [1, 1]} : vector<256x3xf32> to vector<256x1xf32>
    %slice3A_1031 = vector.extract_strided_slice %get3A_2 {offsets = [2, 0], sizes = [1, 288], strides = [1, 1]} : vector<3x288xf32> to vector<1x288xf32>
    %mul3A_1032 = vector.broadcast %slice3A_1030 : vector<256x1xf32> to vector<256x288xf32>
    %mul3A_1033 = vector.broadcast %slice3A_1031 : vector<1x288xf32> to vector<256x288xf32>
    %mul3A_1034 = arith.mulf %mul3A_1032, %mul3A_1033 : vector<256x288xf32>
    %add3A_1035 = arith.addf %add3A_1029, %mul3A_1034 : vector<256x288xf32>
    %get3A_1036 = arith.constant 0 : index
    %get3A_1037 = arith.constant 0 : index
    %get3A_1038 = vector.load %arg4[%get3A_1036, %get3A_1037] : memref<1x288xf32, #tpu.memory_space<vmem>>, vector<1x288xf32>
    %mul3A_1039 = vector.broadcast %get3A_1038 : vector<1x288xf32> to vector<256x288xf32>
    %mul3A_1040 = arith.mulf %add3A_1035, %mul3A_1039 : vector<256x288xf32>
    %add3A_1041 = arith.addf %get3A_1010, %mul3A_1040 : vector<256x288xf32>
    %get3A_1042 = arith.constant 0 : index
    %get3A_1043 = arith.constant 0 : index
    %get3A_1044 = vector.load %arg5[%get3A_1042, %get3A_1043] : memref<1x288xf32, #tpu.memory_space<vmem>>, vector<1x288xf32>
    %add3A_1045 = vector.broadcast %get3A_1044 : vector<1x288xf32> to vector<256x288xf32>
    %add3A_1046 = arith.addf %add3A_1041, %add3A_1045 : vector<256x288xf32>
    %max3A_1047 = arith.constant 0.000000e+00 : f32
    %max3A_1048 = vector.broadcast %max3A_1047 : f32 to vector<256x288xf32>
    %max3A_1049 = arith.maximumf %add3A_1046, %max3A_1048 : vector<256x288xf32>
    %convert_element_type3A_1050 = arith.truncf %max3A_1049 : vector<256x288xf32> to vector<256x288xbf16>
    %get3A_1051 = arith.constant 0 : index
    %get3A_1052 = arith.constant 0 : index
    %get3A_1053 = vector.load %arg6[%get3A_1051, %get3A_1052] : memref<288x288xbf16, #tpu.memory_space<vmem>>, vector<288x288xbf16>
    %dot_general3A_1054 = arith.constant dense<0.000000e+00> : vector<256x288xf32>
    %dot_general3A_1055 = tpu.matmul %convert_element_type3A_1050, %get3A_1053, %dot_general3A_1054 {dimension_numbers = #tpu.dot_dimension_numbers<[1], [0], [0], [1], [0, 0, 1, 1], [], []>, transpose_lhs_hint = false} : vector<256x288xbf16>, vector<288x288xbf16>, vector<256x288xf32> -> vector<256x288xf32>
    %get3A_1056 = arith.constant 0 : index
    %get3A_1057 = arith.constant 0 : index
    %get3A_1058 = vector.load %arg7[%get3A_1056, %get3A_1057] : memref<1x288xf32, #tpu.memory_space<vmem>>, vector<1x288xf32>
    %mul3A_1059 = vector.broadcast %get3A_1058 : vector<1x288xf32> to vector<256x288xf32>
    %mul3A_1060 = arith.mulf %dot_general3A_1055, %mul3A_1059 : vector<256x288xf32>
    %get3A_1061 = arith.constant 0 : index
    %get3A_1062 = arith.constant 0 : index
    %get3A_1063 = vector.load %arg8[%get3A_1061, %get3A_1062] : memref<1x288xf32, #tpu.memory_space<vmem>>, vector<1x288xf32>
    %add3A_1064 = vector.broadcast %get3A_1063 : vector<1x288xf32> to vector<256x288xf32>
    %add3A_1065 = arith.addf %mul3A_1060, %add3A_1064 : vector<256x288xf32>
    %max3A_1066 = arith.constant 0.000000e+00 : f32
    %max3A_1067 = vector.broadcast %max3A_1066 : f32 to vector<256x288xf32>
    %max3A_1068 = arith.maximumf %add3A_1065, %max3A_1067 : vector<256x288xf32>
    %convert_element_type3A_1069 = arith.truncf %max3A_1068 : vector<256x288xf32> to vector<256x288xbf16>
    %get3A_1070 = arith.constant 0 : index
    %get3A_1071 = arith.constant 0 : index
    %get3A_1072 = vector.load %arg9[%get3A_1070, %get3A_1071] : memref<288x288xbf16, #tpu.memory_space<vmem>>, vector<288x288xbf16>
    %dot_general3A_1073 = arith.constant dense<0.000000e+00> : vector<256x288xf32>
    %dot_general3A_1074 = tpu.matmul %convert_element_type3A_1069, %get3A_1072, %dot_general3A_1073 {dimension_numbers = #tpu.dot_dimension_numbers<[1], [0], [0], [1], [0, 0, 1, 1], [], []>, transpose_lhs_hint = false} : vector<256x288xbf16>, vector<288x288xbf16>, vector<256x288xf32> -> vector<256x288xf32>
    %get3A_1075 = arith.constant 0 : index
    %get3A_1076 = arith.constant 0 : index
    %get3A_1077 = vector.load %arg10[%get3A_1075, %get3A_1076] : memref<1x288xf32, #tpu.memory_space<vmem>>, vector<1x288xf32>
    %mul3A_1078 = vector.broadcast %get3A_1077 : vector<1x288xf32> to vector<256x288xf32>
    %mul3A_1079 = arith.mulf %dot_general3A_1074, %mul3A_1078 : vector<256x288xf32>
    %get3A_1080 = arith.constant 0 : index
    %get3A_1081 = arith.constant 0 : index
    %get3A_1082 = vector.load %arg11[%get3A_1080, %get3A_1081] : memref<1x288xf32, #tpu.memory_space<vmem>>, vector<1x288xf32>
    %add3A_1083 = vector.broadcast %get3A_1082 : vector<1x288xf32> to vector<256x288xf32>
    %add3A_1084 = arith.addf %mul3A_1079, %add3A_1083 : vector<256x288xf32>
    %max3A_1085 = arith.constant 0.000000e+00 : f32
    %max3A_1086 = vector.broadcast %max3A_1085 : f32 to vector<256x288xf32>
    %max3A_1087 = arith.maximumf %add3A_1084, %max3A_1086 : vector<256x288xf32>
    %max3A_1088 = arith.maximumf %max3A_1004, %max3A_1087 : vector<256x288xf32>
    %get3A_1089 = arith.constant 0 : index
    %get3A_1090 = arith.constant 13 : index
    %get3A_1091 = arith.constant 0 : index
    %get3A_1092 = arith.constant 0 : index
    %get3A_1093 = vector.load %arg1[%get3A_1089, %get3A_1090, %get3A_1091, %get3A_1092] : memref<1x16x256x288xf32, #tpu.memory_space<vmem>>, vector<1x1x256x288xf32>
    %get3A_1094 = vector.shape_cast %get3A_1093 : vector<1x1x256x288xf32> to vector<256x288xf32>
    %get3A_1095 = arith.constant 0 : index
    %get3A_1096 = arith.constant 13 : index
    %get3A_1097 = arith.constant 0 : index
    %get3A_1098 = arith.constant 0 : index
    %get3A_1099 = vector.load %arg2[%get3A_1095, %get3A_1096, %get3A_1097, %get3A_1098] : memref<1x16x256x3xf32, #tpu.memory_space<vmem>>, vector<1x1x256x3xf32>
    %get3A_1100 = vector.shape_cast %get3A_1099 : vector<1x1x256x3xf32> to vector<256x3xf32>
    %convert_element_type3A_1101 = arith.truncf %get3A_1100 : vector<256x3xf32> to vector<256x3xbf16>
    %convert_element_type3A_1102 = arith.extf %convert_element_type3A_1101 : vector<256x3xbf16> to vector<256x3xf32>
    %slice3A_1103 = vector.extract_strided_slice %convert_element_type3A_1102 {offsets = [0, 0], sizes = [256, 1], strides = [1, 1]} : vector<256x3xf32> to vector<256x1xf32>
    %slice3A_1104 = vector.extract_strided_slice %get3A_2 {offsets = [0, 0], sizes = [1, 288], strides = [1, 1]} : vector<3x288xf32> to vector<1x288xf32>
    %mul3A_1105 = vector.broadcast %slice3A_1103 : vector<256x1xf32> to vector<256x288xf32>
    %mul3A_1106 = vector.broadcast %slice3A_1104 : vector<1x288xf32> to vector<256x288xf32>
    %mul3A_1107 = arith.mulf %mul3A_1105, %mul3A_1106 : vector<256x288xf32>
    %slice3A_1108 = vector.extract_strided_slice %convert_element_type3A_1102 {offsets = [0, 1], sizes = [256, 1], strides = [1, 1]} : vector<256x3xf32> to vector<256x1xf32>
    %slice3A_1109 = vector.extract_strided_slice %get3A_2 {offsets = [1, 0], sizes = [1, 288], strides = [1, 1]} : vector<3x288xf32> to vector<1x288xf32>
    %mul3A_1110 = vector.broadcast %slice3A_1108 : vector<256x1xf32> to vector<256x288xf32>
    %mul3A_1111 = vector.broadcast %slice3A_1109 : vector<1x288xf32> to vector<256x288xf32>
    %mul3A_1112 = arith.mulf %mul3A_1110, %mul3A_1111 : vector<256x288xf32>
    %add3A_1113 = arith.addf %mul3A_1107, %mul3A_1112 : vector<256x288xf32>
    %slice3A_1114 = vector.extract_strided_slice %convert_element_type3A_1102 {offsets = [0, 2], sizes = [256, 1], strides = [1, 1]} : vector<256x3xf32> to vector<256x1xf32>
    %slice3A_1115 = vector.extract_strided_slice %get3A_2 {offsets = [2, 0], sizes = [1, 288], strides = [1, 1]} : vector<3x288xf32> to vector<1x288xf32>
    %mul3A_1116 = vector.broadcast %slice3A_1114 : vector<256x1xf32> to vector<256x288xf32>
    %mul3A_1117 = vector.broadcast %slice3A_1115 : vector<1x288xf32> to vector<256x288xf32>
    %mul3A_1118 = arith.mulf %mul3A_1116, %mul3A_1117 : vector<256x288xf32>
    %add3A_1119 = arith.addf %add3A_1113, %mul3A_1118 : vector<256x288xf32>
    %get3A_1120 = arith.constant 0 : index
    %get3A_1121 = arith.constant 0 : index
    %get3A_1122 = vector.load %arg4[%get3A_1120, %get3A_1121] : memref<1x288xf32, #tpu.memory_space<vmem>>, vector<1x288xf32>
    %mul3A_1123 = vector.broadcast %get3A_1122 : vector<1x288xf32> to vector<256x288xf32>
    %mul3A_1124 = arith.mulf %add3A_1119, %mul3A_1123 : vector<256x288xf32>
    %add3A_1125 = arith.addf %get3A_1094, %mul3A_1124 : vector<256x288xf32>
    %get3A_1126 = arith.constant 0 : index
    %get3A_1127 = arith.constant 0 : index
    %get3A_1128 = vector.load %arg5[%get3A_1126, %get3A_1127] : memref<1x288xf32, #tpu.memory_space<vmem>>, vector<1x288xf32>
    %add3A_1129 = vector.broadcast %get3A_1128 : vector<1x288xf32> to vector<256x288xf32>
    %add3A_1130 = arith.addf %add3A_1125, %add3A_1129 : vector<256x288xf32>
    %max3A_1131 = arith.constant 0.000000e+00 : f32
    %max3A_1132 = vector.broadcast %max3A_1131 : f32 to vector<256x288xf32>
    %max3A_1133 = arith.maximumf %add3A_1130, %max3A_1132 : vector<256x288xf32>
    %convert_element_type3A_1134 = arith.truncf %max3A_1133 : vector<256x288xf32> to vector<256x288xbf16>
    %get3A_1135 = arith.constant 0 : index
    %get3A_1136 = arith.constant 0 : index
    %get3A_1137 = vector.load %arg6[%get3A_1135, %get3A_1136] : memref<288x288xbf16, #tpu.memory_space<vmem>>, vector<288x288xbf16>
    %dot_general3A_1138 = arith.constant dense<0.000000e+00> : vector<256x288xf32>
    %dot_general3A_1139 = tpu.matmul %convert_element_type3A_1134, %get3A_1137, %dot_general3A_1138 {dimension_numbers = #tpu.dot_dimension_numbers<[1], [0], [0], [1], [0, 0, 1, 1], [], []>, transpose_lhs_hint = false} : vector<256x288xbf16>, vector<288x288xbf16>, vector<256x288xf32> -> vector<256x288xf32>
    %get3A_1140 = arith.constant 0 : index
    %get3A_1141 = arith.constant 0 : index
    %get3A_1142 = vector.load %arg7[%get3A_1140, %get3A_1141] : memref<1x288xf32, #tpu.memory_space<vmem>>, vector<1x288xf32>
    %mul3A_1143 = vector.broadcast %get3A_1142 : vector<1x288xf32> to vector<256x288xf32>
    %mul3A_1144 = arith.mulf %dot_general3A_1139, %mul3A_1143 : vector<256x288xf32>
    %get3A_1145 = arith.constant 0 : index
    %get3A_1146 = arith.constant 0 : index
    %get3A_1147 = vector.load %arg8[%get3A_1145, %get3A_1146] : memref<1x288xf32, #tpu.memory_space<vmem>>, vector<1x288xf32>
    %add3A_1148 = vector.broadcast %get3A_1147 : vector<1x288xf32> to vector<256x288xf32>
    %add3A_1149 = arith.addf %mul3A_1144, %add3A_1148 : vector<256x288xf32>
    %max3A_1150 = arith.constant 0.000000e+00 : f32
    %max3A_1151 = vector.broadcast %max3A_1150 : f32 to vector<256x288xf32>
    %max3A_1152 = arith.maximumf %add3A_1149, %max3A_1151 : vector<256x288xf32>
    %convert_element_type3A_1153 = arith.truncf %max3A_1152 : vector<256x288xf32> to vector<256x288xbf16>
    %get3A_1154 = arith.constant 0 : index
    %get3A_1155 = arith.constant 0 : index
    %get3A_1156 = vector.load %arg9[%get3A_1154, %get3A_1155] : memref<288x288xbf16, #tpu.memory_space<vmem>>, vector<288x288xbf16>
    %dot_general3A_1157 = arith.constant dense<0.000000e+00> : vector<256x288xf32>
    %dot_general3A_1158 = tpu.matmul %convert_element_type3A_1153, %get3A_1156, %dot_general3A_1157 {dimension_numbers = #tpu.dot_dimension_numbers<[1], [0], [0], [1], [0, 0, 1, 1], [], []>, transpose_lhs_hint = false} : vector<256x288xbf16>, vector<288x288xbf16>, vector<256x288xf32> -> vector<256x288xf32>
    %get3A_1159 = arith.constant 0 : index
    %get3A_1160 = arith.constant 0 : index
    %get3A_1161 = vector.load %arg10[%get3A_1159, %get3A_1160] : memref<1x288xf32, #tpu.memory_space<vmem>>, vector<1x288xf32>
    %mul3A_1162 = vector.broadcast %get3A_1161 : vector<1x288xf32> to vector<256x288xf32>
    %mul3A_1163 = arith.mulf %dot_general3A_1158, %mul3A_1162 : vector<256x288xf32>
    %get3A_1164 = arith.constant 0 : index
    %get3A_1165 = arith.constant 0 : index
    %get3A_1166 = vector.load %arg11[%get3A_1164, %get3A_1165] : memref<1x288xf32, #tpu.memory_space<vmem>>, vector<1x288xf32>
    %add3A_1167 = vector.broadcast %get3A_1166 : vector<1x288xf32> to vector<256x288xf32>
    %add3A_1168 = arith.addf %mul3A_1163, %add3A_1167 : vector<256x288xf32>
    %max3A_1169 = arith.constant 0.000000e+00 : f32
    %max3A_1170 = vector.broadcast %max3A_1169 : f32 to vector<256x288xf32>
    %max3A_1171 = arith.maximumf %add3A_1168, %max3A_1170 : vector<256x288xf32>
    %max3A_1172 = arith.maximumf %max3A_1088, %max3A_1171 : vector<256x288xf32>
    %get3A_1173 = arith.constant 0 : index
    %get3A_1174 = arith.constant 14 : index
    %get3A_1175 = arith.constant 0 : index
    %get3A_1176 = arith.constant 0 : index
    %get3A_1177 = vector.load %arg1[%get3A_1173, %get3A_1174, %get3A_1175, %get3A_1176] : memref<1x16x256x288xf32, #tpu.memory_space<vmem>>, vector<1x1x256x288xf32>
    %get3A_1178 = vector.shape_cast %get3A_1177 : vector<1x1x256x288xf32> to vector<256x288xf32>
    %get3A_1179 = arith.constant 0 : index
    %get3A_1180 = arith.constant 14 : index
    %get3A_1181 = arith.constant 0 : index
    %get3A_1182 = arith.constant 0 : index
    %get3A_1183 = vector.load %arg2[%get3A_1179, %get3A_1180, %get3A_1181, %get3A_1182] : memref<1x16x256x3xf32, #tpu.memory_space<vmem>>, vector<1x1x256x3xf32>
    %get3A_1184 = vector.shape_cast %get3A_1183 : vector<1x1x256x3xf32> to vector<256x3xf32>
    %convert_element_type3A_1185 = arith.truncf %get3A_1184 : vector<256x3xf32> to vector<256x3xbf16>
    %convert_element_type3A_1186 = arith.extf %convert_element_type3A_1185 : vector<256x3xbf16> to vector<256x3xf32>
    %slice3A_1187 = vector.extract_strided_slice %convert_element_type3A_1186 {offsets = [0, 0], sizes = [256, 1], strides = [1, 1]} : vector<256x3xf32> to vector<256x1xf32>
    %slice3A_1188 = vector.extract_strided_slice %get3A_2 {offsets = [0, 0], sizes = [1, 288], strides = [1, 1]} : vector<3x288xf32> to vector<1x288xf32>
    %mul3A_1189 = vector.broadcast %slice3A_1187 : vector<256x1xf32> to vector<256x288xf32>
    %mul3A_1190 = vector.broadcast %slice3A_1188 : vector<1x288xf32> to vector<256x288xf32>
    %mul3A_1191 = arith.mulf %mul3A_1189, %mul3A_1190 : vector<256x288xf32>
    %slice3A_1192 = vector.extract_strided_slice %convert_element_type3A_1186 {offsets = [0, 1], sizes = [256, 1], strides = [1, 1]} : vector<256x3xf32> to vector<256x1xf32>
    %slice3A_1193 = vector.extract_strided_slice %get3A_2 {offsets = [1, 0], sizes = [1, 288], strides = [1, 1]} : vector<3x288xf32> to vector<1x288xf32>
    %mul3A_1194 = vector.broadcast %slice3A_1192 : vector<256x1xf32> to vector<256x288xf32>
    %mul3A_1195 = vector.broadcast %slice3A_1193 : vector<1x288xf32> to vector<256x288xf32>
    %mul3A_1196 = arith.mulf %mul3A_1194, %mul3A_1195 : vector<256x288xf32>
    %add3A_1197 = arith.addf %mul3A_1191, %mul3A_1196 : vector<256x288xf32>
    %slice3A_1198 = vector.extract_strided_slice %convert_element_type3A_1186 {offsets = [0, 2], sizes = [256, 1], strides = [1, 1]} : vector<256x3xf32> to vector<256x1xf32>
    %slice3A_1199 = vector.extract_strided_slice %get3A_2 {offsets = [2, 0], sizes = [1, 288], strides = [1, 1]} : vector<3x288xf32> to vector<1x288xf32>
    %mul3A_1200 = vector.broadcast %slice3A_1198 : vector<256x1xf32> to vector<256x288xf32>
    %mul3A_1201 = vector.broadcast %slice3A_1199 : vector<1x288xf32> to vector<256x288xf32>
    %mul3A_1202 = arith.mulf %mul3A_1200, %mul3A_1201 : vector<256x288xf32>
    %add3A_1203 = arith.addf %add3A_1197, %mul3A_1202 : vector<256x288xf32>
    %get3A_1204 = arith.constant 0 : index
    %get3A_1205 = arith.constant 0 : index
    %get3A_1206 = vector.load %arg4[%get3A_1204, %get3A_1205] : memref<1x288xf32, #tpu.memory_space<vmem>>, vector<1x288xf32>
    %mul3A_1207 = vector.broadcast %get3A_1206 : vector<1x288xf32> to vector<256x288xf32>
    %mul3A_1208 = arith.mulf %add3A_1203, %mul3A_1207 : vector<256x288xf32>
    %add3A_1209 = arith.addf %get3A_1178, %mul3A_1208 : vector<256x288xf32>
    %get3A_1210 = arith.constant 0 : index
    %get3A_1211 = arith.constant 0 : index
    %get3A_1212 = vector.load %arg5[%get3A_1210, %get3A_1211] : memref<1x288xf32, #tpu.memory_space<vmem>>, vector<1x288xf32>
    %add3A_1213 = vector.broadcast %get3A_1212 : vector<1x288xf32> to vector<256x288xf32>
    %add3A_1214 = arith.addf %add3A_1209, %add3A_1213 : vector<256x288xf32>
    %max3A_1215 = arith.constant 0.000000e+00 : f32
    %max3A_1216 = vector.broadcast %max3A_1215 : f32 to vector<256x288xf32>
    %max3A_1217 = arith.maximumf %add3A_1214, %max3A_1216 : vector<256x288xf32>
    %convert_element_type3A_1218 = arith.truncf %max3A_1217 : vector<256x288xf32> to vector<256x288xbf16>
    %get3A_1219 = arith.constant 0 : index
    %get3A_1220 = arith.constant 0 : index
    %get3A_1221 = vector.load %arg6[%get3A_1219, %get3A_1220] : memref<288x288xbf16, #tpu.memory_space<vmem>>, vector<288x288xbf16>
    %dot_general3A_1222 = arith.constant dense<0.000000e+00> : vector<256x288xf32>
    %dot_general3A_1223 = tpu.matmul %convert_element_type3A_1218, %get3A_1221, %dot_general3A_1222 {dimension_numbers = #tpu.dot_dimension_numbers<[1], [0], [0], [1], [0, 0, 1, 1], [], []>, transpose_lhs_hint = false} : vector<256x288xbf16>, vector<288x288xbf16>, vector<256x288xf32> -> vector<256x288xf32>
    %get3A_1224 = arith.constant 0 : index
    %get3A_1225 = arith.constant 0 : index
    %get3A_1226 = vector.load %arg7[%get3A_1224, %get3A_1225] : memref<1x288xf32, #tpu.memory_space<vmem>>, vector<1x288xf32>
    %mul3A_1227 = vector.broadcast %get3A_1226 : vector<1x288xf32> to vector<256x288xf32>
    %mul3A_1228 = arith.mulf %dot_general3A_1223, %mul3A_1227 : vector<256x288xf32>
    %get3A_1229 = arith.constant 0 : index
    %get3A_1230 = arith.constant 0 : index
    %get3A_1231 = vector.load %arg8[%get3A_1229, %get3A_1230] : memref<1x288xf32, #tpu.memory_space<vmem>>, vector<1x288xf32>
    %add3A_1232 = vector.broadcast %get3A_1231 : vector<1x288xf32> to vector<256x288xf32>
    %add3A_1233 = arith.addf %mul3A_1228, %add3A_1232 : vector<256x288xf32>
    %max3A_1234 = arith.constant 0.000000e+00 : f32
    %max3A_1235 = vector.broadcast %max3A_1234 : f32 to vector<256x288xf32>
    %max3A_1236 = arith.maximumf %add3A_1233, %max3A_1235 : vector<256x288xf32>
    %convert_element_type3A_1237 = arith.truncf %max3A_1236 : vector<256x288xf32> to vector<256x288xbf16>
    %get3A_1238 = arith.constant 0 : index
    %get3A_1239 = arith.constant 0 : index
    %get3A_1240 = vector.load %arg9[%get3A_1238, %get3A_1239] : memref<288x288xbf16, #tpu.memory_space<vmem>>, vector<288x288xbf16>
    %dot_general3A_1241 = arith.constant dense<0.000000e+00> : vector<256x288xf32>
    %dot_general3A_1242 = tpu.matmul %convert_element_type3A_1237, %get3A_1240, %dot_general3A_1241 {dimension_numbers = #tpu.dot_dimension_numbers<[1], [0], [0], [1], [0, 0, 1, 1], [], []>, transpose_lhs_hint = false} : vector<256x288xbf16>, vector<288x288xbf16>, vector<256x288xf32> -> vector<256x288xf32>
    %get3A_1243 = arith.constant 0 : index
    %get3A_1244 = arith.constant 0 : index
    %get3A_1245 = vector.load %arg10[%get3A_1243, %get3A_1244] : memref<1x288xf32, #tpu.memory_space<vmem>>, vector<1x288xf32>
    %mul3A_1246 = vector.broadcast %get3A_1245 : vector<1x288xf32> to vector<256x288xf32>
    %mul3A_1247 = arith.mulf %dot_general3A_1242, %mul3A_1246 : vector<256x288xf32>
    %get3A_1248 = arith.constant 0 : index
    %get3A_1249 = arith.constant 0 : index
    %get3A_1250 = vector.load %arg11[%get3A_1248, %get3A_1249] : memref<1x288xf32, #tpu.memory_space<vmem>>, vector<1x288xf32>
    %add3A_1251 = vector.broadcast %get3A_1250 : vector<1x288xf32> to vector<256x288xf32>
    %add3A_1252 = arith.addf %mul3A_1247, %add3A_1251 : vector<256x288xf32>
    %max3A_1253 = arith.constant 0.000000e+00 : f32
    %max3A_1254 = vector.broadcast %max3A_1253 : f32 to vector<256x288xf32>
    %max3A_1255 = arith.maximumf %add3A_1252, %max3A_1254 : vector<256x288xf32>
    %max3A_1256 = arith.maximumf %max3A_1172, %max3A_1255 : vector<256x288xf32>
    %get3A_1257 = arith.constant 0 : index
    %get3A_1258 = arith.constant 15 : index
    %get3A_1259 = arith.constant 0 : index
    %get3A_1260 = arith.constant 0 : index
    %get3A_1261 = vector.load %arg1[%get3A_1257, %get3A_1258, %get3A_1259, %get3A_1260] : memref<1x16x256x288xf32, #tpu.memory_space<vmem>>, vector<1x1x256x288xf32>
    %get3A_1262 = vector.shape_cast %get3A_1261 : vector<1x1x256x288xf32> to vector<256x288xf32>
    %get3A_1263 = arith.constant 0 : index
    %get3A_1264 = arith.constant 15 : index
    %get3A_1265 = arith.constant 0 : index
    %get3A_1266 = arith.constant 0 : index
    %get3A_1267 = vector.load %arg2[%get3A_1263, %get3A_1264, %get3A_1265, %get3A_1266] : memref<1x16x256x3xf32, #tpu.memory_space<vmem>>, vector<1x1x256x3xf32>
    %get3A_1268 = vector.shape_cast %get3A_1267 : vector<1x1x256x3xf32> to vector<256x3xf32>
    %convert_element_type3A_1269 = arith.truncf %get3A_1268 : vector<256x3xf32> to vector<256x3xbf16>
    %convert_element_type3A_1270 = arith.extf %convert_element_type3A_1269 : vector<256x3xbf16> to vector<256x3xf32>
    %slice3A_1271 = vector.extract_strided_slice %convert_element_type3A_1270 {offsets = [0, 0], sizes = [256, 1], strides = [1, 1]} : vector<256x3xf32> to vector<256x1xf32>
    %slice3A_1272 = vector.extract_strided_slice %get3A_2 {offsets = [0, 0], sizes = [1, 288], strides = [1, 1]} : vector<3x288xf32> to vector<1x288xf32>
    %mul3A_1273 = vector.broadcast %slice3A_1271 : vector<256x1xf32> to vector<256x288xf32>
    %mul3A_1274 = vector.broadcast %slice3A_1272 : vector<1x288xf32> to vector<256x288xf32>
    %mul3A_1275 = arith.mulf %mul3A_1273, %mul3A_1274 : vector<256x288xf32>
    %slice3A_1276 = vector.extract_strided_slice %convert_element_type3A_1270 {offsets = [0, 1], sizes = [256, 1], strides = [1, 1]} : vector<256x3xf32> to vector<256x1xf32>
    %slice3A_1277 = vector.extract_strided_slice %get3A_2 {offsets = [1, 0], sizes = [1, 288], strides = [1, 1]} : vector<3x288xf32> to vector<1x288xf32>
    %mul3A_1278 = vector.broadcast %slice3A_1276 : vector<256x1xf32> to vector<256x288xf32>
    %mul3A_1279 = vector.broadcast %slice3A_1277 : vector<1x288xf32> to vector<256x288xf32>
    %mul3A_1280 = arith.mulf %mul3A_1278, %mul3A_1279 : vector<256x288xf32>
    %add3A_1281 = arith.addf %mul3A_1275, %mul3A_1280 : vector<256x288xf32>
    %slice3A_1282 = vector.extract_strided_slice %convert_element_type3A_1270 {offsets = [0, 2], sizes = [256, 1], strides = [1, 1]} : vector<256x3xf32> to vector<256x1xf32>
    %slice3A_1283 = vector.extract_strided_slice %get3A_2 {offsets = [2, 0], sizes = [1, 288], strides = [1, 1]} : vector<3x288xf32> to vector<1x288xf32>
    %mul3A_1284 = vector.broadcast %slice3A_1282 : vector<256x1xf32> to vector<256x288xf32>
    %mul3A_1285 = vector.broadcast %slice3A_1283 : vector<1x288xf32> to vector<256x288xf32>
    %mul3A_1286 = arith.mulf %mul3A_1284, %mul3A_1285 : vector<256x288xf32>
    %add3A_1287 = arith.addf %add3A_1281, %mul3A_1286 : vector<256x288xf32>
    %get3A_1288 = arith.constant 0 : index
    %get3A_1289 = arith.constant 0 : index
    %get3A_1290 = vector.load %arg4[%get3A_1288, %get3A_1289] : memref<1x288xf32, #tpu.memory_space<vmem>>, vector<1x288xf32>
    %mul3A_1291 = vector.broadcast %get3A_1290 : vector<1x288xf32> to vector<256x288xf32>
    %mul3A_1292 = arith.mulf %add3A_1287, %mul3A_1291 : vector<256x288xf32>
    %add3A_1293 = arith.addf %get3A_1262, %mul3A_1292 : vector<256x288xf32>
    %get3A_1294 = arith.constant 0 : index
    %get3A_1295 = arith.constant 0 : index
    %get3A_1296 = vector.load %arg5[%get3A_1294, %get3A_1295] : memref<1x288xf32, #tpu.memory_space<vmem>>, vector<1x288xf32>
    %add3A_1297 = vector.broadcast %get3A_1296 : vector<1x288xf32> to vector<256x288xf32>
    %add3A_1298 = arith.addf %add3A_1293, %add3A_1297 : vector<256x288xf32>
    %max3A_1299 = arith.constant 0.000000e+00 : f32
    %max3A_1300 = vector.broadcast %max3A_1299 : f32 to vector<256x288xf32>
    %max3A_1301 = arith.maximumf %add3A_1298, %max3A_1300 : vector<256x288xf32>
    %convert_element_type3A_1302 = arith.truncf %max3A_1301 : vector<256x288xf32> to vector<256x288xbf16>
    %get3A_1303 = arith.constant 0 : index
    %get3A_1304 = arith.constant 0 : index
    %get3A_1305 = vector.load %arg6[%get3A_1303, %get3A_1304] : memref<288x288xbf16, #tpu.memory_space<vmem>>, vector<288x288xbf16>
    %dot_general3A_1306 = arith.constant dense<0.000000e+00> : vector<256x288xf32>
    %dot_general3A_1307 = tpu.matmul %convert_element_type3A_1302, %get3A_1305, %dot_general3A_1306 {dimension_numbers = #tpu.dot_dimension_numbers<[1], [0], [0], [1], [0, 0, 1, 1], [], []>, transpose_lhs_hint = false} : vector<256x288xbf16>, vector<288x288xbf16>, vector<256x288xf32> -> vector<256x288xf32>
    %get3A_1308 = arith.constant 0 : index
    %get3A_1309 = arith.constant 0 : index
    %get3A_1310 = vector.load %arg7[%get3A_1308, %get3A_1309] : memref<1x288xf32, #tpu.memory_space<vmem>>, vector<1x288xf32>
    %mul3A_1311 = vector.broadcast %get3A_1310 : vector<1x288xf32> to vector<256x288xf32>
    %mul3A_1312 = arith.mulf %dot_general3A_1307, %mul3A_1311 : vector<256x288xf32>
    %get3A_1313 = arith.constant 0 : index
    %get3A_1314 = arith.constant 0 : index
    %get3A_1315 = vector.load %arg8[%get3A_1313, %get3A_1314] : memref<1x288xf32, #tpu.memory_space<vmem>>, vector<1x288xf32>
    %add3A_1316 = vector.broadcast %get3A_1315 : vector<1x288xf32> to vector<256x288xf32>
    %add3A_1317 = arith.addf %mul3A_1312, %add3A_1316 : vector<256x288xf32>
    %max3A_1318 = arith.constant 0.000000e+00 : f32
    %max3A_1319 = vector.broadcast %max3A_1318 : f32 to vector<256x288xf32>
    %max3A_1320 = arith.maximumf %add3A_1317, %max3A_1319 : vector<256x288xf32>
    %convert_element_type3A_1321 = arith.truncf %max3A_1320 : vector<256x288xf32> to vector<256x288xbf16>
    %get3A_1322 = arith.constant 0 : index
    %get3A_1323 = arith.constant 0 : index
    %get3A_1324 = vector.load %arg9[%get3A_1322, %get3A_1323] : memref<288x288xbf16, #tpu.memory_space<vmem>>, vector<288x288xbf16>
    %dot_general3A_1325 = arith.constant dense<0.000000e+00> : vector<256x288xf32>
    %dot_general3A_1326 = tpu.matmul %convert_element_type3A_1321, %get3A_1324, %dot_general3A_1325 {dimension_numbers = #tpu.dot_dimension_numbers<[1], [0], [0], [1], [0, 0, 1, 1], [], []>, transpose_lhs_hint = false} : vector<256x288xbf16>, vector<288x288xbf16>, vector<256x288xf32> -> vector<256x288xf32>
    %get3A_1327 = arith.constant 0 : index
    %get3A_1328 = arith.constant 0 : index
    %get3A_1329 = vector.load %arg10[%get3A_1327, %get3A_1328] : memref<1x288xf32, #tpu.memory_space<vmem>>, vector<1x288xf32>
    %mul3A_1330 = vector.broadcast %get3A_1329 : vector<1x288xf32> to vector<256x288xf32>
    %mul3A_1331 = arith.mulf %dot_general3A_1326, %mul3A_1330 : vector<256x288xf32>
    %get3A_1332 = arith.constant 0 : index
    %get3A_1333 = arith.constant 0 : index
    %get3A_1334 = vector.load %arg11[%get3A_1332, %get3A_1333] : memref<1x288xf32, #tpu.memory_space<vmem>>, vector<1x288xf32>
    %add3A_1335 = vector.broadcast %get3A_1334 : vector<1x288xf32> to vector<256x288xf32>
    %add3A_1336 = arith.addf %mul3A_1331, %add3A_1335 : vector<256x288xf32>
    %max3A_1337 = arith.constant 0.000000e+00 : f32
    %max3A_1338 = vector.broadcast %max3A_1337 : f32 to vector<256x288xf32>
    %max3A_1339 = arith.maximumf %add3A_1336, %max3A_1338 : vector<256x288xf32>
    %max3A_1340 = arith.maximumf %max3A_1256, %max3A_1339 : vector<256x288xf32>
    %swap3A = arith.constant 0 : index
    %swap3A_1341 = arith.constant 0 : index
    %swap3A_1342 = arith.constant 0 : index
    %swap3A_1343 = vector.load %arg12[%swap3A, %swap3A_1341, %swap3A_1342] : memref<1x256x288xf32, #tpu.memory_space<vmem>>, vector<1x256x288xf32>
    %swap3A_1344 = vector.shape_cast %swap3A_1343 : vector<1x256x288xf32> to vector<256x288xf32>
    %swap3A_1345 = vector.shape_cast %max3A_1340 : vector<256x288xf32> to vector<1x256x288xf32>
    tpu.vector_store %arg12[%swap3A, %swap3A_1341, %swap3A_1342], %swap3A_1345 {strides = array<i32>} : memref<1x256x288xf32, #tpu.memory_space<vmem>>, vector<1x256x288xf32>,
    return
  }
  func.func @transform_0(%arg0: i32) -> (i32, i32, i32, i32) {
    %c0_i32 = arith.constant 0 : i32
    %c0_i32_0 = arith.constant 0 : i32
    %c0_i32_1 = arith.constant 0 : i32
    %c0_i32_2 = arith.constant 0 : i32
    return %arg0, %c0_i32, %c0_i32_0, %c0_i32_1 : i32, i32, i32, i32
  }
  func.func @transform_1(%arg0: i32) -> (i32, i32, i32, i32) {
    %c0_i32 = arith.constant 0 : i32
    %c0_i32_0 = arith.constant 0 : i32
    %c0_i32_1 = arith.constant 0 : i32
    %c0_i32_2 = arith.constant 0 : i32
    return %arg0, %c0_i32, %c0_i32_0, %c0_i32_1 : i32, i32, i32, i32
  }
  func.func @transform_2(%arg0: i32) -> (i32, i32) {
    %c0_i32 = arith.constant 0 : i32
    %c0_i32_0 = arith.constant 0 : i32
    %c0_i32_1 = arith.constant 0 : i32
    return %c0_i32, %c0_i32_0 : i32, i32
  }
  func.func @transform_3(%arg0: i32) -> (i32, i32) {
    %c0_i32 = arith.constant 0 : i32
    %c0_i32_0 = arith.constant 0 : i32
    %c0_i32_1 = arith.constant 0 : i32
    return %c0_i32, %c0_i32_0 : i32, i32
  }
  func.func @transform_4(%arg0: i32) -> (i32, i32) {
    %c0_i32 = arith.constant 0 : i32
    %c0_i32_0 = arith.constant 0 : i32
    %c0_i32_1 = arith.constant 0 : i32
    return %c0_i32, %c0_i32_0 : i32, i32
  }
  func.func @transform_5(%arg0: i32) -> (i32, i32) {
    %c0_i32 = arith.constant 0 : i32
    %c0_i32_0 = arith.constant 0 : i32
    %c0_i32_1 = arith.constant 0 : i32
    return %c0_i32, %c0_i32_0 : i32, i32
  }
  func.func @transform_6(%arg0: i32) -> (i32, i32) {
    %c0_i32 = arith.constant 0 : i32
    %c0_i32_0 = arith.constant 0 : i32
    %c0_i32_1 = arith.constant 0 : i32
    return %c0_i32, %c0_i32_0 : i32, i32
  }
  func.func @transform_7(%arg0: i32) -> (i32, i32) {
    %c0_i32 = arith.constant 0 : i32
    %c0_i32_0 = arith.constant 0 : i32
    %c0_i32_1 = arith.constant 0 : i32
    return %c0_i32, %c0_i32_0 : i32, i32
  }
  func.func @transform_8(%arg0: i32) -> (i32, i32) {
    %c0_i32 = arith.constant 0 : i32
    %c0_i32_0 = arith.constant 0 : i32
    %c0_i32_1 = arith.constant 0 : i32
    return %c0_i32, %c0_i32_0 : i32, i32
  }
  func.func @transform_9(%arg0: i32) -> (i32, i32) {
    %c0_i32 = arith.constant 0 : i32
    %c0_i32_0 = arith.constant 0 : i32
    %c0_i32_1 = arith.constant 0 : i32
    return %c0_i32, %c0_i32_0 : i32, i32
  }
  func.func @transform_10(%arg0: i32) -> (i32, i32) {
    %c0_i32 = arith.constant 0 : i32
    %c0_i32_0 = arith.constant 0 : i32
    %c0_i32_1 = arith.constant 0 : i32
    return %c0_i32, %c0_i32_0 : i32, i32
  }
  func.func @transform_11(%arg0: i32) -> (i32, i32, i32) {
    %c0_i32 = arith.constant 0 : i32
    %c0_i32_0 = arith.constant 0 : i32
    %c0_i32_1 = arith.constant 0 : i32
    return %arg0, %c0_i32, %c0_i32_0 : i32, i32, i32
  }
}

</mosaic_0001>

<sc_bundles>
// kernel: kernel.12.cloned.1.call-start
scs
__scs_entry_jumppad:
0x0: {  	(pc) =	sbr.rel $0x88, $3  }
0x1: {  	(tag) =	ssettag $0x0;
	lr =	simm.s32 $0x1  }
0x2: {  	[smem:$0x3F8C] =	sst lr;
	_ =	strace $0xD0000000  }
0x3: {  	_ = 	snop  }
0x4: {  	_ = 	snop  }
0x5: {  	_ = 	snop  }
0x6: {  	_ = 	snop  }
0x7: {  	_ = 	snop  }
__scs_overlays_trampoline_lowered:
0x8: {  	[smem:$0x3F9B] =	sst s0  }
0x9: {  	[smem:$0x3F9C] =	sst s1  }
0xa: {  	[smem:$0x3F9D] =	sst s2  }
0xb: {  	[smem:$0x3F9E] =	sst s3  }
0xc: {  	[smem:$0x3F9F] =	sst s4  }
0xd: {  	[smem:$0x3FA0] =	sst s5  }
0xe: {  	[smem:$0x3FA1] =	sst s6  }
0xf: {  	[smem:$0x3FA2] =	sst s7  }
0x10: {  	[smem:$0x3FA3] =	sst s8  }
0x11: {  	[smem:$0x3FA4] =	sst s9;
	s0 =	simm.s32 @!p0 $0x0  }
0x12: {  	s1 =	sld [smem:$0x3F8A];
	s0 =	simm.s32 @p0 $0x1  }
0x13: {  	[smem:$0x3FA5] =	sst s0;
	s0 =	simm.s32 @!p1 $0x0  }
0x14: {  	s2 =	sld [smem:$0x3F89];
	s0 =	simm.s32 @p1 $0x1  }
0x15: {  	[smem:$0x3FA6] =	sst s0;
	s0 =	simm.s32 @!p2 $0x0  }
0x16: {  	s3 =	sld [smem:$0x3FDB];
	s0 =	simm.s32 @p2 $0x1  }
0x17: {  	s4 =	simm.s32 $0x1BF5;
	[smem:$0x3FA8] =	sst s0  }
0x18: {  	s0 =	sld [smem:$0x3F8B];
	_ =	swait.ge [sflag:s4], $0x0  }
0x19: {  	s7 =	sld [smem:$0x3F8C]  }
0x1a: {  	s8 =	sadd.s32 $0xFFFFE003, lr  }
0x1b: {  	s9 =	sadd.s32 $0xFFFFFEF7, lr;
	s5 =	simm.s32 $0xFFFFFFFF;
	p2 =	slt.u32 s8, $0xFFFFF086  }
0x1c: {  	p1 =	slt.u32 s9, $0xF7A;
	s5 =	simm.s32 @!p2 $0x0  }
0x1d: {  	s5 =	simm.s32 @p1 $0x1;
	p0 =	seq.s32 s7, s2  }
0x1e: {  	s7 =	smul.u32 @!p0 $0xF7A, s2;
	p2 =	seq.s32 @!p0 s5, $0x0  }
0x1f: {  	s9 =	smul.u32 $0xF7A, s1;
	s8 =	simm.s32 @!p0 $0x1BF5;
	p2 =	por !p2, p0  }
0x20: {  	[sflag:s8] =	ssyncset.s32 @!p0 $0xFFFFF086;
	s6 =	sadd.s32 @!p0 s3, s7;
	s7 =	simm.s32 @!p0 $0x108  }
0x21: {  	s3 =	sadd.s32 s3, s9;
	s6 =	sadd.s32 @!p0 $0x88, s6;
	s7 =	simm.s32 @p2 $0x1082  }
0x22: {  	[simem:s7], [sflag:s8] =	dma.local @!p0 [hbm:s6], $0xF7A  }
0x23: {  	s9 =	sor.u32 $0xD0000000, s2;
	s6 =	simm.s32 $0x108;
	_ =	swait.ge @!p0 [sflag:s8], $0x0  }
0x24: {  	s3 =	sadd.s32 $0x88, s3;
	s6 =	simm.s32 @!p1 $0x1082;
	[sflag:s4] =	ssyncset.s32 $0xFFFFF086  }
0x25: {  	[simem:s6], [sflag:s4] =	dma.local [hbm:s3], $0xF7A  }
0x26: {  	[smem:$0x3F8C] =	sst s1;
	(tag) =	ssettag s2;
	_ =	strace s9  }
0x27: {  	s1 =	sld [smem:$0x3F9C]  }
0x28: {  	s2 =	sld [smem:$0x3F9D]  }
0x29: {  	s4 =	sld [smem:$0x3F9F]  }
0x2a: {  	p0 =	seq.s32 s5, $0x0;
	s5 =	sld [smem:$0x3FA0]  }
0x2b: {  	s6 =	sld [smem:$0x3FA1]  }
0x2c: {  	s7 =	sld [smem:$0x3FA2]  }
0x2d: {  	s3 =	simm.s32 $0x108;
	s8 =	sld [smem:$0x3FA3]  }
0x2e: {  	s3 =	simm.s32 @!p0 $0x1082;
	s9 =	sld [smem:$0x3FA4]  }
0x2f: {  	lr =	sadd.s32 s0, s3;
	s0 =	sld [smem:$0x3F9B]  }
0x30: {  	s3 =	sld [smem:$0x3F9E]  }
0x31: {  	[smem:$0x3FA7] =	sst s10  }
0x32: {  	s10 =	sld [smem:$0x3FA5];
	_ =	sdelay $0x3  }
0x33: {  	p0 =	seq.s32 s10, $0x1;
	s10 =	sld [smem:$0x3FA7];
	_ =	sdelay $0x3  }
0x34: {  	[smem:$0x3FA7] =	sst s10  }
0x35: {  	s10 =	sld [smem:$0x3FA6];
	_ =	sdelay $0x3  }
0x36: {  	p1 =	seq.s32 s10, $0x1;
	s10 =	sld [smem:$0x3FA7];
	_ =	sdelay $0x3  }
0x37: {  	[smem:$0x3FA7] =	sst s10  }
0x38: {  	s10 =	sld [smem:$0x3FA8]  }
0x39: {  	_ = 	snop;
	(pc) =	sbr.ind lr, $3  }
0x3a: {  	_ = 	snop  }
0x3b: {  	_ = 	snop  }
0x3c: {  	p2 =	seq.s32 s10, $0x1;
	s10 =	sld [smem:$0x3FA7]  }
0x3d: {  	_ =	shalt  }
0x3e: {  	_ =	shalt  }
0x3f: {  	_ =	shalt  }
0x40: {  	_ =	shalt  }
0x41: {  	_ =	shalt  }
0x42: {  	_ =	shalt  }
0x43: {  	_ =	shalt  }
0x44: {  	_ =	shalt  }
0x45: {  	_ =	shalt  }
0x46: {  	_ =	shalt  }
0x47: {  	_ =	shalt  }
0x48: {  	_ =	shalt  }
0x49: {  	_ =	shalt  }
0x4a: {  	_ =	shalt  }
0x4b: {  	_ =	shalt  }
0x4c: {  	_ =	shalt  }
0x4d: {  	_ =	shalt  }
0x4e: {  	_ =	shalt  }
0x4f: {  	_ =	shalt  }
0x50: {  	_ =	shalt  }
0x51: {  	_ =	shalt  }
0x52: {  	_ =	shalt  }
0x53: {  	_ =	shalt  }
0x54: {  	_ =	shalt  }
0x55: {  	_ =	shalt  }
0x56: {  	_ =	shalt  }
0x57: {  	_ =	shalt  }
0x58: {  	_ =	shalt  }
0x59: {  	_ =	shalt  }
0x5a: {  	_ =	shalt  }
0x5b: {  	_ =	shalt  }
0x5c: {  	_ =	shalt  }
0x5d: {  	_ =	shalt  }
0x5e: {  	_ =	shalt  }
0x5f: {  	_ =	shalt  }
0x60: {  	_ =	shalt  }
0x61: {  	_ =	shalt  }
0x62: {  	_ =	shalt  }
0x63: {  	_ =	shalt  }
0x64: {  	_ =	shalt  }
0x65: {  	_ =	shalt  }
0x66: {  	_ =	shalt  }
0x67: {  	_ =	shalt  }
0x68: {  	_ =	shalt  }
0x69: {  	_ =	shalt  }
0x6a: {  	_ =	shalt  }
0x6b: {  	_ =	shalt  }
0x6c: {  	_ =	shalt  }
0x6d: {  	_ =	shalt  }
0x6e: {  	_ =	shalt  }
0x6f: {  	_ =	shalt  }
0x70: {  	_ =	shalt  }
0x71: {  	_ =	shalt  }
0x72: {  	_ =	shalt  }
0x73: {  	_ =	shalt  }
0x74: {  	_ =	shalt  }
0x75: {  	_ =	shalt  }
0x76: {  	_ =	shalt  }
0x77: {  	_ =	shalt  }
0x78: {  	_ =	shalt  }
0x79: {  	_ =	shalt  }
0x7a: {  	_ =	shalt  }
0x7b: {  	_ =	shalt  }
0x7c: {  	_ =	shalt  }
0x7d: {  	_ =	shalt  }
0x7e: {  	_ =	shalt  }
0x7f: {  	_ =	shalt  }
0x80: {  	_ =	shalt  }
0x81: {  	_ =	shalt  }
0x82: {  	_ =	shalt  }
0x83: {  	_ =	shalt  }
0x84: {  	_ =	shalt  }
0x85: {  	_ =	shalt  }
0x86: {  	_ =	shalt  }
0x87: {  	_ =	shalt  }
.Lfunc_end0:
.L_simem_size_0:
called_computation.1_lowered:
.L_overlay_start_0:
0x88: {  	s2 =	sld [smem:$0x3FD9]  }
0x89: {  	s3 =	sld [smem:$0x3FFE];
	_ =	sdelay $0x1  }
0x8a: {  	s1 =	srdreg.scid  }
0x8b: {  	s0 =	sand.u32 $0x1, s1  }
0x8c: {  	s15 =	sshll.u32 s0, $0xA;
	s2 =	sadd.s32 s3, s2  }
0x8d: {  	s2 =	sadd.s32 s2, s15  }
0x8e: {  	[smem:$0x3FB3] =	sst s2  }
0x8f: {  	_ = 	snop  }
0x90: {  	s2 =	sld [smem:$0x3FD0];
	_ =	sdelay $0x2  }
0x91: {  	s5 =	simm.s32 $0xB;
	s16 =	simm.s32 $0x10  }
0x92: {  	[smem:s16], [sflag:s5] =	dma.local [hbm:s2], $0x1  }
0x93: {  	_ =	swait.eq [sflag:s5], $0x1  }
0x94: {  	s17 =	sld [smem:$0x11];
	[sflag:s5] =	ssyncset.done $0x0  }
0x95: {  	s4 =	sld [smem:$0x13];
	[sflag:s5] =	ssyncadd.s32 $0xFFFFFFFF  }
0x96: {  	s18 =	sld [smem:$0x14];
	(tm) =	ssettm $0x1  }
0x97: {  	s19 =	sld [smem:$0x3FFB];
	_ =	sdelay $0x3  }
0x98: {  	_ =	strace s19  }
0x99: {  	s2 =	sld [smem:$0x3FFC];
	_ =	sdelay $0x3  }
0x9a: {  	_ =	strace s2  }
0x9b: {  	s2 =	sld [smem:$0x3FFD];
	_ =	sdelay $0x3  }
0x9c: {  	_ =	strace s2  }
0x9d: {  	_ =	strace $0x8FFFFFFF  }
0x9e: {  	s20 =	sld [smem:$0x3FDB];
	_ =	sdelay $0x1  }
0x9f: {  	s6 =	simm.s32 $_scs_section_size  }
0xa0: {  	s7 =	simm.s32 $_size__tile_overlayer_lowered;
	s8 =	simm.s32 $_tile_overlayer_lowered  }
0xa1: {  	s9 =	simm.s32 $0x1BFF;
	s21 =	sshll.u32 s8, $0x1;
	s6 =	sadd.s32 s6, s20  }
0xa2: {  	s22 =	simm.s32 $0x0;
	s7 =	sshll.u32 s7, $0x1;
	s8 =	sadd.s32 s21, s6  }
0xa3: {  	[timem:s22], [sflag:s9] =	dma.local [hbm:s8], s7  }
0xa4: {  	_ =	swait.ge [sflag:s9], s7  }
0xa5: {  	s7 =	ssub.s32 $0x0, s7;
	[sflag:s9] =	ssyncset.done $0x0  }
0xa6: {  	[sflag:s9] =	ssyncadd.s32 s7;
	_ =	sdelay $0x1  }
0xa7: {  	s23 =	simm.s32 $0x1B8B  }
0xa8: {  	_ =	swait.ge [sflag:s23], $0x1  }
0xa9: {  	[sflag:s23] =	ssyncset.done $0x0  }
0xaa: {  	[sflag:s23] =	ssyncadd.s32 $0xFFFFFFFF  }
0xab: {  	s7 =	sld [smem:$0x0]  }
0xac: {  	s8 =	sand.u32 $0xFFFFFFFE, s1  }
0xad: {  	p0 =	sne.s32 s1, s8  }
0xae: {  	s8 =	sshll.u32 @p0 s8, $0xE  }
0xaf: {  	s8 =	sadd.s32 @p0 $0x11B8D, s8;
	s9 =	sshll.u32 @p0 s7, $0x11  }
0xb0: {  	s8 =	sor.u32 @p0 s9, s8  }
0xb1: {  	[sflag:s8] =	ssyncadd.remote.s32 @p0 $0x1;
	_ =	sdelay $0x1  }
0xb2: {  	s8 =	simm.s32 @p0 $0x1B8D  }
0xb3: {  	_ =	swait.eq @p0 [sflag:s8], $0x1  }
0xb4: {  	[sflag:s8] =	ssyncadd.s32 @p0 $0xFFFFFFFF  }
0xb5: {  	s9 =	sshll.u32 @!p0 s1, $0xE  }
0xb6: {  	s9 =	sor.u32 @!p0 $0x4000, s9;
	s8 =	simm.s32 @!p0 $0x1B8D  }
0xb7: {  	s7 =	sshll.u32 @!p0 s7, $0x11;
	s9 =	sadd.s32 @!p0 $0x11B8D, s9;
	_ =	swait.eq @!p0 [sflag:s8], $0x1  }
0xb8: {  	s7 =	sor.u32 @!p0 s7, s9;
	[sflag:s8] =	ssyncadd.s32 @!p0 $0xFFFFFFFF  }
0xb9: {  	s25 =	simm.s32 $0x1B8E;
	s24 =	sld [smem:$0x3FFE];
	[sflag:s7] =	ssyncadd.remote.s32 @!p0 $0x1  }
0xba: {  	s26 =	simm.s32 $execute0_lowered;
	[smem:$0x3FD2] =	sst s25  }
0xbb: {  	s8 =	sshll.u32 s26, $0x1;
	_ =	strace $0x80000049;
	[dreg:$0x1] =	wrdreg $0xFFFFFFFF  }
0xbc: {  	s28 =	simm.s32 $_size_execute0_lowered;
	s6 =	sadd.s32 s6, s8;
	[dreg:$0x0] =	wrdreg $0x0  }
0xbd: {  	s8 =	sshll.u32 s28, $0x1;
	[dreg:$0x2] =	wrdreg s6  }
0xbe: {  	[dreg:$0x3] =	wrdreg s8  }
0xbf: {  	[dreg:$0x4] =	wrdreg $0xC0  }
0xc0: {  	_ =	task [dreg:s22], $0x5FFFF  }
0xc1: {  	[dreg:$0x1] =	wrdreg $0xFFFFFFFF  }
0xc2: {  	[dreg:$0x0] =	wrdreg $0x60  }
0xc3: {  	[dreg:$0x2] =	wrdreg s17  }
0xc4: {  	[dreg:$0x3] =	wrdreg s24  }
0xc5: {  	[dreg:$0x4] =	wrdreg s4  }
0xc6: {  	[dreg:$0x5] =	wrdreg s18  }
0xc7: {  	[dreg:$0x6] =	wrdreg $0xA  }
0xc8: {  	_ =	task.clear_ibuf [dreg:s22], $0x7FFFF;
	_ =	strace $0x90000049  }
0xc9: {  	s29 =	simm.s32 $0xA;
	_ =	strace $0x8000004B  }
0xca: {  	_ =	swait.ge [sflag:s29], $0x1  }
0xcb: {  	[sflag:s29] =	ssyncadd.s32 $0xFFFFFFFF  }
0xcc: {  	_ =	strace $0x9000004B  }
0xcd: {  	_ =	sfence  }
0xce: {  	s30 =	sld [smem:$0x0];
	_ =	sdelay $0x2  }
0xcf: {  	s31 =	sshll.u32 s1, $0xD;
	s1 =	sshrl.u32 s1, $0x2  }
0xd0: {  	s4 =	sand.u32 $0x4000, s31;
	s1 =	sadd.s32 s1, s30  }
0xd1: {  	s0 =	sor.u32 s4, s0;
	s1 =	sshll.u32 s1, $0x11  }
0xd2: {  	s0 =	sor.u32 s1, s0  }
0xd3: {  	s0 =	sadd.s32 $0x8F2B, s0  }
0xd4: {  	[sflag:s0] =	ssyncadd.remote.s32 $0x1  }
0xd5: {  	_ =	sfence.sel $0xFFFF  }
0xd6: {  	[dreg:$0x0] =	wrdreg $0xFFFFFFFF;
	(pc) =	sbr.abs _section_cstart, $3  }
0xd7: {  	[dreg:$0x1] =	wrdreg $0xFFFFFFFF  }
0xd8: {  	_ =	task.clear_ibuf [dreg:s22], $0x2FFFF;
	_ =	strace $0x9FFFFFFF  }
0xd9: {  	(tm) =	ssettm $0x7FFFFFFF  }
tec
execute0_lowered:
.L_overlay_start_1:
0x0: {  	(tag) =	ssettag $0x1  }
0x1: {  	s0 =	rddreg [dreg:$0x0]  }
0x2: {  	s1 =	rddreg [dreg:$0x1]  }
0x3: {  	s4 =	rddreg [dreg:$0x2]  }
0x4: {  	s5 =	rddreg [dreg:$0x3]  }
0x5: {  	s6 =	stileid.u32;
	s2 =	srdreg.scid;
	s28 =	simm.s32 $0x9  }
0x6: {  	s29 =	simm.s32 $0x800;
	s30 =	simm.s32 $0x1000;
	s31 =	simm.s32 $0x29D0  }
0x7: {  	s3 =	sshll.u32 s6, $0x1;
	s6 =	sshrl.u32 s6, $0x2;
	s7 =	sand.u32 $0x1, s2  }
0x8: {  	s2 =	simm.s32 $0x0;
	s3 =	sand.u32 $0x6, s3;
	s8 =	smul.u32 $0x120000, s6  }
0x9: {  	[smem:$0x7FF] =	sst s2;
	s10 =	sshll.u32 s6, $0x8;
	s16 =	sshll.u32 s6, $0xB  }
0xa: {  	s3 =	sor.u32 s7, s3;
	_ =	strace $0x8000004A;
	s11 =	sadd.s32 s10, s1  }
0xb: {  	s0 =	sadd.s32 s0, s10;
	s9 =	smul.u32 $0x2400, s3;
	s12 =	sshll.u32 s3, $0x5  }
0xc: {  	s3 =	sadd.s32 $0x52400, s1;
	s18 =	sadd.s32 $0x52000, s11;
	[dreg:$0xd] =	wrdreg s0  }
0xd: {  	s19 =	sadd.s32 $0x51C00, s11;
	s17 =	sor.u32 s10, s12;
	[dreg:$0x5] =	wrdreg s18  }
0xe: {  	[dreg:$0x6] =	wrdreg s19;
	s8 =	sor.u32 s8, s9;
	s13 =	sadd.s32 s17, s1  }
0xf: {  	s14 =	sshrl.u32 s17, $0x3;
	s8 =	sshrl.u32 s8, $0x3;
	s20 =	sadd.s32 $0x9A400, s13  }
0x10: {  	s0 =	sadd.s32 s4, s14;
	s1 =	sadd.s32 s8, s1;
	[dreg:$0x7] =	wrdreg s20  }
0x11: {  	s6 =	sshll.u32 s6, $0xC;
	[dreg:$0x12] =	wrdreg s0;
	s21 =	sadd.s32 $0x154A00, s1  }
0x12: {  	s7 =	ssub.s32 $0x2, s7;
	s23 =	sadd.s32 $0x156E00, s1;
	[dreg:$0x8] =	wrdreg s21  }
0x13: {  	v2 =	vmov s16;
	s16 =	simm.s32 $0x8;
	s24 =	sadd.s32 $0x159200, s1;
	[dreg:$0x9] =	wrdreg s23  }
0x14: {  	s22 =	sshrl.u32 s7, $0x1;
	s25 =	sadd.s32 $0x15B600, s1;
	[dreg:$0xa] =	wrdreg s24  }
0x15: {  	s7 =	ssub.s32 s7, s22;
	s26 =	sadd.s32 $0x15DA00, s1;
	[dreg:$0xb] =	wrdreg s25  }
0x16: {  	s10 =	simm.s32 $0x2;
	s11 =	sadd.s32 $0x15FE00, s1;
	[dreg:$0xc] =	wrdreg s26  }
0x17: {  	s9 =	simm.s32 $0x1;
	s13 =	sadd.s32 $0x162200, s1;
	[dreg:$0xe] =	wrdreg s11  }
0x18: {  	s4 =	simm.s32 $0x20;
	s15 =	sadd.s32 $0x164600, s1;
	[dreg:$0xf] =	wrdreg s13  }
0x19: {  	v0 =	vimm.f32 $3.000000120e-01;
	s14 =	simm.s32 $0x6;
	s17 =	sadd.s32 $0x166A00, s1;
	[dreg:$0x10] =	wrdreg s15  }
0x1a: {  	(erf) = vrcp.f32 v0;
	s20 =	sadd.s32 s5, s6;
	s18 =	sadd.s32 $0x168E00, s1;
	[dreg:$0x11] =	wrdreg s17  }
0x1b: {  	s5 =	simm.s32 $0x2BD0;
	s19 =	sadd.s32 $0x16B200, s1;
	[dreg:$0x13] =	wrdreg s18  }
0x1c: {  	s6 =	simm.s32 $0x4FD0;
	s22 =	sadd.s32 $0x16FA00, s1;
	[dreg:$0x14] =	wrdreg s19  }
0x1d: {  	s8 =	simm.s32 $0x97D0;
	s0 =	sadd.s32 s12, s20;
	[dreg:$0x16] =	wrdreg s22  }
0x1e: {  	v0 =	vlaneseq.u32;
	s12 =	simm.s32 $0x5;
	s21 =	sadd.s32 $0x16D600, s1;
	[dreg:$0x17] =	wrdreg s0  }
0x1f: {  	v1 =	vmul.u32 $0x8, v0;
	s23 =	sadd.s32 $0x171E00, s1;
	s24 =	sadd.s32 $0x174200, s1;
	[dreg:$0x15] =	wrdreg s21  }
0x20: {  	s25 =	sadd.s32 $0x176600, s1;
	s26 =	smax.u32 s7, $0x1;
	[dreg:$0x18] =	wrdreg s23  }
0x21: {  	v5 =	vmul.u32 $0x100, v0;
	v12 =	vmul.u32 $0x20, v0;
	v3 =	vor.u32 $0x1, v1;
	s1 =	simm.s32 $0x19D0;
	s7 =	simm.s32 $0x73D0;
	[dreg:$0x19] =	wrdreg s24  }
0x22: {  	v4 =	vor.u32 $0x2, v1;
	v6 =	vor.u32 $0x80, v1;
	v7 =	vor.u32 $0x81, v1;
	s11 =	simm.s32 $0x3;
	s13 =	simm.s32 $0x4;
	[dreg:$0x1a] =	wrdreg s25  }
0x23: {  	v8 =	vor.u32 $0x82, v1;
	v10 =	vor.u32 $0x1, v5;
	v11 =	vor.u32 $0x2, v5;
	s15 =	simm.s32 $0x7;
	s17 =	simm.s32 $0x0;
	[dreg:$0x1b] =	wrdreg s26;
	v9 =	vpop (erf)  }
.LBB2_1:
0x24: {  	s0 =	rddreg [dreg:$0xd]  }
0x25: {  	[tilespmem:s2], [sflag:$0x9] =	stream.linear.gather [hbm4b:s0+s2], $0x800, $0x38;
	[tilespmem:$0xBBD0] =	vst v63  }
0x26: {  	_ =	swait.ge [sflag:s28], $0x800  }
0x27: {  	[sflag:s28] =	ssyncset.done $0x0  }
0x28: {  	s22 =	rddreg [dreg:$0x5];
	[sflag:s28] =	ssyncadd.s32 $0xFFFFF800  }
0x29: {  	[tilespmem:s29], [sflag:$0x9] =	stream.linear.gather [hbm4b:s22+s2], $0x800, $0x38;
	[tilespmem:$0xBBD0] =	vst v63  }
0x2a: {  	_ =	swait.ge [sflag:s28], $0x800  }
0x2b: {  	[sflag:s28] =	ssyncset.done $0x0  }
0x2c: {  	s23 =	rddreg [dreg:$0x6];
	[sflag:s28] =	ssyncadd.s32 $0xFFFFF800  }
0x2d: {  	[tilespmem:s30], [sflag:$0x9] =	stream.linear.gather [hbm4b:s23+s2], $0x800, $0x38;
	[tilespmem:$0xBBD0] =	vst v63  }
0x2e: {  	_ =	swait.ge [sflag:s28], $0x800  }
0x2f: {  	[sflag:s28] =	ssyncset.done $0x0  }
0x30: {  	s18 =	simm.s32 $0x1800;
	s24 =	rddreg [dreg:$0x12];
	[sflag:s28] =	ssyncadd.s32 $0xFFFFF800  }
0x31: {  	[tilespmem:s18], [sflag:$0x9] =	stream.linear.gather [hbm4b:s24+s2], $0x20, $0x38;
	[tilespmem:$0xBBD0] =	vst v63  }
0x32: {  	_ =	swait.ge [sflag:s28], $0x20  }
0x33: {  	[sflag:s28] =	ssyncset.done $0x0  }
0x34: {  	[sflag:s28] =	ssyncadd.s32 $0xFFFFFFE0  }
0x35: {  	v13 =	vld [tilespmem:$0x1800];
	_ =	sdelay $0x7  }
0x36: {  	v14 =	vld.idx.msk [tilespmem:v13+s2+$0x0], $0xffff  }
0x37: {  	v15 =	vld.idx.msk [tilespmem:v13+s29+$0x0], $0xffff  }
0x38: {  	v13 =	vld.idx.msk [tilespmem:v13+s30+$0x0], $0xffff;
	_ =	sdelay $0x2  }
0x39: {  	[tilespmem:$0x1820] =	vst v14  }
0x3a: {  	[tilespmem:$0x1850] =	vst v15  }
0x3b: {  	s25 =	simm.s32 $0x18B0;
	[tilespmem:$0x1880] =	vst v13  }
0x3c: {  	[tilespmem:v1+s25+$0x0] =	vst.idx.msk $0xffff, v14  }
0x3d: {  	[tilespmem:v3+s25+$0x0] =	vst.idx.msk $0xffff, v15  }
0x3e: {  	[tilespmem:v4+s25+$0x0] =	vst.idx.msk $0xffff, v13  }
0x3f: {  	v13 =	vld [tilespmem:$0x1810];
	_ =	sdelay $0x7  }
0x40: {  	v14 =	vld.idx.msk [tilespmem:v13+s2+$0x0], $0xffff  }
0x41: {  	v15 =	vld.idx.msk [tilespmem:v13+s29+$0x0], $0xffff  }
0x42: {  	v13 =	vld.idx.msk [tilespmem:v13+s30+$0x0], $0xffff;
	_ =	sdelay $0x2  }
0x43: {  	[tilespmem:$0x1830] =	vst v14  }
0x44: {  	[tilespmem:$0x1860] =	vst v15  }
0x45: {  	[tilespmem:$0x1890] =	vst v13  }
0x46: {  	[tilespmem:v6+s25+$0x0] =	vst.idx.msk $0xffff, v14  }
0x47: {  	[tilespmem:v7+s25+$0x0] =	vst.idx.msk $0xffff, v15  }
0x48: {  	s26 =	rddreg [dreg:$0x7];
	[tilespmem:v8+s25+$0x0] =	vst.idx.msk $0xffff, v13  }
0x49: {  	[hbm4b:s26+s2] =	stream.linear.scatter [tilespmem:s25], [sflag:$0x9], $0x100, $0x38;
	[tilespmem:$0xBBD0] =	vst v63  }
0x4a: {  	_ =	swait.ge [sflag:s28], $0x100  }
0x4b: {  	[sflag:s28] =	ssyncset.done $0x0  }
0x4c: {  	s18 =	simm.s32 $0x0;
	[sflag:s28] =	ssyncadd.s32 $0xFFFFFF00  }
.LBB2_2:
0x4d: {  	v14 =	vld.msk [tilespmem:s18+$0x1820 ss:$0x0], $0xffff  }
0x4e: {  	v13 =	vld.msk [tilespmem:s18+$0x1850 ss:$0x0], $0xffff;
	s19 =	simm.s32 $0x820  }
0x4f: {  	s20 =	simm.s32 $0x20;
	v16 =	vld [tilespmem:s19+$0xFFFFFFE0]  }
0x50: {  	v17 =	vld [tilespmem:s20+$0xFFFFFFE0]  }
0x51: {  	v15 =	vld.msk [tilespmem:s18+$0x1880 ss:$0x0], $0xffff;
	s21 =	simm.s32 $0x1020  }
0x52: {  	v18 =	vld [tilespmem:s21+$0xFFFFFFE0];
	_ =	sdelay $0x2  }
0x53: {  	v16 =	vsub.f32 v16, v13;
	v17 =	vsub.f32 v17, v14;
	_ =	sdelay $0x1  }
0x54: {  	v18 =	vsub.f32 v18, v15;
	v16 =	vmul.f32 v16, v16;
	v17 =	vmul.f32 v17, v17;
	_ =	sdelay $0x1  }
0x55: {  	v16 =	vadd.f32 v16, v17;
	v17 =	vmul.f32 v18, v18;
	_ =	sdelay $0x1  }
0x56: {  	v16 =	vadd.f32 v17, v16;
	_ =	sdelay $0x1  }
0x57: {  	vm0 =	vlt.f32 v16, $9.000000350e-02  }
0x58: {  	v16 =	vmpcnt.ones.xlane vm0;
	_ =	sdelay $0x1  }
0x59: {  	(v2sf) =	vpush v16, $0x0  }
0x5a: {  	s22 =	simm.s32 $0x0;
	p0 =	por $0x1, $0x1  }
0x5b: {  	v16 =	vor.u32 s22, v0;
	s22 =	simm.s32 @!p0 $0x10  }
0x5c: {  	[tilespmem:s22+$0x19B0] =	vst.msk vm0, v16  }
0x5d: {  	v16 =	vld [tilespmem:s20+$0xFFFFFFF0]  }
0x5e: {  	v17 =	vld [tilespmem:s19+$0xFFFFFFF0];
	_ =	sdelay $0x1  }
0x5f: {  	v18 =	vld [tilespmem:s21+$0xFFFFFFF0];
	_ =	sdelay $0x2  }
0x60: {  	v16 =	vsub.f32 v16, v14;
	v17 =	vsub.f32 v17, v13;
	_ =	sdelay $0x1  }
0x61: {  	v18 =	vsub.f32 v18, v15;
	v16 =	vmul.f32 v16, v16;
	v17 =	vmul.f32 v17, v17;
	_ =	sdelay $0x1  }
0x62: {  	v16 =	vadd.f32 v17, v16;
	v17 =	vmul.f32 v18, v18  }
0x63: {  	s25 =	spop (v2sf)  }
0x64: {  	v16 =	vadd.f32 v17, v16;
	s22 =	sadd.s32 $0x0, s25  }
0x65: {  	s23 =	simm.s32 $0x10;
	p0 =	slt.s32 s22, $0x10;
	s24 =	smov.u32 s22  }
0x66: {  	vm13 =	vlt.f32 v16, $9.000000350e-02;
	v16 =	vor.u32 s23, v0;
	s24 =	simm.s32 @!p0 $0x10  }
0x67: {  	v17 =	vmpcnt.ones.xlane vm13;
	[tilespmem:s24+$0x19B0] =	vst.msk vm13, v16  }
0x68: {  	v16 =	vld [tilespmem:s20+$0x0]  }
0x69: {  	(v2sf) =	vpush v17, $0x0;
	v17 =	vld [tilespmem:s19+$0x0];
	_ =	sdelay $0x1  }
0x6a: {  	v18 =	vld [tilespmem:s21+$0x0];
	_ =	sdelay $0x2  }
0x6b: {  	v16 =	vsub.f32 v16, v14;
	v17 =	vsub.f32 v17, v13;
	_ =	sdelay $0x1  }
0x6c: {  	v18 =	vsub.f32 v18, v15;
	v16 =	vmul.f32 v16, v16;
	v17 =	vmul.f32 v17, v17;
	_ =	sdelay $0x1  }
0x6d: {  	v16 =	vadd.f32 v17, v16;
	v17 =	vmul.f32 v18, v18;
	_ =	sdelay $0x1  }
0x6e: {  	v16 =	vadd.f32 v17, v16;
	_ =	sdelay $0x1  }
0x6f: {  	vm14 =	vlt.f32 v16, $9.000000350e-02  }
0x70: {  	v16 =	vmpcnt.ones.xlane vm14  }
0x71: {  	s26 =	spop (v2sf)  }
0x72: {  	s22 =	sadd.s32 s22, s26;
	(v2sf) =	vpush v16, $0x0  }
0x73: {  	s0 =	simm.s32 $0x20;
	p0 =	slt.s32 s22, $0x10;
	s24 =	smov.u32 s22  }
0x74: {  	s24 =	simm.s32 @!p0 $0x10;
	v16 =	vor.u32 s0, v0  }
0x75: {  	[tilespmem:s24+$0x19B0] =	vst.msk vm14, v16  }
0x76: {  	v16 =	vld [tilespmem:s20+$0x10]  }
0x77: {  	v17 =	vld [tilespmem:s19+$0x10];
	_ =	sdelay $0x1  }
0x78: {  	v18 =	vld [tilespmem:s21+$0x10];
	_ =	sdelay $0x2  }
0x79: {  	v16 =	vsub.f32 v16, v14;
	v17 =	vsub.f32 v17, v13;
	_ =	sdelay $0x1  }
0x7a: {  	v18 =	vsub.f32 v18, v15;
	v16 =	vmul.f32 v16, v16;
	v17 =	vmul.f32 v17, v17;
	_ =	sdelay $0x1  }
0x7b: {  	v16 =	vadd.f32 v17, v16;
	v17 =	vmul.f32 v18, v18  }
0x7c: {  	s25 =	spop (v2sf)  }
0x7d: {  	v16 =	vadd.f32 v17, v16;
	s25 =	sadd.s32 s22, s25  }
0x7e: {  	s26 =	simm.s32 $0x30;
	p0 =	slt.s32 s25, $0x10;
	s21 =	smov.u32 s25  }
0x7f: {  	vm15 =	vlt.f32 v16, $9.000000350e-02;
	v16 =	vor.u32 s26, v0;
	s21 =	simm.s32 @!p0 $0x10  }
0x80: {  	s20 =	simm.s32 $0x860;
	[tilespmem:s21+$0x19B0] =	vst.msk vm15, v16  }
0x81: {  	v18 =	vmpcnt.ones.xlane vm15;
	v16 =	vld [tilespmem:s20+$0xFFFFFFE0];
	_ =	sdelay $0x1  }
0x82: {  	(v2sf) =	vpush v18, $0x0;
	s21 =	simm.s32 $0x60  }
0x83: {  	v17 =	vld [tilespmem:s21+$0xFFFFFFE0]  }
0x84: {  	s22 =	simm.s32 $0x1060  }
0x85: {  	v19 =	vsub.f32 v16, v13;
	v16 =	vld [tilespmem:s22+$0xFFFFFFE0];
	_ =	sdelay $0x2  }
0x86: {  	v18 =	vsub.f32 v17, v14  }
0x87: {  	s23 =	simm.s32 $0x80;
	s19 =	simm.s32 $0x40;
	v17 =	vmul.f32 v19, v19  }
.LBB2_3:
0x88: {  	p0 =	sne.s32 s23, $0x7C0;
	v16 =	vsub.f32 v16, v15;
	v18 =	vmul.f32 v18, v18;
	s24 =	smov.u32 s23;
	s23 =	sadd.s32 $0x40, s23  }
0x89: {  	_ = 	snop  }
0x8a: {  	v17 =	vadd.f32 v17, v18;
	v16 =	vmul.f32 v16, v16;
	_ =	sdelay $0x1  }
0x8b: {  	v16 =	vadd.f32 v16, v17;
	_ =	sdelay $0x1  }
0x8c: {  	vm0 =	vlt.f32 v16, $9.000000350e-02  }
0x8d: {  	v16 =	vmpcnt.ones.xlane vm0;
	s26 =	spop (v2sf)  }
0x8e: {  	s25 =	sadd.s32 s25, s26  }
0x8f: {  	p1 =	slt.s32 s25, $0x10;
	(v2sf) =	vpush v16, $0x0;
	s26 =	smov.u32 s25  }
0x90: {  	v16 =	vor.u32 s19, v0;
	s26 =	simm.s32 @!p1 $0x10  }
0x91: {  	[tilespmem:s26+$0x19B0] =	vst.msk vm0, v16  }
0x92: {  	v16 =	vld [tilespmem:s21+$0xFFFFFFF0]  }
0x93: {  	v17 =	vld [tilespmem:s20+$0xFFFFFFF0];
	_ =	sdelay $0x1  }
0x94: {  	v18 =	vld [tilespmem:s22+$0xFFFFFFF0];
	_ =	sdelay $0x1  }
0x95: {  	v16 =	vsub.f32 v16, v14  }
0x96: {  	v17 =	vsub.f32 v17, v13;
	_ =	sdelay $0x1  }
0x97: {  	v16 =	vmul.f32 v16, v16;
	v18 =	vsub.f32 v18, v15;
	v17 =	vmul.f32 v17, v17;
	_ =	sdelay $0x1  }
0x98: {  	v16 =	vadd.f32 v17, v16;
	v17 =	vmul.f32 v18, v18;
	_ =	sdelay $0x1  }
0x99: {  	v16 =	vadd.f32 v17, v16;
	s26 =	spop (v2sf)  }
0x9a: {  	s0 =	sadd.s32 s25, s26  }
0x9b: {  	s26 =	sadd.s32 $0x10, s19;
	vm0 =	vlt.f32 v16, $9.000000350e-02;
	p1 =	slt.s32 s0, $0x10;
	s25 =	smov.u32 s0  }
0x9c: {  	v17 =	vor.u32 s26, v0;
	v16 =	vmpcnt.ones.xlane vm0;
	s25 =	simm.s32 @!p1 $0x10  }
0x9d: {  	[tilespmem:s25+$0x19B0] =	vst.msk vm0, v17  }
0x9e: {  	v17 =	vld [tilespmem:s21+$0x0];
	(v2sf) =	vpush v16, $0x0  }
0x9f: {  	v16 =	vld [tilespmem:s20+$0x0];
	_ =	sdelay $0x1  }
0xa0: {  	v18 =	vld [tilespmem:s22+$0x0];
	_ =	sdelay $0x1  }
0xa1: {  	v17 =	vsub.f32 v17, v14  }
0xa2: {  	v16 =	vsub.f32 v16, v13  }
0xa3: {  	v17 =	vmul.f32 v17, v17  }
0xa4: {  	v18 =	vsub.f32 v18, v15;
	v16 =	vmul.f32 v16, v16;
	_ =	sdelay $0x1  }
0xa5: {  	v16 =	vadd.f32 v16, v17;
	v17 =	vmul.f32 v18, v18;
	_ =	sdelay $0x1  }
0xa6: {  	v16 =	vadd.f32 v17, v16;
	_ =	sdelay $0x1  }
0xa7: {  	vm0 =	vlt.f32 v16, $9.000000350e-02  }
0xa8: {  	v16 =	vmpcnt.ones.xlane vm0;
	s25 =	spop (v2sf)  }
0xa9: {  	s0 =	sadd.s32 s0, s25  }
0xaa: {  	s25 =	sadd.s32 $0x20, s19;
	p1 =	slt.s32 s0, $0x10;
	(v2sf) =	vpush v16, $0x0;
	s26 =	smov.u32 s0  }
0xab: {  	v16 =	vor.u32 s25, v0;
	s26 =	simm.s32 @!p1 $0x10  }
0xac: {  	[tilespmem:s26+$0x19B0] =	vst.msk vm0, v16  }
0xad: {  	v16 =	vld [tilespmem:s21+$0x10]  }
0xae: {  	v17 =	vld [tilespmem:s20+$0x10]  }
0xaf: {  	v18 =	vld [tilespmem:s22+$0x10];
	_ =	sdelay $0x2  }
0xb0: {  	v16 =	vsub.f32 v16, v14  }
0xb1: {  	v17 =	vsub.f32 v17, v13  }
0xb2: {  	v18 =	vsub.f32 v18, v15;
	v16 =	vmul.f32 v16, v16  }
0xb3: {  	v17 =	vmul.f32 v17, v17;
	_ =	sdelay $0x1  }
0xb4: {  	v16 =	vadd.f32 v17, v16;
	v17 =	vmul.f32 v18, v18;
	_ =	sdelay $0x1  }
0xb5: {  	v16 =	vadd.f32 v17, v16;
	s25 =	spop (v2sf)  }
0xb6: {  	s21 =	sadd.s32 $0x40, s21;
	s25 =	sadd.s32 s0, s25;
	s0 =	sadd.s32 $0x30, s19  }
0xb7: {  	s19 =	smov.u32 s24;
	vm0 =	vlt.f32 v16, $9.000000350e-02;
	p1 =	slt.s32 s25, $0x10;
	s24 =	smov.u32 s25  }
0xb8: {  	s20 =	sadd.s32 $0x40, s20;
	v17 =	vor.u32 s0, v0;
	v16 =	vmpcnt.ones.xlane vm0;
	s24 =	simm.s32 @!p1 $0x10  }
0xb9: {  	[tilespmem:s24+$0x19B0] =	vst.msk vm0, v17  }
0xba: {  	s22 =	sadd.s32 $0x40, s22;
	v17 =	vld [tilespmem:s20+$0xFFFFFFE0];
	(v2sf) =	vpush v16, $0x0  }
0xbb: {  	v18 =	vld [tilespmem:s21+$0xFFFFFFE0];
	_ =	sdelay $0x1  }
.Ltmp0:
0xbc: {  	v16 =	vld [tilespmem:s22+$0xFFFFFFE0];
	(pc) =	sbr.rel @p0 .LBB2_3-.Ltmp0, $4  }
0xbd: {  	_ = 	snop  }
0xbe: {  	v17 =	vsub.f32 v17, v13  }
0xbf: {  	v18 =	vsub.f32 v18, v14  }
0xc0: {  	v17 =	vmul.f32 v17, v17  }
0xc1: {  	_ =	sdelay $0x3  }
0xc2: {  	v16 =	vsub.f32 v16, v15;
	v18 =	vmul.f32 v18, v18;
	_ =	sdelay $0x1  }
0xc3: {  	v17 =	vadd.f32 v17, v18;
	v16 =	vmul.f32 v16, v16  }
0xc4: {  	s0 =	spop (v2sf)  }
0xc5: {  	v16 =	vadd.f32 v16, v17;
	s0 =	sadd.s32 s25, s0  }
0xc6: {  	p0 =	slt.s32 s0, $0x10;
	s23 =	smov.u32 s0  }
0xc7: {  	v43 =	vor.u32 s19, v0;
	vm0 =	vlt.f32 v16, $9.000000350e-02;
	s23 =	simm.s32 @!p0 $0x10  }
0xc8: {  	v44 =	vmpcnt.ones.xlane vm0;
	[tilespmem:s23+$0x19B0] =	vst.msk vm0, v43  }
0xc9: {  	v16 =	vld [tilespmem:s21+$0xFFFFFFF0]  }
0xca: {  	(v2sf) =	vpush v44, $0x0;
	v45 =	vld [tilespmem:s20+$0xFFFFFFF0];
	_ =	sdelay $0x1  }
0xcb: {  	v46 =	vld [tilespmem:s22+$0xFFFFFFF0];
	_ =	sdelay $0x2  }
0xcc: {  	v16 =	vsub.f32 v16, v14;
	v17 =	vsub.f32 v45, v13;
	_ =	sdelay $0x1  }
0xcd: {  	v18 =	vsub.f32 v46, v15;
	v16 =	vmul.f32 v16, v16;
	v17 =	vmul.f32 v17, v17;
	_ =	sdelay $0x1  }
0xce: {  	v47 =	vmul.f32 v18, v18;
	v16 =	vadd.f32 v17, v16;
	_ =	sdelay $0x1  }
0xcf: {  	v16 =	vadd.f32 v47, v16;
	_ =	sdelay $0x1  }
0xd0: {  	vm12 =	vlt.f32 v16, $9.000000350e-02  }
0xd1: {  	v16 =	vmpcnt.ones.xlane vm12  }
0xd2: {  	s25 =	spop (v2sf)  }
0xd3: {  	s0 =	sadd.s32 s0, s25;
	(v2sf) =	vpush v16, $0x0  }
0xd4: {  	s26 =	sadd.s32 $0x10, s19;
	p0 =	slt.s32 s0, $0x10;
	s24 =	smov.u32 s0  }
0xd5: {  	v48 =	vor.u32 s26, v0;
	s24 =	simm.s32 @!p0 $0x10  }
0xd6: {  	[tilespmem:s24+$0x19B0] =	vst.msk vm12, v48  }
0xd7: {  	v16 =	vld [tilespmem:s21+$0x0]  }
0xd8: {  	v49 =	vld [tilespmem:s20+$0x0];
	_ =	sdelay $0x1  }
0xd9: {  	v50 =	vld [tilespmem:s22+$0x0];
	_ =	sdelay $0x2  }
0xda: {  	v16 =	vsub.f32 v16, v14;
	v17 =	vsub.f32 v49, v13;
	_ =	sdelay $0x1  }
0xdb: {  	v18 =	vsub.f32 v50, v15;
	v16 =	vmul.f32 v16, v16;
	v17 =	vmul.f32 v17, v17;
	_ =	sdelay $0x1  }
0xdc: {  	v51 =	vmul.f32 v18, v18;
	v16 =	vadd.f32 v17, v16  }
0xdd: {  	s25 =	spop (v2sf)  }
0xde: {  	v16 =	vadd.f32 v51, v16;
	s0 =	sadd.s32 s0, s25  }
0xdf: {  	s26 =	sadd.s32 $0x20, s19;
	p0 =	slt.s32 s0, $0x10;
	s24 =	smov.u32 s0  }
0xe0: {  	v52 =	vor.u32 s26, v0;
	vm13 =	vlt.f32 v16, $9.000000350e-02;
	s24 =	simm.s32 @!p0 $0x10  }
0xe1: {  	[tilespmem:s24+$0x19B0] =	vst.msk vm13, v52  }
0xe2: {  	v16 =	vld [tilespmem:s21+$0x10]  }
0xe3: {  	v53 =	vld [tilespmem:s20+$0x10];
	_ =	sdelay $0x1  }
0xe4: {  	v54 =	vld [tilespmem:s22+$0x10];
	_ =	sdelay $0x2  }
0xe5: {  	v16 =	vsub.f32 v16, v14;
	v17 =	vsub.f32 v53, v13;
	_ =	sdelay $0x1  }
0xe6: {  	v18 =	vsub.f32 v54, v15;
	v16 =	vmul.f32 v16, v16;
	v17 =	vmul.f32 v17, v17  }
0xe7: {  	v19 =	vmpcnt.ones.xlane vm13  }
0xe8: {  	v55 =	vmul.f32 v18, v18;
	v16 =	vadd.f32 v17, v16  }
0xe9: {  	(v2sf) =	vpush v19, $0x0  }
0xea: {  	v16 =	vadd.f32 v55, v16;
	_ =	sdelay $0x1  }
0xeb: {  	vm14 =	vlt.f32 v16, $9.000000350e-02  }
0xec: {  	v16 =	vmpcnt.ones.xlane vm14;
	_ =	sdelay $0x1  }
0xed: {  	(v2sf) =	vpush v16, $0x0;
	_ =	sdelay $0x8  }
0xee: {  	s24 =	spop (v2sf)  }
0xef: {  	s0 =	sadd.s32 s0, s24  }
0xf0: {  	s25 =	sadd.s32 $0x30, s19;
	p0 =	slt.s32 s0, $0x10;
	s20 =	smov.u32 s0  }
0xf1: {  	v56 =	vor.u32 s25, v0;
	s20 =	simm.s32 @!p0 $0x10  }
0xf2: {  	[tilespmem:s20+$0x19B0] =	vst.msk vm14, v56  }
0xf3: {  	v16 =	vld [tilespmem:$0x19B0]  }
0xf4: {  	s26 =	spop (v2sf)  }
0xf5: {  	s0 =	sadd.s32 s0, s26  }
0xf6: {  	p0 =	slt.s32 s0, $0x10  }
0xf7: {  	s0 =	simm.s32 @!p0 $0x10  }
0xf8: {  	v57 =	vbroadcast v16, $0x0;
	v58 =	vmov s0  }
0xf9: {  	vm15 =	vgt.s32 v58, v0  }
0xfa: {  	v16 =	vsel vm15, v16, v57;
	_ =	sdelay $0x4  }
0xfb: {  	v17 =	vld.idx.msk [tilespmem:v16+s2+$0x0], $0xffff  }
0xfc: {  	v59 =	vld.idx.msk [tilespmem:v16+s29+$0x0], $0xffff  }
0xfd: {  	v20 =	vmov s18;
	v60 =	vld.idx.msk [tilespmem:v16+s30+$0x0], $0xffff  }
0xfe: {  	v20 =	vshll.u32 v20, $0x3  }
0xff: {  	v21 =	vor.u32 v5, v20  }
0x100: {  	v61 =	vor.u32 v10, v20;
	v14 =	vsub.f32 v17, v14  }
0x101: {  	v63 =	vor.u32 s18, v12;
	s18 =	sadd.s32 $0x1, s18;
	v62 =	vor.u32 v11, v20;
	v13 =	vsub.f32 v59, v13  }
0x102: {  	p0 =	sne.s32 s18, $0x20;
	v15 =	vsub.f32 v60, v15;
	v14 =	vmul.f32 v14, v9  }
.Ltmp1:
0x103: {  	v13 =	vmul.f32 v13, v9;
	(pc) =	sbr.rel @p0 .LBB2_2-.Ltmp1, $4  }
0x104: {  	[tilespmem:v21+s1+$0x0] =	vst.idx.msk $0xffff, v14;
	v14 =	vmul.f32 v15, v9  }
0x105: {  	[tilespmem:v61+s1+$0x0] =	vst.idx.msk $0xffff, v13  }
0x106: {  	v13 =	vadd.s32 v2, v16;
	[tilespmem:v62+s1+$0x0] =	vst.idx.msk $0xffff, v14  }
0x107: {  	[tilespmem:v63+s31+$0x0] =	vst.idx.msk $0xffff, v13  }
0x108: {  	s0 =	rddreg [dreg:$0x17];
	s18 =	simm.s32 $0x100  }
0x109: {  	[hbm4b:s0+s18] =	stream.strided.scatter [tilespmem:s1], [sflag:$0x9], $0x1000, s29, s18, $0x38;
	[tilespmem:$0xBBD0] =	vst v63  }
0x10a: {  	_ =	swait.ge [sflag:s28], $0x1000  }
0x10b: {  	[sflag:s28] =	ssyncset.done $0x0  }
0x10c: {  	[sflag:s28] =	ssyncadd.s32 $0xFFFFF000  }
0x10d: {  	[tilespmem:s5], [sflag:$0x1] =	stream.indirect.gather [hbm4b:s3+s4], $0x120, s31, s4, $0xb8;
	[tilespmem:$0xBBD0] =	vst v63  }
0x10e: {  	s22 =	simm.s32 $0x29F0  }
0x10f: {  	[tilespmem:s6], [sflag:$0x2] =	stream.indirect.gather [hbm4b:s3+s4], $0x120, s22, s4, $0xb8;
	[tilespmem:$0xBBD0] =	vst v63  }
0x110: {  	s23 =	simm.s32 $0x2A10  }
0x111: {  	[tilespmem:s7], [sflag:$0x3] =	stream.indirect.gather [hbm4b:s3+s4], $0x120, s23, s4, $0xb8;
	[tilespmem:$0xBBD0] =	vst v63  }
0x112: {  	s24 =	simm.s32 $0x2A30  }
0x113: {  	[tilespmem:s8], [sflag:$0x4] =	stream.indirect.gather [hbm4b:s3+s4], $0x120, s24, s4, $0xb8;
	[tilespmem:$0xBBD0] =	vst v63  }
0x114: {  	_ =	swait.ge [sflag:s9], $0x2400  }
0x115: {  	[sflag:s9] =	ssyncset.done $0x0  }
0x116: {  	s25 =	rddreg [dreg:$0x8];
	[sflag:s9] =	ssyncadd.s32 $0xFFFFDC00  }
0x117: {  	[hbm4b:s25+s2] =	stream.linear.scatter [tilespmem:s5], [sflag:$0x5], $0x2400, $0x38;
	[tilespmem:$0xBBD0] =	vst v63  }
0x118: {  	_ =	swait.ge [sflag:s10], $0x2400  }
0x119: {  	[sflag:s10] =	ssyncset.done $0x0  }
0x11a: {  	s26 =	rddreg [dreg:$0x9];
	[sflag:s10] =	ssyncadd.s32 $0xFFFFDC00  }
0x11b: {  	[hbm4b:s26+s2] =	stream.linear.scatter [tilespmem:s6], [sflag:$0x6], $0x2400, $0x38;
	[tilespmem:$0xBBD0] =	vst v63  }
0x11c: {  	_ =	swait.ge [sflag:s11], $0x2400  }
0x11d: {  	[sflag:s11] =	ssyncset.done $0x0  }
0x11e: {  	s18 =	rddreg [dreg:$0xa];
	[sflag:s11] =	ssyncadd.s32 $0xFFFFDC00  }
0x11f: {  	[hbm4b:s18+s2] =	stream.linear.scatter [tilespmem:s7], [sflag:$0x7], $0x2400, $0x38;
	[tilespmem:$0xBBD0] =	vst v63  }
0x120: {  	_ =	swait.ge [sflag:s12], $0x2400  }
0x121: {  	[sflag:s12] =	ssyncset.done $0x0  }
0x122: {  	s19 =	simm.s32 $0x2A50;
	[sflag:s12] =	ssyncadd.s32 $0xFFFFDC00  }
0x123: {  	[tilespmem:s5], [sflag:$0x1] =	stream.indirect.gather [hbm4b:s3+s4], $0x120, s19, s4, $0xb8;
	[tilespmem:$0xBBD0] =	vst v63  }
0x124: {  	_ =	swait.ge [sflag:s13], $0x2400  }
0x125: {  	[sflag:s13] =	ssyncset.done $0x0  }
0x126: {  	s20 =	rddreg [dreg:$0xb];
	[sflag:s13] =	ssyncadd.s32 $0xFFFFDC00  }
0x127: {  	[hbm4b:s20+s2] =	stream.linear.scatter [tilespmem:s8], [sflag:$0x8], $0x2400, $0x38;
	[tilespmem:$0xBBD0] =	vst v63  }
0x128: {  	_ =	swait.ge [sflag:s14], $0x2400  }
0x129: {  	[sflag:s14] =	ssyncset.done $0x0  }
0x12a: {  	s21 =	simm.s32 $0x2A70;
	[sflag:s14] =	ssyncadd.s32 $0xFFFFDC00  }
0x12b: {  	[tilespmem:s6], [sflag:$0x2] =	stream.indirect.gather [hbm4b:s3+s4], $0x120, s21, s4, $0xb8;
	[tilespmem:$0xBBD0] =	vst v63  }
0x12c: {  	_ =	swait.ge [sflag:s9], $0x2400  }
0x12d: {  	[sflag:s9] =	ssyncset.done $0x0  }
0x12e: {  	s22 =	rddreg [dreg:$0xc];
	[sflag:s9] =	ssyncadd.s32 $0xFFFFDC00  }
0x12f: {  	[hbm4b:s22+s2] =	stream.linear.scatter [tilespmem:s5], [sflag:$0x5], $0x2400, $0x38;
	[tilespmem:$0xBBD0] =	vst v63  }
0x130: {  	_ =	swait.ge [sflag:s15], $0x2400  }
0x131: {  	[sflag:s15] =	ssyncset.done $0x0  }
0x132: {  	s23 =	simm.s32 $0x2A90;
	[sflag:s15] =	ssyncadd.s32 $0xFFFFDC00  }
0x133: {  	[tilespmem:s7], [sflag:$0x3] =	stream.indirect.gather [hbm4b:s3+s4], $0x120, s23, s4, $0xb8;
	[tilespmem:$0xBBD0] =	vst v63  }
0x134: {  	_ =	swait.ge [sflag:s10], $0x2400  }
0x135: {  	[sflag:s10] =	ssyncset.done $0x0  }
0x136: {  	s24 =	rddreg [dreg:$0xe];
	[sflag:s10] =	ssyncadd.s32 $0xFFFFDC00  }
0x137: {  	[hbm4b:s24+s2] =	stream.linear.scatter [tilespmem:s6], [sflag:$0x6], $0x2400, $0x38;
	[tilespmem:$0xBBD0] =	vst v63  }
0x138: {  	_ =	swait.ge [sflag:s16], $0x2400  }
0x139: {  	[sflag:s16] =	ssyncset.done $0x0  }
0x13a: {  	s25 =	simm.s32 $0x2AB0;
	[sflag:s16] =	ssyncadd.s32 $0xFFFFDC00  }
0x13b: {  	[tilespmem:s8], [sflag:$0x4] =	stream.indirect.gather [hbm4b:s3+s4], $0x120, s25, s4, $0xb8;
	[tilespmem:$0xBBD0] =	vst v63  }
0x13c: {  	_ =	swait.ge [sflag:s11], $0x2400  }
0x13d: {  	[sflag:s11] =	ssyncset.done $0x0  }
0x13e: {  	s26 =	rddreg [dreg:$0xf];
	[sflag:s11] =	ssyncadd.s32 $0xFFFFDC00  }
0x13f: {  	[hbm4b:s26+s2] =	stream.linear.scatter [tilespmem:s7], [sflag:$0x7], $0x2400, $0x38;
	[tilespmem:$0xBBD0] =	vst v63  }
0x140: {  	_ =	swait.ge [sflag:s12], $0x2400  }
0x141: {  	[sflag:s12] =	ssyncset.done $0x0  }
0x142: {  	s18 =	simm.s32 $0x2AD0;
	[sflag:s12] =	ssyncadd.s32 $0xFFFFDC00  }
0x143: {  	[tilespmem:s5], [sflag:$0x1] =	stream.indirect.gather [hbm4b:s3+s4], $0x120, s18, s4, $0xb8;
	[tilespmem:$0xBBD0] =	vst v63  }
0x144: {  	_ =	swait.ge [sflag:s13], $0x2400  }
0x145: {  	[sflag:s13] =	ssyncset.done $0x0  }
0x146: {  	s19 =	rddreg [dreg:$0x10];
	[sflag:s13] =	ssyncadd.s32 $0xFFFFDC00  }
0x147: {  	[hbm4b:s19+s2] =	stream.linear.scatter [tilespmem:s8], [sflag:$0x8], $0x2400, $0x38;
	[tilespmem:$0xBBD0] =	vst v63  }
0x148: {  	_ =	swait.ge [sflag:s14], $0x2400  }
0x149: {  	[sflag:s14] =	ssyncset.done $0x0  }
0x14a: {  	s20 =	simm.s32 $0x2AF0;
	[sflag:s14] =	ssyncadd.s32 $0xFFFFDC00  }
0x14b: {  	[tilespmem:s6], [sflag:$0x2] =	stream.indirect.gather [hbm4b:s3+s4], $0x120, s20, s4, $0xb8;
	[tilespmem:$0xBBD0] =	vst v63  }
0x14c: {  	_ =	swait.ge [sflag:s9], $0x2400  }
0x14d: {  	[sflag:s9] =	ssyncset.done $0x0  }
0x14e: {  	s21 =	rddreg [dreg:$0x11];
	[sflag:s9] =	ssyncadd.s32 $0xFFFFDC00  }
0x14f: {  	[hbm4b:s21+s2] =	stream.linear.scatter [tilespmem:s5], [sflag:$0x5], $0x2400, $0x38;
	[tilespmem:$0xBBD0] =	vst v63  }
0x150: {  	_ =	swait.ge [sflag:s15], $0x2400  }
0x151: {  	[sflag:s15] =	ssyncset.done $0x0  }
0x152: {  	s22 =	simm.s32 $0x2B10;
	[sflag:s15] =	ssyncadd.s32 $0xFFFFDC00  }
0x153: {  	[tilespmem:s7], [sflag:$0x3] =	stream.indirect.gather [hbm4b:s3+s4], $0x120, s22, s4, $0xb8;
	[tilespmem:$0xBBD0] =	vst v63  }
0x154: {  	_ =	swait.ge [sflag:s10], $0x2400  }
0x155: {  	[sflag:s10] =	ssyncset.done $0x0  }
0x156: {  	s23 =	rddreg [dreg:$0x13];
	[sflag:s10] =	ssyncadd.s32 $0xFFFFDC00  }
0x157: {  	[hbm4b:s23+s2] =	stream.linear.scatter [tilespmem:s6], [sflag:$0x6], $0x2400, $0x38;
	[tilespmem:$0xBBD0] =	vst v63  }
0x158: {  	_ =	swait.ge [sflag:s16], $0x2400  }
0x159: {  	[sflag:s16] =	ssyncset.done $0x0  }
0x15a: {  	s24 =	simm.s32 $0x2B30;
	[sflag:s16] =	ssyncadd.s32 $0xFFFFDC00  }
0x15b: {  	[tilespmem:s8], [sflag:$0x4] =	stream.indirect.gather [hbm4b:s3+s4], $0x120, s24, s4, $0xb8;
	[tilespmem:$0xBBD0] =	vst v63  }
0x15c: {  	_ =	swait.ge [sflag:s11], $0x2400  }
0x15d: {  	[sflag:s11] =	ssyncset.done $0x0  }
0x15e: {  	s25 =	rddreg [dreg:$0x14];
	[sflag:s11] =	ssyncadd.s32 $0xFFFFDC00  }
0x15f: {  	[hbm4b:s25+s2] =	stream.linear.scatter [tilespmem:s7], [sflag:$0x7], $0x2400, $0x38;
	[tilespmem:$0xBBD0] =	vst v63  }
0x160: {  	_ =	swait.ge [sflag:s12], $0x2400  }
0x161: {  	[sflag:s12] =	ssyncset.done $0x0  }
0x162: {  	s26 =	simm.s32 $0x2B50;
	[sflag:s12] =	ssyncadd.s32 $0xFFFFDC00  }
0x163: {  	[tilespmem:s5], [sflag:$0x1] =	stream.indirect.gather [hbm4b:s3+s4], $0x120, s26, s4, $0xb8;
	[tilespmem:$0xBBD0] =	vst v63  }
0x164: {  	_ =	swait.ge [sflag:s13], $0x2400  }
0x165: {  	[sflag:s13] =	ssyncset.done $0x0  }
0x166: {  	s18 =	rddreg [dreg:$0x15];
	[sflag:s13] =	ssyncadd.s32 $0xFFFFDC00  }
0x167: {  	[hbm4b:s18+s2] =	stream.linear.scatter [tilespmem:s8], [sflag:$0x8], $0x2400, $0x38;
	[tilespmem:$0xBBD0] =	vst v63  }
0x168: {  	_ =	swait.ge [sflag:s14], $0x2400  }
0x169: {  	[sflag:s14] =	ssyncset.done $0x0  }
0x16a: {  	s19 =	simm.s32 $0x2B70;
	[sflag:s14] =	ssyncadd.s32 $0xFFFFDC00  }
0x16b: {  	[tilespmem:s6], [sflag:$0x2] =	stream.indirect.gather [hbm4b:s3+s4], $0x120, s19, s4, $0xb8;
	[tilespmem:$0xBBD0] =	vst v63  }
0x16c: {  	_ =	swait.ge [sflag:s9], $0x2400  }
0x16d: {  	[sflag:s9] =	ssyncset.done $0x0  }
0x16e: {  	s20 =	rddreg [dreg:$0x16];
	[sflag:s9] =	ssyncadd.s32 $0xFFFFDC00  }
0x16f: {  	[hbm4b:s20+s2] =	stream.linear.scatter [tilespmem:s5], [sflag:$0x5], $0x2400, $0x38;
	[tilespmem:$0xBBD0] =	vst v63  }
0x170: {  	_ =	swait.ge [sflag:s15], $0x2400  }
0x171: {  	[sflag:s15] =	ssyncset.done $0x0  }
0x172: {  	s21 =	simm.s32 $0x2B90;
	[sflag:s15] =	ssyncadd.s32 $0xFFFFDC00  }
0x173: {  	[tilespmem:s7], [sflag:$0x3] =	stream.indirect.gather [hbm4b:s3+s4], $0x120, s21, s4, $0xb8;
	[tilespmem:$0xBBD0] =	vst v63  }
0x174: {  	_ =	swait.ge [sflag:s10], $0x2400  }
0x175: {  	[sflag:s10] =	ssyncset.done $0x0  }
0x176: {  	s22 =	rddreg [dreg:$0x18];
	[sflag:s10] =	ssyncadd.s32 $0xFFFFDC00  }
0x177: {  	[hbm4b:s22+s2] =	stream.linear.scatter [tilespmem:s6], [sflag:$0x6], $0x2400, $0x38;
	[tilespmem:$0xBBD0] =	vst v63  }
0x178: {  	_ =	swait.ge [sflag:s16], $0x2400  }
0x179: {  	[sflag:s16] =	ssyncset.done $0x0  }
0x17a: {  	s23 =	simm.s32 $0x2BB0;
	[sflag:s16] =	ssyncadd.s32 $0xFFFFDC00  }
0x17b: {  	[tilespmem:s8], [sflag:$0x4] =	stream.indirect.gather [hbm4b:s3+s4], $0x120, s23, s4, $0xb8;
	[tilespmem:$0xBBD0] =	vst v63  }
0x17c: {  	_ =	swait.ge [sflag:s11], $0x2400  }
0x17d: {  	[sflag:s11] =	ssyncset.done $0x0  }
0x17e: {  	s24 =	rddreg [dreg:$0x19];
	[sflag:s11] =	ssyncadd.s32 $0xFFFFDC00  }
0x17f: {  	[hbm4b:s24+s2] =	stream.linear.scatter [tilespmem:s7], [sflag:$0x7], $0x2400, $0x38;
	[tilespmem:$0xBBD0] =	vst v63  }
0x180: {  	_ =	swait.ge [sflag:s13], $0x2400  }
0x181: {  	[sflag:s13] =	ssyncset.done $0x0  }
0x182: {  	s25 =	rddreg [dreg:$0x1a];
	[sflag:s13] =	ssyncadd.s32 $0xFFFFDC00  }
0x183: {  	[hbm4b:s25+s2] =	stream.linear.scatter [tilespmem:s8], [sflag:$0x8], $0x2400, $0x38;
	[tilespmem:$0xBBD0] =	vst v63  }
0x184: {  	_ =	swait.ge [sflag:s12], $0x2400  }
0x185: {  	[sflag:s12] =	ssyncset.done $0x0  }
0x186: {  	[sflag:s12] =	ssyncadd.s32 $0xFFFFDC00  }
0x187: {  	_ =	swait.ge [sflag:s14], $0x2400  }
0x188: {  	[sflag:s14] =	ssyncset.done $0x0  }
0x189: {  	[sflag:s14] =	ssyncadd.s32 $0xFFFFDC00  }
0x18a: {  	_ =	swait.ge [sflag:s15], $0x2400  }
0x18b: {  	[sflag:s15] =	ssyncset.done $0x0  }
0x18c: {  	[sflag:s15] =	ssyncadd.s32 $0xFFFFDC00  }
0x18d: {  	_ =	swait.ge [sflag:s16], $0x2400  }
0x18e: {  	s17 =	sadd.s32 $0x1, s17;
	s26 =	rddreg [dreg:$0x1b]  }
0x18f: {  	p0 =	sne.s32 s17, s26  }
.Ltmp2:
0x190: {  	_ = 	snop;
	(pc) =	sbr.rel @p0 .LBB2_1-.Ltmp2, $3  }
0x191: {  	_ =	sdelay $0x1  }
0x192: {  	[sflag:s16] =	ssyncset.done $0x0  }
0x193: {  	[sflag:s16] =	ssyncadd.s32 $0xFFFFDC00  }
0x194: {  	_ =	sfence.sel $0x180000  }
0x195: {  	[bflag:$0x0] =	sbarrier.arrive $0xFFFF  }
0x196: {  	_ =	strace $0x9000004A  }
0x197: {  	s0 =	stileid.u32;
	[bflag:$0x2] =	sbarrier.arrive $0xFFFF  }
0x198: {  	p0 =	sne.s32 s0, $0x0;
	s0 =	rddreg [dreg:$0x4]  }
0x199: {  	s0 =	sadd.s32 @!p0 $0x100000, s0  }
0x19a: {  	[sflag:s0] =	ssyncadd.tile.s32 @!p0 $0x1;
	_ =	shalt  }
.Lfunc_end2:
_tile_overlayer_lowered:
.L_overlay_start_2:
0x19b: {  	(tag) =	ssettag $0x2  }
0x19c: {  	s0 =	rddreg [dreg:$0x0];
	s2 =	stileid.u32  }
0x19d: {  	s1 =	rddreg [dreg:$0x1];
	p0 =	sne.s32 s2, $0x0  }
0x19e: {  	s3 =	rddreg [dreg:$0x2];
	[bflag:$0x3] =	sbarrier.arrive $0xFFFF;
	s2 =	simm.s32 @!p0 $0x1C09  }
0x19f: {  	[timem:s3], [sflag:s2] =	dma.local @!p0 [hbm:s0], s1  }
0x1a0: {  	s0 =	simm.s32 @!p0 $0x9  }
0x1a1: {  	_ =	swait.ge @!p0 [sflag:s0], s1  }
0x1a2: {  	s1 =	ssub.s32 @!p0 $0x0, s1;
	[sflag:s0] =	ssyncset.done @!p0 $0x0  }
0x1a3: {  	[sflag:s0] =	ssyncadd.s32 @!p0 s1  }
0x1a4: {  	[bflag:$0x3] =	sbarrier.arrive $0xFFFF  }
0x1a5: {  	_ =	shalt  }

// kernel: kernel.9.cloned.1.call-start
scs
__scs_entry_jumppad:
0x0: {  	(pc) =	sbr.rel $0x88, $3  }
0x1: {  	(tag) =	ssettag $0x0;
	lr =	simm.s32 $0x1  }
0x2: {  	[smem:$0x3F8C] =	sst lr;
	_ =	strace $0xD0000000  }
0x3: {  	_ = 	snop  }
0x4: {  	_ = 	snop  }
0x5: {  	_ = 	snop  }
0x6: {  	_ = 	snop  }
0x7: {  	_ = 	snop  }
__scs_overlays_trampoline_lowered:
0x8: {  	[smem:$0x3F9B] =	sst s0  }
0x9: {  	[smem:$0x3F9C] =	sst s1  }
0xa: {  	[smem:$0x3F9D] =	sst s2  }
0xb: {  	[smem:$0x3F9E] =	sst s3  }
0xc: {  	[smem:$0x3F9F] =	sst s4  }
0xd: {  	[smem:$0x3FA0] =	sst s5  }
0xe: {  	[smem:$0x3FA1] =	sst s6  }
0xf: {  	[smem:$0x3FA2] =	sst s7  }
0x10: {  	[smem:$0x3FA3] =	sst s8  }
0x11: {  	[smem:$0x3FA4] =	sst s9;
	s0 =	simm.s32 @!p0 $0x0  }
0x12: {  	s1 =	sld [smem:$0x3F8A];
	s0 =	simm.s32 @p0 $0x1  }
0x13: {  	[smem:$0x3FA5] =	sst s0;
	s0 =	simm.s32 @!p1 $0x0  }
0x14: {  	s2 =	sld [smem:$0x3F89];
	s0 =	simm.s32 @p1 $0x1  }
0x15: {  	[smem:$0x3FA6] =	sst s0;
	s0 =	simm.s32 @!p2 $0x0  }
0x16: {  	s3 =	sld [smem:$0x3FDB];
	s0 =	simm.s32 @p2 $0x1  }
0x17: {  	s4 =	simm.s32 $0x1BF5;
	[smem:$0x3FA8] =	sst s0  }
0x18: {  	s0 =	sld [smem:$0x3F8B];
	_ =	swait.ge [sflag:s4], $0x0  }
0x19: {  	s7 =	sld [smem:$0x3F8C]  }
0x1a: {  	s8 =	sadd.s32 $0xFFFFE003, lr  }
0x1b: {  	s9 =	sadd.s32 $0xFFFFFEF7, lr;
	s5 =	simm.s32 $0xFFFFFFFF;
	p2 =	slt.u32 s8, $0xFFFFF086  }
0x1c: {  	p1 =	slt.u32 s9, $0xF7A;
	s5 =	simm.s32 @!p2 $0x0  }
0x1d: {  	s5 =	simm.s32 @p1 $0x1;
	p0 =	seq.s32 s7, s2  }
0x1e: {  	s7 =	smul.u32 @!p0 $0xF7A, s2;
	p2 =	seq.s32 @!p0 s5, $0x0  }
0x1f: {  	s9 =	smul.u32 $0xF7A, s1;
	s8 =	simm.s32 @!p0 $0x1BF5;
	p2 =	por !p2, p0  }
0x20: {  	[sflag:s8] =	ssyncset.s32 @!p0 $0xFFFFF086;
	s6 =	sadd.s32 @!p0 s3, s7;
	s7 =	simm.s32 @!p0 $0x108  }
0x21: {  	s3 =	sadd.s32 s3, s9;
	s6 =	sadd.s32 @!p0 $0x88, s6;
	s7 =	simm.s32 @p2 $0x1082  }
0x22: {  	[simem:s7], [sflag:s8] =	dma.local @!p0 [hbm:s6], $0xF7A  }
0x23: {  	s9 =	sor.u32 $0xD0000000, s2;
	s6 =	simm.s32 $0x108;
	_ =	swait.ge @!p0 [sflag:s8], $0x0  }
0x24: {  	s3 =	sadd.s32 $0x88, s3;
	s6 =	simm.s32 @!p1 $0x1082;
	[sflag:s4] =	ssyncset.s32 $0xFFFFF086  }
0x25: {  	[simem:s6], [sflag:s4] =	dma.local [hbm:s3], $0xF7A  }
0x26: {  	[smem:$0x3F8C] =	sst s1;
	(tag) =	ssettag s2;
	_ =	strace s9  }
0x27: {  	s1 =	sld [smem:$0x3F9C]  }
0x28: {  	s2 =	sld [smem:$0x3F9D]  }
0x29: {  	s4 =	sld [smem:$0x3F9F]  }
0x2a: {  	p0 =	seq.s32 s5, $0x0;
	s5 =	sld [smem:$0x3FA0]  }
0x2b: {  	s6 =	sld [smem:$0x3FA1]  }
0x2c: {  	s7 =	sld [smem:$0x3FA2]  }
0x2d: {  	s3 =	simm.s32 $0x108;
	s8 =	sld [smem:$0x3FA3]  }
0x2e: {  	s3 =	simm.s32 @!p0 $0x1082;
	s9 =	sld [smem:$0x3FA4]  }
0x2f: {  	lr =	sadd.s32 s0, s3;
	s0 =	sld [smem:$0x3F9B]  }
0x30: {  	s3 =	sld [smem:$0x3F9E]  }
0x31: {  	[smem:$0x3FA7] =	sst s10  }
0x32: {  	s10 =	sld [smem:$0x3FA5];
	_ =	sdelay $0x3  }
0x33: {  	p0 =	seq.s32 s10, $0x1;
	s10 =	sld [smem:$0x3FA7];
	_ =	sdelay $0x3  }
0x34: {  	[smem:$0x3FA7] =	sst s10  }
0x35: {  	s10 =	sld [smem:$0x3FA6];
	_ =	sdelay $0x3  }
0x36: {  	p1 =	seq.s32 s10, $0x1;
	s10 =	sld [smem:$0x3FA7];
	_ =	sdelay $0x3  }
0x37: {  	[smem:$0x3FA7] =	sst s10  }
0x38: {  	s10 =	sld [smem:$0x3FA8]  }
0x39: {  	_ = 	snop;
	(pc) =	sbr.ind lr, $3  }
0x3a: {  	_ = 	snop  }
0x3b: {  	_ = 	snop  }
0x3c: {  	p2 =	seq.s32 s10, $0x1;
	s10 =	sld [smem:$0x3FA7]  }
0x3d: {  	_ =	shalt  }
0x3e: {  	_ =	shalt  }
0x3f: {  	_ =	shalt  }
0x40: {  	_ =	shalt  }
0x41: {  	_ =	shalt  }
0x42: {  	_ =	shalt  }
0x43: {  	_ =	shalt  }
0x44: {  	_ =	shalt  }
0x45: {  	_ =	shalt  }
0x46: {  	_ =	shalt  }
0x47: {  	_ =	shalt  }
0x48: {  	_ =	shalt  }
0x49: {  	_ =	shalt  }
0x4a: {  	_ =	shalt  }
0x4b: {  	_ =	shalt  }
0x4c: {  	_ =	shalt  }
0x4d: {  	_ =	shalt  }
0x4e: {  	_ =	shalt  }
0x4f: {  	_ =	shalt  }
0x50: {  	_ =	shalt  }
0x51: {  	_ =	shalt  }
0x52: {  	_ =	shalt  }
0x53: {  	_ =	shalt  }
0x54: {  	_ =	shalt  }
0x55: {  	_ =	shalt  }
0x56: {  	_ =	shalt  }
0x57: {  	_ =	shalt  }
0x58: {  	_ =	shalt  }
0x59: {  	_ =	shalt  }
0x5a: {  	_ =	shalt  }
0x5b: {  	_ =	shalt  }
0x5c: {  	_ =	shalt  }
0x5d: {  	_ =	shalt  }
0x5e: {  	_ =	shalt  }
0x5f: {  	_ =	shalt  }
0x60: {  	_ =	shalt  }
0x61: {  	_ =	shalt  }
0x62: {  	_ =	shalt  }
0x63: {  	_ =	shalt  }
0x64: {  	_ =	shalt  }
0x65: {  	_ =	shalt  }
0x66: {  	_ =	shalt  }
0x67: {  	_ =	shalt  }
0x68: {  	_ =	shalt  }
0x69: {  	_ =	shalt  }
0x6a: {  	_ =	shalt  }
0x6b: {  	_ =	shalt  }
0x6c: {  	_ =	shalt  }
0x6d: {  	_ =	shalt  }
0x6e: {  	_ =	shalt  }
0x6f: {  	_ =	shalt  }
0x70: {  	_ =	shalt  }
0x71: {  	_ =	shalt  }
0x72: {  	_ =	shalt  }
0x73: {  	_ =	shalt  }
0x74: {  	_ =	shalt  }
0x75: {  	_ =	shalt  }
0x76: {  	_ =	shalt  }
0x77: {  	_ =	shalt  }
0x78: {  	_ =	shalt  }
0x79: {  	_ =	shalt  }
0x7a: {  	_ =	shalt  }
0x7b: {  	_ =	shalt  }
0x7c: {  	_ =	shalt  }
0x7d: {  	_ =	shalt  }
0x7e: {  	_ =	shalt  }
0x7f: {  	_ =	shalt  }
0x80: {  	_ =	shalt  }
0x81: {  	_ =	shalt  }
0x82: {  	_ =	shalt  }
0x83: {  	_ =	shalt  }
0x84: {  	_ =	shalt  }
0x85: {  	_ =	shalt  }
0x86: {  	_ =	shalt  }
0x87: {  	_ =	shalt  }
.Lfunc_end0:
.L_simem_size_0:
called_computation_lowered:
.L_overlay_start_0:
0x88: {  	s2 =	sld [smem:$0x3FD9]  }
0x89: {  	s3 =	sld [smem:$0x3FFE];
	_ =	sdelay $0x1  }
0x8a: {  	s1 =	srdreg.scid  }
0x8b: {  	s0 =	sand.u32 $0x1, s1  }
0x8c: {  	s16 =	sshll.u32 s0, $0xA;
	s2 =	sadd.s32 s3, s2  }
0x8d: {  	s2 =	sadd.s32 s2, s16  }
0x8e: {  	[smem:$0x3FB3] =	sst s2  }
0x8f: {  	_ = 	snop  }
0x90: {  	(tm) =	ssettm $0x1  }
0x91: {  	s17 =	sld [smem:$0x3FFB];
	_ =	sdelay $0x3  }
0x92: {  	_ =	strace s17  }
0x93: {  	s2 =	sld [smem:$0x3FFC];
	_ =	sdelay $0x3  }
0x94: {  	_ =	strace s2  }
0x95: {  	s2 =	sld [smem:$0x3FFD];
	_ =	sdelay $0x3  }
0x96: {  	_ =	strace s2  }
0x97: {  	_ =	strace $0x8FFFFFFF  }
0x98: {  	s18 =	sld [smem:$0x3FDB];
	_ =	sdelay $0x1  }
0x99: {  	s19 =	simm.s32 $_scs_section_size  }
0x9a: {  	s4 =	simm.s32 $_size__tile_overlayer_lowered;
	s5 =	simm.s32 $_tile_overlayer_lowered  }
0x9b: {  	s22 =	simm.s32 $0x1BFF;
	s21 =	sshll.u32 s5, $0x1;
	s2 =	sadd.s32 s19, s18  }
0x9c: {  	s6 =	simm.s32 $0x0;
	s20 =	sshll.u32 s4, $0x1;
	s4 =	sadd.s32 s21, s2  }
0x9d: {  	[timem:s6], [sflag:s22] =	dma.local [hbm:s4], s20  }
0x9e: {  	_ =	swait.ge [sflag:s22], s20  }
0x9f: {  	s3 =	ssub.s32 $0x0, s20;
	[sflag:s22] =	ssyncset.done $0x0  }
0xa0: {  	[sflag:s22] =	ssyncadd.s32 s3;
	_ =	sdelay $0x1  }
0xa1: {  	s23 =	simm.s32 $0x1B8B  }
0xa2: {  	_ =	swait.ge [sflag:s23], $0x1  }
0xa3: {  	[sflag:s23] =	ssyncset.done $0x0  }
0xa4: {  	s25 =	simm.s32 $0x1B8E;
	s24 =	sld [smem:$0x3FFE];
	[sflag:s23] =	ssyncadd.s32 $0xFFFFFFFF  }
0xa5: {  	s26 =	simm.s32 $execute0_lowered;
	[smem:$0x3FD2] =	sst s25  }
0xa6: {  	s4 =	sshll.u32 s26, $0x1;
	_ =	strace $0x80000046;
	[dreg:$0x1] =	wrdreg $0xFFFFFFFF  }
0xa7: {  	s28 =	simm.s32 $_size_execute0_lowered;
	s2 =	sadd.s32 s2, s4;
	[dreg:$0x0] =	wrdreg $0x0  }
0xa8: {  	s4 =	sshll.u32 s28, $0x1;
	[dreg:$0x2] =	wrdreg s2  }
0xa9: {  	[dreg:$0x3] =	wrdreg s4  }
0xaa: {  	[dreg:$0x4] =	wrdreg $0xC0  }
0xab: {  	_ =	task [dreg:s6], $0x5FFFF  }
0xac: {  	[dreg:$0x1] =	wrdreg $0xFFFFFFFF  }
0xad: {  	[dreg:$0x0] =	wrdreg $0x60  }
0xae: {  	[dreg:$0x2] =	wrdreg s24  }
0xaf: {  	[dreg:$0x3] =	wrdreg $0x9  }
0xb0: {  	_ =	task.clear_ibuf [dreg:s6], $0x4FFFF;
	_ =	strace $0x90000046  }
0xb1: {  	s29 =	simm.s32 $0x9;
	_ =	strace $0x80000048  }
0xb2: {  	_ =	swait.ge [sflag:s29], $0x1  }
0xb3: {  	[sflag:s29] =	ssyncadd.s32 $0xFFFFFFFF  }
0xb4: {  	_ =	strace $0x90000048  }
0xb5: {  	_ =	sfence  }
0xb6: {  	s30 =	sld [smem:$0x0];
	_ =	sdelay $0x2  }
0xb7: {  	s31 =	sshll.u32 s1, $0xD;
	s1 =	sshrl.u32 s1, $0x2  }
0xb8: {  	s3 =	sand.u32 $0x4000, s31;
	s1 =	sadd.s32 s1, s30  }
0xb9: {  	s0 =	sor.u32 s3, s0;
	s1 =	sshll.u32 s1, $0x11  }
0xba: {  	s0 =	sor.u32 s1, s0  }
0xbb: {  	s0 =	sadd.s32 $0x8F2B, s0  }
0xbc: {  	[sflag:s0] =	ssyncadd.remote.s32 $0x1  }
0xbd: {  	_ =	sfence.sel $0xFFFF  }
0xbe: {  	[dreg:$0x0] =	wrdreg $0xFFFFFFFF;
	(pc) =	sbr.abs _section_cstart, $3  }
0xbf: {  	[dreg:$0x1] =	wrdreg $0xFFFFFFFF  }
0xc0: {  	_ =	task.clear_ibuf [dreg:s6], $0x2FFFF;
	_ =	strace $0x9FFFFFFF  }
0xc1: {  	(tm) =	ssettm $0x7FFFFFFF  }
tec
execute0_lowered:
.L_overlay_start_1:
0x0: {  	(tag) =	ssettag $0x1  }
0x1: {  	s2 =	stileid.u32;
	s0 =	srdreg.scid  }
0x2: {  	s4 =	rddreg [dreg:$0x0];
	s1 =	sshll.u32 s2, $0x1;
	s0 =	sand.u32 $0x1, s0  }
0x3: {  	s5 =	sshrl.u32 s2, $0x2;
	s2 =	simm.s32 $0x0;
	s1 =	sand.u32 $0x6, s1  }
0x4: {  	s3 =	sshll.u32 s5, $0x8;
	s8 =	smul.u32 $0x120000, s5;
	[smem:$0x7FF] =	sst s2  }
0x5: {  	s23 =	sshll.u32 s5, $0xC;
	s16 =	sshll.u32 s5, $0xB;
	s1 =	sor.u32 s0, s1  }
0x6: {  	_ =	strace $0x80000047;
	s10 =	sadd.s32 s3, s4;
	s0 =	ssub.s32 $0x2, s0  }
0x7: {  	s6 =	sshll.u32 s1, $0x5;
	s1 =	smul.u32 $0x2400, s1;
	s25 =	sadd.s32 $0x5200, s10  }
0x8: {  	s24 =	sshrl.u32 s0, $0x1;
	s26 =	sadd.s32 $0x4E00, s10;
	[dreg:$0x2] =	wrdreg s25  }
0x9: {  	s5 =	sadd.s32 $0x4A00, s10;
	s7 =	sor.u32 s3, s6;
	[dreg:$0x3] =	wrdreg s26  }
0xa: {  	s3 =	sadd.s32 $0x5600, s4;
	s0 =	ssub.s32 s0, s24;
	[dreg:$0x4] =	wrdreg s5  }
0xb: {  	s9 =	sshrl.u32 s7, $0x3;
	s7 =	sadd.s32 s7, s4;
	s1 =	sor.u32 s8, s1  }
0xc: {  	s8 =	sadd.s32 s23, s4;
	s0 =	smax.u32 s0, $0x1;
	s9 =	sadd.s32 s9, s4  }
0xd: {  	s1 =	sshrl.u32 s1, $0x3;
	s10 =	sadd.s32 $0x51800, s7;
	[dreg:$0x18] =	wrdreg s0  }
0xe: {  	s8 =	sadd.s32 s6, s8;
	s9 =	sadd.s32 $0x4D600, s9;
	[dreg:$0x6] =	wrdreg s10  }
0xf: {  	s1 =	sadd.s32 s1, s4;
	s4 =	sadd.s32 $0x4D800, s8;
	[dreg:$0x5] =	wrdreg s9  }
0x10: {  	[dreg:$0x7] =	wrdreg s4;
	s11 =	sadd.s32 $0xC4A00, s1  }
0x11: {  	s12 =	sadd.s32 $0xC6E00, s1;
	[dreg:$0x8] =	wrdreg s11  }
0x12: {  	s13 =	sadd.s32 $0xC9200, s1;
	[dreg:$0x9] =	wrdreg s12  }
0x13: {  	s14 =	sadd.s32 $0xCB600, s1;
	[dreg:$0xa] =	wrdreg s13  }
0x14: {  	s15 =	sadd.s32 $0xCDA00, s1;
	[dreg:$0xb] =	wrdreg s14  }
0x15: {  	s28 =	simm.s32 $0x9;
	s17 =	sadd.s32 $0xCFE00, s1;
	[dreg:$0xc] =	wrdreg s15  }
0x16: {  	s29 =	simm.s32 $0x800;
	s18 =	sadd.s32 $0xD2200, s1;
	[dreg:$0xd] =	wrdreg s17  }
0x17: {  	s30 =	simm.s32 $0x1000;
	s19 =	sadd.s32 $0xD4600, s1;
	[dreg:$0xe] =	wrdreg s18  }
0x18: {  	v0 =	vimm.f32 $3.000000120e-01;
	s31 =	simm.s32 $0x29D0;
	s20 =	sadd.s32 $0xD6A00, s1;
	[dreg:$0xf] =	wrdreg s19  }
0x19: {  	v2 =	vmov s16;
	s16 =	simm.s32 $0x8;
	(erf) = vrcp.f32 v0;
	s21 =	sadd.s32 $0xD8E00, s1;
	[dreg:$0x10] =	wrdreg s20  }
0x1a: {  	s5 =	simm.s32 $0x2BD0;
	s22 =	sadd.s32 $0xDB200, s1;
	[dreg:$0x11] =	wrdreg s21  }
0x1b: {  	s0 =	simm.s32 $0x19D0;
	s23 =	sadd.s32 $0xDD600, s1;
	[dreg:$0x12] =	wrdreg s22  }
0x1c: {  	s6 =	simm.s32 $0x4FD0;
	s24 =	sadd.s32 $0xDFA00, s1;
	[dreg:$0x13] =	wrdreg s23  }
0x1d: {  	v0 =	vlaneseq.u32;
	s7 =	simm.s32 $0x73D0;
	s25 =	sadd.s32 $0xE1E00, s1;
	[dreg:$0x14] =	wrdreg s24  }
0x1e: {  	v1 =	vmul.u32 $0x8, v0;
	s8 =	simm.s32 $0x97D0;
	s26 =	sadd.s32 $0xE4200, s1;
	[dreg:$0x15] =	wrdreg s25  }
0x1f: {  	s10 =	simm.s32 $0x2;
	s1 =	sadd.s32 $0xE6600, s1;
	[dreg:$0x16] =	wrdreg s26  }
0x20: {  	v5 =	vmul.u32 $0x100, v0;
	v12 =	vmul.u32 $0x20, v0;
	v3 =	vor.u32 $0x1, v1;
	s4 =	simm.s32 $0x20;
	s9 =	simm.s32 $0x1;
	[dreg:$0x17] =	wrdreg s1  }
0x21: {  	v4 =	vor.u32 $0x2, v1;
	v6 =	vor.u32 $0x80, v1;
	v7 =	vor.u32 $0x81, v1;
	s11 =	simm.s32 $0x3;
	s12 =	simm.s32 $0x5;
	s13 =	simm.s32 $0x4  }
0x22: {  	v8 =	vor.u32 $0x82, v1;
	v10 =	vor.u32 $0x1, v5;
	v11 =	vor.u32 $0x2, v5;
	s14 =	simm.s32 $0x6;
	s15 =	simm.s32 $0x7;
	s17 =	simm.s32 $0x0;
	v9 =	vpop (erf)  }
.LBB2_1:
0x23: {  	s1 =	rddreg [dreg:$0x2]  }
0x24: {  	[tilespmem:s2], [sflag:$0x9] =	stream.linear.gather [hbm4b:s1+s2], $0x800, $0x38;
	[tilespmem:$0xBBD0] =	vst v63  }
0x25: {  	_ =	swait.ge [sflag:s28], $0x800  }
0x26: {  	[sflag:s28] =	ssyncset.done $0x0  }
0x27: {  	s22 =	rddreg [dreg:$0x3];
	[sflag:s28] =	ssyncadd.s32 $0xFFFFF800  }
0x28: {  	[tilespmem:s29], [sflag:$0x9] =	stream.linear.gather [hbm4b:s22+s2], $0x800, $0x38;
	[tilespmem:$0xBBD0] =	vst v63  }
0x29: {  	_ =	swait.ge [sflag:s28], $0x800  }
0x2a: {  	[sflag:s28] =	ssyncset.done $0x0  }
0x2b: {  	s23 =	rddreg [dreg:$0x4];
	[sflag:s28] =	ssyncadd.s32 $0xFFFFF800  }
0x2c: {  	[tilespmem:s30], [sflag:$0x9] =	stream.linear.gather [hbm4b:s23+s2], $0x800, $0x38;
	[tilespmem:$0xBBD0] =	vst v63  }
0x2d: {  	_ =	swait.ge [sflag:s28], $0x800  }
0x2e: {  	[sflag:s28] =	ssyncset.done $0x0  }
0x2f: {  	s18 =	simm.s32 $0x1800;
	s24 =	rddreg [dreg:$0x5];
	[sflag:s28] =	ssyncadd.s32 $0xFFFFF800  }
0x30: {  	[tilespmem:s18], [sflag:$0x9] =	stream.linear.gather [hbm4b:s24+s2], $0x20, $0x38;
	[tilespmem:$0xBBD0] =	vst v63  }
0x31: {  	_ =	swait.ge [sflag:s28], $0x20  }
0x32: {  	[sflag:s28] =	ssyncset.done $0x0  }
0x33: {  	[sflag:s28] =	ssyncadd.s32 $0xFFFFFFE0  }
0x34: {  	v13 =	vld [tilespmem:$0x1800];
	_ =	sdelay $0x7  }
0x35: {  	v14 =	vld.idx.msk [tilespmem:v13+s2+$0x0], $0xffff  }
0x36: {  	v15 =	vld.idx.msk [tilespmem:v13+s29+$0x0], $0xffff  }
0x37: {  	v13 =	vld.idx.msk [tilespmem:v13+s30+$0x0], $0xffff;
	_ =	sdelay $0x2  }
0x38: {  	[tilespmem:$0x1820] =	vst v14  }
0x39: {  	[tilespmem:$0x1850] =	vst v15  }
0x3a: {  	s25 =	simm.s32 $0x18B0;
	[tilespmem:$0x1880] =	vst v13  }
0x3b: {  	[tilespmem:v1+s25+$0x0] =	vst.idx.msk $0xffff, v14  }
0x3c: {  	[tilespmem:v3+s25+$0x0] =	vst.idx.msk $0xffff, v15  }
0x3d: {  	[tilespmem:v4+s25+$0x0] =	vst.idx.msk $0xffff, v13  }
0x3e: {  	v13 =	vld [tilespmem:$0x1810];
	_ =	sdelay $0x7  }
0x3f: {  	v14 =	vld.idx.msk [tilespmem:v13+s2+$0x0], $0xffff  }
0x40: {  	v15 =	vld.idx.msk [tilespmem:v13+s29+$0x0], $0xffff  }
0x41: {  	v13 =	vld.idx.msk [tilespmem:v13+s30+$0x0], $0xffff;
	_ =	sdelay $0x2  }
0x42: {  	[tilespmem:$0x1830] =	vst v14  }
0x43: {  	[tilespmem:$0x1860] =	vst v15  }
0x44: {  	[tilespmem:$0x1890] =	vst v13  }
0x45: {  	[tilespmem:v6+s25+$0x0] =	vst.idx.msk $0xffff, v14  }
0x46: {  	[tilespmem:v7+s25+$0x0] =	vst.idx.msk $0xffff, v15  }
0x47: {  	s26 =	rddreg [dreg:$0x6];
	[tilespmem:v8+s25+$0x0] =	vst.idx.msk $0xffff, v13  }
0x48: {  	[hbm4b:s26+s2] =	stream.linear.scatter [tilespmem:s25], [sflag:$0x9], $0x100, $0x38;
	[tilespmem:$0xBBD0] =	vst v63  }
0x49: {  	_ =	swait.ge [sflag:s28], $0x100  }
0x4a: {  	[sflag:s28] =	ssyncset.done $0x0  }
0x4b: {  	s18 =	simm.s32 $0x0;
	[sflag:s28] =	ssyncadd.s32 $0xFFFFFF00  }
.LBB2_2:
0x4c: {  	v14 =	vld.msk [tilespmem:s18+$0x1820 ss:$0x0], $0xffff  }
0x4d: {  	v13 =	vld.msk [tilespmem:s18+$0x1850 ss:$0x0], $0xffff;
	s19 =	simm.s32 $0x820  }
0x4e: {  	s20 =	simm.s32 $0x20;
	v16 =	vld [tilespmem:s19+$0xFFFFFFE0]  }
0x4f: {  	v17 =	vld [tilespmem:s20+$0xFFFFFFE0]  }
0x50: {  	v15 =	vld.msk [tilespmem:s18+$0x1880 ss:$0x0], $0xffff;
	s21 =	simm.s32 $0x1020  }
0x51: {  	v18 =	vld [tilespmem:s21+$0xFFFFFFE0];
	_ =	sdelay $0x2  }
0x52: {  	v16 =	vsub.f32 v16, v13;
	v17 =	vsub.f32 v17, v14;
	_ =	sdelay $0x1  }
0x53: {  	v18 =	vsub.f32 v18, v15;
	v16 =	vmul.f32 v16, v16;
	v17 =	vmul.f32 v17, v17;
	_ =	sdelay $0x1  }
0x54: {  	v16 =	vadd.f32 v16, v17;
	v17 =	vmul.f32 v18, v18;
	_ =	sdelay $0x1  }
0x55: {  	v16 =	vadd.f32 v17, v16;
	_ =	sdelay $0x1  }
0x56: {  	vm0 =	vlt.f32 v16, $9.000000350e-02  }
0x57: {  	v16 =	vmpcnt.ones.xlane vm0;
	_ =	sdelay $0x1  }
0x58: {  	(v2sf) =	vpush v16, $0x0  }
0x59: {  	s22 =	simm.s32 $0x0;
	p0 =	por $0x1, $0x1  }
0x5a: {  	v16 =	vor.u32 s22, v0;
	s22 =	simm.s32 @!p0 $0x10  }
0x5b: {  	[tilespmem:s22+$0x19B0] =	vst.msk vm0, v16  }
0x5c: {  	v16 =	vld [tilespmem:s20+$0xFFFFFFF0]  }
0x5d: {  	v17 =	vld [tilespmem:s19+$0xFFFFFFF0];
	_ =	sdelay $0x1  }
0x5e: {  	v18 =	vld [tilespmem:s21+$0xFFFFFFF0];
	_ =	sdelay $0x2  }
0x5f: {  	v16 =	vsub.f32 v16, v14;
	v17 =	vsub.f32 v17, v13;
	_ =	sdelay $0x1  }
0x60: {  	v18 =	vsub.f32 v18, v15;
	v16 =	vmul.f32 v16, v16;
	v17 =	vmul.f32 v17, v17;
	_ =	sdelay $0x1  }
0x61: {  	v16 =	vadd.f32 v17, v16;
	v17 =	vmul.f32 v18, v18  }
0x62: {  	s25 =	spop (v2sf)  }
0x63: {  	v16 =	vadd.f32 v17, v16;
	s22 =	sadd.s32 $0x0, s25  }
0x64: {  	s23 =	simm.s32 $0x10;
	p0 =	slt.s32 s22, $0x10;
	s24 =	smov.u32 s22  }
0x65: {  	vm13 =	vlt.f32 v16, $9.000000350e-02;
	v16 =	vor.u32 s23, v0;
	s24 =	simm.s32 @!p0 $0x10  }
0x66: {  	v17 =	vmpcnt.ones.xlane vm13;
	[tilespmem:s24+$0x19B0] =	vst.msk vm13, v16  }
0x67: {  	v16 =	vld [tilespmem:s20+$0x0]  }
0x68: {  	(v2sf) =	vpush v17, $0x0;
	v17 =	vld [tilespmem:s19+$0x0];
	_ =	sdelay $0x1  }
0x69: {  	v18 =	vld [tilespmem:s21+$0x0];
	_ =	sdelay $0x2  }
0x6a: {  	v16 =	vsub.f32 v16, v14;
	v17 =	vsub.f32 v17, v13;
	_ =	sdelay $0x1  }
0x6b: {  	v18 =	vsub.f32 v18, v15;
	v16 =	vmul.f32 v16, v16;
	v17 =	vmul.f32 v17, v17;
	_ =	sdelay $0x1  }
0x6c: {  	v16 =	vadd.f32 v17, v16;
	v17 =	vmul.f32 v18, v18;
	_ =	sdelay $0x1  }
0x6d: {  	v16 =	vadd.f32 v17, v16;
	_ =	sdelay $0x1  }
0x6e: {  	vm14 =	vlt.f32 v16, $9.000000350e-02  }
0x6f: {  	v16 =	vmpcnt.ones.xlane vm14  }
0x70: {  	s26 =	spop (v2sf)  }
0x71: {  	s22 =	sadd.s32 s22, s26;
	(v2sf) =	vpush v16, $0x0  }
0x72: {  	s1 =	simm.s32 $0x20;
	p0 =	slt.s32 s22, $0x10;
	s24 =	smov.u32 s22  }
0x73: {  	s24 =	simm.s32 @!p0 $0x10;
	v16 =	vor.u32 s1, v0  }
0x74: {  	[tilespmem:s24+$0x19B0] =	vst.msk vm14, v16  }
0x75: {  	v16 =	vld [tilespmem:s20+$0x10]  }
0x76: {  	v17 =	vld [tilespmem:s19+$0x10];
	_ =	sdelay $0x1  }
0x77: {  	v18 =	vld [tilespmem:s21+$0x10];
	_ =	sdelay $0x2  }
0x78: {  	v16 =	vsub.f32 v16, v14;
	v17 =	vsub.f32 v17, v13;
	_ =	sdelay $0x1  }
0x79: {  	v18 =	vsub.f32 v18, v15;
	v16 =	vmul.f32 v16, v16;
	v17 =	vmul.f32 v17, v17;
	_ =	sdelay $0x1  }
0x7a: {  	v16 =	vadd.f32 v17, v16;
	v17 =	vmul.f32 v18, v18  }
0x7b: {  	s25 =	spop (v2sf)  }
0x7c: {  	v16 =	vadd.f32 v17, v16;
	s25 =	sadd.s32 s22, s25  }
0x7d: {  	s26 =	simm.s32 $0x30;
	p0 =	slt.s32 s25, $0x10;
	s21 =	smov.u32 s25  }
0x7e: {  	vm15 =	vlt.f32 v16, $9.000000350e-02;
	v16 =	vor.u32 s26, v0;
	s21 =	simm.s32 @!p0 $0x10  }
0x7f: {  	s20 =	simm.s32 $0x860;
	[tilespmem:s21+$0x19B0] =	vst.msk vm15, v16  }
0x80: {  	v18 =	vmpcnt.ones.xlane vm15;
	v16 =	vld [tilespmem:s20+$0xFFFFFFE0];
	_ =	sdelay $0x1  }
0x81: {  	(v2sf) =	vpush v18, $0x0;
	s21 =	simm.s32 $0x60  }
0x82: {  	v17 =	vld [tilespmem:s21+$0xFFFFFFE0]  }
0x83: {  	s22 =	simm.s32 $0x1060  }
0x84: {  	v19 =	vsub.f32 v16, v13;
	v16 =	vld [tilespmem:s22+$0xFFFFFFE0];
	_ =	sdelay $0x2  }
0x85: {  	v18 =	vsub.f32 v17, v14  }
0x86: {  	s23 =	simm.s32 $0x80;
	s19 =	simm.s32 $0x40;
	v17 =	vmul.f32 v19, v19  }
.LBB2_3:
0x87: {  	p0 =	sne.s32 s23, $0x7C0;
	v16 =	vsub.f32 v16, v15;
	v18 =	vmul.f32 v18, v18;
	s24 =	smov.u32 s23;
	s23 =	sadd.s32 $0x40, s23  }
0x88: {  	_ = 	snop  }
0x89: {  	v17 =	vadd.f32 v17, v18;
	v16 =	vmul.f32 v16, v16;
	_ =	sdelay $0x1  }
0x8a: {  	v16 =	vadd.f32 v16, v17;
	_ =	sdelay $0x1  }
0x8b: {  	vm0 =	vlt.f32 v16, $9.000000350e-02  }
0x8c: {  	v16 =	vmpcnt.ones.xlane vm0;
	s26 =	spop (v2sf)  }
0x8d: {  	s25 =	sadd.s32 s25, s26  }
0x8e: {  	p1 =	slt.s32 s25, $0x10;
	(v2sf) =	vpush v16, $0x0;
	s26 =	smov.u32 s25  }
0x8f: {  	v16 =	vor.u32 s19, v0;
	s26 =	simm.s32 @!p1 $0x10  }
0x90: {  	[tilespmem:s26+$0x19B0] =	vst.msk vm0, v16  }
0x91: {  	v16 =	vld [tilespmem:s21+$0xFFFFFFF0]  }
0x92: {  	v17 =	vld [tilespmem:s20+$0xFFFFFFF0];
	_ =	sdelay $0x1  }
0x93: {  	v18 =	vld [tilespmem:s22+$0xFFFFFFF0];
	_ =	sdelay $0x1  }
0x94: {  	v16 =	vsub.f32 v16, v14  }
0x95: {  	v17 =	vsub.f32 v17, v13;
	_ =	sdelay $0x1  }
0x96: {  	v16 =	vmul.f32 v16, v16;
	v18 =	vsub.f32 v18, v15;
	v17 =	vmul.f32 v17, v17;
	_ =	sdelay $0x1  }
0x97: {  	v16 =	vadd.f32 v17, v16;
	v17 =	vmul.f32 v18, v18;
	_ =	sdelay $0x1  }
0x98: {  	v16 =	vadd.f32 v17, v16;
	s26 =	spop (v2sf)  }
0x99: {  	s1 =	sadd.s32 s25, s26  }
0x9a: {  	s26 =	sadd.s32 $0x10, s19;
	vm0 =	vlt.f32 v16, $9.000000350e-02;
	p1 =	slt.s32 s1, $0x10;
	s25 =	smov.u32 s1  }
0x9b: {  	v17 =	vor.u32 s26, v0;
	v16 =	vmpcnt.ones.xlane vm0;
	s25 =	simm.s32 @!p1 $0x10  }
0x9c: {  	[tilespmem:s25+$0x19B0] =	vst.msk vm0, v17  }
0x9d: {  	v17 =	vld [tilespmem:s21+$0x0];
	(v2sf) =	vpush v16, $0x0  }
0x9e: {  	v16 =	vld [tilespmem:s20+$0x0];
	_ =	sdelay $0x1  }
0x9f: {  	v18 =	vld [tilespmem:s22+$0x0];
	_ =	sdelay $0x1  }
0xa0: {  	v17 =	vsub.f32 v17, v14  }
0xa1: {  	v16 =	vsub.f32 v16, v13  }
0xa2: {  	v17 =	vmul.f32 v17, v17  }
0xa3: {  	v18 =	vsub.f32 v18, v15;
	v16 =	vmul.f32 v16, v16;
	_ =	sdelay $0x1  }
0xa4: {  	v16 =	vadd.f32 v16, v17;
	v17 =	vmul.f32 v18, v18;
	_ =	sdelay $0x1  }
0xa5: {  	v16 =	vadd.f32 v17, v16;
	_ =	sdelay $0x1  }
0xa6: {  	vm0 =	vlt.f32 v16, $9.000000350e-02  }
0xa7: {  	v16 =	vmpcnt.ones.xlane vm0;
	s25 =	spop (v2sf)  }
0xa8: {  	s1 =	sadd.s32 s1, s25  }
0xa9: {  	s25 =	sadd.s32 $0x20, s19;
	p1 =	slt.s32 s1, $0x10;
	(v2sf) =	vpush v16, $0x0;
	s26 =	smov.u32 s1  }
0xaa: {  	v16 =	vor.u32 s25, v0;
	s26 =	simm.s32 @!p1 $0x10  }
0xab: {  	[tilespmem:s26+$0x19B0] =	vst.msk vm0, v16  }
0xac: {  	v16 =	vld [tilespmem:s21+$0x10]  }
0xad: {  	v17 =	vld [tilespmem:s20+$0x10]  }
0xae: {  	v18 =	vld [tilespmem:s22+$0x10];
	_ =	sdelay $0x2  }
0xaf: {  	v16 =	vsub.f32 v16, v14  }
0xb0: {  	v17 =	vsub.f32 v17, v13  }
0xb1: {  	v18 =	vsub.f32 v18, v15;
	v16 =	vmul.f32 v16, v16  }
0xb2: {  	v17 =	vmul.f32 v17, v17;
	_ =	sdelay $0x1  }
0xb3: {  	v16 =	vadd.f32 v17, v16;
	v17 =	vmul.f32 v18, v18;
	_ =	sdelay $0x1  }
0xb4: {  	v16 =	vadd.f32 v17, v16;
	s25 =	spop (v2sf)  }
0xb5: {  	s21 =	sadd.s32 $0x40, s21;
	s25 =	sadd.s32 s1, s25;
	s1 =	sadd.s32 $0x30, s19  }
0xb6: {  	s19 =	smov.u32 s24;
	vm0 =	vlt.f32 v16, $9.000000350e-02;
	p1 =	slt.s32 s25, $0x10;
	s24 =	smov.u32 s25  }
0xb7: {  	s20 =	sadd.s32 $0x40, s20;
	v17 =	vor.u32 s1, v0;
	v16 =	vmpcnt.ones.xlane vm0;
	s24 =	simm.s32 @!p1 $0x10  }
0xb8: {  	[tilespmem:s24+$0x19B0] =	vst.msk vm0, v17  }
0xb9: {  	s22 =	sadd.s32 $0x40, s22;
	v17 =	vld [tilespmem:s20+$0xFFFFFFE0];
	(v2sf) =	vpush v16, $0x0  }
0xba: {  	v18 =	vld [tilespmem:s21+$0xFFFFFFE0];
	_ =	sdelay $0x1  }
.Ltmp0:
0xbb: {  	v16 =	vld [tilespmem:s22+$0xFFFFFFE0];
	(pc) =	sbr.rel @p0 .LBB2_3-.Ltmp0, $4  }
0xbc: {  	_ = 	snop  }
0xbd: {  	v17 =	vsub.f32 v17, v13  }
0xbe: {  	v18 =	vsub.f32 v18, v14  }
0xbf: {  	v17 =	vmul.f32 v17, v17  }
0xc0: {  	_ =	sdelay $0x3  }
0xc1: {  	v16 =	vsub.f32 v16, v15;
	v18 =	vmul.f32 v18, v18;
	_ =	sdelay $0x1  }
0xc2: {  	v17 =	vadd.f32 v17, v18;
	v16 =	vmul.f32 v16, v16  }
0xc3: {  	s1 =	spop (v2sf)  }
0xc4: {  	v16 =	vadd.f32 v16, v17;
	s1 =	sadd.s32 s25, s1  }
0xc5: {  	p0 =	slt.s32 s1, $0x10;
	s23 =	smov.u32 s1  }
0xc6: {  	v43 =	vor.u32 s19, v0;
	vm0 =	vlt.f32 v16, $9.000000350e-02;
	s23 =	simm.s32 @!p0 $0x10  }
0xc7: {  	v44 =	vmpcnt.ones.xlane vm0;
	[tilespmem:s23+$0x19B0] =	vst.msk vm0, v43  }
0xc8: {  	v16 =	vld [tilespmem:s21+$0xFFFFFFF0]  }
0xc9: {  	(v2sf) =	vpush v44, $0x0;
	v45 =	vld [tilespmem:s20+$0xFFFFFFF0];
	_ =	sdelay $0x1  }
0xca: {  	v46 =	vld [tilespmem:s22+$0xFFFFFFF0];
	_ =	sdelay $0x2  }
0xcb: {  	v16 =	vsub.f32 v16, v14;
	v17 =	vsub.f32 v45, v13;
	_ =	sdelay $0x1  }
0xcc: {  	v18 =	vsub.f32 v46, v15;
	v16 =	vmul.f32 v16, v16;
	v17 =	vmul.f32 v17, v17;
	_ =	sdelay $0x1  }
0xcd: {  	v47 =	vmul.f32 v18, v18;
	v16 =	vadd.f32 v17, v16;
	_ =	sdelay $0x1  }
0xce: {  	v16 =	vadd.f32 v47, v16;
	_ =	sdelay $0x1  }
0xcf: {  	vm12 =	vlt.f32 v16, $9.000000350e-02  }
0xd0: {  	v16 =	vmpcnt.ones.xlane vm12  }
0xd1: {  	s25 =	spop (v2sf)  }
0xd2: {  	s1 =	sadd.s32 s1, s25;
	(v2sf) =	vpush v16, $0x0  }
0xd3: {  	s26 =	sadd.s32 $0x10, s19;
	p0 =	slt.s32 s1, $0x10;
	s24 =	smov.u32 s1  }
0xd4: {  	v48 =	vor.u32 s26, v0;
	s24 =	simm.s32 @!p0 $0x10  }
0xd5: {  	[tilespmem:s24+$0x19B0] =	vst.msk vm12, v48  }
0xd6: {  	v16 =	vld [tilespmem:s21+$0x0]  }
0xd7: {  	v49 =	vld [tilespmem:s20+$0x0];
	_ =	sdelay $0x1  }
0xd8: {  	v50 =	vld [tilespmem:s22+$0x0];
	_ =	sdelay $0x2  }
0xd9: {  	v16 =	vsub.f32 v16, v14;
	v17 =	vsub.f32 v49, v13;
	_ =	sdelay $0x1  }
0xda: {  	v18 =	vsub.f32 v50, v15;
	v16 =	vmul.f32 v16, v16;
	v17 =	vmul.f32 v17, v17;
	_ =	sdelay $0x1  }
0xdb: {  	v51 =	vmul.f32 v18, v18;
	v16 =	vadd.f32 v17, v16  }
0xdc: {  	s25 =	spop (v2sf)  }
0xdd: {  	v16 =	vadd.f32 v51, v16;
	s1 =	sadd.s32 s1, s25  }
0xde: {  	s26 =	sadd.s32 $0x20, s19;
	p0 =	slt.s32 s1, $0x10;
	s24 =	smov.u32 s1  }
0xdf: {  	v52 =	vor.u32 s26, v0;
	vm13 =	vlt.f32 v16, $9.000000350e-02;
	s24 =	simm.s32 @!p0 $0x10  }
0xe0: {  	[tilespmem:s24+$0x19B0] =	vst.msk vm13, v52  }
0xe1: {  	v16 =	vld [tilespmem:s21+$0x10]  }
0xe2: {  	v53 =	vld [tilespmem:s20+$0x10];
	_ =	sdelay $0x1  }
0xe3: {  	v54 =	vld [tilespmem:s22+$0x10];
	_ =	sdelay $0x2  }
0xe4: {  	v16 =	vsub.f32 v16, v14;
	v17 =	vsub.f32 v53, v13;
	_ =	sdelay $0x1  }
0xe5: {  	v18 =	vsub.f32 v54, v15;
	v16 =	vmul.f32 v16, v16;
	v17 =	vmul.f32 v17, v17  }
0xe6: {  	v19 =	vmpcnt.ones.xlane vm13  }
0xe7: {  	v55 =	vmul.f32 v18, v18;
	v16 =	vadd.f32 v17, v16  }
0xe8: {  	(v2sf) =	vpush v19, $0x0  }
0xe9: {  	v16 =	vadd.f32 v55, v16;
	_ =	sdelay $0x1  }
0xea: {  	vm14 =	vlt.f32 v16, $9.000000350e-02  }
0xeb: {  	v16 =	vmpcnt.ones.xlane vm14;
	_ =	sdelay $0x1  }
0xec: {  	(v2sf) =	vpush v16, $0x0;
	_ =	sdelay $0x8  }
0xed: {  	s24 =	spop (v2sf)  }
0xee: {  	s1 =	sadd.s32 s1, s24  }
0xef: {  	s25 =	sadd.s32 $0x30, s19;
	p0 =	slt.s32 s1, $0x10;
	s20 =	smov.u32 s1  }
0xf0: {  	v56 =	vor.u32 s25, v0;
	s20 =	simm.s32 @!p0 $0x10  }
0xf1: {  	[tilespmem:s20+$0x19B0] =	vst.msk vm14, v56  }
0xf2: {  	v16 =	vld [tilespmem:$0x19B0]  }
0xf3: {  	s26 =	spop (v2sf)  }
0xf4: {  	s1 =	sadd.s32 s1, s26  }
0xf5: {  	p0 =	slt.s32 s1, $0x10  }
0xf6: {  	s1 =	simm.s32 @!p0 $0x10  }
0xf7: {  	v57 =	vbroadcast v16, $0x0;
	v58 =	vmov s1  }
0xf8: {  	vm15 =	vgt.s32 v58, v0  }
0xf9: {  	v16 =	vsel vm15, v16, v57;
	_ =	sdelay $0x4  }
0xfa: {  	v17 =	vld.idx.msk [tilespmem:v16+s2+$0x0], $0xffff  }
0xfb: {  	v59 =	vld.idx.msk [tilespmem:v16+s29+$0x0], $0xffff  }
0xfc: {  	v20 =	vmov s18;
	v60 =	vld.idx.msk [tilespmem:v16+s30+$0x0], $0xffff  }
0xfd: {  	v20 =	vshll.u32 v20, $0x3  }
0xfe: {  	v21 =	vor.u32 v5, v20  }
0xff: {  	v61 =	vor.u32 v10, v20;
	v14 =	vsub.f32 v17, v14  }
0x100: {  	v63 =	vor.u32 s18, v12;
	s18 =	sadd.s32 $0x1, s18;
	v62 =	vor.u32 v11, v20;
	v13 =	vsub.f32 v59, v13  }
0x101: {  	p0 =	sne.s32 s18, $0x20;
	v15 =	vsub.f32 v60, v15;
	v14 =	vmul.f32 v14, v9  }
.Ltmp1:
0x102: {  	v13 =	vmul.f32 v13, v9;
	(pc) =	sbr.rel @p0 .LBB2_2-.Ltmp1, $4  }
0x103: {  	[tilespmem:v21+s0+$0x0] =	vst.idx.msk $0xffff, v14;
	v14 =	vmul.f32 v15, v9  }
0x104: {  	[tilespmem:v61+s0+$0x0] =	vst.idx.msk $0xffff, v13  }
0x105: {  	v13 =	vadd.s32 v2, v16;
	[tilespmem:v62+s0+$0x0] =	vst.idx.msk $0xffff, v14  }
0x106: {  	[tilespmem:v63+s31+$0x0] =	vst.idx.msk $0xffff, v13  }
0x107: {  	s1 =	rddreg [dreg:$0x7];
	s18 =	simm.s32 $0x100  }
0x108: {  	[hbm4b:s1+s18] =	stream.strided.scatter [tilespmem:s0], [sflag:$0x9], $0x1000, s29, s18, $0x38;
	[tilespmem:$0xBBD0] =	vst v63  }
0x109: {  	_ =	swait.ge [sflag:s28], $0x1000  }
0x10a: {  	[sflag:s28] =	ssyncset.done $0x0  }
0x10b: {  	[sflag:s28] =	ssyncadd.s32 $0xFFFFF000  }
0x10c: {  	[tilespmem:s5], [sflag:$0x1] =	stream.indirect.gather [hbm4b:s3+s4], $0x120, s31, s4, $0xb8;
	[tilespmem:$0xBBD0] =	vst v63  }
0x10d: {  	s22 =	simm.s32 $0x29F0  }
0x10e: {  	[tilespmem:s6], [sflag:$0x2] =	stream.indirect.gather [hbm4b:s3+s4], $0x120, s22, s4, $0xb8;
	[tilespmem:$0xBBD0] =	vst v63  }
0x10f: {  	s23 =	simm.s32 $0x2A10  }
0x110: {  	[tilespmem:s7], [sflag:$0x3] =	stream.indirect.gather [hbm4b:s3+s4], $0x120, s23, s4, $0xb8;
	[tilespmem:$0xBBD0] =	vst v63  }
0x111: {  	s24 =	simm.s32 $0x2A30  }
0x112: {  	[tilespmem:s8], [sflag:$0x4] =	stream.indirect.gather [hbm4b:s3+s4], $0x120, s24, s4, $0xb8;
	[tilespmem:$0xBBD0] =	vst v63  }
0x113: {  	_ =	swait.ge [sflag:s9], $0x2400  }
0x114: {  	[sflag:s9] =	ssyncset.done $0x0  }
0x115: {  	s25 =	rddreg [dreg:$0x8];
	[sflag:s9] =	ssyncadd.s32 $0xFFFFDC00  }
0x116: {  	[hbm4b:s25+s2] =	stream.linear.scatter [tilespmem:s5], [sflag:$0x5], $0x2400, $0x38;
	[tilespmem:$0xBBD0] =	vst v63  }
0x117: {  	_ =	swait.ge [sflag:s10], $0x2400  }
0x118: {  	[sflag:s10] =	ssyncset.done $0x0  }
0x119: {  	s26 =	rddreg [dreg:$0x9];
	[sflag:s10] =	ssyncadd.s32 $0xFFFFDC00  }
0x11a: {  	[hbm4b:s26+s2] =	stream.linear.scatter [tilespmem:s6], [sflag:$0x6], $0x2400, $0x38;
	[tilespmem:$0xBBD0] =	vst v63  }
0x11b: {  	_ =	swait.ge [sflag:s11], $0x2400  }
0x11c: {  	[sflag:s11] =	ssyncset.done $0x0  }
0x11d: {  	s18 =	rddreg [dreg:$0xa];
	[sflag:s11] =	ssyncadd.s32 $0xFFFFDC00  }
0x11e: {  	[hbm4b:s18+s2] =	stream.linear.scatter [tilespmem:s7], [sflag:$0x7], $0x2400, $0x38;
	[tilespmem:$0xBBD0] =	vst v63  }
0x11f: {  	_ =	swait.ge [sflag:s12], $0x2400  }
0x120: {  	[sflag:s12] =	ssyncset.done $0x0  }
0x121: {  	s19 =	simm.s32 $0x2A50;
	[sflag:s12] =	ssyncadd.s32 $0xFFFFDC00  }
0x122: {  	[tilespmem:s5], [sflag:$0x1] =	stream.indirect.gather [hbm4b:s3+s4], $0x120, s19, s4, $0xb8;
	[tilespmem:$0xBBD0] =	vst v63  }
0x123: {  	_ =	swait.ge [sflag:s13], $0x2400  }
0x124: {  	[sflag:s13] =	ssyncset.done $0x0  }
0x125: {  	s20 =	rddreg [dreg:$0xb];
	[sflag:s13] =	ssyncadd.s32 $0xFFFFDC00  }
0x126: {  	[hbm4b:s20+s2] =	stream.linear.scatter [tilespmem:s8], [sflag:$0x8], $0x2400, $0x38;
	[tilespmem:$0xBBD0] =	vst v63  }
0x127: {  	_ =	swait.ge [sflag:s14], $0x2400  }
0x128: {  	[sflag:s14] =	ssyncset.done $0x0  }
0x129: {  	s21 =	simm.s32 $0x2A70;
	[sflag:s14] =	ssyncadd.s32 $0xFFFFDC00  }
0x12a: {  	[tilespmem:s6], [sflag:$0x2] =	stream.indirect.gather [hbm4b:s3+s4], $0x120, s21, s4, $0xb8;
	[tilespmem:$0xBBD0] =	vst v63  }
0x12b: {  	_ =	swait.ge [sflag:s9], $0x2400  }
0x12c: {  	[sflag:s9] =	ssyncset.done $0x0  }
0x12d: {  	s22 =	rddreg [dreg:$0xc];
	[sflag:s9] =	ssyncadd.s32 $0xFFFFDC00  }
0x12e: {  	[hbm4b:s22+s2] =	stream.linear.scatter [tilespmem:s5], [sflag:$0x5], $0x2400, $0x38;
	[tilespmem:$0xBBD0] =	vst v63  }
0x12f: {  	_ =	swait.ge [sflag:s15], $0x2400  }
0x130: {  	[sflag:s15] =	ssyncset.done $0x0  }
0x131: {  	s23 =	simm.s32 $0x2A90;
	[sflag:s15] =	ssyncadd.s32 $0xFFFFDC00  }
0x132: {  	[tilespmem:s7], [sflag:$0x3] =	stream.indirect.gather [hbm4b:s3+s4], $0x120, s23, s4, $0xb8;
	[tilespmem:$0xBBD0] =	vst v63  }
0x133: {  	_ =	swait.ge [sflag:s10], $0x2400  }
0x134: {  	[sflag:s10] =	ssyncset.done $0x0  }
0x135: {  	s24 =	rddreg [dreg:$0xd];
	[sflag:s10] =	ssyncadd.s32 $0xFFFFDC00  }
0x136: {  	[hbm4b:s24+s2] =	stream.linear.scatter [tilespmem:s6], [sflag:$0x6], $0x2400, $0x38;
	[tilespmem:$0xBBD0] =	vst v63  }
0x137: {  	_ =	swait.ge [sflag:s16], $0x2400  }
0x138: {  	[sflag:s16] =	ssyncset.done $0x0  }
0x139: {  	s25 =	simm.s32 $0x2AB0;
	[sflag:s16] =	ssyncadd.s32 $0xFFFFDC00  }
0x13a: {  	[tilespmem:s8], [sflag:$0x4] =	stream.indirect.gather [hbm4b:s3+s4], $0x120, s25, s4, $0xb8;
	[tilespmem:$0xBBD0] =	vst v63  }
0x13b: {  	_ =	swait.ge [sflag:s11], $0x2400  }
0x13c: {  	[sflag:s11] =	ssyncset.done $0x0  }
0x13d: {  	s26 =	rddreg [dreg:$0xe];
	[sflag:s11] =	ssyncadd.s32 $0xFFFFDC00  }
0x13e: {  	[hbm4b:s26+s2] =	stream.linear.scatter [tilespmem:s7], [sflag:$0x7], $0x2400, $0x38;
	[tilespmem:$0xBBD0] =	vst v63  }
0x13f: {  	_ =	swait.ge [sflag:s12], $0x2400  }
0x140: {  	[sflag:s12] =	ssyncset.done $0x0  }
0x141: {  	s18 =	simm.s32 $0x2AD0;
	[sflag:s12] =	ssyncadd.s32 $0xFFFFDC00  }
0x142: {  	[tilespmem:s5], [sflag:$0x1] =	stream.indirect.gather [hbm4b:s3+s4], $0x120, s18, s4, $0xb8;
	[tilespmem:$0xBBD0] =	vst v63  }
0x143: {  	_ =	swait.ge [sflag:s13], $0x2400  }
0x144: {  	[sflag:s13] =	ssyncset.done $0x0  }
0x145: {  	s19 =	rddreg [dreg:$0xf];
	[sflag:s13] =	ssyncadd.s32 $0xFFFFDC00  }
0x146: {  	[hbm4b:s19+s2] =	stream.linear.scatter [tilespmem:s8], [sflag:$0x8], $0x2400, $0x38;
	[tilespmem:$0xBBD0] =	vst v63  }
0x147: {  	_ =	swait.ge [sflag:s14], $0x2400  }
0x148: {  	[sflag:s14] =	ssyncset.done $0x0  }
0x149: {  	s20 =	simm.s32 $0x2AF0;
	[sflag:s14] =	ssyncadd.s32 $0xFFFFDC00  }
0x14a: {  	[tilespmem:s6], [sflag:$0x2] =	stream.indirect.gather [hbm4b:s3+s4], $0x120, s20, s4, $0xb8;
	[tilespmem:$0xBBD0] =	vst v63  }
0x14b: {  	_ =	swait.ge [sflag:s9], $0x2400  }
0x14c: {  	[sflag:s9] =	ssyncset.done $0x0  }
0x14d: {  	s21 =	rddreg [dreg:$0x10];
	[sflag:s9] =	ssyncadd.s32 $0xFFFFDC00  }
0x14e: {  	[hbm4b:s21+s2] =	stream.linear.scatter [tilespmem:s5], [sflag:$0x5], $0x2400, $0x38;
	[tilespmem:$0xBBD0] =	vst v63  }
0x14f: {  	_ =	swait.ge [sflag:s15], $0x2400  }
0x150: {  	[sflag:s15] =	ssyncset.done $0x0  }
0x151: {  	s22 =	simm.s32 $0x2B10;
	[sflag:s15] =	ssyncadd.s32 $0xFFFFDC00  }
0x152: {  	[tilespmem:s7], [sflag:$0x3] =	stream.indirect.gather [hbm4b:s3+s4], $0x120, s22, s4, $0xb8;
	[tilespmem:$0xBBD0] =	vst v63  }
0x153: {  	_ =	swait.ge [sflag:s10], $0x2400  }
0x154: {  	[sflag:s10] =	ssyncset.done $0x0  }
0x155: {  	s23 =	rddreg [dreg:$0x11];
	[sflag:s10] =	ssyncadd.s32 $0xFFFFDC00  }
0x156: {  	[hbm4b:s23+s2] =	stream.linear.scatter [tilespmem:s6], [sflag:$0x6], $0x2400, $0x38;
	[tilespmem:$0xBBD0] =	vst v63  }
0x157: {  	_ =	swait.ge [sflag:s16], $0x2400  }
0x158: {  	[sflag:s16] =	ssyncset.done $0x0  }
0x159: {  	s24 =	simm.s32 $0x2B30;
	[sflag:s16] =	ssyncadd.s32 $0xFFFFDC00  }
0x15a: {  	[tilespmem:s8], [sflag:$0x4] =	stream.indirect.gather [hbm4b:s3+s4], $0x120, s24, s4, $0xb8;
	[tilespmem:$0xBBD0] =	vst v63  }
0x15b: {  	_ =	swait.ge [sflag:s11], $0x2400  }
0x15c: {  	[sflag:s11] =	ssyncset.done $0x0  }
0x15d: {  	s25 =	rddreg [dreg:$0x12];
	[sflag:s11] =	ssyncadd.s32 $0xFFFFDC00  }
0x15e: {  	[hbm4b:s25+s2] =	stream.linear.scatter [tilespmem:s7], [sflag:$0x7], $0x2400, $0x38;
	[tilespmem:$0xBBD0] =	vst v63  }
0x15f: {  	_ =	swait.ge [sflag:s12], $0x2400  }
0x160: {  	[sflag:s12] =	ssyncset.done $0x0  }
0x161: {  	s26 =	simm.s32 $0x2B50;
	[sflag:s12] =	ssyncadd.s32 $0xFFFFDC00  }
0x162: {  	[tilespmem:s5], [sflag:$0x1] =	stream.indirect.gather [hbm4b:s3+s4], $0x120, s26, s4, $0xb8;
	[tilespmem:$0xBBD0] =	vst v63  }
0x163: {  	_ =	swait.ge [sflag:s13], $0x2400  }
0x164: {  	[sflag:s13] =	ssyncset.done $0x0  }
0x165: {  	s18 =	rddreg [dreg:$0x13];
	[sflag:s13] =	ssyncadd.s32 $0xFFFFDC00  }
0x166: {  	[hbm4b:s18+s2] =	stream.linear.scatter [tilespmem:s8], [sflag:$0x8], $0x2400, $0x38;
	[tilespmem:$0xBBD0] =	vst v63  }
0x167: {  	_ =	swait.ge [sflag:s14], $0x2400  }
0x168: {  	[sflag:s14] =	ssyncset.done $0x0  }
0x169: {  	s19 =	simm.s32 $0x2B70;
	[sflag:s14] =	ssyncadd.s32 $0xFFFFDC00  }
0x16a: {  	[tilespmem:s6], [sflag:$0x2] =	stream.indirect.gather [hbm4b:s3+s4], $0x120, s19, s4, $0xb8;
	[tilespmem:$0xBBD0] =	vst v63  }
0x16b: {  	_ =	swait.ge [sflag:s9], $0x2400  }
0x16c: {  	[sflag:s9] =	ssyncset.done $0x0  }
0x16d: {  	s20 =	rddreg [dreg:$0x14];
	[sflag:s9] =	ssyncadd.s32 $0xFFFFDC00  }
0x16e: {  	[hbm4b:s20+s2] =	stream.linear.scatter [tilespmem:s5], [sflag:$0x5], $0x2400, $0x38;
	[tilespmem:$0xBBD0] =	vst v63  }
0x16f: {  	_ =	swait.ge [sflag:s15], $0x2400  }
0x170: {  	[sflag:s15] =	ssyncset.done $0x0  }
0x171: {  	s21 =	simm.s32 $0x2B90;
	[sflag:s15] =	ssyncadd.s32 $0xFFFFDC00  }
0x172: {  	[tilespmem:s7], [sflag:$0x3] =	stream.indirect.gather [hbm4b:s3+s4], $0x120, s21, s4, $0xb8;
	[tilespmem:$0xBBD0] =	vst v63  }
0x173: {  	_ =	swait.ge [sflag:s10], $0x2400  }
0x174: {  	[sflag:s10] =	ssyncset.done $0x0  }
0x175: {  	s22 =	rddreg [dreg:$0x15];
	[sflag:s10] =	ssyncadd.s32 $0xFFFFDC00  }
0x176: {  	[hbm4b:s22+s2] =	stream.linear.scatter [tilespmem:s6], [sflag:$0x6], $0x2400, $0x38;
	[tilespmem:$0xBBD0] =	vst v63  }
0x177: {  	_ =	swait.ge [sflag:s16], $0x2400  }
0x178: {  	[sflag:s16] =	ssyncset.done $0x0  }
0x179: {  	s23 =	simm.s32 $0x2BB0;
	[sflag:s16] =	ssyncadd.s32 $0xFFFFDC00  }
0x17a: {  	[tilespmem:s8], [sflag:$0x4] =	stream.indirect.gather [hbm4b:s3+s4], $0x120, s23, s4, $0xb8;
	[tilespmem:$0xBBD0] =	vst v63  }
0x17b: {  	_ =	swait.ge [sflag:s11], $0x2400  }
0x17c: {  	[sflag:s11] =	ssyncset.done $0x0  }
0x17d: {  	s24 =	rddreg [dreg:$0x16];
	[sflag:s11] =	ssyncadd.s32 $0xFFFFDC00  }
0x17e: {  	[hbm4b:s24+s2] =	stream.linear.scatter [tilespmem:s7], [sflag:$0x7], $0x2400, $0x38;
	[tilespmem:$0xBBD0] =	vst v63  }
0x17f: {  	_ =	swait.ge [sflag:s13], $0x2400  }
0x180: {  	[sflag:s13] =	ssyncset.done $0x0  }
0x181: {  	s25 =	rddreg [dreg:$0x17];
	[sflag:s13] =	ssyncadd.s32 $0xFFFFDC00  }
0x182: {  	[hbm4b:s25+s2] =	stream.linear.scatter [tilespmem:s8], [sflag:$0x8], $0x2400, $0x38;
	[tilespmem:$0xBBD0] =	vst v63  }
0x183: {  	_ =	swait.ge [sflag:s12], $0x2400  }
0x184: {  	[sflag:s12] =	ssyncset.done $0x0  }
0x185: {  	[sflag:s12] =	ssyncadd.s32 $0xFFFFDC00  }
0x186: {  	_ =	swait.ge [sflag:s14], $0x2400  }
0x187: {  	[sflag:s14] =	ssyncset.done $0x0  }
0x188: {  	[sflag:s14] =	ssyncadd.s32 $0xFFFFDC00  }
0x189: {  	_ =	swait.ge [sflag:s15], $0x2400  }
0x18a: {  	[sflag:s15] =	ssyncset.done $0x0  }
0x18b: {  	[sflag:s15] =	ssyncadd.s32 $0xFFFFDC00  }
0x18c: {  	_ =	swait.ge [sflag:s16], $0x2400  }
0x18d: {  	s17 =	sadd.s32 $0x1, s17;
	s26 =	rddreg [dreg:$0x18]  }
0x18e: {  	p0 =	sne.s32 s17, s26  }
.Ltmp2:
0x18f: {  	_ = 	snop;
	(pc) =	sbr.rel @p0 .LBB2_1-.Ltmp2, $3  }
0x190: {  	_ =	sdelay $0x1  }
0x191: {  	[sflag:s16] =	ssyncset.done $0x0  }
0x192: {  	[sflag:s16] =	ssyncadd.s32 $0xFFFFDC00  }
0x193: {  	_ =	sfence.sel $0x180000  }
0x194: {  	[bflag:$0x0] =	sbarrier.arrive $0xFFFF  }
0x195: {  	_ =	strace $0x90000047  }
0x196: {  	s0 =	stileid.u32;
	[bflag:$0x2] =	sbarrier.arrive $0xFFFF  }
0x197: {  	p0 =	sne.s32 s0, $0x0;
	s0 =	rddreg [dreg:$0x1]  }
0x198: {  	s0 =	sadd.s32 @!p0 $0x100000, s0  }
0x199: {  	[sflag:s0] =	ssyncadd.tile.s32 @!p0 $0x1;
	_ =	shalt  }
.Lfunc_end2:
_tile_overlayer_lowered:
.L_overlay_start_2:
0x19a: {  	(tag) =	ssettag $0x2  }
0x19b: {  	s0 =	rddreg [dreg:$0x0];
	s2 =	stileid.u32  }
0x19c: {  	s1 =	rddreg [dreg:$0x1];
	p0 =	sne.s32 s2, $0x0  }
0x19d: {  	s3 =	rddreg [dreg:$0x2];
	[bflag:$0x3] =	sbarrier.arrive $0xFFFF;
	s2 =	simm.s32 @!p0 $0x1C09  }
0x19e: {  	[timem:s3], [sflag:s2] =	dma.local @!p0 [hbm:s0], s1  }
0x19f: {  	s0 =	simm.s32 @!p0 $0x9  }
0x1a0: {  	_ =	swait.ge @!p0 [sflag:s0], s1  }
0x1a1: {  	s1 =	ssub.s32 @!p0 $0x0, s1;
	[sflag:s0] =	ssyncset.done @!p0 $0x0  }
0x1a2: {  	[sflag:s0] =	ssyncadd.s32 @!p0 s1  }
0x1a3: {  	[bflag:$0x3] =	sbarrier.arrive $0xFFFF  }
0x1a4: {  	_ =	shalt  }

</sc_bundles>
